<compile_context>
chip_gen: v7x
topology: tpu7x:2x2x1
jax: 0.10.2.dev20260603
libtpu: 0.0.44.dev20260713+nightly
codegen_flags: <defaults>
</compile_context>

<pallas_src>
import jax
import jax.numpy as jnp
from jax import lax
from jax.experimental import pallas as pl
from jax.experimental.pallas import tpu as pltpu
from jax.experimental.pallas import tpu_sc as plsc

_NC = 2
_NS = 16
_NW = _NC * _NS
_L = 16


def _make_sc_call(n_b, n_t, widths):
    w = widths
    d_out = sum(w)
    nbt = n_b // 128
    ntt = n_t // 8
    tb_per_w = nbt // _NW
    tb_blk = 2
    n_tbh = tb_per_w // tb_blk
    x_rows = n_t * nbt * 4
    o_rows = d_out * ntt * nbt * 8
    o_rows_c = ntt * nbt * 8

    def body(x_hbm, t0_hbm, t1_hbm, t2_hbm, t3_hbm, out_hbm,
             t0v, t1v, t2v, t3v, xv, ov, sin0, sin1, sout0, sout1):
        wid = lax.axis_index("s") * _NC + lax.axis_index("c")
        tb0 = wid * tb_per_w
        pltpu.sync_copy(t0_hbm, t0v)
        pltpu.sync_copy(t1_hbm, t1v)
        pltpu.sync_copy(t2_hbm, t2v)
        pltpu.sync_copy(t3_hbm, t3v)
        tabs = (t0v, t1v, t2v, t3v)
        sins = (sin0, sin1)
        souts = (sout0, sout1)

        def in_copies(tt, tbh, buf):
            for tr in range(8):
                r0 = pl.multiple_of(
                    (tt * 8 + tr) * (4 * nbt) + (tb0 + tbh * tb_blk) * 4, 8)
                yield pltpu.make_async_copy(
                    x_hbm.at[pl.ds(r0, tb_blk * 4)], xv.at[buf, tr],
                    sins[buf])

        def out_copies(tt, tbh, buf):
            for c15 in range(d_out):
                r0 = pl.multiple_of(
                    c15 * o_rows_c + tt * (nbt * 8)
                    + (tb0 + tbh * tb_blk) * 8, 8)
                yield pltpu.make_async_copy(
                    ov.at[buf, c15], out_hbm.at[pl.ds(r0, tb_blk * 8)],
                    souts[buf])

        def compute(buf):
            @plsc.parallel_loop(0, 8 * tb_blk * (128 // _L), unroll=2)
            def _sub(i):
                s = i % (128 // _L)
                tbl = (i // (128 // _L)) % tb_blk
                tr = i // ((128 // _L) * tb_blk)
                orow = tbl * 8 + tr
                col = s * _L
                xc = [xv[buf, tr, tbl * 4 + ti, pl.ds(col, _L)]
                      for ti in range(4)]
                a = [xc[ti] * w[ti] for ti in range(4)]
                vals = []
                for ti in range(4):
                    for j in range(w[ti]):
                        vals.append(
                            plsc.load_gather(tabs[ti], [a[ti] + j]))
                for oc, v in enumerate(vals):
                    ov[buf, oc, orow, pl.ds(col, _L)] = v

        for cp in in_copies(0, 0, 0):
            cp.start()

        def it_loop(it, carry):
            for phase in range(n_tbh):
                if phase + 1 < n_tbh:
                    for cp in in_copies(it, phase + 1, phase + 1):
                        cp.start()
                else:
                    @pl.when(it + 1 < ntt)
                    def _():
                        for cp in in_copies(it + 1, 0, 0):
                            cp.start()
                for cp in in_copies(it, phase, phase):
                    cp.wait()
                @pl.when(it > 0)
                def _():
                    for cp in out_copies(it - 1, phase, phase):
                        cp.wait()
                compute(phase)
                for cp in out_copies(it, phase, phase):
                    cp.start()
            return carry

        lax.fori_loop(0, ntt, it_loop, 0)

        for phase in range(n_tbh):
            for cp in out_copies(ntt - 1, phase, phase):
                cp.wait()

    mesh = plsc.VectorSubcoreMesh(core_axis_name="c", subcore_axis_name="s",
                                  num_cores=_NC, num_subcores=_NS)
    return pl.kernel(
        body,
        out_type=jax.ShapeDtypeStruct((o_rows, 128), jnp.float32),
        mesh=mesh,
        scratch_types=[
            pltpu.VMEM((11 * w[0],), jnp.float32),
            pltpu.VMEM((18 * w[1],), jnp.float32),
            pltpu.VMEM((24 * w[2],), jnp.float32),
            pltpu.VMEM((7 * w[3],), jnp.float32),
            pltpu.VMEM((2, 8, tb_blk * 4, 128), jnp.int32),
            pltpu.VMEM((2, d_out, tb_blk * 8, 128), jnp.float32),
            pltpu.SemaphoreType.DMA,
            pltpu.SemaphoreType.DMA,
            pltpu.SemaphoreType.DMA,
            pltpu.SemaphoreType.DMA,
        ],
        compiler_params=pltpu.CompilerParams(needs_layout_passes=False),
    )


def kernel(x, W_wdir, W_weather, W_day, W_hour):
    n_b, n_t, _ = x.shape
    widths = (W_wdir.shape[1], W_weather.shape[1],
              W_day.shape[1], W_hour.shape[1])
    d_out = sum(widths)
    nbt = n_b // 128
    ntt = n_t // 8

    xs = x.reshape(nbt, 128, n_t, 4)
    xp = xs.transpose(2, 0, 3, 1).reshape(n_t * nbt * 4, 128)

    call = _make_sc_call(n_b, n_t, widths)
    out = call(xp.astype(jnp.int32),
               W_wdir.reshape(-1), W_weather.reshape(-1),
               W_day.reshape(-1), W_hour.reshape(-1))

    o5 = out.reshape(d_out, ntt, nbt, 8, 128)
    return o5.transpose(2, 4, 1, 3, 0).reshape(n_b, n_t, d_out)

# --- scband reference (transcript-rebuilt; emitter-appended) ---
"""Pipeline reference for scband-air-embedding-1726576853784 (READ-ONLY COPY).

The authoritative reference and input builder live on the scoring server;
editing this copy changes nothing except your own understanding.
"""

import jax, jax.numpy as jnp
import numpy as np

def setup_inputs(seed: int = 0) -> dict:
    key = jax.random.key(seed)
    k1, k2, k3, k4, k5 = jax.random.split(key, 5)
    x = jax.random.randint(k1, (16384, 200, 4), 0, 7, dtype=jnp.int64 if jax.config.read('jax_enable_x64') else jnp.int32)
    W_wdir = jax.random.normal(k2, (11, 3), dtype=jnp.float32)
    W_weather = jax.random.normal(k3, (18, 4), dtype=jnp.float32)
    W_day = jax.random.normal(k4, (24, 3), dtype=jnp.float32)
    W_hour = jax.random.normal(k5, (7, 5), dtype=jnp.float32)
    return {"x": x, "W_wdir": W_wdir, "W_weather": W_weather, "W_day": W_day, "W_hour": W_hour}

def reference(x, W_wdir, W_weather, W_day, W_hour):
    x_wdir = jnp.take(W_wdir, x[..., 0], axis=0)
    x_weather = jnp.take(W_weather, x[..., 1], axis=0)
    x_day = jnp.take(W_day, x[..., 2], axis=0)
    x_hour = jnp.take(W_hour, x[..., 3], axis=0)
    out = jnp.concatenate((x_wdir, x_weather, x_day, x_hour), axis=-1)
    return out

if __name__ == "__main__":
    import jax
    _d = setup_inputs()
    print(jax.jit(kernel)(*tuple(_d.values())))

</pallas_src>

<mosaic_0001>
#map = affine_map<(d0, d1) -> (0, 0)>
#map1 = affine_map<(d0, d1) -> (0)>
module attributes {stable_mosaic.version = 14 : i64} {
  func.func @body(%arg0: i32, %arg1: i32, %arg2: memref<102400x128xi32, #tpu.memory_space<hbm>>, %arg3: memref<33xf32, #tpu.memory_space<hbm>>, %arg4: memref<72xf32, #tpu.memory_space<hbm>>, %arg5: memref<72xf32, #tpu.memory_space<hbm>>, %arg6: memref<35xf32, #tpu.memory_space<hbm>>, %arg7: memref<384000x128xf32, #tpu.memory_space<hbm>>, %arg8: memref<33xf32, #tpu.memory_space<vmem>>, %arg9: memref<72xf32, #tpu.memory_space<vmem>>, %arg10: memref<72xf32, #tpu.memory_space<vmem>>, %arg11: memref<35xf32, #tpu.memory_space<vmem>>, %arg12: memref<2x8x8x128xi32, #tpu.memory_space<vmem>>, %arg13: memref<2x15x16x128xf32, #tpu.memory_space<vmem>>, %arg14: memref<!tpu.dma_semaphore, #tpu.memory_space<semaphore_mem>>, %arg15: memref<!tpu.dma_semaphore, #tpu.memory_space<semaphore_mem>>, %arg16: memref<!tpu.dma_semaphore, #tpu.memory_space<semaphore_mem>>, %arg17: memref<!tpu.dma_semaphore, #tpu.memory_space<semaphore_mem>>) attributes {dimension_semantics = [#tpu.dimension_semantics<core_parallel>, #tpu.dimension_semantics<subcore_parallel>], iteration_bounds = array<i64: 2, 16>, scalar_prefetch = 0 : i64, scratch_operands = 10 : i64, tpu.core_type = #tpu.core_type<sc_vector_subcore>, window_params = [{transform_indices = #map}, {transform_indices = #map1}, {transform_indices = #map1}, {transform_indices = #map1}, {transform_indices = #map1}, {transform_indices = #map}]} {
    %mul3A = arith.constant 2 : i32
    %mul3A_0 = arith.muli %arg1, %mul3A : i32
    %add3A = arith.addi %mul3A_0, %arg0 : i32
    %mul3A_1 = arith.constant 4 : i32
    %mul3A_2 = arith.muli %add3A, %mul3A_1 : i32
    "tpu.region"() ({
      %run_scoped3A = tpu.sem_alloc : memref<!tpu.dma_semaphore, #tpu.memory_space<semaphore_mem>>
      tpu.enqueue_dma source(%arg3 : memref<33xf32, #tpu.memory_space<hbm>>) target(%arg8 : memref<33xf32, #tpu.memory_space<vmem>>) target_semaphore(%run_scoped3A : memref<!tpu.dma_semaphore, #tpu.memory_space<semaphore_mem>>)
      tpu.wait_dma2 semaphore(%run_scoped3A : memref<!tpu.dma_semaphore, #tpu.memory_space<semaphore_mem>>) src(%arg3 : memref<33xf32, #tpu.memory_space<hbm>>) dst(%arg8 : memref<33xf32, #tpu.memory_space<vmem>>)
      tpu.yield
    }) : () -> ()
    "tpu.region"() ({
      %run_scoped3A = tpu.sem_alloc : memref<!tpu.dma_semaphore, #tpu.memory_space<semaphore_mem>>
      tpu.enqueue_dma source(%arg4 : memref<72xf32, #tpu.memory_space<hbm>>) target(%arg9 : memref<72xf32, #tpu.memory_space<vmem>>) target_semaphore(%run_scoped3A : memref<!tpu.dma_semaphore, #tpu.memory_space<semaphore_mem>>)
      tpu.wait_dma2 semaphore(%run_scoped3A : memref<!tpu.dma_semaphore, #tpu.memory_space<semaphore_mem>>) src(%arg4 : memref<72xf32, #tpu.memory_space<hbm>>) dst(%arg9 : memref<72xf32, #tpu.memory_space<vmem>>)
      tpu.yield
    }) : () -> ()
    "tpu.region"() ({
      %run_scoped3A = tpu.sem_alloc : memref<!tpu.dma_semaphore, #tpu.memory_space<semaphore_mem>>
      tpu.enqueue_dma source(%arg5 : memref<72xf32, #tpu.memory_space<hbm>>) target(%arg10 : memref<72xf32, #tpu.memory_space<vmem>>) target_semaphore(%run_scoped3A : memref<!tpu.dma_semaphore, #tpu.memory_space<semaphore_mem>>)
      tpu.wait_dma2 semaphore(%run_scoped3A : memref<!tpu.dma_semaphore, #tpu.memory_space<semaphore_mem>>) src(%arg5 : memref<72xf32, #tpu.memory_space<hbm>>) dst(%arg10 : memref<72xf32, #tpu.memory_space<vmem>>)
      tpu.yield
    }) : () -> ()
    "tpu.region"() ({
      %run_scoped3A = tpu.sem_alloc : memref<!tpu.dma_semaphore, #tpu.memory_space<semaphore_mem>>
      tpu.enqueue_dma source(%arg6 : memref<35xf32, #tpu.memory_space<hbm>>) target(%arg11 : memref<35xf32, #tpu.memory_space<vmem>>) target_semaphore(%run_scoped3A : memref<!tpu.dma_semaphore, #tpu.memory_space<semaphore_mem>>)
      tpu.wait_dma2 semaphore(%run_scoped3A : memref<!tpu.dma_semaphore, #tpu.memory_space<semaphore_mem>>) src(%arg6 : memref<35xf32, #tpu.memory_space<hbm>>) dst(%arg11 : memref<35xf32, #tpu.memory_space<vmem>>)
      tpu.yield
    }) : () -> ()
    %add3A_3 = arith.constant 0 : i32
    %add3A_4 = arith.addi %mul3A_2, %add3A_3 : i32
    %mul3A_5 = arith.constant 4 : i32
    %mul3A_6 = arith.muli %add3A_4, %mul3A_5 : i32
    %add3A_7 = arith.constant 0 : i32
    %add3A_8 = arith.addi %add3A_7, %mul3A_6 : i32
    %multiple_of3A = tpu.assume_multiple %add3A_8, 8 : i32
    %dma_start3A = arith.constant 0 : i32
    %dma_start3A_9 = arith.constant 0 : i32
    %dma_start3A_10 = arith.constant 0 : i32
    %dma_start3A_11 = arith.constant 0 : i32
    %dma_start3A_12 = tpu.memref_slice %arg12[%dma_start3A, %dma_start3A_9, %dma_start3A_10, %dma_start3A_11] : memref<2x8x8x128xi32, #tpu.memory_space<vmem>> -> memref<1x1x8x128xi32, #tpu.memory_space<vmem>>
    %dma_start3A_13 = tpu.memref_squeeze %dma_start3A_12 : memref<1x1x8x128xi32, #tpu.memory_space<vmem>> -> memref<8x128xi32, #tpu.memory_space<vmem>>
    %dma_start3A_14 = arith.constant 0 : i32
    %dma_start3A_15 = tpu.memref_slice %arg2[%multiple_of3A, %dma_start3A_14] : memref<102400x128xi32, #tpu.memory_space<hbm>> -> memref<8x128xi32, #tpu.memory_space<hbm>>
    %dma_start3A_16 = arith.constant 0 : i32
    %dma_start3A_17 = arith.constant 0 : i32
    %dma_start3A_18 = tpu.memref_slice %arg12[%dma_start3A, %dma_start3A_9, %dma_start3A_16, %dma_start3A_17] : memref<2x8x8x128xi32, #tpu.memory_space<vmem>> -> memref<1x1x8x128xi32, #tpu.memory_space<vmem>>
    %dma_start3A_19 = tpu.memref_squeeze %dma_start3A_18 : memref<1x1x8x128xi32, #tpu.memory_space<vmem>> -> memref<8x128xi32, #tpu.memory_space<vmem>>
    %dma_start3A_20 = arith.constant 0 : i32
    %dma_start3A_21 = tpu.memref_slice %arg2[%multiple_of3A, %dma_start3A_20] : memref<102400x128xi32, #tpu.memory_space<hbm>> -> memref<8x128xi32, #tpu.memory_space<hbm>>
    tpu.enqueue_dma source(%dma_start3A_21 : memref<8x128xi32, #tpu.memory_space<hbm>>) target(%dma_start3A_19 : memref<8x128xi32, #tpu.memory_space<vmem>>) target_semaphore(%arg14 : memref<!tpu.dma_semaphore, #tpu.memory_space<semaphore_mem>>)
    %add3A_22 = arith.constant 0 : i32
    %add3A_23 = arith.addi %mul3A_2, %add3A_22 : i32
    %mul3A_24 = arith.constant 4 : i32
    %mul3A_25 = arith.muli %add3A_23, %mul3A_24 : i32
    %add3A_26 = arith.constant 512 : i32
    %add3A_27 = arith.addi %add3A_26, %mul3A_25 : i32
    %multiple_of3A_28 = tpu.assume_multiple %add3A_27, 8 : i32
    %dma_start3A_29 = arith.constant 0 : i32
    %dma_start3A_30 = arith.constant 1 : i32
    %dma_start3A_31 = arith.constant 0 : i32
    %dma_start3A_32 = arith.constant 0 : i32
    %dma_start3A_33 = tpu.memref_slice %arg12[%dma_start3A_29, %dma_start3A_30, %dma_start3A_31, %dma_start3A_32] : memref<2x8x8x128xi32, #tpu.memory_space<vmem>> -> memref<1x1x8x128xi32, #tpu.memory_space<vmem>>
    %dma_start3A_34 = tpu.memref_squeeze %dma_start3A_33 : memref<1x1x8x128xi32, #tpu.memory_space<vmem>> -> memref<8x128xi32, #tpu.memory_space<vmem>>
    %dma_start3A_35 = arith.constant 0 : i32
    %dma_start3A_36 = tpu.memref_slice %arg2[%multiple_of3A_28, %dma_start3A_35] : memref<102400x128xi32, #tpu.memory_space<hbm>> -> memref<8x128xi32, #tpu.memory_space<hbm>>
    %dma_start3A_37 = arith.constant 0 : i32
    %dma_start3A_38 = arith.constant 0 : i32
    %dma_start3A_39 = tpu.memref_slice %arg12[%dma_start3A_29, %dma_start3A_30, %dma_start3A_37, %dma_start3A_38] : memref<2x8x8x128xi32, #tpu.memory_space<vmem>> -> memref<1x1x8x128xi32, #tpu.memory_space<vmem>>
    %dma_start3A_40 = tpu.memref_squeeze %dma_start3A_39 : memref<1x1x8x128xi32, #tpu.memory_space<vmem>> -> memref<8x128xi32, #tpu.memory_space<vmem>>
    %dma_start3A_41 = arith.constant 0 : i32
    %dma_start3A_42 = tpu.memref_slice %arg2[%multiple_of3A_28, %dma_start3A_41] : memref<102400x128xi32, #tpu.memory_space<hbm>> -> memref<8x128xi32, #tpu.memory_space<hbm>>
    tpu.enqueue_dma source(%dma_start3A_42 : memref<8x128xi32, #tpu.memory_space<hbm>>) target(%dma_start3A_40 : memref<8x128xi32, #tpu.memory_space<vmem>>) target_semaphore(%arg14 : memref<!tpu.dma_semaphore, #tpu.memory_space<semaphore_mem>>)
    %add3A_43 = arith.constant 0 : i32
    %add3A_44 = arith.addi %mul3A_2, %add3A_43 : i32
    %mul3A_45 = arith.constant 4 : i32
    %mul3A_46 = arith.muli %add3A_44, %mul3A_45 : i32
    %add3A_47 = arith.constant 1024 : i32
    %add3A_48 = arith.addi %add3A_47, %mul3A_46 : i32
    %multiple_of3A_49 = tpu.assume_multiple %add3A_48, 8 : i32
    %dma_start3A_50 = arith.constant 0 : i32
    %dma_start3A_51 = arith.constant 2 : i32
    %dma_start3A_52 = arith.constant 0 : i32
    %dma_start3A_53 = arith.constant 0 : i32
    %dma_start3A_54 = tpu.memref_slice %arg12[%dma_start3A_50, %dma_start3A_51, %dma_start3A_52, %dma_start3A_53] : memref<2x8x8x128xi32, #tpu.memory_space<vmem>> -> memref<1x1x8x128xi32, #tpu.memory_space<vmem>>
    %dma_start3A_55 = tpu.memref_squeeze %dma_start3A_54 : memref<1x1x8x128xi32, #tpu.memory_space<vmem>> -> memref<8x128xi32, #tpu.memory_space<vmem>>
    %dma_start3A_56 = arith.constant 0 : i32
    %dma_start3A_57 = tpu.memref_slice %arg2[%multiple_of3A_49, %dma_start3A_56] : memref<102400x128xi32, #tpu.memory_space<hbm>> -> memref<8x128xi32, #tpu.memory_space<hbm>>
    %dma_start3A_58 = arith.constant 0 : i32
    %dma_start3A_59 = arith.constant 0 : i32
    %dma_start3A_60 = tpu.memref_slice %arg12[%dma_start3A_50, %dma_start3A_51, %dma_start3A_58, %dma_start3A_59] : memref<2x8x8x128xi32, #tpu.memory_space<vmem>> -> memref<1x1x8x128xi32, #tpu.memory_space<vmem>>
    %dma_start3A_61 = tpu.memref_squeeze %dma_start3A_60 : memref<1x1x8x128xi32, #tpu.memory_space<vmem>> -> memref<8x128xi32, #tpu.memory_space<vmem>>
    %dma_start3A_62 = arith.constant 0 : i32
    %dma_start3A_63 = tpu.memref_slice %arg2[%multiple_of3A_49, %dma_start3A_62] : memref<102400x128xi32, #tpu.memory_space<hbm>> -> memref<8x128xi32, #tpu.memory_space<hbm>>
    tpu.enqueue_dma source(%dma_start3A_63 : memref<8x128xi32, #tpu.memory_space<hbm>>) target(%dma_start3A_61 : memref<8x128xi32, #tpu.memory_space<vmem>>) target_semaphore(%arg14 : memref<!tpu.dma_semaphore, #tpu.memory_space<semaphore_mem>>)
    %add3A_64 = arith.constant 0 : i32
    %add3A_65 = arith.addi %mul3A_2, %add3A_64 : i32
    %mul3A_66 = arith.constant 4 : i32
    %mul3A_67 = arith.muli %add3A_65, %mul3A_66 : i32
    %add3A_68 = arith.constant 1536 : i32
    %add3A_69 = arith.addi %add3A_68, %mul3A_67 : i32
    %multiple_of3A_70 = tpu.assume_multiple %add3A_69, 8 : i32
    %dma_start3A_71 = arith.constant 0 : i32
    %dma_start3A_72 = arith.constant 3 : i32
    %dma_start3A_73 = arith.constant 0 : i32
    %dma_start3A_74 = arith.constant 0 : i32
    %dma_start3A_75 = tpu.memref_slice %arg12[%dma_start3A_71, %dma_start3A_72, %dma_start3A_73, %dma_start3A_74] : memref<2x8x8x128xi32, #tpu.memory_space<vmem>> -> memref<1x1x8x128xi32, #tpu.memory_space<vmem>>
    %dma_start3A_76 = tpu.memref_squeeze %dma_start3A_75 : memref<1x1x8x128xi32, #tpu.memory_space<vmem>> -> memref<8x128xi32, #tpu.memory_space<vmem>>
    %dma_start3A_77 = arith.constant 0 : i32
    %dma_start3A_78 = tpu.memref_slice %arg2[%multiple_of3A_70, %dma_start3A_77] : memref<102400x128xi32, #tpu.memory_space<hbm>> -> memref<8x128xi32, #tpu.memory_space<hbm>>
    %dma_start3A_79 = arith.constant 0 : i32
    %dma_start3A_80 = arith.constant 0 : i32
    %dma_start3A_81 = tpu.memref_slice %arg12[%dma_start3A_71, %dma_start3A_72, %dma_start3A_79, %dma_start3A_80] : memref<2x8x8x128xi32, #tpu.memory_space<vmem>> -> memref<1x1x8x128xi32, #tpu.memory_space<vmem>>
    %dma_start3A_82 = tpu.memref_squeeze %dma_start3A_81 : memref<1x1x8x128xi32, #tpu.memory_space<vmem>> -> memref<8x128xi32, #tpu.memory_space<vmem>>
    %dma_start3A_83 = arith.constant 0 : i32
    %dma_start3A_84 = tpu.memref_slice %arg2[%multiple_of3A_70, %dma_start3A_83] : memref<102400x128xi32, #tpu.memory_space<hbm>> -> memref<8x128xi32, #tpu.memory_space<hbm>>
    tpu.enqueue_dma source(%dma_start3A_84 : memref<8x128xi32, #tpu.memory_space<hbm>>) target(%dma_start3A_82 : memref<8x128xi32, #tpu.memory_space<vmem>>) target_semaphore(%arg14 : memref<!tpu.dma_semaphore, #tpu.memory_space<semaphore_mem>>)
    %add3A_85 = arith.constant 0 : i32
    %add3A_86 = arith.addi %mul3A_2, %add3A_85 : i32
    %mul3A_87 = arith.constant 4 : i32
    %mul3A_88 = arith.muli %add3A_86, %mul3A_87 : i32
    %add3A_89 = arith.constant 2048 : i32
    %add3A_90 = arith.addi %add3A_89, %mul3A_88 : i32
    %multiple_of3A_91 = tpu.assume_multiple %add3A_90, 8 : i32
    %dma_start3A_92 = arith.constant 0 : i32
    %dma_start3A_93 = arith.constant 4 : i32
    %dma_start3A_94 = arith.constant 0 : i32
    %dma_start3A_95 = arith.constant 0 : i32
    %dma_start3A_96 = tpu.memref_slice %arg12[%dma_start3A_92, %dma_start3A_93, %dma_start3A_94, %dma_start3A_95] : memref<2x8x8x128xi32, #tpu.memory_space<vmem>> -> memref<1x1x8x128xi32, #tpu.memory_space<vmem>>
    %dma_start3A_97 = tpu.memref_squeeze %dma_start3A_96 : memref<1x1x8x128xi32, #tpu.memory_space<vmem>> -> memref<8x128xi32, #tpu.memory_space<vmem>>
    %dma_start3A_98 = arith.constant 0 : i32
    %dma_start3A_99 = tpu.memref_slice %arg2[%multiple_of3A_91, %dma_start3A_98] : memref<102400x128xi32, #tpu.memory_space<hbm>> -> memref<8x128xi32, #tpu.memory_space<hbm>>
    %dma_start3A_100 = arith.constant 0 : i32
    %dma_start3A_101 = arith.constant 0 : i32
    %dma_start3A_102 = tpu.memref_slice %arg12[%dma_start3A_92, %dma_start3A_93, %dma_start3A_100, %dma_start3A_101] : memref<2x8x8x128xi32, #tpu.memory_space<vmem>> -> memref<1x1x8x128xi32, #tpu.memory_space<vmem>>
    %dma_start3A_103 = tpu.memref_squeeze %dma_start3A_102 : memref<1x1x8x128xi32, #tpu.memory_space<vmem>> -> memref<8x128xi32, #tpu.memory_space<vmem>>
    %dma_start3A_104 = arith.constant 0 : i32
    %dma_start3A_105 = tpu.memref_slice %arg2[%multiple_of3A_91, %dma_start3A_104] : memref<102400x128xi32, #tpu.memory_space<hbm>> -> memref<8x128xi32, #tpu.memory_space<hbm>>
    tpu.enqueue_dma source(%dma_start3A_105 : memref<8x128xi32, #tpu.memory_space<hbm>>) target(%dma_start3A_103 : memref<8x128xi32, #tpu.memory_space<vmem>>) target_semaphore(%arg14 : memref<!tpu.dma_semaphore, #tpu.memory_space<semaphore_mem>>)
    %add3A_106 = arith.constant 0 : i32
    %add3A_107 = arith.addi %mul3A_2, %add3A_106 : i32
    %mul3A_108 = arith.constant 4 : i32
    %mul3A_109 = arith.muli %add3A_107, %mul3A_108 : i32
    %add3A_110 = arith.constant 2560 : i32
    %add3A_111 = arith.addi %add3A_110, %mul3A_109 : i32
    %multiple_of3A_112 = tpu.assume_multiple %add3A_111, 8 : i32
    %dma_start3A_113 = arith.constant 0 : i32
    %dma_start3A_114 = arith.constant 5 : i32
    %dma_start3A_115 = arith.constant 0 : i32
    %dma_start3A_116 = arith.constant 0 : i32
    %dma_start3A_117 = tpu.memref_slice %arg12[%dma_start3A_113, %dma_start3A_114, %dma_start3A_115, %dma_start3A_116] : memref<2x8x8x128xi32, #tpu.memory_space<vmem>> -> memref<1x1x8x128xi32, #tpu.memory_space<vmem>>
    %dma_start3A_118 = tpu.memref_squeeze %dma_start3A_117 : memref<1x1x8x128xi32, #tpu.memory_space<vmem>> -> memref<8x128xi32, #tpu.memory_space<vmem>>
    %dma_start3A_119 = arith.constant 0 : i32
    %dma_start3A_120 = tpu.memref_slice %arg2[%multiple_of3A_112, %dma_start3A_119] : memref<102400x128xi32, #tpu.memory_space<hbm>> -> memref<8x128xi32, #tpu.memory_space<hbm>>
    %dma_start3A_121 = arith.constant 0 : i32
    %dma_start3A_122 = arith.constant 0 : i32
    %dma_start3A_123 = tpu.memref_slice %arg12[%dma_start3A_113, %dma_start3A_114, %dma_start3A_121, %dma_start3A_122] : memref<2x8x8x128xi32, #tpu.memory_space<vmem>> -> memref<1x1x8x128xi32, #tpu.memory_space<vmem>>
    %dma_start3A_124 = tpu.memref_squeeze %dma_start3A_123 : memref<1x1x8x128xi32, #tpu.memory_space<vmem>> -> memref<8x128xi32, #tpu.memory_space<vmem>>
    %dma_start3A_125 = arith.constant 0 : i32
    %dma_start3A_126 = tpu.memref_slice %arg2[%multiple_of3A_112, %dma_start3A_125] : memref<102400x128xi32, #tpu.memory_space<hbm>> -> memref<8x128xi32, #tpu.memory_space<hbm>>
    tpu.enqueue_dma source(%dma_start3A_126 : memref<8x128xi32, #tpu.memory_space<hbm>>) target(%dma_start3A_124 : memref<8x128xi32, #tpu.memory_space<vmem>>) target_semaphore(%arg14 : memref<!tpu.dma_semaphore, #tpu.memory_space<semaphore_mem>>)
    %add3A_127 = arith.constant 0 : i32
    %add3A_128 = arith.addi %mul3A_2, %add3A_127 : i32
    %mul3A_129 = arith.constant 4 : i32
    %mul3A_130 = arith.muli %add3A_128, %mul3A_129 : i32
    %add3A_131 = arith.constant 3072 : i32
    %add3A_132 = arith.addi %add3A_131, %mul3A_130 : i32
    %multiple_of3A_133 = tpu.assume_multiple %add3A_132, 8 : i32
    %dma_start3A_134 = arith.constant 0 : i32
    %dma_start3A_135 = arith.constant 6 : i32
    %dma_start3A_136 = arith.constant 0 : i32
    %dma_start3A_137 = arith.constant 0 : i32
    %dma_start3A_138 = tpu.memref_slice %arg12[%dma_start3A_134, %dma_start3A_135, %dma_start3A_136, %dma_start3A_137] : memref<2x8x8x128xi32, #tpu.memory_space<vmem>> -> memref<1x1x8x128xi32, #tpu.memory_space<vmem>>
    %dma_start3A_139 = tpu.memref_squeeze %dma_start3A_138 : memref<1x1x8x128xi32, #tpu.memory_space<vmem>> -> memref<8x128xi32, #tpu.memory_space<vmem>>
    %dma_start3A_140 = arith.constant 0 : i32
    %dma_start3A_141 = tpu.memref_slice %arg2[%multiple_of3A_133, %dma_start3A_140] : memref<102400x128xi32, #tpu.memory_space<hbm>> -> memref<8x128xi32, #tpu.memory_space<hbm>>
    %dma_start3A_142 = arith.constant 0 : i32
    %dma_start3A_143 = arith.constant 0 : i32
    %dma_start3A_144 = tpu.memref_slice %arg12[%dma_start3A_134, %dma_start3A_135, %dma_start3A_142, %dma_start3A_143] : memref<2x8x8x128xi32, #tpu.memory_space<vmem>> -> memref<1x1x8x128xi32, #tpu.memory_space<vmem>>
    %dma_start3A_145 = tpu.memref_squeeze %dma_start3A_144 : memref<1x1x8x128xi32, #tpu.memory_space<vmem>> -> memref<8x128xi32, #tpu.memory_space<vmem>>
    %dma_start3A_146 = arith.constant 0 : i32
    %dma_start3A_147 = tpu.memref_slice %arg2[%multiple_of3A_133, %dma_start3A_146] : memref<102400x128xi32, #tpu.memory_space<hbm>> -> memref<8x128xi32, #tpu.memory_space<hbm>>
    tpu.enqueue_dma source(%dma_start3A_147 : memref<8x128xi32, #tpu.memory_space<hbm>>) target(%dma_start3A_145 : memref<8x128xi32, #tpu.memory_space<vmem>>) target_semaphore(%arg14 : memref<!tpu.dma_semaphore, #tpu.memory_space<semaphore_mem>>)
    %add3A_148 = arith.constant 0 : i32
    %add3A_149 = arith.addi %mul3A_2, %add3A_148 : i32
    %mul3A_150 = arith.constant 4 : i32
    %mul3A_151 = arith.muli %add3A_149, %mul3A_150 : i32
    %add3A_152 = arith.constant 3584 : i32
    %add3A_153 = arith.addi %add3A_152, %mul3A_151 : i32
    %multiple_of3A_154 = tpu.assume_multiple %add3A_153, 8 : i32
    %dma_start3A_155 = arith.constant 0 : i32
    %dma_start3A_156 = arith.constant 7 : i32
    %dma_start3A_157 = arith.constant 0 : i32
    %dma_start3A_158 = arith.constant 0 : i32
    %dma_start3A_159 = tpu.memref_slice %arg12[%dma_start3A_155, %dma_start3A_156, %dma_start3A_157, %dma_start3A_158] : memref<2x8x8x128xi32, #tpu.memory_space<vmem>> -> memref<1x1x8x128xi32, #tpu.memory_space<vmem>>
    %dma_start3A_160 = tpu.memref_squeeze %dma_start3A_159 : memref<1x1x8x128xi32, #tpu.memory_space<vmem>> -> memref<8x128xi32, #tpu.memory_space<vmem>>
    %dma_start3A_161 = arith.constant 0 : i32
    %dma_start3A_162 = tpu.memref_slice %arg2[%multiple_of3A_154, %dma_start3A_161] : memref<102400x128xi32, #tpu.memory_space<hbm>> -> memref<8x128xi32, #tpu.memory_space<hbm>>
    %dma_start3A_163 = arith.constant 0 : i32
    %dma_start3A_164 = arith.constant 0 : i32
    %dma_start3A_165 = tpu.memref_slice %arg12[%dma_start3A_155, %dma_start3A_156, %dma_start3A_163, %dma_start3A_164] : memref<2x8x8x128xi32, #tpu.memory_space<vmem>> -> memref<1x1x8x128xi32, #tpu.memory_space<vmem>>
    %dma_start3A_166 = tpu.memref_squeeze %dma_start3A_165 : memref<1x1x8x128xi32, #tpu.memory_space<vmem>> -> memref<8x128xi32, #tpu.memory_space<vmem>>
    %dma_start3A_167 = arith.constant 0 : i32
    %dma_start3A_168 = tpu.memref_slice %arg2[%multiple_of3A_154, %dma_start3A_167] : memref<102400x128xi32, #tpu.memory_space<hbm>> -> memref<8x128xi32, #tpu.memory_space<hbm>>
    tpu.enqueue_dma source(%dma_start3A_168 : memref<8x128xi32, #tpu.memory_space<hbm>>) target(%dma_start3A_166 : memref<8x128xi32, #tpu.memory_space<vmem>>) target_semaphore(%arg14 : memref<!tpu.dma_semaphore, #tpu.memory_space<semaphore_mem>>)
    %scan3A = arith.constant 0 : i32
    %scan3A_169 = arith.constant 0 : i32
    %scan3A_170 = arith.constant 25 : i32
    %scan3A_171 = arith.addi %scan3A_169, %scan3A_170 : i32
    %scan3A_172 = arith.constant 1 : i32
    scf.for %scan3A_803 = %scan3A_169 to %scan3A_171 step %scan3A_172  : i32 {
      %mul3A_804 = arith.constant 8 : i32
      %mul3A_805 = arith.muli %scan3A_803, %mul3A_804 : i32
      %add3A_806 = arith.constant 0 : i32
      %add3A_807 = arith.addi %mul3A_805, %add3A_806 : i32
      %mul3A_808 = arith.constant 512 : i32
      %mul3A_809 = arith.muli %add3A_807, %mul3A_808 : i32
      %add3A_810 = arith.constant 2 : i32
      %add3A_811 = arith.addi %mul3A_2, %add3A_810 : i32
      %mul3A_812 = arith.constant 4 : i32
      %mul3A_813 = arith.muli %add3A_811, %mul3A_812 : i32
      %add3A_814 = arith.addi %mul3A_809, %mul3A_813 : i32
      %multiple_of3A_815 = tpu.assume_multiple %add3A_814, 8 : i32
      %dma_start3A_816 = arith.constant 1 : i32
      %dma_start3A_817 = arith.constant 0 : i32
      %dma_start3A_818 = arith.constant 0 : i32
      %dma_start3A_819 = arith.constant 0 : i32
      %dma_start3A_820 = tpu.memref_slice %arg12[%dma_start3A_816, %dma_start3A_817, %dma_start3A_818, %dma_start3A_819] : memref<2x8x8x128xi32, #tpu.memory_space<vmem>> -> memref<1x1x8x128xi32, #tpu.memory_space<vmem>>
      %dma_start3A_821 = tpu.memref_squeeze %dma_start3A_820 : memref<1x1x8x128xi32, #tpu.memory_space<vmem>> -> memref<8x128xi32, #tpu.memory_space<vmem>>
      %dma_start3A_822 = arith.constant 0 : i32
      %dma_start3A_823 = tpu.memref_slice %arg2[%multiple_of3A_815, %dma_start3A_822] : memref<102400x128xi32, #tpu.memory_space<hbm>> -> memref<8x128xi32, #tpu.memory_space<hbm>>
      %dma_start3A_824 = arith.constant 0 : i32
      %dma_start3A_825 = arith.constant 0 : i32
      %dma_start3A_826 = tpu.memref_slice %arg12[%dma_start3A_816, %dma_start3A_817, %dma_start3A_824, %dma_start3A_825] : memref<2x8x8x128xi32, #tpu.memory_space<vmem>> -> memref<1x1x8x128xi32, #tpu.memory_space<vmem>>
      %dma_start3A_827 = tpu.memref_squeeze %dma_start3A_826 : memref<1x1x8x128xi32, #tpu.memory_space<vmem>> -> memref<8x128xi32, #tpu.memory_space<vmem>>
      %dma_start3A_828 = arith.constant 0 : i32
      %dma_start3A_829 = tpu.memref_slice %arg2[%multiple_of3A_815, %dma_start3A_828] : memref<102400x128xi32, #tpu.memory_space<hbm>> -> memref<8x128xi32, #tpu.memory_space<hbm>>
      tpu.enqueue_dma source(%dma_start3A_829 : memref<8x128xi32, #tpu.memory_space<hbm>>) target(%dma_start3A_827 : memref<8x128xi32, #tpu.memory_space<vmem>>) target_semaphore(%arg15 : memref<!tpu.dma_semaphore, #tpu.memory_space<semaphore_mem>>)
      %mul3A_830 = arith.constant 8 : i32
      %mul3A_831 = arith.muli %scan3A_803, %mul3A_830 : i32
      %add3A_832 = arith.constant 1 : i32
      %add3A_833 = arith.addi %mul3A_831, %add3A_832 : i32
      %mul3A_834 = arith.constant 512 : i32
      %mul3A_835 = arith.muli %add3A_833, %mul3A_834 : i32
      %add3A_836 = arith.constant 2 : i32
      %add3A_837 = arith.addi %mul3A_2, %add3A_836 : i32
      %mul3A_838 = arith.constant 4 : i32
      %mul3A_839 = arith.muli %add3A_837, %mul3A_838 : i32
      %add3A_840 = arith.addi %mul3A_835, %mul3A_839 : i32
      %multiple_of3A_841 = tpu.assume_multiple %add3A_840, 8 : i32
      %dma_start3A_842 = arith.constant 1 : i32
      %dma_start3A_843 = arith.constant 1 : i32
      %dma_start3A_844 = arith.constant 0 : i32
      %dma_start3A_845 = arith.constant 0 : i32
      %dma_start3A_846 = tpu.memref_slice %arg12[%dma_start3A_842, %dma_start3A_843, %dma_start3A_844, %dma_start3A_845] : memref<2x8x8x128xi32, #tpu.memory_space<vmem>> -> memref<1x1x8x128xi32, #tpu.memory_space<vmem>>
      %dma_start3A_847 = tpu.memref_squeeze %dma_start3A_846 : memref<1x1x8x128xi32, #tpu.memory_space<vmem>> -> memref<8x128xi32, #tpu.memory_space<vmem>>
      %dma_start3A_848 = arith.constant 0 : i32
      %dma_start3A_849 = tpu.memref_slice %arg2[%multiple_of3A_841, %dma_start3A_848] : memref<102400x128xi32, #tpu.memory_space<hbm>> -> memref<8x128xi32, #tpu.memory_space<hbm>>
      %dma_start3A_850 = arith.constant 0 : i32
      %dma_start3A_851 = arith.constant 0 : i32
      %dma_start3A_852 = tpu.memref_slice %arg12[%dma_start3A_842, %dma_start3A_843, %dma_start3A_850, %dma_start3A_851] : memref<2x8x8x128xi32, #tpu.memory_space<vmem>> -> memref<1x1x8x128xi32, #tpu.memory_space<vmem>>
      %dma_start3A_853 = tpu.memref_squeeze %dma_start3A_852 : memref<1x1x8x128xi32, #tpu.memory_space<vmem>> -> memref<8x128xi32, #tpu.memory_space<vmem>>
      %dma_start3A_854 = arith.constant 0 : i32
      %dma_start3A_855 = tpu.memref_slice %arg2[%multiple_of3A_841, %dma_start3A_854] : memref<102400x128xi32, #tpu.memory_space<hbm>> -> memref<8x128xi32, #tpu.memory_space<hbm>>
      tpu.enqueue_dma source(%dma_start3A_855 : memref<8x128xi32, #tpu.memory_space<hbm>>) target(%dma_start3A_853 : memref<8x128xi32, #tpu.memory_space<vmem>>) target_semaphore(%arg15 : memref<!tpu.dma_semaphore, #tpu.memory_space<semaphore_mem>>)
      %mul3A_856 = arith.constant 8 : i32
      %mul3A_857 = arith.muli %scan3A_803, %mul3A_856 : i32
      %add3A_858 = arith.constant 2 : i32
      %add3A_859 = arith.addi %mul3A_857, %add3A_858 : i32
      %mul3A_860 = arith.constant 512 : i32
      %mul3A_861 = arith.muli %add3A_859, %mul3A_860 : i32
      %add3A_862 = arith.constant 2 : i32
      %add3A_863 = arith.addi %mul3A_2, %add3A_862 : i32
      %mul3A_864 = arith.constant 4 : i32
      %mul3A_865 = arith.muli %add3A_863, %mul3A_864 : i32
      %add3A_866 = arith.addi %mul3A_861, %mul3A_865 : i32
      %multiple_of3A_867 = tpu.assume_multiple %add3A_866, 8 : i32
      %dma_start3A_868 = arith.constant 1 : i32
      %dma_start3A_869 = arith.constant 2 : i32
      %dma_start3A_870 = arith.constant 0 : i32
      %dma_start3A_871 = arith.constant 0 : i32
      %dma_start3A_872 = tpu.memref_slice %arg12[%dma_start3A_868, %dma_start3A_869, %dma_start3A_870, %dma_start3A_871] : memref<2x8x8x128xi32, #tpu.memory_space<vmem>> -> memref<1x1x8x128xi32, #tpu.memory_space<vmem>>
      %dma_start3A_873 = tpu.memref_squeeze %dma_start3A_872 : memref<1x1x8x128xi32, #tpu.memory_space<vmem>> -> memref<8x128xi32, #tpu.memory_space<vmem>>
      %dma_start3A_874 = arith.constant 0 : i32
      %dma_start3A_875 = tpu.memref_slice %arg2[%multiple_of3A_867, %dma_start3A_874] : memref<102400x128xi32, #tpu.memory_space<hbm>> -> memref<8x128xi32, #tpu.memory_space<hbm>>
      %dma_start3A_876 = arith.constant 0 : i32
      %dma_start3A_877 = arith.constant 0 : i32
      %dma_start3A_878 = tpu.memref_slice %arg12[%dma_start3A_868, %dma_start3A_869, %dma_start3A_876, %dma_start3A_877] : memref<2x8x8x128xi32, #tpu.memory_space<vmem>> -> memref<1x1x8x128xi32, #tpu.memory_space<vmem>>
      %dma_start3A_879 = tpu.memref_squeeze %dma_start3A_878 : memref<1x1x8x128xi32, #tpu.memory_space<vmem>> -> memref<8x128xi32, #tpu.memory_space<vmem>>
      %dma_start3A_880 = arith.constant 0 : i32
      %dma_start3A_881 = tpu.memref_slice %arg2[%multiple_of3A_867, %dma_start3A_880] : memref<102400x128xi32, #tpu.memory_space<hbm>> -> memref<8x128xi32, #tpu.memory_space<hbm>>
      tpu.enqueue_dma source(%dma_start3A_881 : memref<8x128xi32, #tpu.memory_space<hbm>>) target(%dma_start3A_879 : memref<8x128xi32, #tpu.memory_space<vmem>>) target_semaphore(%arg15 : memref<!tpu.dma_semaphore, #tpu.memory_space<semaphore_mem>>)
      %mul3A_882 = arith.constant 8 : i32
      %mul3A_883 = arith.muli %scan3A_803, %mul3A_882 : i32
      %add3A_884 = arith.constant 3 : i32
      %add3A_885 = arith.addi %mul3A_883, %add3A_884 : i32
      %mul3A_886 = arith.constant 512 : i32
      %mul3A_887 = arith.muli %add3A_885, %mul3A_886 : i32
      %add3A_888 = arith.constant 2 : i32
      %add3A_889 = arith.addi %mul3A_2, %add3A_888 : i32
      %mul3A_890 = arith.constant 4 : i32
      %mul3A_891 = arith.muli %add3A_889, %mul3A_890 : i32
      %add3A_892 = arith.addi %mul3A_887, %mul3A_891 : i32
      %multiple_of3A_893 = tpu.assume_multiple %add3A_892, 8 : i32
      %dma_start3A_894 = arith.constant 1 : i32
      %dma_start3A_895 = arith.constant 3 : i32
      %dma_start3A_896 = arith.constant 0 : i32
      %dma_start3A_897 = arith.constant 0 : i32
      %dma_start3A_898 = tpu.memref_slice %arg12[%dma_start3A_894, %dma_start3A_895, %dma_start3A_896, %dma_start3A_897] : memref<2x8x8x128xi32, #tpu.memory_space<vmem>> -> memref<1x1x8x128xi32, #tpu.memory_space<vmem>>
      %dma_start3A_899 = tpu.memref_squeeze %dma_start3A_898 : memref<1x1x8x128xi32, #tpu.memory_space<vmem>> -> memref<8x128xi32, #tpu.memory_space<vmem>>
      %dma_start3A_900 = arith.constant 0 : i32
      %dma_start3A_901 = tpu.memref_slice %arg2[%multiple_of3A_893, %dma_start3A_900] : memref<102400x128xi32, #tpu.memory_space<hbm>> -> memref<8x128xi32, #tpu.memory_space<hbm>>
      %dma_start3A_902 = arith.constant 0 : i32
      %dma_start3A_903 = arith.constant 0 : i32
      %dma_start3A_904 = tpu.memref_slice %arg12[%dma_start3A_894, %dma_start3A_895, %dma_start3A_902, %dma_start3A_903] : memref<2x8x8x128xi32, #tpu.memory_space<vmem>> -> memref<1x1x8x128xi32, #tpu.memory_space<vmem>>
      %dma_start3A_905 = tpu.memref_squeeze %dma_start3A_904 : memref<1x1x8x128xi32, #tpu.memory_space<vmem>> -> memref<8x128xi32, #tpu.memory_space<vmem>>
      %dma_start3A_906 = arith.constant 0 : i32
      %dma_start3A_907 = tpu.memref_slice %arg2[%multiple_of3A_893, %dma_start3A_906] : memref<102400x128xi32, #tpu.memory_space<hbm>> -> memref<8x128xi32, #tpu.memory_space<hbm>>
      tpu.enqueue_dma source(%dma_start3A_907 : memref<8x128xi32, #tpu.memory_space<hbm>>) target(%dma_start3A_905 : memref<8x128xi32, #tpu.memory_space<vmem>>) target_semaphore(%arg15 : memref<!tpu.dma_semaphore, #tpu.memory_space<semaphore_mem>>)
      %mul3A_908 = arith.constant 8 : i32
      %mul3A_909 = arith.muli %scan3A_803, %mul3A_908 : i32
      %add3A_910 = arith.constant 4 : i32
      %add3A_911 = arith.addi %mul3A_909, %add3A_910 : i32
      %mul3A_912 = arith.constant 512 : i32
      %mul3A_913 = arith.muli %add3A_911, %mul3A_912 : i32
      %add3A_914 = arith.constant 2 : i32
      %add3A_915 = arith.addi %mul3A_2, %add3A_914 : i32
      %mul3A_916 = arith.constant 4 : i32
      %mul3A_917 = arith.muli %add3A_915, %mul3A_916 : i32
      %add3A_918 = arith.addi %mul3A_913, %mul3A_917 : i32
      %multiple_of3A_919 = tpu.assume_multiple %add3A_918, 8 : i32
      %dma_start3A_920 = arith.constant 1 : i32
      %dma_start3A_921 = arith.constant 4 : i32
      %dma_start3A_922 = arith.constant 0 : i32
      %dma_start3A_923 = arith.constant 0 : i32
      %dma_start3A_924 = tpu.memref_slice %arg12[%dma_start3A_920, %dma_start3A_921, %dma_start3A_922, %dma_start3A_923] : memref<2x8x8x128xi32, #tpu.memory_space<vmem>> -> memref<1x1x8x128xi32, #tpu.memory_space<vmem>>
      %dma_start3A_925 = tpu.memref_squeeze %dma_start3A_924 : memref<1x1x8x128xi32, #tpu.memory_space<vmem>> -> memref<8x128xi32, #tpu.memory_space<vmem>>
      %dma_start3A_926 = arith.constant 0 : i32
      %dma_start3A_927 = tpu.memref_slice %arg2[%multiple_of3A_919, %dma_start3A_926] : memref<102400x128xi32, #tpu.memory_space<hbm>> -> memref<8x128xi32, #tpu.memory_space<hbm>>
      %dma_start3A_928 = arith.constant 0 : i32
      %dma_start3A_929 = arith.constant 0 : i32
      %dma_start3A_930 = tpu.memref_slice %arg12[%dma_start3A_920, %dma_start3A_921, %dma_start3A_928, %dma_start3A_929] : memref<2x8x8x128xi32, #tpu.memory_space<vmem>> -> memref<1x1x8x128xi32, #tpu.memory_space<vmem>>
      %dma_start3A_931 = tpu.memref_squeeze %dma_start3A_930 : memref<1x1x8x128xi32, #tpu.memory_space<vmem>> -> memref<8x128xi32, #tpu.memory_space<vmem>>
      %dma_start3A_932 = arith.constant 0 : i32
      %dma_start3A_933 = tpu.memref_slice %arg2[%multiple_of3A_919, %dma_start3A_932] : memref<102400x128xi32, #tpu.memory_space<hbm>> -> memref<8x128xi32, #tpu.memory_space<hbm>>
      tpu.enqueue_dma source(%dma_start3A_933 : memref<8x128xi32, #tpu.memory_space<hbm>>) target(%dma_start3A_931 : memref<8x128xi32, #tpu.memory_space<vmem>>) target_semaphore(%arg15 : memref<!tpu.dma_semaphore, #tpu.memory_space<semaphore_mem>>)
      %mul3A_934 = arith.constant 8 : i32
      %mul3A_935 = arith.muli %scan3A_803, %mul3A_934 : i32
      %add3A_936 = arith.constant 5 : i32
      %add3A_937 = arith.addi %mul3A_935, %add3A_936 : i32
      %mul3A_938 = arith.constant 512 : i32
      %mul3A_939 = arith.muli %add3A_937, %mul3A_938 : i32
      %add3A_940 = arith.constant 2 : i32
      %add3A_941 = arith.addi %mul3A_2, %add3A_940 : i32
      %mul3A_942 = arith.constant 4 : i32
      %mul3A_943 = arith.muli %add3A_941, %mul3A_942 : i32
      %add3A_944 = arith.addi %mul3A_939, %mul3A_943 : i32
      %multiple_of3A_945 = tpu.assume_multiple %add3A_944, 8 : i32
      %dma_start3A_946 = arith.constant 1 : i32
      %dma_start3A_947 = arith.constant 5 : i32
      %dma_start3A_948 = arith.constant 0 : i32
      %dma_start3A_949 = arith.constant 0 : i32
      %dma_start3A_950 = tpu.memref_slice %arg12[%dma_start3A_946, %dma_start3A_947, %dma_start3A_948, %dma_start3A_949] : memref<2x8x8x128xi32, #tpu.memory_space<vmem>> -> memref<1x1x8x128xi32, #tpu.memory_space<vmem>>
      %dma_start3A_951 = tpu.memref_squeeze %dma_start3A_950 : memref<1x1x8x128xi32, #tpu.memory_space<vmem>> -> memref<8x128xi32, #tpu.memory_space<vmem>>
      %dma_start3A_952 = arith.constant 0 : i32
      %dma_start3A_953 = tpu.memref_slice %arg2[%multiple_of3A_945, %dma_start3A_952] : memref<102400x128xi32, #tpu.memory_space<hbm>> -> memref<8x128xi32, #tpu.memory_space<hbm>>
      %dma_start3A_954 = arith.constant 0 : i32
      %dma_start3A_955 = arith.constant 0 : i32
      %dma_start3A_956 = tpu.memref_slice %arg12[%dma_start3A_946, %dma_start3A_947, %dma_start3A_954, %dma_start3A_955] : memref<2x8x8x128xi32, #tpu.memory_space<vmem>> -> memref<1x1x8x128xi32, #tpu.memory_space<vmem>>
      %dma_start3A_957 = tpu.memref_squeeze %dma_start3A_956 : memref<1x1x8x128xi32, #tpu.memory_space<vmem>> -> memref<8x128xi32, #tpu.memory_space<vmem>>
      %dma_start3A_958 = arith.constant 0 : i32
      %dma_start3A_959 = tpu.memref_slice %arg2[%multiple_of3A_945, %dma_start3A_958] : memref<102400x128xi32, #tpu.memory_space<hbm>> -> memref<8x128xi32, #tpu.memory_space<hbm>>
      tpu.enqueue_dma source(%dma_start3A_959 : memref<8x128xi32, #tpu.memory_space<hbm>>) target(%dma_start3A_957 : memref<8x128xi32, #tpu.memory_space<vmem>>) target_semaphore(%arg15 : memref<!tpu.dma_semaphore, #tpu.memory_space<semaphore_mem>>)
      %mul3A_960 = arith.constant 8 : i32
      %mul3A_961 = arith.muli %scan3A_803, %mul3A_960 : i32
      %add3A_962 = arith.constant 6 : i32
      %add3A_963 = arith.addi %mul3A_961, %add3A_962 : i32
      %mul3A_964 = arith.constant 512 : i32
      %mul3A_965 = arith.muli %add3A_963, %mul3A_964 : i32
      %add3A_966 = arith.constant 2 : i32
      %add3A_967 = arith.addi %mul3A_2, %add3A_966 : i32
      %mul3A_968 = arith.constant 4 : i32
      %mul3A_969 = arith.muli %add3A_967, %mul3A_968 : i32
      %add3A_970 = arith.addi %mul3A_965, %mul3A_969 : i32
      %multiple_of3A_971 = tpu.assume_multiple %add3A_970, 8 : i32
      %dma_start3A_972 = arith.constant 1 : i32
      %dma_start3A_973 = arith.constant 6 : i32
      %dma_start3A_974 = arith.constant 0 : i32
      %dma_start3A_975 = arith.constant 0 : i32
      %dma_start3A_976 = tpu.memref_slice %arg12[%dma_start3A_972, %dma_start3A_973, %dma_start3A_974, %dma_start3A_975] : memref<2x8x8x128xi32, #tpu.memory_space<vmem>> -> memref<1x1x8x128xi32, #tpu.memory_space<vmem>>
      %dma_start3A_977 = tpu.memref_squeeze %dma_start3A_976 : memref<1x1x8x128xi32, #tpu.memory_space<vmem>> -> memref<8x128xi32, #tpu.memory_space<vmem>>
      %dma_start3A_978 = arith.constant 0 : i32
      %dma_start3A_979 = tpu.memref_slice %arg2[%multiple_of3A_971, %dma_start3A_978] : memref<102400x128xi32, #tpu.memory_space<hbm>> -> memref<8x128xi32, #tpu.memory_space<hbm>>
      %dma_start3A_980 = arith.constant 0 : i32
      %dma_start3A_981 = arith.constant 0 : i32
      %dma_start3A_982 = tpu.memref_slice %arg12[%dma_start3A_972, %dma_start3A_973, %dma_start3A_980, %dma_start3A_981] : memref<2x8x8x128xi32, #tpu.memory_space<vmem>> -> memref<1x1x8x128xi32, #tpu.memory_space<vmem>>
      %dma_start3A_983 = tpu.memref_squeeze %dma_start3A_982 : memref<1x1x8x128xi32, #tpu.memory_space<vmem>> -> memref<8x128xi32, #tpu.memory_space<vmem>>
      %dma_start3A_984 = arith.constant 0 : i32
      %dma_start3A_985 = tpu.memref_slice %arg2[%multiple_of3A_971, %dma_start3A_984] : memref<102400x128xi32, #tpu.memory_space<hbm>> -> memref<8x128xi32, #tpu.memory_space<hbm>>
      tpu.enqueue_dma source(%dma_start3A_985 : memref<8x128xi32, #tpu.memory_space<hbm>>) target(%dma_start3A_983 : memref<8x128xi32, #tpu.memory_space<vmem>>) target_semaphore(%arg15 : memref<!tpu.dma_semaphore, #tpu.memory_space<semaphore_mem>>)
      %mul3A_986 = arith.constant 8 : i32
      %mul3A_987 = arith.muli %scan3A_803, %mul3A_986 : i32
      %add3A_988 = arith.constant 7 : i32
      %add3A_989 = arith.addi %mul3A_987, %add3A_988 : i32
      %mul3A_990 = arith.constant 512 : i32
      %mul3A_991 = arith.muli %add3A_989, %mul3A_990 : i32
      %add3A_992 = arith.constant 2 : i32
      %add3A_993 = arith.addi %mul3A_2, %add3A_992 : i32
      %mul3A_994 = arith.constant 4 : i32
      %mul3A_995 = arith.muli %add3A_993, %mul3A_994 : i32
      %add3A_996 = arith.addi %mul3A_991, %mul3A_995 : i32
      %multiple_of3A_997 = tpu.assume_multiple %add3A_996, 8 : i32
      %dma_start3A_998 = arith.constant 1 : i32
      %dma_start3A_999 = arith.constant 7 : i32
      %dma_start3A_1000 = arith.constant 0 : i32
      %dma_start3A_1001 = arith.constant 0 : i32
      %dma_start3A_1002 = tpu.memref_slice %arg12[%dma_start3A_998, %dma_start3A_999, %dma_start3A_1000, %dma_start3A_1001] : memref<2x8x8x128xi32, #tpu.memory_space<vmem>> -> memref<1x1x8x128xi32, #tpu.memory_space<vmem>>
      %dma_start3A_1003 = tpu.memref_squeeze %dma_start3A_1002 : memref<1x1x8x128xi32, #tpu.memory_space<vmem>> -> memref<8x128xi32, #tpu.memory_space<vmem>>
      %dma_start3A_1004 = arith.constant 0 : i32
      %dma_start3A_1005 = tpu.memref_slice %arg2[%multiple_of3A_997, %dma_start3A_1004] : memref<102400x128xi32, #tpu.memory_space<hbm>> -> memref<8x128xi32, #tpu.memory_space<hbm>>
      %dma_start3A_1006 = arith.constant 0 : i32
      %dma_start3A_1007 = arith.constant 0 : i32
      %dma_start3A_1008 = tpu.memref_slice %arg12[%dma_start3A_998, %dma_start3A_999, %dma_start3A_1006, %dma_start3A_1007] : memref<2x8x8x128xi32, #tpu.memory_space<vmem>> -> memref<1x1x8x128xi32, #tpu.memory_space<vmem>>
      %dma_start3A_1009 = tpu.memref_squeeze %dma_start3A_1008 : memref<1x1x8x128xi32, #tpu.memory_space<vmem>> -> memref<8x128xi32, #tpu.memory_space<vmem>>
      %dma_start3A_1010 = arith.constant 0 : i32
      %dma_start3A_1011 = tpu.memref_slice %arg2[%multiple_of3A_997, %dma_start3A_1010] : memref<102400x128xi32, #tpu.memory_space<hbm>> -> memref<8x128xi32, #tpu.memory_space<hbm>>
      tpu.enqueue_dma source(%dma_start3A_1011 : memref<8x128xi32, #tpu.memory_space<hbm>>) target(%dma_start3A_1009 : memref<8x128xi32, #tpu.memory_space<vmem>>) target_semaphore(%arg15 : memref<!tpu.dma_semaphore, #tpu.memory_space<semaphore_mem>>)
      %mul3A_1012 = arith.constant 8 : i32
      %mul3A_1013 = arith.muli %scan3A_803, %mul3A_1012 : i32
      %add3A_1014 = arith.constant 0 : i32
      %add3A_1015 = arith.addi %mul3A_1013, %add3A_1014 : i32
      %mul3A_1016 = arith.constant 512 : i32
      %mul3A_1017 = arith.muli %add3A_1015, %mul3A_1016 : i32
      %add3A_1018 = arith.constant 0 : i32
      %add3A_1019 = arith.addi %mul3A_2, %add3A_1018 : i32
      %mul3A_1020 = arith.constant 4 : i32
      %mul3A_1021 = arith.muli %add3A_1019, %mul3A_1020 : i32
      %add3A_1022 = arith.addi %mul3A_1017, %mul3A_1021 : i32
      %multiple_of3A_1023 = tpu.assume_multiple %add3A_1022, 8 : i32
      %dma_wait3A_1024 = arith.constant 0 : i32
      %dma_wait3A_1025 = arith.constant 0 : i32
      %dma_wait3A_1026 = arith.constant 0 : i32
      %dma_wait3A_1027 = arith.constant 0 : i32
      %dma_wait3A_1028 = tpu.memref_slice %arg12[%dma_wait3A_1024, %dma_wait3A_1025, %dma_wait3A_1026, %dma_wait3A_1027] : memref<2x8x8x128xi32, #tpu.memory_space<vmem>> -> memref<1x1x8x128xi32, #tpu.memory_space<vmem>>
      %dma_wait3A_1029 = tpu.memref_squeeze %dma_wait3A_1028 : memref<1x1x8x128xi32, #tpu.memory_space<vmem>> -> memref<8x128xi32, #tpu.memory_space<vmem>>
      %dma_wait3A_1030 = arith.constant 0 : i32
      %dma_wait3A_1031 = tpu.memref_slice %arg2[%multiple_of3A_1023, %dma_wait3A_1030] : memref<102400x128xi32, #tpu.memory_space<hbm>> -> memref<8x128xi32, #tpu.memory_space<hbm>>
      %dma_wait3A_1032 = arith.constant 0 : i32
      %dma_wait3A_1033 = arith.constant 0 : i32
      %dma_wait3A_1034 = tpu.memref_slice %arg12[%dma_wait3A_1024, %dma_wait3A_1025, %dma_wait3A_1032, %dma_wait3A_1033] : memref<2x8x8x128xi32, #tpu.memory_space<vmem>> -> memref<1x1x8x128xi32, #tpu.memory_space<vmem>>
      %dma_wait3A_1035 = tpu.memref_squeeze %dma_wait3A_1034 : memref<1x1x8x128xi32, #tpu.memory_space<vmem>> -> memref<8x128xi32, #tpu.memory_space<vmem>>
      %dma_wait3A_1036 = arith.constant 0 : i32
      %dma_wait3A_1037 = tpu.memref_slice %arg2[%multiple_of3A_1023, %dma_wait3A_1036] : memref<102400x128xi32, #tpu.memory_space<hbm>> -> memref<8x128xi32, #tpu.memory_space<hbm>>
      tpu.wait_dma2 semaphore(%arg14 : memref<!tpu.dma_semaphore, #tpu.memory_space<semaphore_mem>>) src(%dma_wait3A_1037 : memref<8x128xi32, #tpu.memory_space<hbm>>) dst(%dma_wait3A_1035 : memref<8x128xi32, #tpu.memory_space<vmem>>)
      %mul3A_1038 = arith.constant 8 : i32
      %mul3A_1039 = arith.muli %scan3A_803, %mul3A_1038 : i32
      %add3A_1040 = arith.constant 1 : i32
      %add3A_1041 = arith.addi %mul3A_1039, %add3A_1040 : i32
      %mul3A_1042 = arith.constant 512 : i32
      %mul3A_1043 = arith.muli %add3A_1041, %mul3A_1042 : i32
      %add3A_1044 = arith.constant 0 : i32
      %add3A_1045 = arith.addi %mul3A_2, %add3A_1044 : i32
      %mul3A_1046 = arith.constant 4 : i32
      %mul3A_1047 = arith.muli %add3A_1045, %mul3A_1046 : i32
      %add3A_1048 = arith.addi %mul3A_1043, %mul3A_1047 : i32
      %multiple_of3A_1049 = tpu.assume_multiple %add3A_1048, 8 : i32
      %dma_wait3A_1050 = arith.constant 0 : i32
      %dma_wait3A_1051 = arith.constant 1 : i32
      %dma_wait3A_1052 = arith.constant 0 : i32
      %dma_wait3A_1053 = arith.constant 0 : i32
      %dma_wait3A_1054 = tpu.memref_slice %arg12[%dma_wait3A_1050, %dma_wait3A_1051, %dma_wait3A_1052, %dma_wait3A_1053] : memref<2x8x8x128xi32, #tpu.memory_space<vmem>> -> memref<1x1x8x128xi32, #tpu.memory_space<vmem>>
      %dma_wait3A_1055 = tpu.memref_squeeze %dma_wait3A_1054 : memref<1x1x8x128xi32, #tpu.memory_space<vmem>> -> memref<8x128xi32, #tpu.memory_space<vmem>>
      %dma_wait3A_1056 = arith.constant 0 : i32
      %dma_wait3A_1057 = tpu.memref_slice %arg2[%multiple_of3A_1049, %dma_wait3A_1056] : memref<102400x128xi32, #tpu.memory_space<hbm>> -> memref<8x128xi32, #tpu.memory_space<hbm>>
      %dma_wait3A_1058 = arith.constant 0 : i32
      %dma_wait3A_1059 = arith.constant 0 : i32
      %dma_wait3A_1060 = tpu.memref_slice %arg12[%dma_wait3A_1050, %dma_wait3A_1051, %dma_wait3A_1058, %dma_wait3A_1059] : memref<2x8x8x128xi32, #tpu.memory_space<vmem>> -> memref<1x1x8x128xi32, #tpu.memory_space<vmem>>
      %dma_wait3A_1061 = tpu.memref_squeeze %dma_wait3A_1060 : memref<1x1x8x128xi32, #tpu.memory_space<vmem>> -> memref<8x128xi32, #tpu.memory_space<vmem>>
      %dma_wait3A_1062 = arith.constant 0 : i32
      %dma_wait3A_1063 = tpu.memref_slice %arg2[%multiple_of3A_1049, %dma_wait3A_1062] : memref<102400x128xi32, #tpu.memory_space<hbm>> -> memref<8x128xi32, #tpu.memory_space<hbm>>
      tpu.wait_dma2 semaphore(%arg14 : memref<!tpu.dma_semaphore, #tpu.memory_space<semaphore_mem>>) src(%dma_wait3A_1063 : memref<8x128xi32, #tpu.memory_space<hbm>>) dst(%dma_wait3A_1061 : memref<8x128xi32, #tpu.memory_space<vmem>>)
      %mul3A_1064 = arith.constant 8 : i32
      %mul3A_1065 = arith.muli %scan3A_803, %mul3A_1064 : i32
      %add3A_1066 = arith.constant 2 : i32
      %add3A_1067 = arith.addi %mul3A_1065, %add3A_1066 : i32
      %mul3A_1068 = arith.constant 512 : i32
      %mul3A_1069 = arith.muli %add3A_1067, %mul3A_1068 : i32
      %add3A_1070 = arith.constant 0 : i32
      %add3A_1071 = arith.addi %mul3A_2, %add3A_1070 : i32
      %mul3A_1072 = arith.constant 4 : i32
      %mul3A_1073 = arith.muli %add3A_1071, %mul3A_1072 : i32
      %add3A_1074 = arith.addi %mul3A_1069, %mul3A_1073 : i32
      %multiple_of3A_1075 = tpu.assume_multiple %add3A_1074, 8 : i32
      %dma_wait3A_1076 = arith.constant 0 : i32
      %dma_wait3A_1077 = arith.constant 2 : i32
      %dma_wait3A_1078 = arith.constant 0 : i32
      %dma_wait3A_1079 = arith.constant 0 : i32
      %dma_wait3A_1080 = tpu.memref_slice %arg12[%dma_wait3A_1076, %dma_wait3A_1077, %dma_wait3A_1078, %dma_wait3A_1079] : memref<2x8x8x128xi32, #tpu.memory_space<vmem>> -> memref<1x1x8x128xi32, #tpu.memory_space<vmem>>
      %dma_wait3A_1081 = tpu.memref_squeeze %dma_wait3A_1080 : memref<1x1x8x128xi32, #tpu.memory_space<vmem>> -> memref<8x128xi32, #tpu.memory_space<vmem>>
      %dma_wait3A_1082 = arith.constant 0 : i32
      %dma_wait3A_1083 = tpu.memref_slice %arg2[%multiple_of3A_1075, %dma_wait3A_1082] : memref<102400x128xi32, #tpu.memory_space<hbm>> -> memref<8x128xi32, #tpu.memory_space<hbm>>
      %dma_wait3A_1084 = arith.constant 0 : i32
      %dma_wait3A_1085 = arith.constant 0 : i32
      %dma_wait3A_1086 = tpu.memref_slice %arg12[%dma_wait3A_1076, %dma_wait3A_1077, %dma_wait3A_1084, %dma_wait3A_1085] : memref<2x8x8x128xi32, #tpu.memory_space<vmem>> -> memref<1x1x8x128xi32, #tpu.memory_space<vmem>>
      %dma_wait3A_1087 = tpu.memref_squeeze %dma_wait3A_1086 : memref<1x1x8x128xi32, #tpu.memory_space<vmem>> -> memref<8x128xi32, #tpu.memory_space<vmem>>
      %dma_wait3A_1088 = arith.constant 0 : i32
      %dma_wait3A_1089 = tpu.memref_slice %arg2[%multiple_of3A_1075, %dma_wait3A_1088] : memref<102400x128xi32, #tpu.memory_space<hbm>> -> memref<8x128xi32, #tpu.memory_space<hbm>>
      tpu.wait_dma2 semaphore(%arg14 : memref<!tpu.dma_semaphore, #tpu.memory_space<semaphore_mem>>) src(%dma_wait3A_1089 : memref<8x128xi32, #tpu.memory_space<hbm>>) dst(%dma_wait3A_1087 : memref<8x128xi32, #tpu.memory_space<vmem>>)
      %mul3A_1090 = arith.constant 8 : i32
      %mul3A_1091 = arith.muli %scan3A_803, %mul3A_1090 : i32
      %add3A_1092 = arith.constant 3 : i32
      %add3A_1093 = arith.addi %mul3A_1091, %add3A_1092 : i32
      %mul3A_1094 = arith.constant 512 : i32
      %mul3A_1095 = arith.muli %add3A_1093, %mul3A_1094 : i32
      %add3A_1096 = arith.constant 0 : i32
      %add3A_1097 = arith.addi %mul3A_2, %add3A_1096 : i32
      %mul3A_1098 = arith.constant 4 : i32
      %mul3A_1099 = arith.muli %add3A_1097, %mul3A_1098 : i32
      %add3A_1100 = arith.addi %mul3A_1095, %mul3A_1099 : i32
      %multiple_of3A_1101 = tpu.assume_multiple %add3A_1100, 8 : i32
      %dma_wait3A_1102 = arith.constant 0 : i32
      %dma_wait3A_1103 = arith.constant 3 : i32
      %dma_wait3A_1104 = arith.constant 0 : i32
      %dma_wait3A_1105 = arith.constant 0 : i32
      %dma_wait3A_1106 = tpu.memref_slice %arg12[%dma_wait3A_1102, %dma_wait3A_1103, %dma_wait3A_1104, %dma_wait3A_1105] : memref<2x8x8x128xi32, #tpu.memory_space<vmem>> -> memref<1x1x8x128xi32, #tpu.memory_space<vmem>>
      %dma_wait3A_1107 = tpu.memref_squeeze %dma_wait3A_1106 : memref<1x1x8x128xi32, #tpu.memory_space<vmem>> -> memref<8x128xi32, #tpu.memory_space<vmem>>
      %dma_wait3A_1108 = arith.constant 0 : i32
      %dma_wait3A_1109 = tpu.memref_slice %arg2[%multiple_of3A_1101, %dma_wait3A_1108] : memref<102400x128xi32, #tpu.memory_space<hbm>> -> memref<8x128xi32, #tpu.memory_space<hbm>>
      %dma_wait3A_1110 = arith.constant 0 : i32
      %dma_wait3A_1111 = arith.constant 0 : i32
      %dma_wait3A_1112 = tpu.memref_slice %arg12[%dma_wait3A_1102, %dma_wait3A_1103, %dma_wait3A_1110, %dma_wait3A_1111] : memref<2x8x8x128xi32, #tpu.memory_space<vmem>> -> memref<1x1x8x128xi32, #tpu.memory_space<vmem>>
      %dma_wait3A_1113 = tpu.memref_squeeze %dma_wait3A_1112 : memref<1x1x8x128xi32, #tpu.memory_space<vmem>> -> memref<8x128xi32, #tpu.memory_space<vmem>>
      %dma_wait3A_1114 = arith.constant 0 : i32
      %dma_wait3A_1115 = tpu.memref_slice %arg2[%multiple_of3A_1101, %dma_wait3A_1114] : memref<102400x128xi32, #tpu.memory_space<hbm>> -> memref<8x128xi32, #tpu.memory_space<hbm>>
      tpu.wait_dma2 semaphore(%arg14 : memref<!tpu.dma_semaphore, #tpu.memory_space<semaphore_mem>>) src(%dma_wait3A_1115 : memref<8x128xi32, #tpu.memory_space<hbm>>) dst(%dma_wait3A_1113 : memref<8x128xi32, #tpu.memory_space<vmem>>)
      %mul3A_1116 = arith.constant 8 : i32
      %mul3A_1117 = arith.muli %scan3A_803, %mul3A_1116 : i32
      %add3A_1118 = arith.constant 4 : i32
      %add3A_1119 = arith.addi %mul3A_1117, %add3A_1118 : i32
      %mul3A_1120 = arith.constant 512 : i32
      %mul3A_1121 = arith.muli %add3A_1119, %mul3A_1120 : i32
      %add3A_1122 = arith.constant 0 : i32
      %add3A_1123 = arith.addi %mul3A_2, %add3A_1122 : i32
      %mul3A_1124 = arith.constant 4 : i32
      %mul3A_1125 = arith.muli %add3A_1123, %mul3A_1124 : i32
      %add3A_1126 = arith.addi %mul3A_1121, %mul3A_1125 : i32
      %multiple_of3A_1127 = tpu.assume_multiple %add3A_1126, 8 : i32
      %dma_wait3A_1128 = arith.constant 0 : i32
      %dma_wait3A_1129 = arith.constant 4 : i32
      %dma_wait3A_1130 = arith.constant 0 : i32
      %dma_wait3A_1131 = arith.constant 0 : i32
      %dma_wait3A_1132 = tpu.memref_slice %arg12[%dma_wait3A_1128, %dma_wait3A_1129, %dma_wait3A_1130, %dma_wait3A_1131] : memref<2x8x8x128xi32, #tpu.memory_space<vmem>> -> memref<1x1x8x128xi32, #tpu.memory_space<vmem>>
      %dma_wait3A_1133 = tpu.memref_squeeze %dma_wait3A_1132 : memref<1x1x8x128xi32, #tpu.memory_space<vmem>> -> memref<8x128xi32, #tpu.memory_space<vmem>>
      %dma_wait3A_1134 = arith.constant 0 : i32
      %dma_wait3A_1135 = tpu.memref_slice %arg2[%multiple_of3A_1127, %dma_wait3A_1134] : memref<102400x128xi32, #tpu.memory_space<hbm>> -> memref<8x128xi32, #tpu.memory_space<hbm>>
      %dma_wait3A_1136 = arith.constant 0 : i32
      %dma_wait3A_1137 = arith.constant 0 : i32
      %dma_wait3A_1138 = tpu.memref_slice %arg12[%dma_wait3A_1128, %dma_wait3A_1129, %dma_wait3A_1136, %dma_wait3A_1137] : memref<2x8x8x128xi32, #tpu.memory_space<vmem>> -> memref<1x1x8x128xi32, #tpu.memory_space<vmem>>
      %dma_wait3A_1139 = tpu.memref_squeeze %dma_wait3A_1138 : memref<1x1x8x128xi32, #tpu.memory_space<vmem>> -> memref<8x128xi32, #tpu.memory_space<vmem>>
      %dma_wait3A_1140 = arith.constant 0 : i32
      %dma_wait3A_1141 = tpu.memref_slice %arg2[%multiple_of3A_1127, %dma_wait3A_1140] : memref<102400x128xi32, #tpu.memory_space<hbm>> -> memref<8x128xi32, #tpu.memory_space<hbm>>
      tpu.wait_dma2 semaphore(%arg14 : memref<!tpu.dma_semaphore, #tpu.memory_space<semaphore_mem>>) src(%dma_wait3A_1141 : memref<8x128xi32, #tpu.memory_space<hbm>>) dst(%dma_wait3A_1139 : memref<8x128xi32, #tpu.memory_space<vmem>>)
      %mul3A_1142 = arith.constant 8 : i32
      %mul3A_1143 = arith.muli %scan3A_803, %mul3A_1142 : i32
      %add3A_1144 = arith.constant 5 : i32
      %add3A_1145 = arith.addi %mul3A_1143, %add3A_1144 : i32
      %mul3A_1146 = arith.constant 512 : i32
      %mul3A_1147 = arith.muli %add3A_1145, %mul3A_1146 : i32
      %add3A_1148 = arith.constant 0 : i32
      %add3A_1149 = arith.addi %mul3A_2, %add3A_1148 : i32
      %mul3A_1150 = arith.constant 4 : i32
      %mul3A_1151 = arith.muli %add3A_1149, %mul3A_1150 : i32
      %add3A_1152 = arith.addi %mul3A_1147, %mul3A_1151 : i32
      %multiple_of3A_1153 = tpu.assume_multiple %add3A_1152, 8 : i32
      %dma_wait3A_1154 = arith.constant 0 : i32
      %dma_wait3A_1155 = arith.constant 5 : i32
      %dma_wait3A_1156 = arith.constant 0 : i32
      %dma_wait3A_1157 = arith.constant 0 : i32
      %dma_wait3A_1158 = tpu.memref_slice %arg12[%dma_wait3A_1154, %dma_wait3A_1155, %dma_wait3A_1156, %dma_wait3A_1157] : memref<2x8x8x128xi32, #tpu.memory_space<vmem>> -> memref<1x1x8x128xi32, #tpu.memory_space<vmem>>
      %dma_wait3A_1159 = tpu.memref_squeeze %dma_wait3A_1158 : memref<1x1x8x128xi32, #tpu.memory_space<vmem>> -> memref<8x128xi32, #tpu.memory_space<vmem>>
      %dma_wait3A_1160 = arith.constant 0 : i32
      %dma_wait3A_1161 = tpu.memref_slice %arg2[%multiple_of3A_1153, %dma_wait3A_1160] : memref<102400x128xi32, #tpu.memory_space<hbm>> -> memref<8x128xi32, #tpu.memory_space<hbm>>
      %dma_wait3A_1162 = arith.constant 0 : i32
      %dma_wait3A_1163 = arith.constant 0 : i32
      %dma_wait3A_1164 = tpu.memref_slice %arg12[%dma_wait3A_1154, %dma_wait3A_1155, %dma_wait3A_1162, %dma_wait3A_1163] : memref<2x8x8x128xi32, #tpu.memory_space<vmem>> -> memref<1x1x8x128xi32, #tpu.memory_space<vmem>>
      %dma_wait3A_1165 = tpu.memref_squeeze %dma_wait3A_1164 : memref<1x1x8x128xi32, #tpu.memory_space<vmem>> -> memref<8x128xi32, #tpu.memory_space<vmem>>
      %dma_wait3A_1166 = arith.constant 0 : i32
      %dma_wait3A_1167 = tpu.memref_slice %arg2[%multiple_of3A_1153, %dma_wait3A_1166] : memref<102400x128xi32, #tpu.memory_space<hbm>> -> memref<8x128xi32, #tpu.memory_space<hbm>>
      tpu.wait_dma2 semaphore(%arg14 : memref<!tpu.dma_semaphore, #tpu.memory_space<semaphore_mem>>) src(%dma_wait3A_1167 : memref<8x128xi32, #tpu.memory_space<hbm>>) dst(%dma_wait3A_1165 : memref<8x128xi32, #tpu.memory_space<vmem>>)
      %mul3A_1168 = arith.constant 8 : i32
      %mul3A_1169 = arith.muli %scan3A_803, %mul3A_1168 : i32
      %add3A_1170 = arith.constant 6 : i32
      %add3A_1171 = arith.addi %mul3A_1169, %add3A_1170 : i32
      %mul3A_1172 = arith.constant 512 : i32
      %mul3A_1173 = arith.muli %add3A_1171, %mul3A_1172 : i32
      %add3A_1174 = arith.constant 0 : i32
      %add3A_1175 = arith.addi %mul3A_2, %add3A_1174 : i32
      %mul3A_1176 = arith.constant 4 : i32
      %mul3A_1177 = arith.muli %add3A_1175, %mul3A_1176 : i32
      %add3A_1178 = arith.addi %mul3A_1173, %mul3A_1177 : i32
      %multiple_of3A_1179 = tpu.assume_multiple %add3A_1178, 8 : i32
      %dma_wait3A_1180 = arith.constant 0 : i32
      %dma_wait3A_1181 = arith.constant 6 : i32
      %dma_wait3A_1182 = arith.constant 0 : i32
      %dma_wait3A_1183 = arith.constant 0 : i32
      %dma_wait3A_1184 = tpu.memref_slice %arg12[%dma_wait3A_1180, %dma_wait3A_1181, %dma_wait3A_1182, %dma_wait3A_1183] : memref<2x8x8x128xi32, #tpu.memory_space<vmem>> -> memref<1x1x8x128xi32, #tpu.memory_space<vmem>>
      %dma_wait3A_1185 = tpu.memref_squeeze %dma_wait3A_1184 : memref<1x1x8x128xi32, #tpu.memory_space<vmem>> -> memref<8x128xi32, #tpu.memory_space<vmem>>
      %dma_wait3A_1186 = arith.constant 0 : i32
      %dma_wait3A_1187 = tpu.memref_slice %arg2[%multiple_of3A_1179, %dma_wait3A_1186] : memref<102400x128xi32, #tpu.memory_space<hbm>> -> memref<8x128xi32, #tpu.memory_space<hbm>>
      %dma_wait3A_1188 = arith.constant 0 : i32
      %dma_wait3A_1189 = arith.constant 0 : i32
      %dma_wait3A_1190 = tpu.memref_slice %arg12[%dma_wait3A_1180, %dma_wait3A_1181, %dma_wait3A_1188, %dma_wait3A_1189] : memref<2x8x8x128xi32, #tpu.memory_space<vmem>> -> memref<1x1x8x128xi32, #tpu.memory_space<vmem>>
      %dma_wait3A_1191 = tpu.memref_squeeze %dma_wait3A_1190 : memref<1x1x8x128xi32, #tpu.memory_space<vmem>> -> memref<8x128xi32, #tpu.memory_space<vmem>>
      %dma_wait3A_1192 = arith.constant 0 : i32
      %dma_wait3A_1193 = tpu.memref_slice %arg2[%multiple_of3A_1179, %dma_wait3A_1192] : memref<102400x128xi32, #tpu.memory_space<hbm>> -> memref<8x128xi32, #tpu.memory_space<hbm>>
      tpu.wait_dma2 semaphore(%arg14 : memref<!tpu.dma_semaphore, #tpu.memory_space<semaphore_mem>>) src(%dma_wait3A_1193 : memref<8x128xi32, #tpu.memory_space<hbm>>) dst(%dma_wait3A_1191 : memref<8x128xi32, #tpu.memory_space<vmem>>)
      %mul3A_1194 = arith.constant 8 : i32
      %mul3A_1195 = arith.muli %scan3A_803, %mul3A_1194 : i32
      %add3A_1196 = arith.constant 7 : i32
      %add3A_1197 = arith.addi %mul3A_1195, %add3A_1196 : i32
      %mul3A_1198 = arith.constant 512 : i32
      %mul3A_1199 = arith.muli %add3A_1197, %mul3A_1198 : i32
      %add3A_1200 = arith.constant 0 : i32
      %add3A_1201 = arith.addi %mul3A_2, %add3A_1200 : i32
      %mul3A_1202 = arith.constant 4 : i32
      %mul3A_1203 = arith.muli %add3A_1201, %mul3A_1202 : i32
      %add3A_1204 = arith.addi %mul3A_1199, %mul3A_1203 : i32
      %multiple_of3A_1205 = tpu.assume_multiple %add3A_1204, 8 : i32
      %dma_wait3A_1206 = arith.constant 0 : i32
      %dma_wait3A_1207 = arith.constant 7 : i32
      %dma_wait3A_1208 = arith.constant 0 : i32
      %dma_wait3A_1209 = arith.constant 0 : i32
      %dma_wait3A_1210 = tpu.memref_slice %arg12[%dma_wait3A_1206, %dma_wait3A_1207, %dma_wait3A_1208, %dma_wait3A_1209] : memref<2x8x8x128xi32, #tpu.memory_space<vmem>> -> memref<1x1x8x128xi32, #tpu.memory_space<vmem>>
      %dma_wait3A_1211 = tpu.memref_squeeze %dma_wait3A_1210 : memref<1x1x8x128xi32, #tpu.memory_space<vmem>> -> memref<8x128xi32, #tpu.memory_space<vmem>>
      %dma_wait3A_1212 = arith.constant 0 : i32
      %dma_wait3A_1213 = tpu.memref_slice %arg2[%multiple_of3A_1205, %dma_wait3A_1212] : memref<102400x128xi32, #tpu.memory_space<hbm>> -> memref<8x128xi32, #tpu.memory_space<hbm>>
      %dma_wait3A_1214 = arith.constant 0 : i32
      %dma_wait3A_1215 = arith.constant 0 : i32
      %dma_wait3A_1216 = tpu.memref_slice %arg12[%dma_wait3A_1206, %dma_wait3A_1207, %dma_wait3A_1214, %dma_wait3A_1215] : memref<2x8x8x128xi32, #tpu.memory_space<vmem>> -> memref<1x1x8x128xi32, #tpu.memory_space<vmem>>
      %dma_wait3A_1217 = tpu.memref_squeeze %dma_wait3A_1216 : memref<1x1x8x128xi32, #tpu.memory_space<vmem>> -> memref<8x128xi32, #tpu.memory_space<vmem>>
      %dma_wait3A_1218 = arith.constant 0 : i32
      %dma_wait3A_1219 = tpu.memref_slice %arg2[%multiple_of3A_1205, %dma_wait3A_1218] : memref<102400x128xi32, #tpu.memory_space<hbm>> -> memref<8x128xi32, #tpu.memory_space<hbm>>
      tpu.wait_dma2 semaphore(%arg14 : memref<!tpu.dma_semaphore, #tpu.memory_space<semaphore_mem>>) src(%dma_wait3A_1219 : memref<8x128xi32, #tpu.memory_space<hbm>>) dst(%dma_wait3A_1217 : memref<8x128xi32, #tpu.memory_space<vmem>>)
      %gt3A = arith.constant 0 : i32
      %gt3A_1220 = arith.cmpi sgt, %scan3A_803, %gt3A : i32
      %convert_element_type3A = arith.extui %gt3A_1220 : i1 to i32
      %cond3A = arith.constant 0 : i32
      %cond3A_1221 = arith.cmpi ne, %convert_element_type3A, %cond3A : i32
      scf.if %cond3A_1221 {
        %sub3A = arith.constant 1 : i32
        %sub3A_2166 = arith.subi %scan3A_803, %sub3A : i32
        %mul3A_2167 = arith.constant 1024 : i32
        %mul3A_2168 = arith.muli %sub3A_2166, %mul3A_2167 : i32
        %add3A_2169 = arith.constant 0 : i32
        %add3A_2170 = arith.addi %add3A_2169, %mul3A_2168 : i32
        %add3A_2171 = arith.constant 0 : i32
        %add3A_2172 = arith.addi %mul3A_2, %add3A_2171 : i32
        %mul3A_2173 = arith.constant 8 : i32
        %mul3A_2174 = arith.muli %add3A_2172, %mul3A_2173 : i32
        %add3A_2175 = arith.addi %add3A_2170, %mul3A_2174 : i32
        %multiple_of3A_2176 = tpu.assume_multiple %add3A_2175, 8 : i32
        %dma_wait3A_2177 = arith.constant 0 : i32
        %dma_wait3A_2178 = arith.constant 0 : i32
        %dma_wait3A_2179 = arith.constant 0 : i32
        %dma_wait3A_2180 = arith.constant 0 : i32
        %dma_wait3A_2181 = tpu.memref_slice %arg13[%dma_wait3A_2177, %dma_wait3A_2178, %dma_wait3A_2179, %dma_wait3A_2180] : memref<2x15x16x128xf32, #tpu.memory_space<vmem>> -> memref<1x1x16x128xf32, #tpu.memory_space<vmem>>
        %dma_wait3A_2182 = tpu.memref_squeeze %dma_wait3A_2181 : memref<1x1x16x128xf32, #tpu.memory_space<vmem>> -> memref<16x128xf32, #tpu.memory_space<vmem>>
        %dma_wait3A_2183 = arith.constant 0 : i32
        %dma_wait3A_2184 = tpu.memref_slice %arg7[%multiple_of3A_2176, %dma_wait3A_2183] : memref<384000x128xf32, #tpu.memory_space<hbm>> -> memref<16x128xf32, #tpu.memory_space<hbm>>
        %dma_wait3A_2185 = arith.constant 0 : i32
        %dma_wait3A_2186 = tpu.memref_slice %arg7[%multiple_of3A_2176, %dma_wait3A_2185] : memref<384000x128xf32, #tpu.memory_space<hbm>> -> memref<16x128xf32, #tpu.memory_space<hbm>>
        %dma_wait3A_2187 = arith.constant 0 : i32
        %dma_wait3A_2188 = arith.constant 0 : i32
        %dma_wait3A_2189 = tpu.memref_slice %arg13[%dma_wait3A_2177, %dma_wait3A_2178, %dma_wait3A_2187, %dma_wait3A_2188] : memref<2x15x16x128xf32, #tpu.memory_space<vmem>> -> memref<1x1x16x128xf32, #tpu.memory_space<vmem>>
        %dma_wait3A_2190 = tpu.memref_squeeze %dma_wait3A_2189 : memref<1x1x16x128xf32, #tpu.memory_space<vmem>> -> memref<16x128xf32, #tpu.memory_space<vmem>>
        tpu.wait_dma2 semaphore(%arg16 : memref<!tpu.dma_semaphore, #tpu.memory_space<semaphore_mem>>) src(%dma_wait3A_2190 : memref<16x128xf32, #tpu.memory_space<vmem>>) dst(%dma_wait3A_2186 : memref<16x128xf32, #tpu.memory_space<hbm>>)
        %mul3A_2191 = arith.constant 1024 : i32
        %mul3A_2192 = arith.muli %sub3A_2166, %mul3A_2191 : i32
        %add3A_2193 = arith.constant 25600 : i32
        %add3A_2194 = arith.addi %add3A_2193, %mul3A_2192 : i32
        %add3A_2195 = arith.constant 0 : i32
        %add3A_2196 = arith.addi %mul3A_2, %add3A_2195 : i32
        %mul3A_2197 = arith.constant 8 : i32
        %mul3A_2198 = arith.muli %add3A_2196, %mul3A_2197 : i32
        %add3A_2199 = arith.addi %add3A_2194, %mul3A_2198 : i32
        %multiple_of3A_2200 = tpu.assume_multiple %add3A_2199, 8 : i32
        %dma_wait3A_2201 = arith.constant 0 : i32
        %dma_wait3A_2202 = arith.constant 1 : i32
        %dma_wait3A_2203 = arith.constant 0 : i32
        %dma_wait3A_2204 = arith.constant 0 : i32
        %dma_wait3A_2205 = tpu.memref_slice %arg13[%dma_wait3A_2201, %dma_wait3A_2202, %dma_wait3A_2203, %dma_wait3A_2204] : memref<2x15x16x128xf32, #tpu.memory_space<vmem>> -> memref<1x1x16x128xf32, #tpu.memory_space<vmem>>
        %dma_wait3A_2206 = tpu.memref_squeeze %dma_wait3A_2205 : memref<1x1x16x128xf32, #tpu.memory_space<vmem>> -> memref<16x128xf32, #tpu.memory_space<vmem>>
        %dma_wait3A_2207 = arith.constant 0 : i32
        %dma_wait3A_2208 = tpu.memref_slice %arg7[%multiple_of3A_2200, %dma_wait3A_2207] : memref<384000x128xf32, #tpu.memory_space<hbm>> -> memref<16x128xf32, #tpu.memory_space<hbm>>
        %dma_wait3A_2209 = arith.constant 0 : i32
        %dma_wait3A_2210 = tpu.memref_slice %arg7[%multiple_of3A_2200, %dma_wait3A_2209] : memref<384000x128xf32, #tpu.memory_space<hbm>> -> memref<16x128xf32, #tpu.memory_space<hbm>>
        %dma_wait3A_2211 = arith.constant 0 : i32
        %dma_wait3A_2212 = arith.constant 0 : i32
        %dma_wait3A_2213 = tpu.memref_slice %arg13[%dma_wait3A_2201, %dma_wait3A_2202, %dma_wait3A_2211, %dma_wait3A_2212] : memref<2x15x16x128xf32, #tpu.memory_space<vmem>> -> memref<1x1x16x128xf32, #tpu.memory_space<vmem>>
        %dma_wait3A_2214 = tpu.memref_squeeze %dma_wait3A_2213 : memref<1x1x16x128xf32, #tpu.memory_space<vmem>> -> memref<16x128xf32, #tpu.memory_space<vmem>>
        tpu.wait_dma2 semaphore(%arg16 : memref<!tpu.dma_semaphore, #tpu.memory_space<semaphore_mem>>) src(%dma_wait3A_2214 : memref<16x128xf32, #tpu.memory_space<vmem>>) dst(%dma_wait3A_2210 : memref<16x128xf32, #tpu.memory_space<hbm>>)
        %mul3A_2215 = arith.constant 1024 : i32
        %mul3A_2216 = arith.muli %sub3A_2166, %mul3A_2215 : i32
        %add3A_2217 = arith.constant 51200 : i32
        %add3A_2218 = arith.addi %add3A_2217, %mul3A_2216 : i32
        %add3A_2219 = arith.constant 0 : i32
        %add3A_2220 = arith.addi %mul3A_2, %add3A_2219 : i32
        %mul3A_2221 = arith.constant 8 : i32
        %mul3A_2222 = arith.muli %add3A_2220, %mul3A_2221 : i32
        %add3A_2223 = arith.addi %add3A_2218, %mul3A_2222 : i32
        %multiple_of3A_2224 = tpu.assume_multiple %add3A_2223, 8 : i32
        %dma_wait3A_2225 = arith.constant 0 : i32
        %dma_wait3A_2226 = arith.constant 2 : i32
        %dma_wait3A_2227 = arith.constant 0 : i32
        %dma_wait3A_2228 = arith.constant 0 : i32
        %dma_wait3A_2229 = tpu.memref_slice %arg13[%dma_wait3A_2225, %dma_wait3A_2226, %dma_wait3A_2227, %dma_wait3A_2228] : memref<2x15x16x128xf32, #tpu.memory_space<vmem>> -> memref<1x1x16x128xf32, #tpu.memory_space<vmem>>
        %dma_wait3A_2230 = tpu.memref_squeeze %dma_wait3A_2229 : memref<1x1x16x128xf32, #tpu.memory_space<vmem>> -> memref<16x128xf32, #tpu.memory_space<vmem>>
        %dma_wait3A_2231 = arith.constant 0 : i32
        %dma_wait3A_2232 = tpu.memref_slice %arg7[%multiple_of3A_2224, %dma_wait3A_2231] : memref<384000x128xf32, #tpu.memory_space<hbm>> -> memref<16x128xf32, #tpu.memory_space<hbm>>
        %dma_wait3A_2233 = arith.constant 0 : i32
        %dma_wait3A_2234 = tpu.memref_slice %arg7[%multiple_of3A_2224, %dma_wait3A_2233] : memref<384000x128xf32, #tpu.memory_space<hbm>> -> memref<16x128xf32, #tpu.memory_space<hbm>>
        %dma_wait3A_2235 = arith.constant 0 : i32
        %dma_wait3A_2236 = arith.constant 0 : i32
        %dma_wait3A_2237 = tpu.memref_slice %arg13[%dma_wait3A_2225, %dma_wait3A_2226, %dma_wait3A_2235, %dma_wait3A_2236] : memref<2x15x16x128xf32, #tpu.memory_space<vmem>> -> memref<1x1x16x128xf32, #tpu.memory_space<vmem>>
        %dma_wait3A_2238 = tpu.memref_squeeze %dma_wait3A_2237 : memref<1x1x16x128xf32, #tpu.memory_space<vmem>> -> memref<16x128xf32, #tpu.memory_space<vmem>>
        tpu.wait_dma2 semaphore(%arg16 : memref<!tpu.dma_semaphore, #tpu.memory_space<semaphore_mem>>) src(%dma_wait3A_2238 : memref<16x128xf32, #tpu.memory_space<vmem>>) dst(%dma_wait3A_2234 : memref<16x128xf32, #tpu.memory_space<hbm>>)
        %mul3A_2239 = arith.constant 1024 : i32
        %mul3A_2240 = arith.muli %sub3A_2166, %mul3A_2239 : i32
        %add3A_2241 = arith.constant 76800 : i32
        %add3A_2242 = arith.addi %add3A_2241, %mul3A_2240 : i32
        %add3A_2243 = arith.constant 0 : i32
        %add3A_2244 = arith.addi %mul3A_2, %add3A_2243 : i32
        %mul3A_2245 = arith.constant 8 : i32
        %mul3A_2246 = arith.muli %add3A_2244, %mul3A_2245 : i32
        %add3A_2247 = arith.addi %add3A_2242, %mul3A_2246 : i32
        %multiple_of3A_2248 = tpu.assume_multiple %add3A_2247, 8 : i32
        %dma_wait3A_2249 = arith.constant 0 : i32
        %dma_wait3A_2250 = arith.constant 3 : i32
        %dma_wait3A_2251 = arith.constant 0 : i32
        %dma_wait3A_2252 = arith.constant 0 : i32
        %dma_wait3A_2253 = tpu.memref_slice %arg13[%dma_wait3A_2249, %dma_wait3A_2250, %dma_wait3A_2251, %dma_wait3A_2252] : memref<2x15x16x128xf32, #tpu.memory_space<vmem>> -> memref<1x1x16x128xf32, #tpu.memory_space<vmem>>
        %dma_wait3A_2254 = tpu.memref_squeeze %dma_wait3A_2253 : memref<1x1x16x128xf32, #tpu.memory_space<vmem>> -> memref<16x128xf32, #tpu.memory_space<vmem>>
        %dma_wait3A_2255 = arith.constant 0 : i32
        %dma_wait3A_2256 = tpu.memref_slice %arg7[%multiple_of3A_2248, %dma_wait3A_2255] : memref<384000x128xf32, #tpu.memory_space<hbm>> -> memref<16x128xf32, #tpu.memory_space<hbm>>
        %dma_wait3A_2257 = arith.constant 0 : i32
        %dma_wait3A_2258 = tpu.memref_slice %arg7[%multiple_of3A_2248, %dma_wait3A_2257] : memref<384000x128xf32, #tpu.memory_space<hbm>> -> memref<16x128xf32, #tpu.memory_space<hbm>>
        %dma_wait3A_2259 = arith.constant 0 : i32
        %dma_wait3A_2260 = arith.constant 0 : i32
        %dma_wait3A_2261 = tpu.memref_slice %arg13[%dma_wait3A_2249, %dma_wait3A_2250, %dma_wait3A_2259, %dma_wait3A_2260] : memref<2x15x16x128xf32, #tpu.memory_space<vmem>> -> memref<1x1x16x128xf32, #tpu.memory_space<vmem>>
        %dma_wait3A_2262 = tpu.memref_squeeze %dma_wait3A_2261 : memref<1x1x16x128xf32, #tpu.memory_space<vmem>> -> memref<16x128xf32, #tpu.memory_space<vmem>>
        tpu.wait_dma2 semaphore(%arg16 : memref<!tpu.dma_semaphore, #tpu.memory_space<semaphore_mem>>) src(%dma_wait3A_2262 : memref<16x128xf32, #tpu.memory_space<vmem>>) dst(%dma_wait3A_2258 : memref<16x128xf32, #tpu.memory_space<hbm>>)
        %mul3A_2263 = arith.constant 1024 : i32
        %mul3A_2264 = arith.muli %sub3A_2166, %mul3A_2263 : i32
        %add3A_2265 = arith.constant 102400 : i32
        %add3A_2266 = arith.addi %add3A_2265, %mul3A_2264 : i32
        %add3A_2267 = arith.constant 0 : i32
        %add3A_2268 = arith.addi %mul3A_2, %add3A_2267 : i32
        %mul3A_2269 = arith.constant 8 : i32
        %mul3A_2270 = arith.muli %add3A_2268, %mul3A_2269 : i32
        %add3A_2271 = arith.addi %add3A_2266, %mul3A_2270 : i32
        %multiple_of3A_2272 = tpu.assume_multiple %add3A_2271, 8 : i32
        %dma_wait3A_2273 = arith.constant 0 : i32
        %dma_wait3A_2274 = arith.constant 4 : i32
        %dma_wait3A_2275 = arith.constant 0 : i32
        %dma_wait3A_2276 = arith.constant 0 : i32
        %dma_wait3A_2277 = tpu.memref_slice %arg13[%dma_wait3A_2273, %dma_wait3A_2274, %dma_wait3A_2275, %dma_wait3A_2276] : memref<2x15x16x128xf32, #tpu.memory_space<vmem>> -> memref<1x1x16x128xf32, #tpu.memory_space<vmem>>
        %dma_wait3A_2278 = tpu.memref_squeeze %dma_wait3A_2277 : memref<1x1x16x128xf32, #tpu.memory_space<vmem>> -> memref<16x128xf32, #tpu.memory_space<vmem>>
        %dma_wait3A_2279 = arith.constant 0 : i32
        %dma_wait3A_2280 = tpu.memref_slice %arg7[%multiple_of3A_2272, %dma_wait3A_2279] : memref<384000x128xf32, #tpu.memory_space<hbm>> -> memref<16x128xf32, #tpu.memory_space<hbm>>
        %dma_wait3A_2281 = arith.constant 0 : i32
        %dma_wait3A_2282 = tpu.memref_slice %arg7[%multiple_of3A_2272, %dma_wait3A_2281] : memref<384000x128xf32, #tpu.memory_space<hbm>> -> memref<16x128xf32, #tpu.memory_space<hbm>>
        %dma_wait3A_2283 = arith.constant 0 : i32
        %dma_wait3A_2284 = arith.constant 0 : i32
        %dma_wait3A_2285 = tpu.memref_slice %arg13[%dma_wait3A_2273, %dma_wait3A_2274, %dma_wait3A_2283, %dma_wait3A_2284] : memref<2x15x16x128xf32, #tpu.memory_space<vmem>> -> memref<1x1x16x128xf32, #tpu.memory_space<vmem>>
        %dma_wait3A_2286 = tpu.memref_squeeze %dma_wait3A_2285 : memref<1x1x16x128xf32, #tpu.memory_space<vmem>> -> memref<16x128xf32, #tpu.memory_space<vmem>>
        tpu.wait_dma2 semaphore(%arg16 : memref<!tpu.dma_semaphore, #tpu.memory_space<semaphore_mem>>) src(%dma_wait3A_2286 : memref<16x128xf32, #tpu.memory_space<vmem>>) dst(%dma_wait3A_2282 : memref<16x128xf32, #tpu.memory_space<hbm>>)
        %mul3A_2287 = arith.constant 1024 : i32
        %mul3A_2288 = arith.muli %sub3A_2166, %mul3A_2287 : i32
        %add3A_2289 = arith.constant 128000 : i32
        %add3A_2290 = arith.addi %add3A_2289, %mul3A_2288 : i32
        %add3A_2291 = arith.constant 0 : i32
        %add3A_2292 = arith.addi %mul3A_2, %add3A_2291 : i32
        %mul3A_2293 = arith.constant 8 : i32
        %mul3A_2294 = arith.muli %add3A_2292, %mul3A_2293 : i32
        %add3A_2295 = arith.addi %add3A_2290, %mul3A_2294 : i32
        %multiple_of3A_2296 = tpu.assume_multiple %add3A_2295, 8 : i32
        %dma_wait3A_2297 = arith.constant 0 : i32
        %dma_wait3A_2298 = arith.constant 5 : i32
        %dma_wait3A_2299 = arith.constant 0 : i32
        %dma_wait3A_2300 = arith.constant 0 : i32
        %dma_wait3A_2301 = tpu.memref_slice %arg13[%dma_wait3A_2297, %dma_wait3A_2298, %dma_wait3A_2299, %dma_wait3A_2300] : memref<2x15x16x128xf32, #tpu.memory_space<vmem>> -> memref<1x1x16x128xf32, #tpu.memory_space<vmem>>
        %dma_wait3A_2302 = tpu.memref_squeeze %dma_wait3A_2301 : memref<1x1x16x128xf32, #tpu.memory_space<vmem>> -> memref<16x128xf32, #tpu.memory_space<vmem>>
        %dma_wait3A_2303 = arith.constant 0 : i32
        %dma_wait3A_2304 = tpu.memref_slice %arg7[%multiple_of3A_2296, %dma_wait3A_2303] : memref<384000x128xf32, #tpu.memory_space<hbm>> -> memref<16x128xf32, #tpu.memory_space<hbm>>
        %dma_wait3A_2305 = arith.constant 0 : i32
        %dma_wait3A_2306 = tpu.memref_slice %arg7[%multiple_of3A_2296, %dma_wait3A_2305] : memref<384000x128xf32, #tpu.memory_space<hbm>> -> memref<16x128xf32, #tpu.memory_space<hbm>>
        %dma_wait3A_2307 = arith.constant 0 : i32
        %dma_wait3A_2308 = arith.constant 0 : i32
        %dma_wait3A_2309 = tpu.memref_slice %arg13[%dma_wait3A_2297, %dma_wait3A_2298, %dma_wait3A_2307, %dma_wait3A_2308] : memref<2x15x16x128xf32, #tpu.memory_space<vmem>> -> memref<1x1x16x128xf32, #tpu.memory_space<vmem>>
        %dma_wait3A_2310 = tpu.memref_squeeze %dma_wait3A_2309 : memref<1x1x16x128xf32, #tpu.memory_space<vmem>> -> memref<16x128xf32, #tpu.memory_space<vmem>>
        tpu.wait_dma2 semaphore(%arg16 : memref<!tpu.dma_semaphore, #tpu.memory_space<semaphore_mem>>) src(%dma_wait3A_2310 : memref<16x128xf32, #tpu.memory_space<vmem>>) dst(%dma_wait3A_2306 : memref<16x128xf32, #tpu.memory_space<hbm>>)
        %mul3A_2311 = arith.constant 1024 : i32
        %mul3A_2312 = arith.muli %sub3A_2166, %mul3A_2311 : i32
        %add3A_2313 = arith.constant 153600 : i32
        %add3A_2314 = arith.addi %add3A_2313, %mul3A_2312 : i32
        %add3A_2315 = arith.constant 0 : i32
        %add3A_2316 = arith.addi %mul3A_2, %add3A_2315 : i32
        %mul3A_2317 = arith.constant 8 : i32
        %mul3A_2318 = arith.muli %add3A_2316, %mul3A_2317 : i32
        %add3A_2319 = arith.addi %add3A_2314, %mul3A_2318 : i32
        %multiple_of3A_2320 = tpu.assume_multiple %add3A_2319, 8 : i32
        %dma_wait3A_2321 = arith.constant 0 : i32
        %dma_wait3A_2322 = arith.constant 6 : i32
        %dma_wait3A_2323 = arith.constant 0 : i32
        %dma_wait3A_2324 = arith.constant 0 : i32
        %dma_wait3A_2325 = tpu.memref_slice %arg13[%dma_wait3A_2321, %dma_wait3A_2322, %dma_wait3A_2323, %dma_wait3A_2324] : memref<2x15x16x128xf32, #tpu.memory_space<vmem>> -> memref<1x1x16x128xf32, #tpu.memory_space<vmem>>
        %dma_wait3A_2326 = tpu.memref_squeeze %dma_wait3A_2325 : memref<1x1x16x128xf32, #tpu.memory_space<vmem>> -> memref<16x128xf32, #tpu.memory_space<vmem>>
        %dma_wait3A_2327 = arith.constant 0 : i32
        %dma_wait3A_2328 = tpu.memref_slice %arg7[%multiple_of3A_2320, %dma_wait3A_2327] : memref<384000x128xf32, #tpu.memory_space<hbm>> -> memref<16x128xf32, #tpu.memory_space<hbm>>
        %dma_wait3A_2329 = arith.constant 0 : i32
        %dma_wait3A_2330 = tpu.memref_slice %arg7[%multiple_of3A_2320, %dma_wait3A_2329] : memref<384000x128xf32, #tpu.memory_space<hbm>> -> memref<16x128xf32, #tpu.memory_space<hbm>>
        %dma_wait3A_2331 = arith.constant 0 : i32
        %dma_wait3A_2332 = arith.constant 0 : i32
        %dma_wait3A_2333 = tpu.memref_slice %arg13[%dma_wait3A_2321, %dma_wait3A_2322, %dma_wait3A_2331, %dma_wait3A_2332] : memref<2x15x16x128xf32, #tpu.memory_space<vmem>> -> memref<1x1x16x128xf32, #tpu.memory_space<vmem>>
        %dma_wait3A_2334 = tpu.memref_squeeze %dma_wait3A_2333 : memref<1x1x16x128xf32, #tpu.memory_space<vmem>> -> memref<16x128xf32, #tpu.memory_space<vmem>>
        tpu.wait_dma2 semaphore(%arg16 : memref<!tpu.dma_semaphore, #tpu.memory_space<semaphore_mem>>) src(%dma_wait3A_2334 : memref<16x128xf32, #tpu.memory_space<vmem>>) dst(%dma_wait3A_2330 : memref<16x128xf32, #tpu.memory_space<hbm>>)
        %mul3A_2335 = arith.constant 1024 : i32
        %mul3A_2336 = arith.muli %sub3A_2166, %mul3A_2335 : i32
        %add3A_2337 = arith.constant 179200 : i32
        %add3A_2338 = arith.addi %add3A_2337, %mul3A_2336 : i32
        %add3A_2339 = arith.constant 0 : i32
        %add3A_2340 = arith.addi %mul3A_2, %add3A_2339 : i32
        %mul3A_2341 = arith.constant 8 : i32
        %mul3A_2342 = arith.muli %add3A_2340, %mul3A_2341 : i32
        %add3A_2343 = arith.addi %add3A_2338, %mul3A_2342 : i32
        %multiple_of3A_2344 = tpu.assume_multiple %add3A_2343, 8 : i32
        %dma_wait3A_2345 = arith.constant 0 : i32
        %dma_wait3A_2346 = arith.constant 7 : i32
        %dma_wait3A_2347 = arith.constant 0 : i32
        %dma_wait3A_2348 = arith.constant 0 : i32
        %dma_wait3A_2349 = tpu.memref_slice %arg13[%dma_wait3A_2345, %dma_wait3A_2346, %dma_wait3A_2347, %dma_wait3A_2348] : memref<2x15x16x128xf32, #tpu.memory_space<vmem>> -> memref<1x1x16x128xf32, #tpu.memory_space<vmem>>
        %dma_wait3A_2350 = tpu.memref_squeeze %dma_wait3A_2349 : memref<1x1x16x128xf32, #tpu.memory_space<vmem>> -> memref<16x128xf32, #tpu.memory_space<vmem>>
        %dma_wait3A_2351 = arith.constant 0 : i32
        %dma_wait3A_2352 = tpu.memref_slice %arg7[%multiple_of3A_2344, %dma_wait3A_2351] : memref<384000x128xf32, #tpu.memory_space<hbm>> -> memref<16x128xf32, #tpu.memory_space<hbm>>
        %dma_wait3A_2353 = arith.constant 0 : i32
        %dma_wait3A_2354 = tpu.memref_slice %arg7[%multiple_of3A_2344, %dma_wait3A_2353] : memref<384000x128xf32, #tpu.memory_space<hbm>> -> memref<16x128xf32, #tpu.memory_space<hbm>>
        %dma_wait3A_2355 = arith.constant 0 : i32
        %dma_wait3A_2356 = arith.constant 0 : i32
        %dma_wait3A_2357 = tpu.memref_slice %arg13[%dma_wait3A_2345, %dma_wait3A_2346, %dma_wait3A_2355, %dma_wait3A_2356] : memref<2x15x16x128xf32, #tpu.memory_space<vmem>> -> memref<1x1x16x128xf32, #tpu.memory_space<vmem>>
        %dma_wait3A_2358 = tpu.memref_squeeze %dma_wait3A_2357 : memref<1x1x16x128xf32, #tpu.memory_space<vmem>> -> memref<16x128xf32, #tpu.memory_space<vmem>>
        tpu.wait_dma2 semaphore(%arg16 : memref<!tpu.dma_semaphore, #tpu.memory_space<semaphore_mem>>) src(%dma_wait3A_2358 : memref<16x128xf32, #tpu.memory_space<vmem>>) dst(%dma_wait3A_2354 : memref<16x128xf32, #tpu.memory_space<hbm>>)
        %mul3A_2359 = arith.constant 1024 : i32
        %mul3A_2360 = arith.muli %sub3A_2166, %mul3A_2359 : i32
        %add3A_2361 = arith.constant 204800 : i32
        %add3A_2362 = arith.addi %add3A_2361, %mul3A_2360 : i32
        %add3A_2363 = arith.constant 0 : i32
        %add3A_2364 = arith.addi %mul3A_2, %add3A_2363 : i32
        %mul3A_2365 = arith.constant 8 : i32
        %mul3A_2366 = arith.muli %add3A_2364, %mul3A_2365 : i32
        %add3A_2367 = arith.addi %add3A_2362, %mul3A_2366 : i32
        %multiple_of3A_2368 = tpu.assume_multiple %add3A_2367, 8 : i32
        %dma_wait3A_2369 = arith.constant 0 : i32
        %dma_wait3A_2370 = arith.constant 8 : i32
        %dma_wait3A_2371 = arith.constant 0 : i32
        %dma_wait3A_2372 = arith.constant 0 : i32
        %dma_wait3A_2373 = tpu.memref_slice %arg13[%dma_wait3A_2369, %dma_wait3A_2370, %dma_wait3A_2371, %dma_wait3A_2372] : memref<2x15x16x128xf32, #tpu.memory_space<vmem>> -> memref<1x1x16x128xf32, #tpu.memory_space<vmem>>
        %dma_wait3A_2374 = tpu.memref_squeeze %dma_wait3A_2373 : memref<1x1x16x128xf32, #tpu.memory_space<vmem>> -> memref<16x128xf32, #tpu.memory_space<vmem>>
        %dma_wait3A_2375 = arith.constant 0 : i32
        %dma_wait3A_2376 = tpu.memref_slice %arg7[%multiple_of3A_2368, %dma_wait3A_2375] : memref<384000x128xf32, #tpu.memory_space<hbm>> -> memref<16x128xf32, #tpu.memory_space<hbm>>
        %dma_wait3A_2377 = arith.constant 0 : i32
        %dma_wait3A_2378 = tpu.memref_slice %arg7[%multiple_of3A_2368, %dma_wait3A_2377] : memref<384000x128xf32, #tpu.memory_space<hbm>> -> memref<16x128xf32, #tpu.memory_space<hbm>>
        %dma_wait3A_2379 = arith.constant 0 : i32
        %dma_wait3A_2380 = arith.constant 0 : i32
        %dma_wait3A_2381 = tpu.memref_slice %arg13[%dma_wait3A_2369, %dma_wait3A_2370, %dma_wait3A_2379, %dma_wait3A_2380] : memref<2x15x16x128xf32, #tpu.memory_space<vmem>> -> memref<1x1x16x128xf32, #tpu.memory_space<vmem>>
        %dma_wait3A_2382 = tpu.memref_squeeze %dma_wait3A_2381 : memref<1x1x16x128xf32, #tpu.memory_space<vmem>> -> memref<16x128xf32, #tpu.memory_space<vmem>>
        tpu.wait_dma2 semaphore(%arg16 : memref<!tpu.dma_semaphore, #tpu.memory_space<semaphore_mem>>) src(%dma_wait3A_2382 : memref<16x128xf32, #tpu.memory_space<vmem>>) dst(%dma_wait3A_2378 : memref<16x128xf32, #tpu.memory_space<hbm>>)
        %mul3A_2383 = arith.constant 1024 : i32
        %mul3A_2384 = arith.muli %sub3A_2166, %mul3A_2383 : i32
        %add3A_2385 = arith.constant 230400 : i32
        %add3A_2386 = arith.addi %add3A_2385, %mul3A_2384 : i32
        %add3A_2387 = arith.constant 0 : i32
        %add3A_2388 = arith.addi %mul3A_2, %add3A_2387 : i32
        %mul3A_2389 = arith.constant 8 : i32
        %mul3A_2390 = arith.muli %add3A_2388, %mul3A_2389 : i32
        %add3A_2391 = arith.addi %add3A_2386, %mul3A_2390 : i32
        %multiple_of3A_2392 = tpu.assume_multiple %add3A_2391, 8 : i32
        %dma_wait3A_2393 = arith.constant 0 : i32
        %dma_wait3A_2394 = arith.constant 9 : i32
        %dma_wait3A_2395 = arith.constant 0 : i32
        %dma_wait3A_2396 = arith.constant 0 : i32
        %dma_wait3A_2397 = tpu.memref_slice %arg13[%dma_wait3A_2393, %dma_wait3A_2394, %dma_wait3A_2395, %dma_wait3A_2396] : memref<2x15x16x128xf32, #tpu.memory_space<vmem>> -> memref<1x1x16x128xf32, #tpu.memory_space<vmem>>
        %dma_wait3A_2398 = tpu.memref_squeeze %dma_wait3A_2397 : memref<1x1x16x128xf32, #tpu.memory_space<vmem>> -> memref<16x128xf32, #tpu.memory_space<vmem>>
        %dma_wait3A_2399 = arith.constant 0 : i32
        %dma_wait3A_2400 = tpu.memref_slice %arg7[%multiple_of3A_2392, %dma_wait3A_2399] : memref<384000x128xf32, #tpu.memory_space<hbm>> -> memref<16x128xf32, #tpu.memory_space<hbm>>
        %dma_wait3A_2401 = arith.constant 0 : i32
        %dma_wait3A_2402 = tpu.memref_slice %arg7[%multiple_of3A_2392, %dma_wait3A_2401] : memref<384000x128xf32, #tpu.memory_space<hbm>> -> memref<16x128xf32, #tpu.memory_space<hbm>>
        %dma_wait3A_2403 = arith.constant 0 : i32
        %dma_wait3A_2404 = arith.constant 0 : i32
        %dma_wait3A_2405 = tpu.memref_slice %arg13[%dma_wait3A_2393, %dma_wait3A_2394, %dma_wait3A_2403, %dma_wait3A_2404] : memref<2x15x16x128xf32, #tpu.memory_space<vmem>> -> memref<1x1x16x128xf32, #tpu.memory_space<vmem>>
        %dma_wait3A_2406 = tpu.memref_squeeze %dma_wait3A_2405 : memref<1x1x16x128xf32, #tpu.memory_space<vmem>> -> memref<16x128xf32, #tpu.memory_space<vmem>>
        tpu.wait_dma2 semaphore(%arg16 : memref<!tpu.dma_semaphore, #tpu.memory_space<semaphore_mem>>) src(%dma_wait3A_2406 : memref<16x128xf32, #tpu.memory_space<vmem>>) dst(%dma_wait3A_2402 : memref<16x128xf32, #tpu.memory_space<hbm>>)
        %mul3A_2407 = arith.constant 1024 : i32
        %mul3A_2408 = arith.muli %sub3A_2166, %mul3A_2407 : i32
        %add3A_2409 = arith.constant 256000 : i32
        %add3A_2410 = arith.addi %add3A_2409, %mul3A_2408 : i32
        %add3A_2411 = arith.constant 0 : i32
        %add3A_2412 = arith.addi %mul3A_2, %add3A_2411 : i32
        %mul3A_2413 = arith.constant 8 : i32
        %mul3A_2414 = arith.muli %add3A_2412, %mul3A_2413 : i32
        %add3A_2415 = arith.addi %add3A_2410, %mul3A_2414 : i32
        %multiple_of3A_2416 = tpu.assume_multiple %add3A_2415, 8 : i32
        %dma_wait3A_2417 = arith.constant 0 : i32
        %dma_wait3A_2418 = arith.constant 10 : i32
        %dma_wait3A_2419 = arith.constant 0 : i32
        %dma_wait3A_2420 = arith.constant 0 : i32
        %dma_wait3A_2421 = tpu.memref_slice %arg13[%dma_wait3A_2417, %dma_wait3A_2418, %dma_wait3A_2419, %dma_wait3A_2420] : memref<2x15x16x128xf32, #tpu.memory_space<vmem>> -> memref<1x1x16x128xf32, #tpu.memory_space<vmem>>
        %dma_wait3A_2422 = tpu.memref_squeeze %dma_wait3A_2421 : memref<1x1x16x128xf32, #tpu.memory_space<vmem>> -> memref<16x128xf32, #tpu.memory_space<vmem>>
        %dma_wait3A_2423 = arith.constant 0 : i32
        %dma_wait3A_2424 = tpu.memref_slice %arg7[%multiple_of3A_2416, %dma_wait3A_2423] : memref<384000x128xf32, #tpu.memory_space<hbm>> -> memref<16x128xf32, #tpu.memory_space<hbm>>
        %dma_wait3A_2425 = arith.constant 0 : i32
        %dma_wait3A_2426 = tpu.memref_slice %arg7[%multiple_of3A_2416, %dma_wait3A_2425] : memref<384000x128xf32, #tpu.memory_space<hbm>> -> memref<16x128xf32, #tpu.memory_space<hbm>>
        %dma_wait3A_2427 = arith.constant 0 : i32
        %dma_wait3A_2428 = arith.constant 0 : i32
        %dma_wait3A_2429 = tpu.memref_slice %arg13[%dma_wait3A_2417, %dma_wait3A_2418, %dma_wait3A_2427, %dma_wait3A_2428] : memref<2x15x16x128xf32, #tpu.memory_space<vmem>> -> memref<1x1x16x128xf32, #tpu.memory_space<vmem>>
        %dma_wait3A_2430 = tpu.memref_squeeze %dma_wait3A_2429 : memref<1x1x16x128xf32, #tpu.memory_space<vmem>> -> memref<16x128xf32, #tpu.memory_space<vmem>>
        tpu.wait_dma2 semaphore(%arg16 : memref<!tpu.dma_semaphore, #tpu.memory_space<semaphore_mem>>) src(%dma_wait3A_2430 : memref<16x128xf32, #tpu.memory_space<vmem>>) dst(%dma_wait3A_2426 : memref<16x128xf32, #tpu.memory_space<hbm>>)
        %mul3A_2431 = arith.constant 1024 : i32
        %mul3A_2432 = arith.muli %sub3A_2166, %mul3A_2431 : i32
        %add3A_2433 = arith.constant 281600 : i32
        %add3A_2434 = arith.addi %add3A_2433, %mul3A_2432 : i32
        %add3A_2435 = arith.constant 0 : i32
        %add3A_2436 = arith.addi %mul3A_2, %add3A_2435 : i32
        %mul3A_2437 = arith.constant 8 : i32
        %mul3A_2438 = arith.muli %add3A_2436, %mul3A_2437 : i32
        %add3A_2439 = arith.addi %add3A_2434, %mul3A_2438 : i32
        %multiple_of3A_2440 = tpu.assume_multiple %add3A_2439, 8 : i32
        %dma_wait3A_2441 = arith.constant 0 : i32
        %dma_wait3A_2442 = arith.constant 11 : i32
        %dma_wait3A_2443 = arith.constant 0 : i32
        %dma_wait3A_2444 = arith.constant 0 : i32
        %dma_wait3A_2445 = tpu.memref_slice %arg13[%dma_wait3A_2441, %dma_wait3A_2442, %dma_wait3A_2443, %dma_wait3A_2444] : memref<2x15x16x128xf32, #tpu.memory_space<vmem>> -> memref<1x1x16x128xf32, #tpu.memory_space<vmem>>
        %dma_wait3A_2446 = tpu.memref_squeeze %dma_wait3A_2445 : memref<1x1x16x128xf32, #tpu.memory_space<vmem>> -> memref<16x128xf32, #tpu.memory_space<vmem>>
        %dma_wait3A_2447 = arith.constant 0 : i32
        %dma_wait3A_2448 = tpu.memref_slice %arg7[%multiple_of3A_2440, %dma_wait3A_2447] : memref<384000x128xf32, #tpu.memory_space<hbm>> -> memref<16x128xf32, #tpu.memory_space<hbm>>
        %dma_wait3A_2449 = arith.constant 0 : i32
        %dma_wait3A_2450 = tpu.memref_slice %arg7[%multiple_of3A_2440, %dma_wait3A_2449] : memref<384000x128xf32, #tpu.memory_space<hbm>> -> memref<16x128xf32, #tpu.memory_space<hbm>>
        %dma_wait3A_2451 = arith.constant 0 : i32
        %dma_wait3A_2452 = arith.constant 0 : i32
        %dma_wait3A_2453 = tpu.memref_slice %arg13[%dma_wait3A_2441, %dma_wait3A_2442, %dma_wait3A_2451, %dma_wait3A_2452] : memref<2x15x16x128xf32, #tpu.memory_space<vmem>> -> memref<1x1x16x128xf32, #tpu.memory_space<vmem>>
        %dma_wait3A_2454 = tpu.memref_squeeze %dma_wait3A_2453 : memref<1x1x16x128xf32, #tpu.memory_space<vmem>> -> memref<16x128xf32, #tpu.memory_space<vmem>>
        tpu.wait_dma2 semaphore(%arg16 : memref<!tpu.dma_semaphore, #tpu.memory_space<semaphore_mem>>) src(%dma_wait3A_2454 : memref<16x128xf32, #tpu.memory_space<vmem>>) dst(%dma_wait3A_2450 : memref<16x128xf32, #tpu.memory_space<hbm>>)
        %mul3A_2455 = arith.constant 1024 : i32
        %mul3A_2456 = arith.muli %sub3A_2166, %mul3A_2455 : i32
        %add3A_2457 = arith.constant 307200 : i32
        %add3A_2458 = arith.addi %add3A_2457, %mul3A_2456 : i32
        %add3A_2459 = arith.constant 0 : i32
        %add3A_2460 = arith.addi %mul3A_2, %add3A_2459 : i32
        %mul3A_2461 = arith.constant 8 : i32
        %mul3A_2462 = arith.muli %add3A_2460, %mul3A_2461 : i32
        %add3A_2463 = arith.addi %add3A_2458, %mul3A_2462 : i32
        %multiple_of3A_2464 = tpu.assume_multiple %add3A_2463, 8 : i32
        %dma_wait3A_2465 = arith.constant 0 : i32
        %dma_wait3A_2466 = arith.constant 12 : i32
        %dma_wait3A_2467 = arith.constant 0 : i32
        %dma_wait3A_2468 = arith.constant 0 : i32
        %dma_wait3A_2469 = tpu.memref_slice %arg13[%dma_wait3A_2465, %dma_wait3A_2466, %dma_wait3A_2467, %dma_wait3A_2468] : memref<2x15x16x128xf32, #tpu.memory_space<vmem>> -> memref<1x1x16x128xf32, #tpu.memory_space<vmem>>
        %dma_wait3A_2470 = tpu.memref_squeeze %dma_wait3A_2469 : memref<1x1x16x128xf32, #tpu.memory_space<vmem>> -> memref<16x128xf32, #tpu.memory_space<vmem>>
        %dma_wait3A_2471 = arith.constant 0 : i32
        %dma_wait3A_2472 = tpu.memref_slice %arg7[%multiple_of3A_2464, %dma_wait3A_2471] : memref<384000x128xf32, #tpu.memory_space<hbm>> -> memref<16x128xf32, #tpu.memory_space<hbm>>
        %dma_wait3A_2473 = arith.constant 0 : i32
        %dma_wait3A_2474 = tpu.memref_slice %arg7[%multiple_of3A_2464, %dma_wait3A_2473] : memref<384000x128xf32, #tpu.memory_space<hbm>> -> memref<16x128xf32, #tpu.memory_space<hbm>>
        %dma_wait3A_2475 = arith.constant 0 : i32
        %dma_wait3A_2476 = arith.constant 0 : i32
        %dma_wait3A_2477 = tpu.memref_slice %arg13[%dma_wait3A_2465, %dma_wait3A_2466, %dma_wait3A_2475, %dma_wait3A_2476] : memref<2x15x16x128xf32, #tpu.memory_space<vmem>> -> memref<1x1x16x128xf32, #tpu.memory_space<vmem>>
        %dma_wait3A_2478 = tpu.memref_squeeze %dma_wait3A_2477 : memref<1x1x16x128xf32, #tpu.memory_space<vmem>> -> memref<16x128xf32, #tpu.memory_space<vmem>>
        tpu.wait_dma2 semaphore(%arg16 : memref<!tpu.dma_semaphore, #tpu.memory_space<semaphore_mem>>) src(%dma_wait3A_2478 : memref<16x128xf32, #tpu.memory_space<vmem>>) dst(%dma_wait3A_2474 : memref<16x128xf32, #tpu.memory_space<hbm>>)
        %mul3A_2479 = arith.constant 1024 : i32
        %mul3A_2480 = arith.muli %sub3A_2166, %mul3A_2479 : i32
        %add3A_2481 = arith.constant 332800 : i32
        %add3A_2482 = arith.addi %add3A_2481, %mul3A_2480 : i32
        %add3A_2483 = arith.constant 0 : i32
        %add3A_2484 = arith.addi %mul3A_2, %add3A_2483 : i32
        %mul3A_2485 = arith.constant 8 : i32
        %mul3A_2486 = arith.muli %add3A_2484, %mul3A_2485 : i32
        %add3A_2487 = arith.addi %add3A_2482, %mul3A_2486 : i32
        %multiple_of3A_2488 = tpu.assume_multiple %add3A_2487, 8 : i32
        %dma_wait3A_2489 = arith.constant 0 : i32
        %dma_wait3A_2490 = arith.constant 13 : i32
        %dma_wait3A_2491 = arith.constant 0 : i32
        %dma_wait3A_2492 = arith.constant 0 : i32
        %dma_wait3A_2493 = tpu.memref_slice %arg13[%dma_wait3A_2489, %dma_wait3A_2490, %dma_wait3A_2491, %dma_wait3A_2492] : memref<2x15x16x128xf32, #tpu.memory_space<vmem>> -> memref<1x1x16x128xf32, #tpu.memory_space<vmem>>
        %dma_wait3A_2494 = tpu.memref_squeeze %dma_wait3A_2493 : memref<1x1x16x128xf32, #tpu.memory_space<vmem>> -> memref<16x128xf32, #tpu.memory_space<vmem>>
        %dma_wait3A_2495 = arith.constant 0 : i32
        %dma_wait3A_2496 = tpu.memref_slice %arg7[%multiple_of3A_2488, %dma_wait3A_2495] : memref<384000x128xf32, #tpu.memory_space<hbm>> -> memref<16x128xf32, #tpu.memory_space<hbm>>
        %dma_wait3A_2497 = arith.constant 0 : i32
        %dma_wait3A_2498 = tpu.memref_slice %arg7[%multiple_of3A_2488, %dma_wait3A_2497] : memref<384000x128xf32, #tpu.memory_space<hbm>> -> memref<16x128xf32, #tpu.memory_space<hbm>>
        %dma_wait3A_2499 = arith.constant 0 : i32
        %dma_wait3A_2500 = arith.constant 0 : i32
        %dma_wait3A_2501 = tpu.memref_slice %arg13[%dma_wait3A_2489, %dma_wait3A_2490, %dma_wait3A_2499, %dma_wait3A_2500] : memref<2x15x16x128xf32, #tpu.memory_space<vmem>> -> memref<1x1x16x128xf32, #tpu.memory_space<vmem>>
        %dma_wait3A_2502 = tpu.memref_squeeze %dma_wait3A_2501 : memref<1x1x16x128xf32, #tpu.memory_space<vmem>> -> memref<16x128xf32, #tpu.memory_space<vmem>>
        tpu.wait_dma2 semaphore(%arg16 : memref<!tpu.dma_semaphore, #tpu.memory_space<semaphore_mem>>) src(%dma_wait3A_2502 : memref<16x128xf32, #tpu.memory_space<vmem>>) dst(%dma_wait3A_2498 : memref<16x128xf32, #tpu.memory_space<hbm>>)
        %mul3A_2503 = arith.constant 1024 : i32
        %mul3A_2504 = arith.muli %sub3A_2166, %mul3A_2503 : i32
        %add3A_2505 = arith.constant 358400 : i32
        %add3A_2506 = arith.addi %add3A_2505, %mul3A_2504 : i32
        %add3A_2507 = arith.constant 0 : i32
        %add3A_2508 = arith.addi %mul3A_2, %add3A_2507 : i32
        %mul3A_2509 = arith.constant 8 : i32
        %mul3A_2510 = arith.muli %add3A_2508, %mul3A_2509 : i32
        %add3A_2511 = arith.addi %add3A_2506, %mul3A_2510 : i32
        %multiple_of3A_2512 = tpu.assume_multiple %add3A_2511, 8 : i32
        %dma_wait3A_2513 = arith.constant 0 : i32
        %dma_wait3A_2514 = arith.constant 14 : i32
        %dma_wait3A_2515 = arith.constant 0 : i32
        %dma_wait3A_2516 = arith.constant 0 : i32
        %dma_wait3A_2517 = tpu.memref_slice %arg13[%dma_wait3A_2513, %dma_wait3A_2514, %dma_wait3A_2515, %dma_wait3A_2516] : memref<2x15x16x128xf32, #tpu.memory_space<vmem>> -> memref<1x1x16x128xf32, #tpu.memory_space<vmem>>
        %dma_wait3A_2518 = tpu.memref_squeeze %dma_wait3A_2517 : memref<1x1x16x128xf32, #tpu.memory_space<vmem>> -> memref<16x128xf32, #tpu.memory_space<vmem>>
        %dma_wait3A_2519 = arith.constant 0 : i32
        %dma_wait3A_2520 = tpu.memref_slice %arg7[%multiple_of3A_2512, %dma_wait3A_2519] : memref<384000x128xf32, #tpu.memory_space<hbm>> -> memref<16x128xf32, #tpu.memory_space<hbm>>
        %dma_wait3A_2521 = arith.constant 0 : i32
        %dma_wait3A_2522 = tpu.memref_slice %arg7[%multiple_of3A_2512, %dma_wait3A_2521] : memref<384000x128xf32, #tpu.memory_space<hbm>> -> memref<16x128xf32, #tpu.memory_space<hbm>>
        %dma_wait3A_2523 = arith.constant 0 : i32
        %dma_wait3A_2524 = arith.constant 0 : i32
        %dma_wait3A_2525 = tpu.memref_slice %arg13[%dma_wait3A_2513, %dma_wait3A_2514, %dma_wait3A_2523, %dma_wait3A_2524] : memref<2x15x16x128xf32, #tpu.memory_space<vmem>> -> memref<1x1x16x128xf32, #tpu.memory_space<vmem>>
        %dma_wait3A_2526 = tpu.memref_squeeze %dma_wait3A_2525 : memref<1x1x16x128xf32, #tpu.memory_space<vmem>> -> memref<16x128xf32, #tpu.memory_space<vmem>>
        tpu.wait_dma2 semaphore(%arg16 : memref<!tpu.dma_semaphore, #tpu.memory_space<semaphore_mem>>) src(%dma_wait3A_2526 : memref<16x128xf32, #tpu.memory_space<vmem>>) dst(%dma_wait3A_2522 : memref<16x128xf32, #tpu.memory_space<hbm>>)
      } else {
      }
      %parallel_loop3A = arith.constant 0 : i32
      %parallel_loop3A_1222 = arith.constant 128 : i32
      %parallel_loop3A_1223 = arith.constant 1 : i32
      scf.for %parallel_loop3A_2166 = %parallel_loop3A to %parallel_loop3A_1222 step %parallel_loop3A_1223  : i32 {
        %parallel_loop3A_2167 = arith.constant 8 : i32
        %parallel_loop3A_2168 = arith.constant 0 : i32
        %parallel_loop3A_2169 = arith.cmpi eq, %parallel_loop3A_2167, %parallel_loop3A_2168 : i32
        %parallel_loop3A_2170 = arith.constant 1 : i32
        %parallel_loop3A_2171 = arith.select %parallel_loop3A_2169, %parallel_loop3A_2170, %parallel_loop3A_2167 : i32
        %parallel_loop3A_2172 = arith.remsi %parallel_loop3A_2166, %parallel_loop3A_2171 : i32
        %parallel_loop3A_2173 = arith.constant 0 : i32
        %parallel_loop3A_2174 = arith.cmpi ne, %parallel_loop3A_2172, %parallel_loop3A_2173 : i32
        %parallel_loop3A_2175 = arith.constant 0 : i32
        %parallel_loop3A_2176 = arith.cmpi slt, %parallel_loop3A_2172, %parallel_loop3A_2175 : i32
        %parallel_loop3A_2177 = arith.constant 0 : i32
        %parallel_loop3A_2178 = arith.cmpi slt, %parallel_loop3A_2171, %parallel_loop3A_2177 : i32
        %parallel_loop3A_2179 = arith.xori %parallel_loop3A_2176, %parallel_loop3A_2178 : i1
        %parallel_loop3A_2180 = arith.andi %parallel_loop3A_2179, %parallel_loop3A_2174 : i1
        %parallel_loop3A_2181 = arith.addi %parallel_loop3A_2172, %parallel_loop3A_2171 : i32
        %parallel_loop3A_2182 = arith.select %parallel_loop3A_2180, %parallel_loop3A_2181, %parallel_loop3A_2172 : i32
        %parallel_loop3A_2183 = arith.constant 8 : i32
        %parallel_loop3A_2184 = arith.divsi %parallel_loop3A_2166, %parallel_loop3A_2183 : i32
        %parallel_loop3A_2185 = arith.constant 0 : i32
        %parallel_loop3A_2186 = arith.cmpi sgt, %parallel_loop3A_2166, %parallel_loop3A_2185 : i32
        %parallel_loop3A_2187 = arith.extui %parallel_loop3A_2186 : i1 to i32
        %parallel_loop3A_2188 = arith.constant 0 : i32
        %parallel_loop3A_2189 = arith.cmpi slt, %parallel_loop3A_2166, %parallel_loop3A_2188 : i32
        %parallel_loop3A_2190 = arith.extui %parallel_loop3A_2189 : i1 to i32
        %parallel_loop3A_2191 = arith.subi %parallel_loop3A_2187, %parallel_loop3A_2190 : i32
        %parallel_loop3A_2192 = arith.constant 0 : i32
        %parallel_loop3A_2193 = arith.cmpi sgt, %parallel_loop3A_2183, %parallel_loop3A_2192 : i32
        %parallel_loop3A_2194 = arith.extui %parallel_loop3A_2193 : i1 to i32
        %parallel_loop3A_2195 = arith.constant 0 : i32
        %parallel_loop3A_2196 = arith.cmpi slt, %parallel_loop3A_2183, %parallel_loop3A_2195 : i32
        %parallel_loop3A_2197 = arith.extui %parallel_loop3A_2196 : i1 to i32
        %parallel_loop3A_2198 = arith.subi %parallel_loop3A_2194, %parallel_loop3A_2197 : i32
        %parallel_loop3A_2199 = arith.cmpi ne, %parallel_loop3A_2191, %parallel_loop3A_2198 : i32
        %parallel_loop3A_2200 = arith.remsi %parallel_loop3A_2166, %parallel_loop3A_2183 : i32
        %parallel_loop3A_2201 = arith.constant 0 : i32
        %parallel_loop3A_2202 = arith.cmpi ne, %parallel_loop3A_2200, %parallel_loop3A_2201 : i32
        %parallel_loop3A_2203 = arith.andi %parallel_loop3A_2199, %parallel_loop3A_2202 : i1
        %parallel_loop3A_2204 = arith.constant 1 : i32
        %parallel_loop3A_2205 = arith.subi %parallel_loop3A_2184, %parallel_loop3A_2204 : i32
        %parallel_loop3A_2206 = arith.select %parallel_loop3A_2203, %parallel_loop3A_2205, %parallel_loop3A_2184 : i32
        %parallel_loop3A_2207 = arith.constant 2 : i32
        %parallel_loop3A_2208 = arith.constant 0 : i32
        %parallel_loop3A_2209 = arith.cmpi eq, %parallel_loop3A_2207, %parallel_loop3A_2208 : i32
        %parallel_loop3A_2210 = arith.constant 1 : i32
        %parallel_loop3A_2211 = arith.select %parallel_loop3A_2209, %parallel_loop3A_2210, %parallel_loop3A_2207 : i32
        %parallel_loop3A_2212 = arith.remsi %parallel_loop3A_2206, %parallel_loop3A_2211 : i32
        %parallel_loop3A_2213 = arith.constant 0 : i32
        %parallel_loop3A_2214 = arith.cmpi ne, %parallel_loop3A_2212, %parallel_loop3A_2213 : i32
        %parallel_loop3A_2215 = arith.constant 0 : i32
        %parallel_loop3A_2216 = arith.cmpi slt, %parallel_loop3A_2212, %parallel_loop3A_2215 : i32
        %parallel_loop3A_2217 = arith.constant 0 : i32
        %parallel_loop3A_2218 = arith.cmpi slt, %parallel_loop3A_2211, %parallel_loop3A_2217 : i32
        %parallel_loop3A_2219 = arith.xori %parallel_loop3A_2216, %parallel_loop3A_2218 : i1
        %parallel_loop3A_2220 = arith.andi %parallel_loop3A_2219, %parallel_loop3A_2214 : i1
        %parallel_loop3A_2221 = arith.addi %parallel_loop3A_2212, %parallel_loop3A_2211 : i32
        %parallel_loop3A_2222 = arith.select %parallel_loop3A_2220, %parallel_loop3A_2221, %parallel_loop3A_2212 : i32
        %parallel_loop3A_2223 = arith.constant 16 : i32
        %parallel_loop3A_2224 = arith.divsi %parallel_loop3A_2166, %parallel_loop3A_2223 : i32
        %parallel_loop3A_2225 = arith.constant 0 : i32
        %parallel_loop3A_2226 = arith.cmpi sgt, %parallel_loop3A_2166, %parallel_loop3A_2225 : i32
        %parallel_loop3A_2227 = arith.extui %parallel_loop3A_2226 : i1 to i32
        %parallel_loop3A_2228 = arith.constant 0 : i32
        %parallel_loop3A_2229 = arith.cmpi slt, %parallel_loop3A_2166, %parallel_loop3A_2228 : i32
        %parallel_loop3A_2230 = arith.extui %parallel_loop3A_2229 : i1 to i32
        %parallel_loop3A_2231 = arith.subi %parallel_loop3A_2227, %parallel_loop3A_2230 : i32
        %parallel_loop3A_2232 = arith.constant 0 : i32
        %parallel_loop3A_2233 = arith.cmpi sgt, %parallel_loop3A_2223, %parallel_loop3A_2232 : i32
        %parallel_loop3A_2234 = arith.extui %parallel_loop3A_2233 : i1 to i32
        %parallel_loop3A_2235 = arith.constant 0 : i32
        %parallel_loop3A_2236 = arith.cmpi slt, %parallel_loop3A_2223, %parallel_loop3A_2235 : i32
        %parallel_loop3A_2237 = arith.extui %parallel_loop3A_2236 : i1 to i32
        %parallel_loop3A_2238 = arith.subi %parallel_loop3A_2234, %parallel_loop3A_2237 : i32
        %parallel_loop3A_2239 = arith.cmpi ne, %parallel_loop3A_2231, %parallel_loop3A_2238 : i32
        %parallel_loop3A_2240 = arith.remsi %parallel_loop3A_2166, %parallel_loop3A_2223 : i32
        %parallel_loop3A_2241 = arith.constant 0 : i32
        %parallel_loop3A_2242 = arith.cmpi ne, %parallel_loop3A_2240, %parallel_loop3A_2241 : i32
        %parallel_loop3A_2243 = arith.andi %parallel_loop3A_2239, %parallel_loop3A_2242 : i1
        %parallel_loop3A_2244 = arith.constant 1 : i32
        %parallel_loop3A_2245 = arith.subi %parallel_loop3A_2224, %parallel_loop3A_2244 : i32
        %parallel_loop3A_2246 = arith.select %parallel_loop3A_2243, %parallel_loop3A_2245, %parallel_loop3A_2224 : i32
        %parallel_loop3A_2247 = arith.constant 8 : i32
        %parallel_loop3A_2248 = arith.muli %parallel_loop3A_2222, %parallel_loop3A_2247 : i32
        %parallel_loop3A_2249 = arith.addi %parallel_loop3A_2248, %parallel_loop3A_2246 : i32
        %parallel_loop3A_2250 = arith.constant 16 : i32
        %parallel_loop3A_2251 = arith.muli %parallel_loop3A_2182, %parallel_loop3A_2250 : i32
        %parallel_loop3A_2252 = arith.constant 4 : i32
        %parallel_loop3A_2253 = arith.muli %parallel_loop3A_2222, %parallel_loop3A_2252 : i32
        %parallel_loop3A_2254 = arith.constant 0 : i32
        %parallel_loop3A_2255 = arith.addi %parallel_loop3A_2253, %parallel_loop3A_2254 : i32
        %parallel_loop3A_2256 = arith.constant 0 : i32
        %parallel_loop3A_2257 = arith.index_cast %parallel_loop3A_2256 : i32 to index
        %parallel_loop3A_2258 = arith.index_cast %parallel_loop3A_2246 : i32 to index
        %parallel_loop3A_2259 = arith.index_cast %parallel_loop3A_2255 : i32 to index
        %parallel_loop3A_2260 = arith.index_cast %parallel_loop3A_2251 : i32 to index
        %parallel_loop3A_2261 = tpu.vector_load %arg12[%parallel_loop3A_2257, %parallel_loop3A_2258, %parallel_loop3A_2259, %parallel_loop3A_2260] {strides = array<i32>} : memref<2x8x8x128xi32, #tpu.memory_space<vmem>>, vector<16xi32>,
        %parallel_loop3A_2262 = arith.constant 4 : i32
        %parallel_loop3A_2263 = arith.muli %parallel_loop3A_2222, %parallel_loop3A_2262 : i32
        %parallel_loop3A_2264 = arith.constant 1 : i32
        %parallel_loop3A_2265 = arith.addi %parallel_loop3A_2263, %parallel_loop3A_2264 : i32
        %parallel_loop3A_2266 = arith.constant 0 : i32
        %parallel_loop3A_2267 = arith.index_cast %parallel_loop3A_2266 : i32 to index
        %parallel_loop3A_2268 = arith.index_cast %parallel_loop3A_2246 : i32 to index
        %parallel_loop3A_2269 = arith.index_cast %parallel_loop3A_2265 : i32 to index
        %parallel_loop3A_2270 = arith.index_cast %parallel_loop3A_2251 : i32 to index
        %parallel_loop3A_2271 = tpu.vector_load %arg12[%parallel_loop3A_2267, %parallel_loop3A_2268, %parallel_loop3A_2269, %parallel_loop3A_2270] {strides = array<i32>} : memref<2x8x8x128xi32, #tpu.memory_space<vmem>>, vector<16xi32>,
        %parallel_loop3A_2272 = arith.constant 4 : i32
        %parallel_loop3A_2273 = arith.muli %parallel_loop3A_2222, %parallel_loop3A_2272 : i32
        %parallel_loop3A_2274 = arith.constant 2 : i32
        %parallel_loop3A_2275 = arith.addi %parallel_loop3A_2273, %parallel_loop3A_2274 : i32
        %parallel_loop3A_2276 = arith.constant 0 : i32
        %parallel_loop3A_2277 = arith.index_cast %parallel_loop3A_2276 : i32 to index
        %parallel_loop3A_2278 = arith.index_cast %parallel_loop3A_2246 : i32 to index
        %parallel_loop3A_2279 = arith.index_cast %parallel_loop3A_2275 : i32 to index
        %parallel_loop3A_2280 = arith.index_cast %parallel_loop3A_2251 : i32 to index
        %parallel_loop3A_2281 = tpu.vector_load %arg12[%parallel_loop3A_2277, %parallel_loop3A_2278, %parallel_loop3A_2279, %parallel_loop3A_2280] {strides = array<i32>} : memref<2x8x8x128xi32, #tpu.memory_space<vmem>>, vector<16xi32>,
        %parallel_loop3A_2282 = arith.constant 4 : i32
        %parallel_loop3A_2283 = arith.muli %parallel_loop3A_2222, %parallel_loop3A_2282 : i32
        %parallel_loop3A_2284 = arith.constant 3 : i32
        %parallel_loop3A_2285 = arith.addi %parallel_loop3A_2283, %parallel_loop3A_2284 : i32
        %parallel_loop3A_2286 = arith.constant 0 : i32
        %parallel_loop3A_2287 = arith.index_cast %parallel_loop3A_2286 : i32 to index
        %parallel_loop3A_2288 = arith.index_cast %parallel_loop3A_2246 : i32 to index
        %parallel_loop3A_2289 = arith.index_cast %parallel_loop3A_2285 : i32 to index
        %parallel_loop3A_2290 = arith.index_cast %parallel_loop3A_2251 : i32 to index
        %parallel_loop3A_2291 = tpu.vector_load %arg12[%parallel_loop3A_2287, %parallel_loop3A_2288, %parallel_loop3A_2289, %parallel_loop3A_2290] {strides = array<i32>} : memref<2x8x8x128xi32, #tpu.memory_space<vmem>>, vector<16xi32>,
        %parallel_loop3A_2292 = arith.constant 3 : i32
        %parallel_loop3A_2293 = vector.broadcast %parallel_loop3A_2292 : i32 to vector<16xi32>
        %parallel_loop3A_2294 = arith.muli %parallel_loop3A_2261, %parallel_loop3A_2293 : vector<16xi32>
        %parallel_loop3A_2295 = arith.constant 4 : i32
        %parallel_loop3A_2296 = vector.broadcast %parallel_loop3A_2295 : i32 to vector<16xi32>
        %parallel_loop3A_2297 = arith.muli %parallel_loop3A_2271, %parallel_loop3A_2296 : vector<16xi32>
        %parallel_loop3A_2298 = arith.constant 3 : i32
        %parallel_loop3A_2299 = vector.broadcast %parallel_loop3A_2298 : i32 to vector<16xi32>
        %parallel_loop3A_2300 = arith.muli %parallel_loop3A_2281, %parallel_loop3A_2299 : vector<16xi32>
        %parallel_loop3A_2301 = arith.constant 5 : i32
        %parallel_loop3A_2302 = vector.broadcast %parallel_loop3A_2301 : i32 to vector<16xi32>
        %parallel_loop3A_2303 = arith.muli %parallel_loop3A_2291, %parallel_loop3A_2302 : vector<16xi32>
        %parallel_loop3A_2304 = arith.constant 0 : i32
        %parallel_loop3A_2305 = vector.broadcast %parallel_loop3A_2304 : i32 to vector<16xi32>
        %parallel_loop3A_2306 = arith.addi %parallel_loop3A_2294, %parallel_loop3A_2305 : vector<16xi32>
        %parallel_loop3A_2307 = tpu.vector_load_idx %arg8[%parallel_loop3A_2306] : memref<33xf32, #tpu.memory_space<vmem>>[vector<16xi32>], vector<16xf32>,
        %parallel_loop3A_2308 = arith.constant 1 : i32
        %parallel_loop3A_2309 = vector.broadcast %parallel_loop3A_2308 : i32 to vector<16xi32>
        %parallel_loop3A_2310 = arith.addi %parallel_loop3A_2294, %parallel_loop3A_2309 : vector<16xi32>
        %parallel_loop3A_2311 = tpu.vector_load_idx %arg8[%parallel_loop3A_2310] : memref<33xf32, #tpu.memory_space<vmem>>[vector<16xi32>], vector<16xf32>,
        %parallel_loop3A_2312 = arith.constant 2 : i32
        %parallel_loop3A_2313 = vector.broadcast %parallel_loop3A_2312 : i32 to vector<16xi32>
        %parallel_loop3A_2314 = arith.addi %parallel_loop3A_2294, %parallel_loop3A_2313 : vector<16xi32>
        %parallel_loop3A_2315 = tpu.vector_load_idx %arg8[%parallel_loop3A_2314] : memref<33xf32, #tpu.memory_space<vmem>>[vector<16xi32>], vector<16xf32>,
        %parallel_loop3A_2316 = arith.constant 0 : i32
        %parallel_loop3A_2317 = vector.broadcast %parallel_loop3A_2316 : i32 to vector<16xi32>
        %parallel_loop3A_2318 = arith.addi %parallel_loop3A_2297, %parallel_loop3A_2317 : vector<16xi32>
        %parallel_loop3A_2319 = tpu.vector_load_idx %arg9[%parallel_loop3A_2318] : memref<72xf32, #tpu.memory_space<vmem>>[vector<16xi32>], vector<16xf32>,
        %parallel_loop3A_2320 = arith.constant 1 : i32
        %parallel_loop3A_2321 = vector.broadcast %parallel_loop3A_2320 : i32 to vector<16xi32>
        %parallel_loop3A_2322 = arith.addi %parallel_loop3A_2297, %parallel_loop3A_2321 : vector<16xi32>
        %parallel_loop3A_2323 = tpu.vector_load_idx %arg9[%parallel_loop3A_2322] : memref<72xf32, #tpu.memory_space<vmem>>[vector<16xi32>], vector<16xf32>,
        %parallel_loop3A_2324 = arith.constant 2 : i32
        %parallel_loop3A_2325 = vector.broadcast %parallel_loop3A_2324 : i32 to vector<16xi32>
        %parallel_loop3A_2326 = arith.addi %parallel_loop3A_2297, %parallel_loop3A_2325 : vector<16xi32>
        %parallel_loop3A_2327 = tpu.vector_load_idx %arg9[%parallel_loop3A_2326] : memref<72xf32, #tpu.memory_space<vmem>>[vector<16xi32>], vector<16xf32>,
        %parallel_loop3A_2328 = arith.constant 3 : i32
        %parallel_loop3A_2329 = vector.broadcast %parallel_loop3A_2328 : i32 to vector<16xi32>
        %parallel_loop3A_2330 = arith.addi %parallel_loop3A_2297, %parallel_loop3A_2329 : vector<16xi32>
        %parallel_loop3A_2331 = tpu.vector_load_idx %arg9[%parallel_loop3A_2330] : memref<72xf32, #tpu.memory_space<vmem>>[vector<16xi32>], vector<16xf32>,
        %parallel_loop3A_2332 = arith.constant 0 : i32
        %parallel_loop3A_2333 = vector.broadcast %parallel_loop3A_2332 : i32 to vector<16xi32>
        %parallel_loop3A_2334 = arith.addi %parallel_loop3A_2300, %parallel_loop3A_2333 : vector<16xi32>
        %parallel_loop3A_2335 = tpu.vector_load_idx %arg10[%parallel_loop3A_2334] : memref<72xf32, #tpu.memory_space<vmem>>[vector<16xi32>], vector<16xf32>,
        %parallel_loop3A_2336 = arith.constant 1 : i32
        %parallel_loop3A_2337 = vector.broadcast %parallel_loop3A_2336 : i32 to vector<16xi32>
        %parallel_loop3A_2338 = arith.addi %parallel_loop3A_2300, %parallel_loop3A_2337 : vector<16xi32>
        %parallel_loop3A_2339 = tpu.vector_load_idx %arg10[%parallel_loop3A_2338] : memref<72xf32, #tpu.memory_space<vmem>>[vector<16xi32>], vector<16xf32>,
        %parallel_loop3A_2340 = arith.constant 2 : i32
        %parallel_loop3A_2341 = vector.broadcast %parallel_loop3A_2340 : i32 to vector<16xi32>
        %parallel_loop3A_2342 = arith.addi %parallel_loop3A_2300, %parallel_loop3A_2341 : vector<16xi32>
        %parallel_loop3A_2343 = tpu.vector_load_idx %arg10[%parallel_loop3A_2342] : memref<72xf32, #tpu.memory_space<vmem>>[vector<16xi32>], vector<16xf32>,
        %parallel_loop3A_2344 = arith.constant 0 : i32
        %parallel_loop3A_2345 = vector.broadcast %parallel_loop3A_2344 : i32 to vector<16xi32>
        %parallel_loop3A_2346 = arith.addi %parallel_loop3A_2303, %parallel_loop3A_2345 : vector<16xi32>
        %parallel_loop3A_2347 = tpu.vector_load_idx %arg11[%parallel_loop3A_2346] : memref<35xf32, #tpu.memory_space<vmem>>[vector<16xi32>], vector<16xf32>,
        %parallel_loop3A_2348 = arith.constant 1 : i32
        %parallel_loop3A_2349 = vector.broadcast %parallel_loop3A_2348 : i32 to vector<16xi32>
        %parallel_loop3A_2350 = arith.addi %parallel_loop3A_2303, %parallel_loop3A_2349 : vector<16xi32>
        %parallel_loop3A_2351 = tpu.vector_load_idx %arg11[%parallel_loop3A_2350] : memref<35xf32, #tpu.memory_space<vmem>>[vector<16xi32>], vector<16xf32>,
        %parallel_loop3A_2352 = arith.constant 2 : i32
        %parallel_loop3A_2353 = vector.broadcast %parallel_loop3A_2352 : i32 to vector<16xi32>
        %parallel_loop3A_2354 = arith.addi %parallel_loop3A_2303, %parallel_loop3A_2353 : vector<16xi32>
        %parallel_loop3A_2355 = tpu.vector_load_idx %arg11[%parallel_loop3A_2354] : memref<35xf32, #tpu.memory_space<vmem>>[vector<16xi32>], vector<16xf32>,
        %parallel_loop3A_2356 = arith.constant 3 : i32
        %parallel_loop3A_2357 = vector.broadcast %parallel_loop3A_2356 : i32 to vector<16xi32>
        %parallel_loop3A_2358 = arith.addi %parallel_loop3A_2303, %parallel_loop3A_2357 : vector<16xi32>
        %parallel_loop3A_2359 = tpu.vector_load_idx %arg11[%parallel_loop3A_2358] : memref<35xf32, #tpu.memory_space<vmem>>[vector<16xi32>], vector<16xf32>,
        %parallel_loop3A_2360 = arith.constant 4 : i32
        %parallel_loop3A_2361 = vector.broadcast %parallel_loop3A_2360 : i32 to vector<16xi32>
        %parallel_loop3A_2362 = arith.addi %parallel_loop3A_2303, %parallel_loop3A_2361 : vector<16xi32>
        %parallel_loop3A_2363 = tpu.vector_load_idx %arg11[%parallel_loop3A_2362] : memref<35xf32, #tpu.memory_space<vmem>>[vector<16xi32>], vector<16xf32>,
        %parallel_loop3A_2364 = arith.constant 0 : i32
        %parallel_loop3A_2365 = arith.constant 0 : i32
        %parallel_loop3A_2366 = arith.index_cast %parallel_loop3A_2364 : i32 to index
        %parallel_loop3A_2367 = arith.index_cast %parallel_loop3A_2365 : i32 to index
        %parallel_loop3A_2368 = arith.index_cast %parallel_loop3A_2249 : i32 to index
        %parallel_loop3A_2369 = arith.index_cast %parallel_loop3A_2251 : i32 to index
        %parallel_loop3A_2370 = tpu.vector_load %arg13[%parallel_loop3A_2366, %parallel_loop3A_2367, %parallel_loop3A_2368, %parallel_loop3A_2369] {strides = array<i32>} : memref<2x15x16x128xf32, #tpu.memory_space<vmem>>, vector<16xf32>,
        tpu.vector_store %arg13[%parallel_loop3A_2366, %parallel_loop3A_2367, %parallel_loop3A_2368, %parallel_loop3A_2369], %parallel_loop3A_2307 {strides = array<i32>} : memref<2x15x16x128xf32, #tpu.memory_space<vmem>>, vector<16xf32>,
        %parallel_loop3A_2371 = arith.constant 0 : i32
        %parallel_loop3A_2372 = arith.constant 1 : i32
        %parallel_loop3A_2373 = arith.index_cast %parallel_loop3A_2371 : i32 to index
        %parallel_loop3A_2374 = arith.index_cast %parallel_loop3A_2372 : i32 to index
        %parallel_loop3A_2375 = arith.index_cast %parallel_loop3A_2249 : i32 to index
        %parallel_loop3A_2376 = arith.index_cast %parallel_loop3A_2251 : i32 to index
        %parallel_loop3A_2377 = tpu.vector_load %arg13[%parallel_loop3A_2373, %parallel_loop3A_2374, %parallel_loop3A_2375, %parallel_loop3A_2376] {strides = array<i32>} : memref<2x15x16x128xf32, #tpu.memory_space<vmem>>, vector<16xf32>,
        tpu.vector_store %arg13[%parallel_loop3A_2373, %parallel_loop3A_2374, %parallel_loop3A_2375, %parallel_loop3A_2376], %parallel_loop3A_2311 {strides = array<i32>} : memref<2x15x16x128xf32, #tpu.memory_space<vmem>>, vector<16xf32>,
        %parallel_loop3A_2378 = arith.constant 0 : i32
        %parallel_loop3A_2379 = arith.constant 2 : i32
        %parallel_loop3A_2380 = arith.index_cast %parallel_loop3A_2378 : i32 to index
        %parallel_loop3A_2381 = arith.index_cast %parallel_loop3A_2379 : i32 to index
        %parallel_loop3A_2382 = arith.index_cast %parallel_loop3A_2249 : i32 to index
        %parallel_loop3A_2383 = arith.index_cast %parallel_loop3A_2251 : i32 to index
        %parallel_loop3A_2384 = tpu.vector_load %arg13[%parallel_loop3A_2380, %parallel_loop3A_2381, %parallel_loop3A_2382, %parallel_loop3A_2383] {strides = array<i32>} : memref<2x15x16x128xf32, #tpu.memory_space<vmem>>, vector<16xf32>,
        tpu.vector_store %arg13[%parallel_loop3A_2380, %parallel_loop3A_2381, %parallel_loop3A_2382, %parallel_loop3A_2383], %parallel_loop3A_2315 {strides = array<i32>} : memref<2x15x16x128xf32, #tpu.memory_space<vmem>>, vector<16xf32>,
        %parallel_loop3A_2385 = arith.constant 0 : i32
        %parallel_loop3A_2386 = arith.constant 3 : i32
        %parallel_loop3A_2387 = arith.index_cast %parallel_loop3A_2385 : i32 to index
        %parallel_loop3A_2388 = arith.index_cast %parallel_loop3A_2386 : i32 to index
        %parallel_loop3A_2389 = arith.index_cast %parallel_loop3A_2249 : i32 to index
        %parallel_loop3A_2390 = arith.index_cast %parallel_loop3A_2251 : i32 to index
        %parallel_loop3A_2391 = tpu.vector_load %arg13[%parallel_loop3A_2387, %parallel_loop3A_2388, %parallel_loop3A_2389, %parallel_loop3A_2390] {strides = array<i32>} : memref<2x15x16x128xf32, #tpu.memory_space<vmem>>, vector<16xf32>,
        tpu.vector_store %arg13[%parallel_loop3A_2387, %parallel_loop3A_2388, %parallel_loop3A_2389, %parallel_loop3A_2390], %parallel_loop3A_2319 {strides = array<i32>} : memref<2x15x16x128xf32, #tpu.memory_space<vmem>>, vector<16xf32>,
        %parallel_loop3A_2392 = arith.constant 0 : i32
        %parallel_loop3A_2393 = arith.constant 4 : i32
        %parallel_loop3A_2394 = arith.index_cast %parallel_loop3A_2392 : i32 to index
        %parallel_loop3A_2395 = arith.index_cast %parallel_loop3A_2393 : i32 to index
        %parallel_loop3A_2396 = arith.index_cast %parallel_loop3A_2249 : i32 to index
        %parallel_loop3A_2397 = arith.index_cast %parallel_loop3A_2251 : i32 to index
        %parallel_loop3A_2398 = tpu.vector_load %arg13[%parallel_loop3A_2394, %parallel_loop3A_2395, %parallel_loop3A_2396, %parallel_loop3A_2397] {strides = array<i32>} : memref<2x15x16x128xf32, #tpu.memory_space<vmem>>, vector<16xf32>,
        tpu.vector_store %arg13[%parallel_loop3A_2394, %parallel_loop3A_2395, %parallel_loop3A_2396, %parallel_loop3A_2397], %parallel_loop3A_2323 {strides = array<i32>} : memref<2x15x16x128xf32, #tpu.memory_space<vmem>>, vector<16xf32>,
        %parallel_loop3A_2399 = arith.constant 0 : i32
        %parallel_loop3A_2400 = arith.constant 5 : i32
        %parallel_loop3A_2401 = arith.index_cast %parallel_loop3A_2399 : i32 to index
        %parallel_loop3A_2402 = arith.index_cast %parallel_loop3A_2400 : i32 to index
        %parallel_loop3A_2403 = arith.index_cast %parallel_loop3A_2249 : i32 to index
        %parallel_loop3A_2404 = arith.index_cast %parallel_loop3A_2251 : i32 to index
        %parallel_loop3A_2405 = tpu.vector_load %arg13[%parallel_loop3A_2401, %parallel_loop3A_2402, %parallel_loop3A_2403, %parallel_loop3A_2404] {strides = array<i32>} : memref<2x15x16x128xf32, #tpu.memory_space<vmem>>, vector<16xf32>,
        tpu.vector_store %arg13[%parallel_loop3A_2401, %parallel_loop3A_2402, %parallel_loop3A_2403, %parallel_loop3A_2404], %parallel_loop3A_2327 {strides = array<i32>} : memref<2x15x16x128xf32, #tpu.memory_space<vmem>>, vector<16xf32>,
        %parallel_loop3A_2406 = arith.constant 0 : i32
        %parallel_loop3A_2407 = arith.constant 6 : i32
        %parallel_loop3A_2408 = arith.index_cast %parallel_loop3A_2406 : i32 to index
        %parallel_loop3A_2409 = arith.index_cast %parallel_loop3A_2407 : i32 to index
        %parallel_loop3A_2410 = arith.index_cast %parallel_loop3A_2249 : i32 to index
        %parallel_loop3A_2411 = arith.index_cast %parallel_loop3A_2251 : i32 to index
        %parallel_loop3A_2412 = tpu.vector_load %arg13[%parallel_loop3A_2408, %parallel_loop3A_2409, %parallel_loop3A_2410, %parallel_loop3A_2411] {strides = array<i32>} : memref<2x15x16x128xf32, #tpu.memory_space<vmem>>, vector<16xf32>,
        tpu.vector_store %arg13[%parallel_loop3A_2408, %parallel_loop3A_2409, %parallel_loop3A_2410, %parallel_loop3A_2411], %parallel_loop3A_2331 {strides = array<i32>} : memref<2x15x16x128xf32, #tpu.memory_space<vmem>>, vector<16xf32>,
        %parallel_loop3A_2413 = arith.constant 0 : i32
        %parallel_loop3A_2414 = arith.constant 7 : i32
        %parallel_loop3A_2415 = arith.index_cast %parallel_loop3A_2413 : i32 to index
        %parallel_loop3A_2416 = arith.index_cast %parallel_loop3A_2414 : i32 to index
        %parallel_loop3A_2417 = arith.index_cast %parallel_loop3A_2249 : i32 to index
        %parallel_loop3A_2418 = arith.index_cast %parallel_loop3A_2251 : i32 to index
        %parallel_loop3A_2419 = tpu.vector_load %arg13[%parallel_loop3A_2415, %parallel_loop3A_2416, %parallel_loop3A_2417, %parallel_loop3A_2418] {strides = array<i32>} : memref<2x15x16x128xf32, #tpu.memory_space<vmem>>, vector<16xf32>,
        tpu.vector_store %arg13[%parallel_loop3A_2415, %parallel_loop3A_2416, %parallel_loop3A_2417, %parallel_loop3A_2418], %parallel_loop3A_2335 {strides = array<i32>} : memref<2x15x16x128xf32, #tpu.memory_space<vmem>>, vector<16xf32>,
        %parallel_loop3A_2420 = arith.constant 0 : i32
        %parallel_loop3A_2421 = arith.constant 8 : i32
        %parallel_loop3A_2422 = arith.index_cast %parallel_loop3A_2420 : i32 to index
        %parallel_loop3A_2423 = arith.index_cast %parallel_loop3A_2421 : i32 to index
        %parallel_loop3A_2424 = arith.index_cast %parallel_loop3A_2249 : i32 to index
        %parallel_loop3A_2425 = arith.index_cast %parallel_loop3A_2251 : i32 to index
        %parallel_loop3A_2426 = tpu.vector_load %arg13[%parallel_loop3A_2422, %parallel_loop3A_2423, %parallel_loop3A_2424, %parallel_loop3A_2425] {strides = array<i32>} : memref<2x15x16x128xf32, #tpu.memory_space<vmem>>, vector<16xf32>,
        tpu.vector_store %arg13[%parallel_loop3A_2422, %parallel_loop3A_2423, %parallel_loop3A_2424, %parallel_loop3A_2425], %parallel_loop3A_2339 {strides = array<i32>} : memref<2x15x16x128xf32, #tpu.memory_space<vmem>>, vector<16xf32>,
        %parallel_loop3A_2427 = arith.constant 0 : i32
        %parallel_loop3A_2428 = arith.constant 9 : i32
        %parallel_loop3A_2429 = arith.index_cast %parallel_loop3A_2427 : i32 to index
        %parallel_loop3A_2430 = arith.index_cast %parallel_loop3A_2428 : i32 to index
        %parallel_loop3A_2431 = arith.index_cast %parallel_loop3A_2249 : i32 to index
        %parallel_loop3A_2432 = arith.index_cast %parallel_loop3A_2251 : i32 to index
        %parallel_loop3A_2433 = tpu.vector_load %arg13[%parallel_loop3A_2429, %parallel_loop3A_2430, %parallel_loop3A_2431, %parallel_loop3A_2432] {strides = array<i32>} : memref<2x15x16x128xf32, #tpu.memory_space<vmem>>, vector<16xf32>,
        tpu.vector_store %arg13[%parallel_loop3A_2429, %parallel_loop3A_2430, %parallel_loop3A_2431, %parallel_loop3A_2432], %parallel_loop3A_2343 {strides = array<i32>} : memref<2x15x16x128xf32, #tpu.memory_space<vmem>>, vector<16xf32>,
        %parallel_loop3A_2434 = arith.constant 0 : i32
        %parallel_loop3A_2435 = arith.constant 10 : i32
        %parallel_loop3A_2436 = arith.index_cast %parallel_loop3A_2434 : i32 to index
        %parallel_loop3A_2437 = arith.index_cast %parallel_loop3A_2435 : i32 to index
        %parallel_loop3A_2438 = arith.index_cast %parallel_loop3A_2249 : i32 to index
        %parallel_loop3A_2439 = arith.index_cast %parallel_loop3A_2251 : i32 to index
        %parallel_loop3A_2440 = tpu.vector_load %arg13[%parallel_loop3A_2436, %parallel_loop3A_2437, %parallel_loop3A_2438, %parallel_loop3A_2439] {strides = array<i32>} : memref<2x15x16x128xf32, #tpu.memory_space<vmem>>, vector<16xf32>,
        tpu.vector_store %arg13[%parallel_loop3A_2436, %parallel_loop3A_2437, %parallel_loop3A_2438, %parallel_loop3A_2439], %parallel_loop3A_2347 {strides = array<i32>} : memref<2x15x16x128xf32, #tpu.memory_space<vmem>>, vector<16xf32>,
        %parallel_loop3A_2441 = arith.constant 0 : i32
        %parallel_loop3A_2442 = arith.constant 11 : i32
        %parallel_loop3A_2443 = arith.index_cast %parallel_loop3A_2441 : i32 to index
        %parallel_loop3A_2444 = arith.index_cast %parallel_loop3A_2442 : i32 to index
        %parallel_loop3A_2445 = arith.index_cast %parallel_loop3A_2249 : i32 to index
        %parallel_loop3A_2446 = arith.index_cast %parallel_loop3A_2251 : i32 to index
        %parallel_loop3A_2447 = tpu.vector_load %arg13[%parallel_loop3A_2443, %parallel_loop3A_2444, %parallel_loop3A_2445, %parallel_loop3A_2446] {strides = array<i32>} : memref<2x15x16x128xf32, #tpu.memory_space<vmem>>, vector<16xf32>,
        tpu.vector_store %arg13[%parallel_loop3A_2443, %parallel_loop3A_2444, %parallel_loop3A_2445, %parallel_loop3A_2446], %parallel_loop3A_2351 {strides = array<i32>} : memref<2x15x16x128xf32, #tpu.memory_space<vmem>>, vector<16xf32>,
        %parallel_loop3A_2448 = arith.constant 0 : i32
        %parallel_loop3A_2449 = arith.constant 12 : i32
        %parallel_loop3A_2450 = arith.index_cast %parallel_loop3A_2448 : i32 to index
        %parallel_loop3A_2451 = arith.index_cast %parallel_loop3A_2449 : i32 to index
        %parallel_loop3A_2452 = arith.index_cast %parallel_loop3A_2249 : i32 to index
        %parallel_loop3A_2453 = arith.index_cast %parallel_loop3A_2251 : i32 to index
        %parallel_loop3A_2454 = tpu.vector_load %arg13[%parallel_loop3A_2450, %parallel_loop3A_2451, %parallel_loop3A_2452, %parallel_loop3A_2453] {strides = array<i32>} : memref<2x15x16x128xf32, #tpu.memory_space<vmem>>, vector<16xf32>,
        tpu.vector_store %arg13[%parallel_loop3A_2450, %parallel_loop3A_2451, %parallel_loop3A_2452, %parallel_loop3A_2453], %parallel_loop3A_2355 {strides = array<i32>} : memref<2x15x16x128xf32, #tpu.memory_space<vmem>>, vector<16xf32>,
        %parallel_loop3A_2455 = arith.constant 0 : i32
        %parallel_loop3A_2456 = arith.constant 13 : i32
        %parallel_loop3A_2457 = arith.index_cast %parallel_loop3A_2455 : i32 to index
        %parallel_loop3A_2458 = arith.index_cast %parallel_loop3A_2456 : i32 to index
        %parallel_loop3A_2459 = arith.index_cast %parallel_loop3A_2249 : i32 to index
        %parallel_loop3A_2460 = arith.index_cast %parallel_loop3A_2251 : i32 to index
        %parallel_loop3A_2461 = tpu.vector_load %arg13[%parallel_loop3A_2457, %parallel_loop3A_2458, %parallel_loop3A_2459, %parallel_loop3A_2460] {strides = array<i32>} : memref<2x15x16x128xf32, #tpu.memory_space<vmem>>, vector<16xf32>,
        tpu.vector_store %arg13[%parallel_loop3A_2457, %parallel_loop3A_2458, %parallel_loop3A_2459, %parallel_loop3A_2460], %parallel_loop3A_2359 {strides = array<i32>} : memref<2x15x16x128xf32, #tpu.memory_space<vmem>>, vector<16xf32>,
        %parallel_loop3A_2462 = arith.constant 0 : i32
        %parallel_loop3A_2463 = arith.constant 14 : i32
        %parallel_loop3A_2464 = arith.index_cast %parallel_loop3A_2462 : i32 to index
        %parallel_loop3A_2465 = arith.index_cast %parallel_loop3A_2463 : i32 to index
        %parallel_loop3A_2466 = arith.index_cast %parallel_loop3A_2249 : i32 to index
        %parallel_loop3A_2467 = arith.index_cast %parallel_loop3A_2251 : i32 to index
        %parallel_loop3A_2468 = tpu.vector_load %arg13[%parallel_loop3A_2464, %parallel_loop3A_2465, %parallel_loop3A_2466, %parallel_loop3A_2467] {strides = array<i32>} : memref<2x15x16x128xf32, #tpu.memory_space<vmem>>, vector<16xf32>,
        tpu.vector_store %arg13[%parallel_loop3A_2464, %parallel_loop3A_2465, %parallel_loop3A_2466, %parallel_loop3A_2467], %parallel_loop3A_2363 {strides = array<i32>} : memref<2x15x16x128xf32, #tpu.memory_space<vmem>>, vector<16xf32>,
      } {sc.loop_unroll_factor = 2 : i64, sc.parallel_access}
      %mul3A_1224 = arith.constant 1024 : i32
      %mul3A_1225 = arith.muli %scan3A_803, %mul3A_1224 : i32
      %add3A_1226 = arith.constant 0 : i32
      %add3A_1227 = arith.addi %add3A_1226, %mul3A_1225 : i32
      %add3A_1228 = arith.constant 0 : i32
      %add3A_1229 = arith.addi %mul3A_2, %add3A_1228 : i32
      %mul3A_1230 = arith.constant 8 : i32
      %mul3A_1231 = arith.muli %add3A_1229, %mul3A_1230 : i32
      %add3A_1232 = arith.addi %add3A_1227, %mul3A_1231 : i32
      %multiple_of3A_1233 = tpu.assume_multiple %add3A_1232, 8 : i32
      %dma_start3A_1234 = arith.constant 0 : i32
      %dma_start3A_1235 = arith.constant 0 : i32
      %dma_start3A_1236 = arith.constant 0 : i32
      %dma_start3A_1237 = arith.constant 0 : i32
      %dma_start3A_1238 = tpu.memref_slice %arg13[%dma_start3A_1234, %dma_start3A_1235, %dma_start3A_1236, %dma_start3A_1237] : memref<2x15x16x128xf32, #tpu.memory_space<vmem>> -> memref<1x1x16x128xf32, #tpu.memory_space<vmem>>
      %dma_start3A_1239 = tpu.memref_squeeze %dma_start3A_1238 : memref<1x1x16x128xf32, #tpu.memory_space<vmem>> -> memref<16x128xf32, #tpu.memory_space<vmem>>
      %dma_start3A_1240 = arith.constant 0 : i32
      %dma_start3A_1241 = tpu.memref_slice %arg7[%multiple_of3A_1233, %dma_start3A_1240] : memref<384000x128xf32, #tpu.memory_space<hbm>> -> memref<16x128xf32, #tpu.memory_space<hbm>>
      %dma_start3A_1242 = arith.constant 0 : i32
      %dma_start3A_1243 = tpu.memref_slice %arg7[%multiple_of3A_1233, %dma_start3A_1242] : memref<384000x128xf32, #tpu.memory_space<hbm>> -> memref<16x128xf32, #tpu.memory_space<hbm>>
      %dma_start3A_1244 = arith.constant 0 : i32
      %dma_start3A_1245 = arith.constant 0 : i32
      %dma_start3A_1246 = tpu.memref_slice %arg13[%dma_start3A_1234, %dma_start3A_1235, %dma_start3A_1244, %dma_start3A_1245] : memref<2x15x16x128xf32, #tpu.memory_space<vmem>> -> memref<1x1x16x128xf32, #tpu.memory_space<vmem>>
      %dma_start3A_1247 = tpu.memref_squeeze %dma_start3A_1246 : memref<1x1x16x128xf32, #tpu.memory_space<vmem>> -> memref<16x128xf32, #tpu.memory_space<vmem>>
      tpu.enqueue_dma source(%dma_start3A_1247 : memref<16x128xf32, #tpu.memory_space<vmem>>) target(%dma_start3A_1243 : memref<16x128xf32, #tpu.memory_space<hbm>>) target_semaphore(%arg16 : memref<!tpu.dma_semaphore, #tpu.memory_space<semaphore_mem>>)
      %mul3A_1248 = arith.constant 1024 : i32
      %mul3A_1249 = arith.muli %scan3A_803, %mul3A_1248 : i32
      %add3A_1250 = arith.constant 25600 : i32
      %add3A_1251 = arith.addi %add3A_1250, %mul3A_1249 : i32
      %add3A_1252 = arith.constant 0 : i32
      %add3A_1253 = arith.addi %mul3A_2, %add3A_1252 : i32
      %mul3A_1254 = arith.constant 8 : i32
      %mul3A_1255 = arith.muli %add3A_1253, %mul3A_1254 : i32
      %add3A_1256 = arith.addi %add3A_1251, %mul3A_1255 : i32
      %multiple_of3A_1257 = tpu.assume_multiple %add3A_1256, 8 : i32
      %dma_start3A_1258 = arith.constant 0 : i32
      %dma_start3A_1259 = arith.constant 1 : i32
      %dma_start3A_1260 = arith.constant 0 : i32
      %dma_start3A_1261 = arith.constant 0 : i32
      %dma_start3A_1262 = tpu.memref_slice %arg13[%dma_start3A_1258, %dma_start3A_1259, %dma_start3A_1260, %dma_start3A_1261] : memref<2x15x16x128xf32, #tpu.memory_space<vmem>> -> memref<1x1x16x128xf32, #tpu.memory_space<vmem>>
      %dma_start3A_1263 = tpu.memref_squeeze %dma_start3A_1262 : memref<1x1x16x128xf32, #tpu.memory_space<vmem>> -> memref<16x128xf32, #tpu.memory_space<vmem>>
      %dma_start3A_1264 = arith.constant 0 : i32
      %dma_start3A_1265 = tpu.memref_slice %arg7[%multiple_of3A_1257, %dma_start3A_1264] : memref<384000x128xf32, #tpu.memory_space<hbm>> -> memref<16x128xf32, #tpu.memory_space<hbm>>
      %dma_start3A_1266 = arith.constant 0 : i32
      %dma_start3A_1267 = tpu.memref_slice %arg7[%multiple_of3A_1257, %dma_start3A_1266] : memref<384000x128xf32, #tpu.memory_space<hbm>> -> memref<16x128xf32, #tpu.memory_space<hbm>>
      %dma_start3A_1268 = arith.constant 0 : i32
      %dma_start3A_1269 = arith.constant 0 : i32
      %dma_start3A_1270 = tpu.memref_slice %arg13[%dma_start3A_1258, %dma_start3A_1259, %dma_start3A_1268, %dma_start3A_1269] : memref<2x15x16x128xf32, #tpu.memory_space<vmem>> -> memref<1x1x16x128xf32, #tpu.memory_space<vmem>>
      %dma_start3A_1271 = tpu.memref_squeeze %dma_start3A_1270 : memref<1x1x16x128xf32, #tpu.memory_space<vmem>> -> memref<16x128xf32, #tpu.memory_space<vmem>>
      tpu.enqueue_dma source(%dma_start3A_1271 : memref<16x128xf32, #tpu.memory_space<vmem>>) target(%dma_start3A_1267 : memref<16x128xf32, #tpu.memory_space<hbm>>) target_semaphore(%arg16 : memref<!tpu.dma_semaphore, #tpu.memory_space<semaphore_mem>>)
      %mul3A_1272 = arith.constant 1024 : i32
      %mul3A_1273 = arith.muli %scan3A_803, %mul3A_1272 : i32
      %add3A_1274 = arith.constant 51200 : i32
      %add3A_1275 = arith.addi %add3A_1274, %mul3A_1273 : i32
      %add3A_1276 = arith.constant 0 : i32
      %add3A_1277 = arith.addi %mul3A_2, %add3A_1276 : i32
      %mul3A_1278 = arith.constant 8 : i32
      %mul3A_1279 = arith.muli %add3A_1277, %mul3A_1278 : i32
      %add3A_1280 = arith.addi %add3A_1275, %mul3A_1279 : i32
      %multiple_of3A_1281 = tpu.assume_multiple %add3A_1280, 8 : i32
      %dma_start3A_1282 = arith.constant 0 : i32
      %dma_start3A_1283 = arith.constant 2 : i32
      %dma_start3A_1284 = arith.constant 0 : i32
      %dma_start3A_1285 = arith.constant 0 : i32
      %dma_start3A_1286 = tpu.memref_slice %arg13[%dma_start3A_1282, %dma_start3A_1283, %dma_start3A_1284, %dma_start3A_1285] : memref<2x15x16x128xf32, #tpu.memory_space<vmem>> -> memref<1x1x16x128xf32, #tpu.memory_space<vmem>>
      %dma_start3A_1287 = tpu.memref_squeeze %dma_start3A_1286 : memref<1x1x16x128xf32, #tpu.memory_space<vmem>> -> memref<16x128xf32, #tpu.memory_space<vmem>>
      %dma_start3A_1288 = arith.constant 0 : i32
      %dma_start3A_1289 = tpu.memref_slice %arg7[%multiple_of3A_1281, %dma_start3A_1288] : memref<384000x128xf32, #tpu.memory_space<hbm>> -> memref<16x128xf32, #tpu.memory_space<hbm>>
      %dma_start3A_1290 = arith.constant 0 : i32
      %dma_start3A_1291 = tpu.memref_slice %arg7[%multiple_of3A_1281, %dma_start3A_1290] : memref<384000x128xf32, #tpu.memory_space<hbm>> -> memref<16x128xf32, #tpu.memory_space<hbm>>
      %dma_start3A_1292 = arith.constant 0 : i32
      %dma_start3A_1293 = arith.constant 0 : i32
      %dma_start3A_1294 = tpu.memref_slice %arg13[%dma_start3A_1282, %dma_start3A_1283, %dma_start3A_1292, %dma_start3A_1293] : memref<2x15x16x128xf32, #tpu.memory_space<vmem>> -> memref<1x1x16x128xf32, #tpu.memory_space<vmem>>
      %dma_start3A_1295 = tpu.memref_squeeze %dma_start3A_1294 : memref<1x1x16x128xf32, #tpu.memory_space<vmem>> -> memref<16x128xf32, #tpu.memory_space<vmem>>
      tpu.enqueue_dma source(%dma_start3A_1295 : memref<16x128xf32, #tpu.memory_space<vmem>>) target(%dma_start3A_1291 : memref<16x128xf32, #tpu.memory_space<hbm>>) target_semaphore(%arg16 : memref<!tpu.dma_semaphore, #tpu.memory_space<semaphore_mem>>)
      %mul3A_1296 = arith.constant 1024 : i32
      %mul3A_1297 = arith.muli %scan3A_803, %mul3A_1296 : i32
      %add3A_1298 = arith.constant 76800 : i32
      %add3A_1299 = arith.addi %add3A_1298, %mul3A_1297 : i32
      %add3A_1300 = arith.constant 0 : i32
      %add3A_1301 = arith.addi %mul3A_2, %add3A_1300 : i32
      %mul3A_1302 = arith.constant 8 : i32
      %mul3A_1303 = arith.muli %add3A_1301, %mul3A_1302 : i32
      %add3A_1304 = arith.addi %add3A_1299, %mul3A_1303 : i32
      %multiple_of3A_1305 = tpu.assume_multiple %add3A_1304, 8 : i32
      %dma_start3A_1306 = arith.constant 0 : i32
      %dma_start3A_1307 = arith.constant 3 : i32
      %dma_start3A_1308 = arith.constant 0 : i32
      %dma_start3A_1309 = arith.constant 0 : i32
      %dma_start3A_1310 = tpu.memref_slice %arg13[%dma_start3A_1306, %dma_start3A_1307, %dma_start3A_1308, %dma_start3A_1309] : memref<2x15x16x128xf32, #tpu.memory_space<vmem>> -> memref<1x1x16x128xf32, #tpu.memory_space<vmem>>
      %dma_start3A_1311 = tpu.memref_squeeze %dma_start3A_1310 : memref<1x1x16x128xf32, #tpu.memory_space<vmem>> -> memref<16x128xf32, #tpu.memory_space<vmem>>
      %dma_start3A_1312 = arith.constant 0 : i32
      %dma_start3A_1313 = tpu.memref_slice %arg7[%multiple_of3A_1305, %dma_start3A_1312] : memref<384000x128xf32, #tpu.memory_space<hbm>> -> memref<16x128xf32, #tpu.memory_space<hbm>>
      %dma_start3A_1314 = arith.constant 0 : i32
      %dma_start3A_1315 = tpu.memref_slice %arg7[%multiple_of3A_1305, %dma_start3A_1314] : memref<384000x128xf32, #tpu.memory_space<hbm>> -> memref<16x128xf32, #tpu.memory_space<hbm>>
      %dma_start3A_1316 = arith.constant 0 : i32
      %dma_start3A_1317 = arith.constant 0 : i32
      %dma_start3A_1318 = tpu.memref_slice %arg13[%dma_start3A_1306, %dma_start3A_1307, %dma_start3A_1316, %dma_start3A_1317] : memref<2x15x16x128xf32, #tpu.memory_space<vmem>> -> memref<1x1x16x128xf32, #tpu.memory_space<vmem>>
      %dma_start3A_1319 = tpu.memref_squeeze %dma_start3A_1318 : memref<1x1x16x128xf32, #tpu.memory_space<vmem>> -> memref<16x128xf32, #tpu.memory_space<vmem>>
      tpu.enqueue_dma source(%dma_start3A_1319 : memref<16x128xf32, #tpu.memory_space<vmem>>) target(%dma_start3A_1315 : memref<16x128xf32, #tpu.memory_space<hbm>>) target_semaphore(%arg16 : memref<!tpu.dma_semaphore, #tpu.memory_space<semaphore_mem>>)
      %mul3A_1320 = arith.constant 1024 : i32
      %mul3A_1321 = arith.muli %scan3A_803, %mul3A_1320 : i32
      %add3A_1322 = arith.constant 102400 : i32
      %add3A_1323 = arith.addi %add3A_1322, %mul3A_1321 : i32
      %add3A_1324 = arith.constant 0 : i32
      %add3A_1325 = arith.addi %mul3A_2, %add3A_1324 : i32
      %mul3A_1326 = arith.constant 8 : i32
      %mul3A_1327 = arith.muli %add3A_1325, %mul3A_1326 : i32
      %add3A_1328 = arith.addi %add3A_1323, %mul3A_1327 : i32
      %multiple_of3A_1329 = tpu.assume_multiple %add3A_1328, 8 : i32
      %dma_start3A_1330 = arith.constant 0 : i32
      %dma_start3A_1331 = arith.constant 4 : i32
      %dma_start3A_1332 = arith.constant 0 : i32
      %dma_start3A_1333 = arith.constant 0 : i32
      %dma_start3A_1334 = tpu.memref_slice %arg13[%dma_start3A_1330, %dma_start3A_1331, %dma_start3A_1332, %dma_start3A_1333] : memref<2x15x16x128xf32, #tpu.memory_space<vmem>> -> memref<1x1x16x128xf32, #tpu.memory_space<vmem>>
      %dma_start3A_1335 = tpu.memref_squeeze %dma_start3A_1334 : memref<1x1x16x128xf32, #tpu.memory_space<vmem>> -> memref<16x128xf32, #tpu.memory_space<vmem>>
      %dma_start3A_1336 = arith.constant 0 : i32
      %dma_start3A_1337 = tpu.memref_slice %arg7[%multiple_of3A_1329, %dma_start3A_1336] : memref<384000x128xf32, #tpu.memory_space<hbm>> -> memref<16x128xf32, #tpu.memory_space<hbm>>
      %dma_start3A_1338 = arith.constant 0 : i32
      %dma_start3A_1339 = tpu.memref_slice %arg7[%multiple_of3A_1329, %dma_start3A_1338] : memref<384000x128xf32, #tpu.memory_space<hbm>> -> memref<16x128xf32, #tpu.memory_space<hbm>>
      %dma_start3A_1340 = arith.constant 0 : i32
      %dma_start3A_1341 = arith.constant 0 : i32
      %dma_start3A_1342 = tpu.memref_slice %arg13[%dma_start3A_1330, %dma_start3A_1331, %dma_start3A_1340, %dma_start3A_1341] : memref<2x15x16x128xf32, #tpu.memory_space<vmem>> -> memref<1x1x16x128xf32, #tpu.memory_space<vmem>>
      %dma_start3A_1343 = tpu.memref_squeeze %dma_start3A_1342 : memref<1x1x16x128xf32, #tpu.memory_space<vmem>> -> memref<16x128xf32, #tpu.memory_space<vmem>>
      tpu.enqueue_dma source(%dma_start3A_1343 : memref<16x128xf32, #tpu.memory_space<vmem>>) target(%dma_start3A_1339 : memref<16x128xf32, #tpu.memory_space<hbm>>) target_semaphore(%arg16 : memref<!tpu.dma_semaphore, #tpu.memory_space<semaphore_mem>>)
      %mul3A_1344 = arith.constant 1024 : i32
      %mul3A_1345 = arith.muli %scan3A_803, %mul3A_1344 : i32
      %add3A_1346 = arith.constant 128000 : i32
      %add3A_1347 = arith.addi %add3A_1346, %mul3A_1345 : i32
      %add3A_1348 = arith.constant 0 : i32
      %add3A_1349 = arith.addi %mul3A_2, %add3A_1348 : i32
      %mul3A_1350 = arith.constant 8 : i32
      %mul3A_1351 = arith.muli %add3A_1349, %mul3A_1350 : i32
      %add3A_1352 = arith.addi %add3A_1347, %mul3A_1351 : i32
      %multiple_of3A_1353 = tpu.assume_multiple %add3A_1352, 8 : i32
      %dma_start3A_1354 = arith.constant 0 : i32
      %dma_start3A_1355 = arith.constant 5 : i32
      %dma_start3A_1356 = arith.constant 0 : i32
      %dma_start3A_1357 = arith.constant 0 : i32
      %dma_start3A_1358 = tpu.memref_slice %arg13[%dma_start3A_1354, %dma_start3A_1355, %dma_start3A_1356, %dma_start3A_1357] : memref<2x15x16x128xf32, #tpu.memory_space<vmem>> -> memref<1x1x16x128xf32, #tpu.memory_space<vmem>>
      %dma_start3A_1359 = tpu.memref_squeeze %dma_start3A_1358 : memref<1x1x16x128xf32, #tpu.memory_space<vmem>> -> memref<16x128xf32, #tpu.memory_space<vmem>>
      %dma_start3A_1360 = arith.constant 0 : i32
      %dma_start3A_1361 = tpu.memref_slice %arg7[%multiple_of3A_1353, %dma_start3A_1360] : memref<384000x128xf32, #tpu.memory_space<hbm>> -> memref<16x128xf32, #tpu.memory_space<hbm>>
      %dma_start3A_1362 = arith.constant 0 : i32
      %dma_start3A_1363 = tpu.memref_slice %arg7[%multiple_of3A_1353, %dma_start3A_1362] : memref<384000x128xf32, #tpu.memory_space<hbm>> -> memref<16x128xf32, #tpu.memory_space<hbm>>
      %dma_start3A_1364 = arith.constant 0 : i32
      %dma_start3A_1365 = arith.constant 0 : i32
      %dma_start3A_1366 = tpu.memref_slice %arg13[%dma_start3A_1354, %dma_start3A_1355, %dma_start3A_1364, %dma_start3A_1365] : memref<2x15x16x128xf32, #tpu.memory_space<vmem>> -> memref<1x1x16x128xf32, #tpu.memory_space<vmem>>
      %dma_start3A_1367 = tpu.memref_squeeze %dma_start3A_1366 : memref<1x1x16x128xf32, #tpu.memory_space<vmem>> -> memref<16x128xf32, #tpu.memory_space<vmem>>
      tpu.enqueue_dma source(%dma_start3A_1367 : memref<16x128xf32, #tpu.memory_space<vmem>>) target(%dma_start3A_1363 : memref<16x128xf32, #tpu.memory_space<hbm>>) target_semaphore(%arg16 : memref<!tpu.dma_semaphore, #tpu.memory_space<semaphore_mem>>)
      %mul3A_1368 = arith.constant 1024 : i32
      %mul3A_1369 = arith.muli %scan3A_803, %mul3A_1368 : i32
      %add3A_1370 = arith.constant 153600 : i32
      %add3A_1371 = arith.addi %add3A_1370, %mul3A_1369 : i32
      %add3A_1372 = arith.constant 0 : i32
      %add3A_1373 = arith.addi %mul3A_2, %add3A_1372 : i32
      %mul3A_1374 = arith.constant 8 : i32
      %mul3A_1375 = arith.muli %add3A_1373, %mul3A_1374 : i32
      %add3A_1376 = arith.addi %add3A_1371, %mul3A_1375 : i32
      %multiple_of3A_1377 = tpu.assume_multiple %add3A_1376, 8 : i32
      %dma_start3A_1378 = arith.constant 0 : i32
      %dma_start3A_1379 = arith.constant 6 : i32
      %dma_start3A_1380 = arith.constant 0 : i32
      %dma_start3A_1381 = arith.constant 0 : i32
      %dma_start3A_1382 = tpu.memref_slice %arg13[%dma_start3A_1378, %dma_start3A_1379, %dma_start3A_1380, %dma_start3A_1381] : memref<2x15x16x128xf32, #tpu.memory_space<vmem>> -> memref<1x1x16x128xf32, #tpu.memory_space<vmem>>
      %dma_start3A_1383 = tpu.memref_squeeze %dma_start3A_1382 : memref<1x1x16x128xf32, #tpu.memory_space<vmem>> -> memref<16x128xf32, #tpu.memory_space<vmem>>
      %dma_start3A_1384 = arith.constant 0 : i32
      %dma_start3A_1385 = tpu.memref_slice %arg7[%multiple_of3A_1377, %dma_start3A_1384] : memref<384000x128xf32, #tpu.memory_space<hbm>> -> memref<16x128xf32, #tpu.memory_space<hbm>>
      %dma_start3A_1386 = arith.constant 0 : i32
      %dma_start3A_1387 = tpu.memref_slice %arg7[%multiple_of3A_1377, %dma_start3A_1386] : memref<384000x128xf32, #tpu.memory_space<hbm>> -> memref<16x128xf32, #tpu.memory_space<hbm>>
      %dma_start3A_1388 = arith.constant 0 : i32
      %dma_start3A_1389 = arith.constant 0 : i32
      %dma_start3A_1390 = tpu.memref_slice %arg13[%dma_start3A_1378, %dma_start3A_1379, %dma_start3A_1388, %dma_start3A_1389] : memref<2x15x16x128xf32, #tpu.memory_space<vmem>> -> memref<1x1x16x128xf32, #tpu.memory_space<vmem>>
      %dma_start3A_1391 = tpu.memref_squeeze %dma_start3A_1390 : memref<1x1x16x128xf32, #tpu.memory_space<vmem>> -> memref<16x128xf32, #tpu.memory_space<vmem>>
      tpu.enqueue_dma source(%dma_start3A_1391 : memref<16x128xf32, #tpu.memory_space<vmem>>) target(%dma_start3A_1387 : memref<16x128xf32, #tpu.memory_space<hbm>>) target_semaphore(%arg16 : memref<!tpu.dma_semaphore, #tpu.memory_space<semaphore_mem>>)
      %mul3A_1392 = arith.constant 1024 : i32
      %mul3A_1393 = arith.muli %scan3A_803, %mul3A_1392 : i32
      %add3A_1394 = arith.constant 179200 : i32
      %add3A_1395 = arith.addi %add3A_1394, %mul3A_1393 : i32
      %add3A_1396 = arith.constant 0 : i32
      %add3A_1397 = arith.addi %mul3A_2, %add3A_1396 : i32
      %mul3A_1398 = arith.constant 8 : i32
      %mul3A_1399 = arith.muli %add3A_1397, %mul3A_1398 : i32
      %add3A_1400 = arith.addi %add3A_1395, %mul3A_1399 : i32
      %multiple_of3A_1401 = tpu.assume_multiple %add3A_1400, 8 : i32
      %dma_start3A_1402 = arith.constant 0 : i32
      %dma_start3A_1403 = arith.constant 7 : i32
      %dma_start3A_1404 = arith.constant 0 : i32
      %dma_start3A_1405 = arith.constant 0 : i32
      %dma_start3A_1406 = tpu.memref_slice %arg13[%dma_start3A_1402, %dma_start3A_1403, %dma_start3A_1404, %dma_start3A_1405] : memref<2x15x16x128xf32, #tpu.memory_space<vmem>> -> memref<1x1x16x128xf32, #tpu.memory_space<vmem>>
      %dma_start3A_1407 = tpu.memref_squeeze %dma_start3A_1406 : memref<1x1x16x128xf32, #tpu.memory_space<vmem>> -> memref<16x128xf32, #tpu.memory_space<vmem>>
      %dma_start3A_1408 = arith.constant 0 : i32
      %dma_start3A_1409 = tpu.memref_slice %arg7[%multiple_of3A_1401, %dma_start3A_1408] : memref<384000x128xf32, #tpu.memory_space<hbm>> -> memref<16x128xf32, #tpu.memory_space<hbm>>
      %dma_start3A_1410 = arith.constant 0 : i32
      %dma_start3A_1411 = tpu.memref_slice %arg7[%multiple_of3A_1401, %dma_start3A_1410] : memref<384000x128xf32, #tpu.memory_space<hbm>> -> memref<16x128xf32, #tpu.memory_space<hbm>>
      %dma_start3A_1412 = arith.constant 0 : i32
      %dma_start3A_1413 = arith.constant 0 : i32
      %dma_start3A_1414 = tpu.memref_slice %arg13[%dma_start3A_1402, %dma_start3A_1403, %dma_start3A_1412, %dma_start3A_1413] : memref<2x15x16x128xf32, #tpu.memory_space<vmem>> -> memref<1x1x16x128xf32, #tpu.memory_space<vmem>>
      %dma_start3A_1415 = tpu.memref_squeeze %dma_start3A_1414 : memref<1x1x16x128xf32, #tpu.memory_space<vmem>> -> memref<16x128xf32, #tpu.memory_space<vmem>>
      tpu.enqueue_dma source(%dma_start3A_1415 : memref<16x128xf32, #tpu.memory_space<vmem>>) target(%dma_start3A_1411 : memref<16x128xf32, #tpu.memory_space<hbm>>) target_semaphore(%arg16 : memref<!tpu.dma_semaphore, #tpu.memory_space<semaphore_mem>>)
      %mul3A_1416 = arith.constant 1024 : i32
      %mul3A_1417 = arith.muli %scan3A_803, %mul3A_1416 : i32
      %add3A_1418 = arith.constant 204800 : i32
      %add3A_1419 = arith.addi %add3A_1418, %mul3A_1417 : i32
      %add3A_1420 = arith.constant 0 : i32
      %add3A_1421 = arith.addi %mul3A_2, %add3A_1420 : i32
      %mul3A_1422 = arith.constant 8 : i32
      %mul3A_1423 = arith.muli %add3A_1421, %mul3A_1422 : i32
      %add3A_1424 = arith.addi %add3A_1419, %mul3A_1423 : i32
      %multiple_of3A_1425 = tpu.assume_multiple %add3A_1424, 8 : i32
      %dma_start3A_1426 = arith.constant 0 : i32
      %dma_start3A_1427 = arith.constant 8 : i32
      %dma_start3A_1428 = arith.constant 0 : i32
      %dma_start3A_1429 = arith.constant 0 : i32
      %dma_start3A_1430 = tpu.memref_slice %arg13[%dma_start3A_1426, %dma_start3A_1427, %dma_start3A_1428, %dma_start3A_1429] : memref<2x15x16x128xf32, #tpu.memory_space<vmem>> -> memref<1x1x16x128xf32, #tpu.memory_space<vmem>>
      %dma_start3A_1431 = tpu.memref_squeeze %dma_start3A_1430 : memref<1x1x16x128xf32, #tpu.memory_space<vmem>> -> memref<16x128xf32, #tpu.memory_space<vmem>>
      %dma_start3A_1432 = arith.constant 0 : i32
      %dma_start3A_1433 = tpu.memref_slice %arg7[%multiple_of3A_1425, %dma_start3A_1432] : memref<384000x128xf32, #tpu.memory_space<hbm>> -> memref<16x128xf32, #tpu.memory_space<hbm>>
      %dma_start3A_1434 = arith.constant 0 : i32
      %dma_start3A_1435 = tpu.memref_slice %arg7[%multiple_of3A_1425, %dma_start3A_1434] : memref<384000x128xf32, #tpu.memory_space<hbm>> -> memref<16x128xf32, #tpu.memory_space<hbm>>
      %dma_start3A_1436 = arith.constant 0 : i32
      %dma_start3A_1437 = arith.constant 0 : i32
      %dma_start3A_1438 = tpu.memref_slice %arg13[%dma_start3A_1426, %dma_start3A_1427, %dma_start3A_1436, %dma_start3A_1437] : memref<2x15x16x128xf32, #tpu.memory_space<vmem>> -> memref<1x1x16x128xf32, #tpu.memory_space<vmem>>
      %dma_start3A_1439 = tpu.memref_squeeze %dma_start3A_1438 : memref<1x1x16x128xf32, #tpu.memory_space<vmem>> -> memref<16x128xf32, #tpu.memory_space<vmem>>
      tpu.enqueue_dma source(%dma_start3A_1439 : memref<16x128xf32, #tpu.memory_space<vmem>>) target(%dma_start3A_1435 : memref<16x128xf32, #tpu.memory_space<hbm>>) target_semaphore(%arg16 : memref<!tpu.dma_semaphore, #tpu.memory_space<semaphore_mem>>)
      %mul3A_1440 = arith.constant 1024 : i32
      %mul3A_1441 = arith.muli %scan3A_803, %mul3A_1440 : i32
      %add3A_1442 = arith.constant 230400 : i32
      %add3A_1443 = arith.addi %add3A_1442, %mul3A_1441 : i32
      %add3A_1444 = arith.constant 0 : i32
      %add3A_1445 = arith.addi %mul3A_2, %add3A_1444 : i32
      %mul3A_1446 = arith.constant 8 : i32
      %mul3A_1447 = arith.muli %add3A_1445, %mul3A_1446 : i32
      %add3A_1448 = arith.addi %add3A_1443, %mul3A_1447 : i32
      %multiple_of3A_1449 = tpu.assume_multiple %add3A_1448, 8 : i32
      %dma_start3A_1450 = arith.constant 0 : i32
      %dma_start3A_1451 = arith.constant 9 : i32
      %dma_start3A_1452 = arith.constant 0 : i32
      %dma_start3A_1453 = arith.constant 0 : i32
      %dma_start3A_1454 = tpu.memref_slice %arg13[%dma_start3A_1450, %dma_start3A_1451, %dma_start3A_1452, %dma_start3A_1453] : memref<2x15x16x128xf32, #tpu.memory_space<vmem>> -> memref<1x1x16x128xf32, #tpu.memory_space<vmem>>
      %dma_start3A_1455 = tpu.memref_squeeze %dma_start3A_1454 : memref<1x1x16x128xf32, #tpu.memory_space<vmem>> -> memref<16x128xf32, #tpu.memory_space<vmem>>
      %dma_start3A_1456 = arith.constant 0 : i32
      %dma_start3A_1457 = tpu.memref_slice %arg7[%multiple_of3A_1449, %dma_start3A_1456] : memref<384000x128xf32, #tpu.memory_space<hbm>> -> memref<16x128xf32, #tpu.memory_space<hbm>>
      %dma_start3A_1458 = arith.constant 0 : i32
      %dma_start3A_1459 = tpu.memref_slice %arg7[%multiple_of3A_1449, %dma_start3A_1458] : memref<384000x128xf32, #tpu.memory_space<hbm>> -> memref<16x128xf32, #tpu.memory_space<hbm>>
      %dma_start3A_1460 = arith.constant 0 : i32
      %dma_start3A_1461 = arith.constant 0 : i32
      %dma_start3A_1462 = tpu.memref_slice %arg13[%dma_start3A_1450, %dma_start3A_1451, %dma_start3A_1460, %dma_start3A_1461] : memref<2x15x16x128xf32, #tpu.memory_space<vmem>> -> memref<1x1x16x128xf32, #tpu.memory_space<vmem>>
      %dma_start3A_1463 = tpu.memref_squeeze %dma_start3A_1462 : memref<1x1x16x128xf32, #tpu.memory_space<vmem>> -> memref<16x128xf32, #tpu.memory_space<vmem>>
      tpu.enqueue_dma source(%dma_start3A_1463 : memref<16x128xf32, #tpu.memory_space<vmem>>) target(%dma_start3A_1459 : memref<16x128xf32, #tpu.memory_space<hbm>>) target_semaphore(%arg16 : memref<!tpu.dma_semaphore, #tpu.memory_space<semaphore_mem>>)
      %mul3A_1464 = arith.constant 1024 : i32
      %mul3A_1465 = arith.muli %scan3A_803, %mul3A_1464 : i32
      %add3A_1466 = arith.constant 256000 : i32
      %add3A_1467 = arith.addi %add3A_1466, %mul3A_1465 : i32
      %add3A_1468 = arith.constant 0 : i32
      %add3A_1469 = arith.addi %mul3A_2, %add3A_1468 : i32
      %mul3A_1470 = arith.constant 8 : i32
      %mul3A_1471 = arith.muli %add3A_1469, %mul3A_1470 : i32
      %add3A_1472 = arith.addi %add3A_1467, %mul3A_1471 : i32
      %multiple_of3A_1473 = tpu.assume_multiple %add3A_1472, 8 : i32
      %dma_start3A_1474 = arith.constant 0 : i32
      %dma_start3A_1475 = arith.constant 10 : i32
      %dma_start3A_1476 = arith.constant 0 : i32
      %dma_start3A_1477 = arith.constant 0 : i32
      %dma_start3A_1478 = tpu.memref_slice %arg13[%dma_start3A_1474, %dma_start3A_1475, %dma_start3A_1476, %dma_start3A_1477] : memref<2x15x16x128xf32, #tpu.memory_space<vmem>> -> memref<1x1x16x128xf32, #tpu.memory_space<vmem>>
      %dma_start3A_1479 = tpu.memref_squeeze %dma_start3A_1478 : memref<1x1x16x128xf32, #tpu.memory_space<vmem>> -> memref<16x128xf32, #tpu.memory_space<vmem>>
      %dma_start3A_1480 = arith.constant 0 : i32
      %dma_start3A_1481 = tpu.memref_slice %arg7[%multiple_of3A_1473, %dma_start3A_1480] : memref<384000x128xf32, #tpu.memory_space<hbm>> -> memref<16x128xf32, #tpu.memory_space<hbm>>
      %dma_start3A_1482 = arith.constant 0 : i32
      %dma_start3A_1483 = tpu.memref_slice %arg7[%multiple_of3A_1473, %dma_start3A_1482] : memref<384000x128xf32, #tpu.memory_space<hbm>> -> memref<16x128xf32, #tpu.memory_space<hbm>>
      %dma_start3A_1484 = arith.constant 0 : i32
      %dma_start3A_1485 = arith.constant 0 : i32
      %dma_start3A_1486 = tpu.memref_slice %arg13[%dma_start3A_1474, %dma_start3A_1475, %dma_start3A_1484, %dma_start3A_1485] : memref<2x15x16x128xf32, #tpu.memory_space<vmem>> -> memref<1x1x16x128xf32, #tpu.memory_space<vmem>>
      %dma_start3A_1487 = tpu.memref_squeeze %dma_start3A_1486 : memref<1x1x16x128xf32, #tpu.memory_space<vmem>> -> memref<16x128xf32, #tpu.memory_space<vmem>>
      tpu.enqueue_dma source(%dma_start3A_1487 : memref<16x128xf32, #tpu.memory_space<vmem>>) target(%dma_start3A_1483 : memref<16x128xf32, #tpu.memory_space<hbm>>) target_semaphore(%arg16 : memref<!tpu.dma_semaphore, #tpu.memory_space<semaphore_mem>>)
      %mul3A_1488 = arith.constant 1024 : i32
      %mul3A_1489 = arith.muli %scan3A_803, %mul3A_1488 : i32
      %add3A_1490 = arith.constant 281600 : i32
      %add3A_1491 = arith.addi %add3A_1490, %mul3A_1489 : i32
      %add3A_1492 = arith.constant 0 : i32
      %add3A_1493 = arith.addi %mul3A_2, %add3A_1492 : i32
      %mul3A_1494 = arith.constant 8 : i32
      %mul3A_1495 = arith.muli %add3A_1493, %mul3A_1494 : i32
      %add3A_1496 = arith.addi %add3A_1491, %mul3A_1495 : i32
      %multiple_of3A_1497 = tpu.assume_multiple %add3A_1496, 8 : i32
      %dma_start3A_1498 = arith.constant 0 : i32
      %dma_start3A_1499 = arith.constant 11 : i32
      %dma_start3A_1500 = arith.constant 0 : i32
      %dma_start3A_1501 = arith.constant 0 : i32
      %dma_start3A_1502 = tpu.memref_slice %arg13[%dma_start3A_1498, %dma_start3A_1499, %dma_start3A_1500, %dma_start3A_1501] : memref<2x15x16x128xf32, #tpu.memory_space<vmem>> -> memref<1x1x16x128xf32, #tpu.memory_space<vmem>>
      %dma_start3A_1503 = tpu.memref_squeeze %dma_start3A_1502 : memref<1x1x16x128xf32, #tpu.memory_space<vmem>> -> memref<16x128xf32, #tpu.memory_space<vmem>>
      %dma_start3A_1504 = arith.constant 0 : i32
      %dma_start3A_1505 = tpu.memref_slice %arg7[%multiple_of3A_1497, %dma_start3A_1504] : memref<384000x128xf32, #tpu.memory_space<hbm>> -> memref<16x128xf32, #tpu.memory_space<hbm>>
      %dma_start3A_1506 = arith.constant 0 : i32
      %dma_start3A_1507 = tpu.memref_slice %arg7[%multiple_of3A_1497, %dma_start3A_1506] : memref<384000x128xf32, #tpu.memory_space<hbm>> -> memref<16x128xf32, #tpu.memory_space<hbm>>
      %dma_start3A_1508 = arith.constant 0 : i32
      %dma_start3A_1509 = arith.constant 0 : i32
      %dma_start3A_1510 = tpu.memref_slice %arg13[%dma_start3A_1498, %dma_start3A_1499, %dma_start3A_1508, %dma_start3A_1509] : memref<2x15x16x128xf32, #tpu.memory_space<vmem>> -> memref<1x1x16x128xf32, #tpu.memory_space<vmem>>
      %dma_start3A_1511 = tpu.memref_squeeze %dma_start3A_1510 : memref<1x1x16x128xf32, #tpu.memory_space<vmem>> -> memref<16x128xf32, #tpu.memory_space<vmem>>
      tpu.enqueue_dma source(%dma_start3A_1511 : memref<16x128xf32, #tpu.memory_space<vmem>>) target(%dma_start3A_1507 : memref<16x128xf32, #tpu.memory_space<hbm>>) target_semaphore(%arg16 : memref<!tpu.dma_semaphore, #tpu.memory_space<semaphore_mem>>)
      %mul3A_1512 = arith.constant 1024 : i32
      %mul3A_1513 = arith.muli %scan3A_803, %mul3A_1512 : i32
      %add3A_1514 = arith.constant 307200 : i32
      %add3A_1515 = arith.addi %add3A_1514, %mul3A_1513 : i32
      %add3A_1516 = arith.constant 0 : i32
      %add3A_1517 = arith.addi %mul3A_2, %add3A_1516 : i32
      %mul3A_1518 = arith.constant 8 : i32
      %mul3A_1519 = arith.muli %add3A_1517, %mul3A_1518 : i32
      %add3A_1520 = arith.addi %add3A_1515, %mul3A_1519 : i32
      %multiple_of3A_1521 = tpu.assume_multiple %add3A_1520, 8 : i32
      %dma_start3A_1522 = arith.constant 0 : i32
      %dma_start3A_1523 = arith.constant 12 : i32
      %dma_start3A_1524 = arith.constant 0 : i32
      %dma_start3A_1525 = arith.constant 0 : i32
      %dma_start3A_1526 = tpu.memref_slice %arg13[%dma_start3A_1522, %dma_start3A_1523, %dma_start3A_1524, %dma_start3A_1525] : memref<2x15x16x128xf32, #tpu.memory_space<vmem>> -> memref<1x1x16x128xf32, #tpu.memory_space<vmem>>
      %dma_start3A_1527 = tpu.memref_squeeze %dma_start3A_1526 : memref<1x1x16x128xf32, #tpu.memory_space<vmem>> -> memref<16x128xf32, #tpu.memory_space<vmem>>
      %dma_start3A_1528 = arith.constant 0 : i32
      %dma_start3A_1529 = tpu.memref_slice %arg7[%multiple_of3A_1521, %dma_start3A_1528] : memref<384000x128xf32, #tpu.memory_space<hbm>> -> memref<16x128xf32, #tpu.memory_space<hbm>>
      %dma_start3A_1530 = arith.constant 0 : i32
      %dma_start3A_1531 = tpu.memref_slice %arg7[%multiple_of3A_1521, %dma_start3A_1530] : memref<384000x128xf32, #tpu.memory_space<hbm>> -> memref<16x128xf32, #tpu.memory_space<hbm>>
      %dma_start3A_1532 = arith.constant 0 : i32
      %dma_start3A_1533 = arith.constant 0 : i32
      %dma_start3A_1534 = tpu.memref_slice %arg13[%dma_start3A_1522, %dma_start3A_1523, %dma_start3A_1532, %dma_start3A_1533] : memref<2x15x16x128xf32, #tpu.memory_space<vmem>> -> memref<1x1x16x128xf32, #tpu.memory_space<vmem>>
      %dma_start3A_1535 = tpu.memref_squeeze %dma_start3A_1534 : memref<1x1x16x128xf32, #tpu.memory_space<vmem>> -> memref<16x128xf32, #tpu.memory_space<vmem>>
      tpu.enqueue_dma source(%dma_start3A_1535 : memref<16x128xf32, #tpu.memory_space<vmem>>) target(%dma_start3A_1531 : memref<16x128xf32, #tpu.memory_space<hbm>>) target_semaphore(%arg16 : memref<!tpu.dma_semaphore, #tpu.memory_space<semaphore_mem>>)
      %mul3A_1536 = arith.constant 1024 : i32
      %mul3A_1537 = arith.muli %scan3A_803, %mul3A_1536 : i32
      %add3A_1538 = arith.constant 332800 : i32
      %add3A_1539 = arith.addi %add3A_1538, %mul3A_1537 : i32
      %add3A_1540 = arith.constant 0 : i32
      %add3A_1541 = arith.addi %mul3A_2, %add3A_1540 : i32
      %mul3A_1542 = arith.constant 8 : i32
      %mul3A_1543 = arith.muli %add3A_1541, %mul3A_1542 : i32
      %add3A_1544 = arith.addi %add3A_1539, %mul3A_1543 : i32
      %multiple_of3A_1545 = tpu.assume_multiple %add3A_1544, 8 : i32
      %dma_start3A_1546 = arith.constant 0 : i32
      %dma_start3A_1547 = arith.constant 13 : i32
      %dma_start3A_1548 = arith.constant 0 : i32
      %dma_start3A_1549 = arith.constant 0 : i32
      %dma_start3A_1550 = tpu.memref_slice %arg13[%dma_start3A_1546, %dma_start3A_1547, %dma_start3A_1548, %dma_start3A_1549] : memref<2x15x16x128xf32, #tpu.memory_space<vmem>> -> memref<1x1x16x128xf32, #tpu.memory_space<vmem>>
      %dma_start3A_1551 = tpu.memref_squeeze %dma_start3A_1550 : memref<1x1x16x128xf32, #tpu.memory_space<vmem>> -> memref<16x128xf32, #tpu.memory_space<vmem>>
      %dma_start3A_1552 = arith.constant 0 : i32
      %dma_start3A_1553 = tpu.memref_slice %arg7[%multiple_of3A_1545, %dma_start3A_1552] : memref<384000x128xf32, #tpu.memory_space<hbm>> -> memref<16x128xf32, #tpu.memory_space<hbm>>
      %dma_start3A_1554 = arith.constant 0 : i32
      %dma_start3A_1555 = tpu.memref_slice %arg7[%multiple_of3A_1545, %dma_start3A_1554] : memref<384000x128xf32, #tpu.memory_space<hbm>> -> memref<16x128xf32, #tpu.memory_space<hbm>>
      %dma_start3A_1556 = arith.constant 0 : i32
      %dma_start3A_1557 = arith.constant 0 : i32
      %dma_start3A_1558 = tpu.memref_slice %arg13[%dma_start3A_1546, %dma_start3A_1547, %dma_start3A_1556, %dma_start3A_1557] : memref<2x15x16x128xf32, #tpu.memory_space<vmem>> -> memref<1x1x16x128xf32, #tpu.memory_space<vmem>>
      %dma_start3A_1559 = tpu.memref_squeeze %dma_start3A_1558 : memref<1x1x16x128xf32, #tpu.memory_space<vmem>> -> memref<16x128xf32, #tpu.memory_space<vmem>>
      tpu.enqueue_dma source(%dma_start3A_1559 : memref<16x128xf32, #tpu.memory_space<vmem>>) target(%dma_start3A_1555 : memref<16x128xf32, #tpu.memory_space<hbm>>) target_semaphore(%arg16 : memref<!tpu.dma_semaphore, #tpu.memory_space<semaphore_mem>>)
      %mul3A_1560 = arith.constant 1024 : i32
      %mul3A_1561 = arith.muli %scan3A_803, %mul3A_1560 : i32
      %add3A_1562 = arith.constant 358400 : i32
      %add3A_1563 = arith.addi %add3A_1562, %mul3A_1561 : i32
      %add3A_1564 = arith.constant 0 : i32
      %add3A_1565 = arith.addi %mul3A_2, %add3A_1564 : i32
      %mul3A_1566 = arith.constant 8 : i32
      %mul3A_1567 = arith.muli %add3A_1565, %mul3A_1566 : i32
      %add3A_1568 = arith.addi %add3A_1563, %mul3A_1567 : i32
      %multiple_of3A_1569 = tpu.assume_multiple %add3A_1568, 8 : i32
      %dma_start3A_1570 = arith.constant 0 : i32
      %dma_start3A_1571 = arith.constant 14 : i32
      %dma_start3A_1572 = arith.constant 0 : i32
      %dma_start3A_1573 = arith.constant 0 : i32
      %dma_start3A_1574 = tpu.memref_slice %arg13[%dma_start3A_1570, %dma_start3A_1571, %dma_start3A_1572, %dma_start3A_1573] : memref<2x15x16x128xf32, #tpu.memory_space<vmem>> -> memref<1x1x16x128xf32, #tpu.memory_space<vmem>>
      %dma_start3A_1575 = tpu.memref_squeeze %dma_start3A_1574 : memref<1x1x16x128xf32, #tpu.memory_space<vmem>> -> memref<16x128xf32, #tpu.memory_space<vmem>>
      %dma_start3A_1576 = arith.constant 0 : i32
      %dma_start3A_1577 = tpu.memref_slice %arg7[%multiple_of3A_1569, %dma_start3A_1576] : memref<384000x128xf32, #tpu.memory_space<hbm>> -> memref<16x128xf32, #tpu.memory_space<hbm>>
      %dma_start3A_1578 = arith.constant 0 : i32
      %dma_start3A_1579 = tpu.memref_slice %arg7[%multiple_of3A_1569, %dma_start3A_1578] : memref<384000x128xf32, #tpu.memory_space<hbm>> -> memref<16x128xf32, #tpu.memory_space<hbm>>
      %dma_start3A_1580 = arith.constant 0 : i32
      %dma_start3A_1581 = arith.constant 0 : i32
      %dma_start3A_1582 = tpu.memref_slice %arg13[%dma_start3A_1570, %dma_start3A_1571, %dma_start3A_1580, %dma_start3A_1581] : memref<2x15x16x128xf32, #tpu.memory_space<vmem>> -> memref<1x1x16x128xf32, #tpu.memory_space<vmem>>
      %dma_start3A_1583 = tpu.memref_squeeze %dma_start3A_1582 : memref<1x1x16x128xf32, #tpu.memory_space<vmem>> -> memref<16x128xf32, #tpu.memory_space<vmem>>
      tpu.enqueue_dma source(%dma_start3A_1583 : memref<16x128xf32, #tpu.memory_space<vmem>>) target(%dma_start3A_1579 : memref<16x128xf32, #tpu.memory_space<hbm>>) target_semaphore(%arg16 : memref<!tpu.dma_semaphore, #tpu.memory_space<semaphore_mem>>)
      %add3A_1584 = arith.constant 1 : i32
      %add3A_1585 = arith.addi %scan3A_803, %add3A_1584 : i32
      %lt3A = arith.constant 25 : i32
      %lt3A_1586 = arith.cmpi slt, %add3A_1585, %lt3A : i32
      %convert_element_type3A_1587 = arith.extui %lt3A_1586 : i1 to i32
      %cond3A_1588 = arith.constant 0 : i32
      %cond3A_1589 = arith.cmpi ne, %convert_element_type3A_1587, %cond3A_1588 : i32
      scf.if %cond3A_1589 {
        %add3A_2166 = arith.constant 1 : i32
        %add3A_2167 = arith.addi %scan3A_803, %add3A_2166 : i32
        %mul3A_2168 = arith.constant 8 : i32
        %mul3A_2169 = arith.muli %add3A_2167, %mul3A_2168 : i32
        %add3A_2170 = arith.constant 0 : i32
        %add3A_2171 = arith.addi %mul3A_2169, %add3A_2170 : i32
        %mul3A_2172 = arith.constant 512 : i32
        %mul3A_2173 = arith.muli %add3A_2171, %mul3A_2172 : i32
        %add3A_2174 = arith.constant 0 : i32
        %add3A_2175 = arith.addi %mul3A_2, %add3A_2174 : i32
        %mul3A_2176 = arith.constant 4 : i32
        %mul3A_2177 = arith.muli %add3A_2175, %mul3A_2176 : i32
        %add3A_2178 = arith.addi %mul3A_2173, %mul3A_2177 : i32
        %multiple_of3A_2179 = tpu.assume_multiple %add3A_2178, 8 : i32
        %dma_start3A_2180 = arith.constant 0 : i32
        %dma_start3A_2181 = arith.constant 0 : i32
        %dma_start3A_2182 = arith.constant 0 : i32
        %dma_start3A_2183 = arith.constant 0 : i32
        %dma_start3A_2184 = tpu.memref_slice %arg12[%dma_start3A_2180, %dma_start3A_2181, %dma_start3A_2182, %dma_start3A_2183] : memref<2x8x8x128xi32, #tpu.memory_space<vmem>> -> memref<1x1x8x128xi32, #tpu.memory_space<vmem>>
        %dma_start3A_2185 = tpu.memref_squeeze %dma_start3A_2184 : memref<1x1x8x128xi32, #tpu.memory_space<vmem>> -> memref<8x128xi32, #tpu.memory_space<vmem>>
        %dma_start3A_2186 = arith.constant 0 : i32
        %dma_start3A_2187 = tpu.memref_slice %arg2[%multiple_of3A_2179, %dma_start3A_2186] : memref<102400x128xi32, #tpu.memory_space<hbm>> -> memref<8x128xi32, #tpu.memory_space<hbm>>
        %dma_start3A_2188 = arith.constant 0 : i32
        %dma_start3A_2189 = arith.constant 0 : i32
        %dma_start3A_2190 = tpu.memref_slice %arg12[%dma_start3A_2180, %dma_start3A_2181, %dma_start3A_2188, %dma_start3A_2189] : memref<2x8x8x128xi32, #tpu.memory_space<vmem>> -> memref<1x1x8x128xi32, #tpu.memory_space<vmem>>
        %dma_start3A_2191 = tpu.memref_squeeze %dma_start3A_2190 : memref<1x1x8x128xi32, #tpu.memory_space<vmem>> -> memref<8x128xi32, #tpu.memory_space<vmem>>
        %dma_start3A_2192 = arith.constant 0 : i32
        %dma_start3A_2193 = tpu.memref_slice %arg2[%multiple_of3A_2179, %dma_start3A_2192] : memref<102400x128xi32, #tpu.memory_space<hbm>> -> memref<8x128xi32, #tpu.memory_space<hbm>>
        tpu.enqueue_dma source(%dma_start3A_2193 : memref<8x128xi32, #tpu.memory_space<hbm>>) target(%dma_start3A_2191 : memref<8x128xi32, #tpu.memory_space<vmem>>) target_semaphore(%arg14 : memref<!tpu.dma_semaphore, #tpu.memory_space<semaphore_mem>>)
        %mul3A_2194 = arith.constant 8 : i32
        %mul3A_2195 = arith.muli %add3A_2167, %mul3A_2194 : i32
        %add3A_2196 = arith.constant 1 : i32
        %add3A_2197 = arith.addi %mul3A_2195, %add3A_2196 : i32
        %mul3A_2198 = arith.constant 512 : i32
        %mul3A_2199 = arith.muli %add3A_2197, %mul3A_2198 : i32
        %add3A_2200 = arith.constant 0 : i32
        %add3A_2201 = arith.addi %mul3A_2, %add3A_2200 : i32
        %mul3A_2202 = arith.constant 4 : i32
        %mul3A_2203 = arith.muli %add3A_2201, %mul3A_2202 : i32
        %add3A_2204 = arith.addi %mul3A_2199, %mul3A_2203 : i32
        %multiple_of3A_2205 = tpu.assume_multiple %add3A_2204, 8 : i32
        %dma_start3A_2206 = arith.constant 0 : i32
        %dma_start3A_2207 = arith.constant 1 : i32
        %dma_start3A_2208 = arith.constant 0 : i32
        %dma_start3A_2209 = arith.constant 0 : i32
        %dma_start3A_2210 = tpu.memref_slice %arg12[%dma_start3A_2206, %dma_start3A_2207, %dma_start3A_2208, %dma_start3A_2209] : memref<2x8x8x128xi32, #tpu.memory_space<vmem>> -> memref<1x1x8x128xi32, #tpu.memory_space<vmem>>
        %dma_start3A_2211 = tpu.memref_squeeze %dma_start3A_2210 : memref<1x1x8x128xi32, #tpu.memory_space<vmem>> -> memref<8x128xi32, #tpu.memory_space<vmem>>
        %dma_start3A_2212 = arith.constant 0 : i32
        %dma_start3A_2213 = tpu.memref_slice %arg2[%multiple_of3A_2205, %dma_start3A_2212] : memref<102400x128xi32, #tpu.memory_space<hbm>> -> memref<8x128xi32, #tpu.memory_space<hbm>>
        %dma_start3A_2214 = arith.constant 0 : i32
        %dma_start3A_2215 = arith.constant 0 : i32
        %dma_start3A_2216 = tpu.memref_slice %arg12[%dma_start3A_2206, %dma_start3A_2207, %dma_start3A_2214, %dma_start3A_2215] : memref<2x8x8x128xi32, #tpu.memory_space<vmem>> -> memref<1x1x8x128xi32, #tpu.memory_space<vmem>>
        %dma_start3A_2217 = tpu.memref_squeeze %dma_start3A_2216 : memref<1x1x8x128xi32, #tpu.memory_space<vmem>> -> memref<8x128xi32, #tpu.memory_space<vmem>>
        %dma_start3A_2218 = arith.constant 0 : i32
        %dma_start3A_2219 = tpu.memref_slice %arg2[%multiple_of3A_2205, %dma_start3A_2218] : memref<102400x128xi32, #tpu.memory_space<hbm>> -> memref<8x128xi32, #tpu.memory_space<hbm>>
        tpu.enqueue_dma source(%dma_start3A_2219 : memref<8x128xi32, #tpu.memory_space<hbm>>) target(%dma_start3A_2217 : memref<8x128xi32, #tpu.memory_space<vmem>>) target_semaphore(%arg14 : memref<!tpu.dma_semaphore, #tpu.memory_space<semaphore_mem>>)
        %mul3A_2220 = arith.constant 8 : i32
        %mul3A_2221 = arith.muli %add3A_2167, %mul3A_2220 : i32
        %add3A_2222 = arith.constant 2 : i32
        %add3A_2223 = arith.addi %mul3A_2221, %add3A_2222 : i32
        %mul3A_2224 = arith.constant 512 : i32
        %mul3A_2225 = arith.muli %add3A_2223, %mul3A_2224 : i32
        %add3A_2226 = arith.constant 0 : i32
        %add3A_2227 = arith.addi %mul3A_2, %add3A_2226 : i32
        %mul3A_2228 = arith.constant 4 : i32
        %mul3A_2229 = arith.muli %add3A_2227, %mul3A_2228 : i32
        %add3A_2230 = arith.addi %mul3A_2225, %mul3A_2229 : i32
        %multiple_of3A_2231 = tpu.assume_multiple %add3A_2230, 8 : i32
        %dma_start3A_2232 = arith.constant 0 : i32
        %dma_start3A_2233 = arith.constant 2 : i32
        %dma_start3A_2234 = arith.constant 0 : i32
        %dma_start3A_2235 = arith.constant 0 : i32
        %dma_start3A_2236 = tpu.memref_slice %arg12[%dma_start3A_2232, %dma_start3A_2233, %dma_start3A_2234, %dma_start3A_2235] : memref<2x8x8x128xi32, #tpu.memory_space<vmem>> -> memref<1x1x8x128xi32, #tpu.memory_space<vmem>>
        %dma_start3A_2237 = tpu.memref_squeeze %dma_start3A_2236 : memref<1x1x8x128xi32, #tpu.memory_space<vmem>> -> memref<8x128xi32, #tpu.memory_space<vmem>>
        %dma_start3A_2238 = arith.constant 0 : i32
        %dma_start3A_2239 = tpu.memref_slice %arg2[%multiple_of3A_2231, %dma_start3A_2238] : memref<102400x128xi32, #tpu.memory_space<hbm>> -> memref<8x128xi32, #tpu.memory_space<hbm>>
        %dma_start3A_2240 = arith.constant 0 : i32
        %dma_start3A_2241 = arith.constant 0 : i32
        %dma_start3A_2242 = tpu.memref_slice %arg12[%dma_start3A_2232, %dma_start3A_2233, %dma_start3A_2240, %dma_start3A_2241] : memref<2x8x8x128xi32, #tpu.memory_space<vmem>> -> memref<1x1x8x128xi32, #tpu.memory_space<vmem>>
        %dma_start3A_2243 = tpu.memref_squeeze %dma_start3A_2242 : memref<1x1x8x128xi32, #tpu.memory_space<vmem>> -> memref<8x128xi32, #tpu.memory_space<vmem>>
        %dma_start3A_2244 = arith.constant 0 : i32
        %dma_start3A_2245 = tpu.memref_slice %arg2[%multiple_of3A_2231, %dma_start3A_2244] : memref<102400x128xi32, #tpu.memory_space<hbm>> -> memref<8x128xi32, #tpu.memory_space<hbm>>
        tpu.enqueue_dma source(%dma_start3A_2245 : memref<8x128xi32, #tpu.memory_space<hbm>>) target(%dma_start3A_2243 : memref<8x128xi32, #tpu.memory_space<vmem>>) target_semaphore(%arg14 : memref<!tpu.dma_semaphore, #tpu.memory_space<semaphore_mem>>)
        %mul3A_2246 = arith.constant 8 : i32
        %mul3A_2247 = arith.muli %add3A_2167, %mul3A_2246 : i32
        %add3A_2248 = arith.constant 3 : i32
        %add3A_2249 = arith.addi %mul3A_2247, %add3A_2248 : i32
        %mul3A_2250 = arith.constant 512 : i32
        %mul3A_2251 = arith.muli %add3A_2249, %mul3A_2250 : i32
        %add3A_2252 = arith.constant 0 : i32
        %add3A_2253 = arith.addi %mul3A_2, %add3A_2252 : i32
        %mul3A_2254 = arith.constant 4 : i32
        %mul3A_2255 = arith.muli %add3A_2253, %mul3A_2254 : i32
        %add3A_2256 = arith.addi %mul3A_2251, %mul3A_2255 : i32
        %multiple_of3A_2257 = tpu.assume_multiple %add3A_2256, 8 : i32
        %dma_start3A_2258 = arith.constant 0 : i32
        %dma_start3A_2259 = arith.constant 3 : i32
        %dma_start3A_2260 = arith.constant 0 : i32
        %dma_start3A_2261 = arith.constant 0 : i32
        %dma_start3A_2262 = tpu.memref_slice %arg12[%dma_start3A_2258, %dma_start3A_2259, %dma_start3A_2260, %dma_start3A_2261] : memref<2x8x8x128xi32, #tpu.memory_space<vmem>> -> memref<1x1x8x128xi32, #tpu.memory_space<vmem>>
        %dma_start3A_2263 = tpu.memref_squeeze %dma_start3A_2262 : memref<1x1x8x128xi32, #tpu.memory_space<vmem>> -> memref<8x128xi32, #tpu.memory_space<vmem>>
        %dma_start3A_2264 = arith.constant 0 : i32
        %dma_start3A_2265 = tpu.memref_slice %arg2[%multiple_of3A_2257, %dma_start3A_2264] : memref<102400x128xi32, #tpu.memory_space<hbm>> -> memref<8x128xi32, #tpu.memory_space<hbm>>
        %dma_start3A_2266 = arith.constant 0 : i32
        %dma_start3A_2267 = arith.constant 0 : i32
        %dma_start3A_2268 = tpu.memref_slice %arg12[%dma_start3A_2258, %dma_start3A_2259, %dma_start3A_2266, %dma_start3A_2267] : memref<2x8x8x128xi32, #tpu.memory_space<vmem>> -> memref<1x1x8x128xi32, #tpu.memory_space<vmem>>
        %dma_start3A_2269 = tpu.memref_squeeze %dma_start3A_2268 : memref<1x1x8x128xi32, #tpu.memory_space<vmem>> -> memref<8x128xi32, #tpu.memory_space<vmem>>
        %dma_start3A_2270 = arith.constant 0 : i32
        %dma_start3A_2271 = tpu.memref_slice %arg2[%multiple_of3A_2257, %dma_start3A_2270] : memref<102400x128xi32, #tpu.memory_space<hbm>> -> memref<8x128xi32, #tpu.memory_space<hbm>>
        tpu.enqueue_dma source(%dma_start3A_2271 : memref<8x128xi32, #tpu.memory_space<hbm>>) target(%dma_start3A_2269 : memref<8x128xi32, #tpu.memory_space<vmem>>) target_semaphore(%arg14 : memref<!tpu.dma_semaphore, #tpu.memory_space<semaphore_mem>>)
        %mul3A_2272 = arith.constant 8 : i32
        %mul3A_2273 = arith.muli %add3A_2167, %mul3A_2272 : i32
        %add3A_2274 = arith.constant 4 : i32
        %add3A_2275 = arith.addi %mul3A_2273, %add3A_2274 : i32
        %mul3A_2276 = arith.constant 512 : i32
        %mul3A_2277 = arith.muli %add3A_2275, %mul3A_2276 : i32
        %add3A_2278 = arith.constant 0 : i32
        %add3A_2279 = arith.addi %mul3A_2, %add3A_2278 : i32
        %mul3A_2280 = arith.constant 4 : i32
        %mul3A_2281 = arith.muli %add3A_2279, %mul3A_2280 : i32
        %add3A_2282 = arith.addi %mul3A_2277, %mul3A_2281 : i32
        %multiple_of3A_2283 = tpu.assume_multiple %add3A_2282, 8 : i32
        %dma_start3A_2284 = arith.constant 0 : i32
        %dma_start3A_2285 = arith.constant 4 : i32
        %dma_start3A_2286 = arith.constant 0 : i32
        %dma_start3A_2287 = arith.constant 0 : i32
        %dma_start3A_2288 = tpu.memref_slice %arg12[%dma_start3A_2284, %dma_start3A_2285, %dma_start3A_2286, %dma_start3A_2287] : memref<2x8x8x128xi32, #tpu.memory_space<vmem>> -> memref<1x1x8x128xi32, #tpu.memory_space<vmem>>
        %dma_start3A_2289 = tpu.memref_squeeze %dma_start3A_2288 : memref<1x1x8x128xi32, #tpu.memory_space<vmem>> -> memref<8x128xi32, #tpu.memory_space<vmem>>
        %dma_start3A_2290 = arith.constant 0 : i32
        %dma_start3A_2291 = tpu.memref_slice %arg2[%multiple_of3A_2283, %dma_start3A_2290] : memref<102400x128xi32, #tpu.memory_space<hbm>> -> memref<8x128xi32, #tpu.memory_space<hbm>>
        %dma_start3A_2292 = arith.constant 0 : i32
        %dma_start3A_2293 = arith.constant 0 : i32
        %dma_start3A_2294 = tpu.memref_slice %arg12[%dma_start3A_2284, %dma_start3A_2285, %dma_start3A_2292, %dma_start3A_2293] : memref<2x8x8x128xi32, #tpu.memory_space<vmem>> -> memref<1x1x8x128xi32, #tpu.memory_space<vmem>>
        %dma_start3A_2295 = tpu.memref_squeeze %dma_start3A_2294 : memref<1x1x8x128xi32, #tpu.memory_space<vmem>> -> memref<8x128xi32, #tpu.memory_space<vmem>>
        %dma_start3A_2296 = arith.constant 0 : i32
        %dma_start3A_2297 = tpu.memref_slice %arg2[%multiple_of3A_2283, %dma_start3A_2296] : memref<102400x128xi32, #tpu.memory_space<hbm>> -> memref<8x128xi32, #tpu.memory_space<hbm>>
        tpu.enqueue_dma source(%dma_start3A_2297 : memref<8x128xi32, #tpu.memory_space<hbm>>) target(%dma_start3A_2295 : memref<8x128xi32, #tpu.memory_space<vmem>>) target_semaphore(%arg14 : memref<!tpu.dma_semaphore, #tpu.memory_space<semaphore_mem>>)
        %mul3A_2298 = arith.constant 8 : i32
        %mul3A_2299 = arith.muli %add3A_2167, %mul3A_2298 : i32
        %add3A_2300 = arith.constant 5 : i32
        %add3A_2301 = arith.addi %mul3A_2299, %add3A_2300 : i32
        %mul3A_2302 = arith.constant 512 : i32
        %mul3A_2303 = arith.muli %add3A_2301, %mul3A_2302 : i32
        %add3A_2304 = arith.constant 0 : i32
        %add3A_2305 = arith.addi %mul3A_2, %add3A_2304 : i32
        %mul3A_2306 = arith.constant 4 : i32
        %mul3A_2307 = arith.muli %add3A_2305, %mul3A_2306 : i32
        %add3A_2308 = arith.addi %mul3A_2303, %mul3A_2307 : i32
        %multiple_of3A_2309 = tpu.assume_multiple %add3A_2308, 8 : i32
        %dma_start3A_2310 = arith.constant 0 : i32
        %dma_start3A_2311 = arith.constant 5 : i32
        %dma_start3A_2312 = arith.constant 0 : i32
        %dma_start3A_2313 = arith.constant 0 : i32
        %dma_start3A_2314 = tpu.memref_slice %arg12[%dma_start3A_2310, %dma_start3A_2311, %dma_start3A_2312, %dma_start3A_2313] : memref<2x8x8x128xi32, #tpu.memory_space<vmem>> -> memref<1x1x8x128xi32, #tpu.memory_space<vmem>>
        %dma_start3A_2315 = tpu.memref_squeeze %dma_start3A_2314 : memref<1x1x8x128xi32, #tpu.memory_space<vmem>> -> memref<8x128xi32, #tpu.memory_space<vmem>>
        %dma_start3A_2316 = arith.constant 0 : i32
        %dma_start3A_2317 = tpu.memref_slice %arg2[%multiple_of3A_2309, %dma_start3A_2316] : memref<102400x128xi32, #tpu.memory_space<hbm>> -> memref<8x128xi32, #tpu.memory_space<hbm>>
        %dma_start3A_2318 = arith.constant 0 : i32
        %dma_start3A_2319 = arith.constant 0 : i32
        %dma_start3A_2320 = tpu.memref_slice %arg12[%dma_start3A_2310, %dma_start3A_2311, %dma_start3A_2318, %dma_start3A_2319] : memref<2x8x8x128xi32, #tpu.memory_space<vmem>> -> memref<1x1x8x128xi32, #tpu.memory_space<vmem>>
        %dma_start3A_2321 = tpu.memref_squeeze %dma_start3A_2320 : memref<1x1x8x128xi32, #tpu.memory_space<vmem>> -> memref<8x128xi32, #tpu.memory_space<vmem>>
        %dma_start3A_2322 = arith.constant 0 : i32
        %dma_start3A_2323 = tpu.memref_slice %arg2[%multiple_of3A_2309, %dma_start3A_2322] : memref<102400x128xi32, #tpu.memory_space<hbm>> -> memref<8x128xi32, #tpu.memory_space<hbm>>
        tpu.enqueue_dma source(%dma_start3A_2323 : memref<8x128xi32, #tpu.memory_space<hbm>>) target(%dma_start3A_2321 : memref<8x128xi32, #tpu.memory_space<vmem>>) target_semaphore(%arg14 : memref<!tpu.dma_semaphore, #tpu.memory_space<semaphore_mem>>)
        %mul3A_2324 = arith.constant 8 : i32
        %mul3A_2325 = arith.muli %add3A_2167, %mul3A_2324 : i32
        %add3A_2326 = arith.constant 6 : i32
        %add3A_2327 = arith.addi %mul3A_2325, %add3A_2326 : i32
        %mul3A_2328 = arith.constant 512 : i32
        %mul3A_2329 = arith.muli %add3A_2327, %mul3A_2328 : i32
        %add3A_2330 = arith.constant 0 : i32
        %add3A_2331 = arith.addi %mul3A_2, %add3A_2330 : i32
        %mul3A_2332 = arith.constant 4 : i32
        %mul3A_2333 = arith.muli %add3A_2331, %mul3A_2332 : i32
        %add3A_2334 = arith.addi %mul3A_2329, %mul3A_2333 : i32
        %multiple_of3A_2335 = tpu.assume_multiple %add3A_2334, 8 : i32
        %dma_start3A_2336 = arith.constant 0 : i32
        %dma_start3A_2337 = arith.constant 6 : i32
        %dma_start3A_2338 = arith.constant 0 : i32
        %dma_start3A_2339 = arith.constant 0 : i32
        %dma_start3A_2340 = tpu.memref_slice %arg12[%dma_start3A_2336, %dma_start3A_2337, %dma_start3A_2338, %dma_start3A_2339] : memref<2x8x8x128xi32, #tpu.memory_space<vmem>> -> memref<1x1x8x128xi32, #tpu.memory_space<vmem>>
        %dma_start3A_2341 = tpu.memref_squeeze %dma_start3A_2340 : memref<1x1x8x128xi32, #tpu.memory_space<vmem>> -> memref<8x128xi32, #tpu.memory_space<vmem>>
        %dma_start3A_2342 = arith.constant 0 : i32
        %dma_start3A_2343 = tpu.memref_slice %arg2[%multiple_of3A_2335, %dma_start3A_2342] : memref<102400x128xi32, #tpu.memory_space<hbm>> -> memref<8x128xi32, #tpu.memory_space<hbm>>
        %dma_start3A_2344 = arith.constant 0 : i32
        %dma_start3A_2345 = arith.constant 0 : i32
        %dma_start3A_2346 = tpu.memref_slice %arg12[%dma_start3A_2336, %dma_start3A_2337, %dma_start3A_2344, %dma_start3A_2345] : memref<2x8x8x128xi32, #tpu.memory_space<vmem>> -> memref<1x1x8x128xi32, #tpu.memory_space<vmem>>
        %dma_start3A_2347 = tpu.memref_squeeze %dma_start3A_2346 : memref<1x1x8x128xi32, #tpu.memory_space<vmem>> -> memref<8x128xi32, #tpu.memory_space<vmem>>
        %dma_start3A_2348 = arith.constant 0 : i32
        %dma_start3A_2349 = tpu.memref_slice %arg2[%multiple_of3A_2335, %dma_start3A_2348] : memref<102400x128xi32, #tpu.memory_space<hbm>> -> memref<8x128xi32, #tpu.memory_space<hbm>>
        tpu.enqueue_dma source(%dma_start3A_2349 : memref<8x128xi32, #tpu.memory_space<hbm>>) target(%dma_start3A_2347 : memref<8x128xi32, #tpu.memory_space<vmem>>) target_semaphore(%arg14 : memref<!tpu.dma_semaphore, #tpu.memory_space<semaphore_mem>>)
        %mul3A_2350 = arith.constant 8 : i32
        %mul3A_2351 = arith.muli %add3A_2167, %mul3A_2350 : i32
        %add3A_2352 = arith.constant 7 : i32
        %add3A_2353 = arith.addi %mul3A_2351, %add3A_2352 : i32
        %mul3A_2354 = arith.constant 512 : i32
        %mul3A_2355 = arith.muli %add3A_2353, %mul3A_2354 : i32
        %add3A_2356 = arith.constant 0 : i32
        %add3A_2357 = arith.addi %mul3A_2, %add3A_2356 : i32
        %mul3A_2358 = arith.constant 4 : i32
        %mul3A_2359 = arith.muli %add3A_2357, %mul3A_2358 : i32
        %add3A_2360 = arith.addi %mul3A_2355, %mul3A_2359 : i32
        %multiple_of3A_2361 = tpu.assume_multiple %add3A_2360, 8 : i32
        %dma_start3A_2362 = arith.constant 0 : i32
        %dma_start3A_2363 = arith.constant 7 : i32
        %dma_start3A_2364 = arith.constant 0 : i32
        %dma_start3A_2365 = arith.constant 0 : i32
        %dma_start3A_2366 = tpu.memref_slice %arg12[%dma_start3A_2362, %dma_start3A_2363, %dma_start3A_2364, %dma_start3A_2365] : memref<2x8x8x128xi32, #tpu.memory_space<vmem>> -> memref<1x1x8x128xi32, #tpu.memory_space<vmem>>
        %dma_start3A_2367 = tpu.memref_squeeze %dma_start3A_2366 : memref<1x1x8x128xi32, #tpu.memory_space<vmem>> -> memref<8x128xi32, #tpu.memory_space<vmem>>
        %dma_start3A_2368 = arith.constant 0 : i32
        %dma_start3A_2369 = tpu.memref_slice %arg2[%multiple_of3A_2361, %dma_start3A_2368] : memref<102400x128xi32, #tpu.memory_space<hbm>> -> memref<8x128xi32, #tpu.memory_space<hbm>>
        %dma_start3A_2370 = arith.constant 0 : i32
        %dma_start3A_2371 = arith.constant 0 : i32
        %dma_start3A_2372 = tpu.memref_slice %arg12[%dma_start3A_2362, %dma_start3A_2363, %dma_start3A_2370, %dma_start3A_2371] : memref<2x8x8x128xi32, #tpu.memory_space<vmem>> -> memref<1x1x8x128xi32, #tpu.memory_space<vmem>>
        %dma_start3A_2373 = tpu.memref_squeeze %dma_start3A_2372 : memref<1x1x8x128xi32, #tpu.memory_space<vmem>> -> memref<8x128xi32, #tpu.memory_space<vmem>>
        %dma_start3A_2374 = arith.constant 0 : i32
        %dma_start3A_2375 = tpu.memref_slice %arg2[%multiple_of3A_2361, %dma_start3A_2374] : memref<102400x128xi32, #tpu.memory_space<hbm>> -> memref<8x128xi32, #tpu.memory_space<hbm>>
        tpu.enqueue_dma source(%dma_start3A_2375 : memref<8x128xi32, #tpu.memory_space<hbm>>) target(%dma_start3A_2373 : memref<8x128xi32, #tpu.memory_space<vmem>>) target_semaphore(%arg14 : memref<!tpu.dma_semaphore, #tpu.memory_space<semaphore_mem>>)
      } else {
      }
      %mul3A_1590 = arith.constant 8 : i32
      %mul3A_1591 = arith.muli %scan3A_803, %mul3A_1590 : i32
      %add3A_1592 = arith.constant 0 : i32
      %add3A_1593 = arith.addi %mul3A_1591, %add3A_1592 : i32
      %mul3A_1594 = arith.constant 512 : i32
      %mul3A_1595 = arith.muli %add3A_1593, %mul3A_1594 : i32
      %add3A_1596 = arith.constant 2 : i32
      %add3A_1597 = arith.addi %mul3A_2, %add3A_1596 : i32
      %mul3A_1598 = arith.constant 4 : i32
      %mul3A_1599 = arith.muli %add3A_1597, %mul3A_1598 : i32
      %add3A_1600 = arith.addi %mul3A_1595, %mul3A_1599 : i32
      %multiple_of3A_1601 = tpu.assume_multiple %add3A_1600, 8 : i32
      %dma_wait3A_1602 = arith.constant 1 : i32
      %dma_wait3A_1603 = arith.constant 0 : i32
      %dma_wait3A_1604 = arith.constant 0 : i32
      %dma_wait3A_1605 = arith.constant 0 : i32
      %dma_wait3A_1606 = tpu.memref_slice %arg12[%dma_wait3A_1602, %dma_wait3A_1603, %dma_wait3A_1604, %dma_wait3A_1605] : memref<2x8x8x128xi32, #tpu.memory_space<vmem>> -> memref<1x1x8x128xi32, #tpu.memory_space<vmem>>
      %dma_wait3A_1607 = tpu.memref_squeeze %dma_wait3A_1606 : memref<1x1x8x128xi32, #tpu.memory_space<vmem>> -> memref<8x128xi32, #tpu.memory_space<vmem>>
      %dma_wait3A_1608 = arith.constant 0 : i32
      %dma_wait3A_1609 = tpu.memref_slice %arg2[%multiple_of3A_1601, %dma_wait3A_1608] : memref<102400x128xi32, #tpu.memory_space<hbm>> -> memref<8x128xi32, #tpu.memory_space<hbm>>
      %dma_wait3A_1610 = arith.constant 0 : i32
      %dma_wait3A_1611 = arith.constant 0 : i32
      %dma_wait3A_1612 = tpu.memref_slice %arg12[%dma_wait3A_1602, %dma_wait3A_1603, %dma_wait3A_1610, %dma_wait3A_1611] : memref<2x8x8x128xi32, #tpu.memory_space<vmem>> -> memref<1x1x8x128xi32, #tpu.memory_space<vmem>>
      %dma_wait3A_1613 = tpu.memref_squeeze %dma_wait3A_1612 : memref<1x1x8x128xi32, #tpu.memory_space<vmem>> -> memref<8x128xi32, #tpu.memory_space<vmem>>
      %dma_wait3A_1614 = arith.constant 0 : i32
      %dma_wait3A_1615 = tpu.memref_slice %arg2[%multiple_of3A_1601, %dma_wait3A_1614] : memref<102400x128xi32, #tpu.memory_space<hbm>> -> memref<8x128xi32, #tpu.memory_space<hbm>>
      tpu.wait_dma2 semaphore(%arg15 : memref<!tpu.dma_semaphore, #tpu.memory_space<semaphore_mem>>) src(%dma_wait3A_1615 : memref<8x128xi32, #tpu.memory_space<hbm>>) dst(%dma_wait3A_1613 : memref<8x128xi32, #tpu.memory_space<vmem>>)
      %mul3A_1616 = arith.constant 8 : i32
      %mul3A_1617 = arith.muli %scan3A_803, %mul3A_1616 : i32
      %add3A_1618 = arith.constant 1 : i32
      %add3A_1619 = arith.addi %mul3A_1617, %add3A_1618 : i32
      %mul3A_1620 = arith.constant 512 : i32
      %mul3A_1621 = arith.muli %add3A_1619, %mul3A_1620 : i32
      %add3A_1622 = arith.constant 2 : i32
      %add3A_1623 = arith.addi %mul3A_2, %add3A_1622 : i32
      %mul3A_1624 = arith.constant 4 : i32
      %mul3A_1625 = arith.muli %add3A_1623, %mul3A_1624 : i32
      %add3A_1626 = arith.addi %mul3A_1621, %mul3A_1625 : i32
      %multiple_of3A_1627 = tpu.assume_multiple %add3A_1626, 8 : i32
      %dma_wait3A_1628 = arith.constant 1 : i32
      %dma_wait3A_1629 = arith.constant 1 : i32
      %dma_wait3A_1630 = arith.constant 0 : i32
      %dma_wait3A_1631 = arith.constant 0 : i32
      %dma_wait3A_1632 = tpu.memref_slice %arg12[%dma_wait3A_1628, %dma_wait3A_1629, %dma_wait3A_1630, %dma_wait3A_1631] : memref<2x8x8x128xi32, #tpu.memory_space<vmem>> -> memref<1x1x8x128xi32, #tpu.memory_space<vmem>>
      %dma_wait3A_1633 = tpu.memref_squeeze %dma_wait3A_1632 : memref<1x1x8x128xi32, #tpu.memory_space<vmem>> -> memref<8x128xi32, #tpu.memory_space<vmem>>
      %dma_wait3A_1634 = arith.constant 0 : i32
      %dma_wait3A_1635 = tpu.memref_slice %arg2[%multiple_of3A_1627, %dma_wait3A_1634] : memref<102400x128xi32, #tpu.memory_space<hbm>> -> memref<8x128xi32, #tpu.memory_space<hbm>>
      %dma_wait3A_1636 = arith.constant 0 : i32
      %dma_wait3A_1637 = arith.constant 0 : i32
      %dma_wait3A_1638 = tpu.memref_slice %arg12[%dma_wait3A_1628, %dma_wait3A_1629, %dma_wait3A_1636, %dma_wait3A_1637] : memref<2x8x8x128xi32, #tpu.memory_space<vmem>> -> memref<1x1x8x128xi32, #tpu.memory_space<vmem>>
      %dma_wait3A_1639 = tpu.memref_squeeze %dma_wait3A_1638 : memref<1x1x8x128xi32, #tpu.memory_space<vmem>> -> memref<8x128xi32, #tpu.memory_space<vmem>>
      %dma_wait3A_1640 = arith.constant 0 : i32
      %dma_wait3A_1641 = tpu.memref_slice %arg2[%multiple_of3A_1627, %dma_wait3A_1640] : memref<102400x128xi32, #tpu.memory_space<hbm>> -> memref<8x128xi32, #tpu.memory_space<hbm>>
      tpu.wait_dma2 semaphore(%arg15 : memref<!tpu.dma_semaphore, #tpu.memory_space<semaphore_mem>>) src(%dma_wait3A_1641 : memref<8x128xi32, #tpu.memory_space<hbm>>) dst(%dma_wait3A_1639 : memref<8x128xi32, #tpu.memory_space<vmem>>)
      %mul3A_1642 = arith.constant 8 : i32
      %mul3A_1643 = arith.muli %scan3A_803, %mul3A_1642 : i32
      %add3A_1644 = arith.constant 2 : i32
      %add3A_1645 = arith.addi %mul3A_1643, %add3A_1644 : i32
      %mul3A_1646 = arith.constant 512 : i32
      %mul3A_1647 = arith.muli %add3A_1645, %mul3A_1646 : i32
      %add3A_1648 = arith.constant 2 : i32
      %add3A_1649 = arith.addi %mul3A_2, %add3A_1648 : i32
      %mul3A_1650 = arith.constant 4 : i32
      %mul3A_1651 = arith.muli %add3A_1649, %mul3A_1650 : i32
      %add3A_1652 = arith.addi %mul3A_1647, %mul3A_1651 : i32
      %multiple_of3A_1653 = tpu.assume_multiple %add3A_1652, 8 : i32
      %dma_wait3A_1654 = arith.constant 1 : i32
      %dma_wait3A_1655 = arith.constant 2 : i32
      %dma_wait3A_1656 = arith.constant 0 : i32
      %dma_wait3A_1657 = arith.constant 0 : i32
      %dma_wait3A_1658 = tpu.memref_slice %arg12[%dma_wait3A_1654, %dma_wait3A_1655, %dma_wait3A_1656, %dma_wait3A_1657] : memref<2x8x8x128xi32, #tpu.memory_space<vmem>> -> memref<1x1x8x128xi32, #tpu.memory_space<vmem>>
      %dma_wait3A_1659 = tpu.memref_squeeze %dma_wait3A_1658 : memref<1x1x8x128xi32, #tpu.memory_space<vmem>> -> memref<8x128xi32, #tpu.memory_space<vmem>>
      %dma_wait3A_1660 = arith.constant 0 : i32
      %dma_wait3A_1661 = tpu.memref_slice %arg2[%multiple_of3A_1653, %dma_wait3A_1660] : memref<102400x128xi32, #tpu.memory_space<hbm>> -> memref<8x128xi32, #tpu.memory_space<hbm>>
      %dma_wait3A_1662 = arith.constant 0 : i32
      %dma_wait3A_1663 = arith.constant 0 : i32
      %dma_wait3A_1664 = tpu.memref_slice %arg12[%dma_wait3A_1654, %dma_wait3A_1655, %dma_wait3A_1662, %dma_wait3A_1663] : memref<2x8x8x128xi32, #tpu.memory_space<vmem>> -> memref<1x1x8x128xi32, #tpu.memory_space<vmem>>
      %dma_wait3A_1665 = tpu.memref_squeeze %dma_wait3A_1664 : memref<1x1x8x128xi32, #tpu.memory_space<vmem>> -> memref<8x128xi32, #tpu.memory_space<vmem>>
      %dma_wait3A_1666 = arith.constant 0 : i32
      %dma_wait3A_1667 = tpu.memref_slice %arg2[%multiple_of3A_1653, %dma_wait3A_1666] : memref<102400x128xi32, #tpu.memory_space<hbm>> -> memref<8x128xi32, #tpu.memory_space<hbm>>
      tpu.wait_dma2 semaphore(%arg15 : memref<!tpu.dma_semaphore, #tpu.memory_space<semaphore_mem>>) src(%dma_wait3A_1667 : memref<8x128xi32, #tpu.memory_space<hbm>>) dst(%dma_wait3A_1665 : memref<8x128xi32, #tpu.memory_space<vmem>>)
      %mul3A_1668 = arith.constant 8 : i32
      %mul3A_1669 = arith.muli %scan3A_803, %mul3A_1668 : i32
      %add3A_1670 = arith.constant 3 : i32
      %add3A_1671 = arith.addi %mul3A_1669, %add3A_1670 : i32
      %mul3A_1672 = arith.constant 512 : i32
      %mul3A_1673 = arith.muli %add3A_1671, %mul3A_1672 : i32
      %add3A_1674 = arith.constant 2 : i32
      %add3A_1675 = arith.addi %mul3A_2, %add3A_1674 : i32
      %mul3A_1676 = arith.constant 4 : i32
      %mul3A_1677 = arith.muli %add3A_1675, %mul3A_1676 : i32
      %add3A_1678 = arith.addi %mul3A_1673, %mul3A_1677 : i32
      %multiple_of3A_1679 = tpu.assume_multiple %add3A_1678, 8 : i32
      %dma_wait3A_1680 = arith.constant 1 : i32
      %dma_wait3A_1681 = arith.constant 3 : i32
      %dma_wait3A_1682 = arith.constant 0 : i32
      %dma_wait3A_1683 = arith.constant 0 : i32
      %dma_wait3A_1684 = tpu.memref_slice %arg12[%dma_wait3A_1680, %dma_wait3A_1681, %dma_wait3A_1682, %dma_wait3A_1683] : memref<2x8x8x128xi32, #tpu.memory_space<vmem>> -> memref<1x1x8x128xi32, #tpu.memory_space<vmem>>
      %dma_wait3A_1685 = tpu.memref_squeeze %dma_wait3A_1684 : memref<1x1x8x128xi32, #tpu.memory_space<vmem>> -> memref<8x128xi32, #tpu.memory_space<vmem>>
      %dma_wait3A_1686 = arith.constant 0 : i32
      %dma_wait3A_1687 = tpu.memref_slice %arg2[%multiple_of3A_1679, %dma_wait3A_1686] : memref<102400x128xi32, #tpu.memory_space<hbm>> -> memref<8x128xi32, #tpu.memory_space<hbm>>
      %dma_wait3A_1688 = arith.constant 0 : i32
      %dma_wait3A_1689 = arith.constant 0 : i32
      %dma_wait3A_1690 = tpu.memref_slice %arg12[%dma_wait3A_1680, %dma_wait3A_1681, %dma_wait3A_1688, %dma_wait3A_1689] : memref<2x8x8x128xi32, #tpu.memory_space<vmem>> -> memref<1x1x8x128xi32, #tpu.memory_space<vmem>>
      %dma_wait3A_1691 = tpu.memref_squeeze %dma_wait3A_1690 : memref<1x1x8x128xi32, #tpu.memory_space<vmem>> -> memref<8x128xi32, #tpu.memory_space<vmem>>
      %dma_wait3A_1692 = arith.constant 0 : i32
      %dma_wait3A_1693 = tpu.memref_slice %arg2[%multiple_of3A_1679, %dma_wait3A_1692] : memref<102400x128xi32, #tpu.memory_space<hbm>> -> memref<8x128xi32, #tpu.memory_space<hbm>>
      tpu.wait_dma2 semaphore(%arg15 : memref<!tpu.dma_semaphore, #tpu.memory_space<semaphore_mem>>) src(%dma_wait3A_1693 : memref<8x128xi32, #tpu.memory_space<hbm>>) dst(%dma_wait3A_1691 : memref<8x128xi32, #tpu.memory_space<vmem>>)
      %mul3A_1694 = arith.constant 8 : i32
      %mul3A_1695 = arith.muli %scan3A_803, %mul3A_1694 : i32
      %add3A_1696 = arith.constant 4 : i32
      %add3A_1697 = arith.addi %mul3A_1695, %add3A_1696 : i32
      %mul3A_1698 = arith.constant 512 : i32
      %mul3A_1699 = arith.muli %add3A_1697, %mul3A_1698 : i32
      %add3A_1700 = arith.constant 2 : i32
      %add3A_1701 = arith.addi %mul3A_2, %add3A_1700 : i32
      %mul3A_1702 = arith.constant 4 : i32
      %mul3A_1703 = arith.muli %add3A_1701, %mul3A_1702 : i32
      %add3A_1704 = arith.addi %mul3A_1699, %mul3A_1703 : i32
      %multiple_of3A_1705 = tpu.assume_multiple %add3A_1704, 8 : i32
      %dma_wait3A_1706 = arith.constant 1 : i32
      %dma_wait3A_1707 = arith.constant 4 : i32
      %dma_wait3A_1708 = arith.constant 0 : i32
      %dma_wait3A_1709 = arith.constant 0 : i32
      %dma_wait3A_1710 = tpu.memref_slice %arg12[%dma_wait3A_1706, %dma_wait3A_1707, %dma_wait3A_1708, %dma_wait3A_1709] : memref<2x8x8x128xi32, #tpu.memory_space<vmem>> -> memref<1x1x8x128xi32, #tpu.memory_space<vmem>>
      %dma_wait3A_1711 = tpu.memref_squeeze %dma_wait3A_1710 : memref<1x1x8x128xi32, #tpu.memory_space<vmem>> -> memref<8x128xi32, #tpu.memory_space<vmem>>
      %dma_wait3A_1712 = arith.constant 0 : i32
      %dma_wait3A_1713 = tpu.memref_slice %arg2[%multiple_of3A_1705, %dma_wait3A_1712] : memref<102400x128xi32, #tpu.memory_space<hbm>> -> memref<8x128xi32, #tpu.memory_space<hbm>>
      %dma_wait3A_1714 = arith.constant 0 : i32
      %dma_wait3A_1715 = arith.constant 0 : i32
      %dma_wait3A_1716 = tpu.memref_slice %arg12[%dma_wait3A_1706, %dma_wait3A_1707, %dma_wait3A_1714, %dma_wait3A_1715] : memref<2x8x8x128xi32, #tpu.memory_space<vmem>> -> memref<1x1x8x128xi32, #tpu.memory_space<vmem>>
      %dma_wait3A_1717 = tpu.memref_squeeze %dma_wait3A_1716 : memref<1x1x8x128xi32, #tpu.memory_space<vmem>> -> memref<8x128xi32, #tpu.memory_space<vmem>>
      %dma_wait3A_1718 = arith.constant 0 : i32
      %dma_wait3A_1719 = tpu.memref_slice %arg2[%multiple_of3A_1705, %dma_wait3A_1718] : memref<102400x128xi32, #tpu.memory_space<hbm>> -> memref<8x128xi32, #tpu.memory_space<hbm>>
      tpu.wait_dma2 semaphore(%arg15 : memref<!tpu.dma_semaphore, #tpu.memory_space<semaphore_mem>>) src(%dma_wait3A_1719 : memref<8x128xi32, #tpu.memory_space<hbm>>) dst(%dma_wait3A_1717 : memref<8x128xi32, #tpu.memory_space<vmem>>)
      %mul3A_1720 = arith.constant 8 : i32
      %mul3A_1721 = arith.muli %scan3A_803, %mul3A_1720 : i32
      %add3A_1722 = arith.constant 5 : i32
      %add3A_1723 = arith.addi %mul3A_1721, %add3A_1722 : i32
      %mul3A_1724 = arith.constant 512 : i32
      %mul3A_1725 = arith.muli %add3A_1723, %mul3A_1724 : i32
      %add3A_1726 = arith.constant 2 : i32
      %add3A_1727 = arith.addi %mul3A_2, %add3A_1726 : i32
      %mul3A_1728 = arith.constant 4 : i32
      %mul3A_1729 = arith.muli %add3A_1727, %mul3A_1728 : i32
      %add3A_1730 = arith.addi %mul3A_1725, %mul3A_1729 : i32
      %multiple_of3A_1731 = tpu.assume_multiple %add3A_1730, 8 : i32
      %dma_wait3A_1732 = arith.constant 1 : i32
      %dma_wait3A_1733 = arith.constant 5 : i32
      %dma_wait3A_1734 = arith.constant 0 : i32
      %dma_wait3A_1735 = arith.constant 0 : i32
      %dma_wait3A_1736 = tpu.memref_slice %arg12[%dma_wait3A_1732, %dma_wait3A_1733, %dma_wait3A_1734, %dma_wait3A_1735] : memref<2x8x8x128xi32, #tpu.memory_space<vmem>> -> memref<1x1x8x128xi32, #tpu.memory_space<vmem>>
      %dma_wait3A_1737 = tpu.memref_squeeze %dma_wait3A_1736 : memref<1x1x8x128xi32, #tpu.memory_space<vmem>> -> memref<8x128xi32, #tpu.memory_space<vmem>>
      %dma_wait3A_1738 = arith.constant 0 : i32
      %dma_wait3A_1739 = tpu.memref_slice %arg2[%multiple_of3A_1731, %dma_wait3A_1738] : memref<102400x128xi32, #tpu.memory_space<hbm>> -> memref<8x128xi32, #tpu.memory_space<hbm>>
      %dma_wait3A_1740 = arith.constant 0 : i32
      %dma_wait3A_1741 = arith.constant 0 : i32
      %dma_wait3A_1742 = tpu.memref_slice %arg12[%dma_wait3A_1732, %dma_wait3A_1733, %dma_wait3A_1740, %dma_wait3A_1741] : memref<2x8x8x128xi32, #tpu.memory_space<vmem>> -> memref<1x1x8x128xi32, #tpu.memory_space<vmem>>
      %dma_wait3A_1743 = tpu.memref_squeeze %dma_wait3A_1742 : memref<1x1x8x128xi32, #tpu.memory_space<vmem>> -> memref<8x128xi32, #tpu.memory_space<vmem>>
      %dma_wait3A_1744 = arith.constant 0 : i32
      %dma_wait3A_1745 = tpu.memref_slice %arg2[%multiple_of3A_1731, %dma_wait3A_1744] : memref<102400x128xi32, #tpu.memory_space<hbm>> -> memref<8x128xi32, #tpu.memory_space<hbm>>
      tpu.wait_dma2 semaphore(%arg15 : memref<!tpu.dma_semaphore, #tpu.memory_space<semaphore_mem>>) src(%dma_wait3A_1745 : memref<8x128xi32, #tpu.memory_space<hbm>>) dst(%dma_wait3A_1743 : memref<8x128xi32, #tpu.memory_space<vmem>>)
      %mul3A_1746 = arith.constant 8 : i32
      %mul3A_1747 = arith.muli %scan3A_803, %mul3A_1746 : i32
      %add3A_1748 = arith.constant 6 : i32
      %add3A_1749 = arith.addi %mul3A_1747, %add3A_1748 : i32
      %mul3A_1750 = arith.constant 512 : i32
      %mul3A_1751 = arith.muli %add3A_1749, %mul3A_1750 : i32
      %add3A_1752 = arith.constant 2 : i32
      %add3A_1753 = arith.addi %mul3A_2, %add3A_1752 : i32
      %mul3A_1754 = arith.constant 4 : i32
      %mul3A_1755 = arith.muli %add3A_1753, %mul3A_1754 : i32
      %add3A_1756 = arith.addi %mul3A_1751, %mul3A_1755 : i32
      %multiple_of3A_1757 = tpu.assume_multiple %add3A_1756, 8 : i32
      %dma_wait3A_1758 = arith.constant 1 : i32
      %dma_wait3A_1759 = arith.constant 6 : i32
      %dma_wait3A_1760 = arith.constant 0 : i32
      %dma_wait3A_1761 = arith.constant 0 : i32
      %dma_wait3A_1762 = tpu.memref_slice %arg12[%dma_wait3A_1758, %dma_wait3A_1759, %dma_wait3A_1760, %dma_wait3A_1761] : memref<2x8x8x128xi32, #tpu.memory_space<vmem>> -> memref<1x1x8x128xi32, #tpu.memory_space<vmem>>
      %dma_wait3A_1763 = tpu.memref_squeeze %dma_wait3A_1762 : memref<1x1x8x128xi32, #tpu.memory_space<vmem>> -> memref<8x128xi32, #tpu.memory_space<vmem>>
      %dma_wait3A_1764 = arith.constant 0 : i32
      %dma_wait3A_1765 = tpu.memref_slice %arg2[%multiple_of3A_1757, %dma_wait3A_1764] : memref<102400x128xi32, #tpu.memory_space<hbm>> -> memref<8x128xi32, #tpu.memory_space<hbm>>
      %dma_wait3A_1766 = arith.constant 0 : i32
      %dma_wait3A_1767 = arith.constant 0 : i32
      %dma_wait3A_1768 = tpu.memref_slice %arg12[%dma_wait3A_1758, %dma_wait3A_1759, %dma_wait3A_1766, %dma_wait3A_1767] : memref<2x8x8x128xi32, #tpu.memory_space<vmem>> -> memref<1x1x8x128xi32, #tpu.memory_space<vmem>>
      %dma_wait3A_1769 = tpu.memref_squeeze %dma_wait3A_1768 : memref<1x1x8x128xi32, #tpu.memory_space<vmem>> -> memref<8x128xi32, #tpu.memory_space<vmem>>
      %dma_wait3A_1770 = arith.constant 0 : i32
      %dma_wait3A_1771 = tpu.memref_slice %arg2[%multiple_of3A_1757, %dma_wait3A_1770] : memref<102400x128xi32, #tpu.memory_space<hbm>> -> memref<8x128xi32, #tpu.memory_space<hbm>>
      tpu.wait_dma2 semaphore(%arg15 : memref<!tpu.dma_semaphore, #tpu.memory_space<semaphore_mem>>) src(%dma_wait3A_1771 : memref<8x128xi32, #tpu.memory_space<hbm>>) dst(%dma_wait3A_1769 : memref<8x128xi32, #tpu.memory_space<vmem>>)
      %mul3A_1772 = arith.constant 8 : i32
      %mul3A_1773 = arith.muli %scan3A_803, %mul3A_1772 : i32
      %add3A_1774 = arith.constant 7 : i32
      %add3A_1775 = arith.addi %mul3A_1773, %add3A_1774 : i32
      %mul3A_1776 = arith.constant 512 : i32
      %mul3A_1777 = arith.muli %add3A_1775, %mul3A_1776 : i32
      %add3A_1778 = arith.constant 2 : i32
      %add3A_1779 = arith.addi %mul3A_2, %add3A_1778 : i32
      %mul3A_1780 = arith.constant 4 : i32
      %mul3A_1781 = arith.muli %add3A_1779, %mul3A_1780 : i32
      %add3A_1782 = arith.addi %mul3A_1777, %mul3A_1781 : i32
      %multiple_of3A_1783 = tpu.assume_multiple %add3A_1782, 8 : i32
      %dma_wait3A_1784 = arith.constant 1 : i32
      %dma_wait3A_1785 = arith.constant 7 : i32
      %dma_wait3A_1786 = arith.constant 0 : i32
      %dma_wait3A_1787 = arith.constant 0 : i32
      %dma_wait3A_1788 = tpu.memref_slice %arg12[%dma_wait3A_1784, %dma_wait3A_1785, %dma_wait3A_1786, %dma_wait3A_1787] : memref<2x8x8x128xi32, #tpu.memory_space<vmem>> -> memref<1x1x8x128xi32, #tpu.memory_space<vmem>>
      %dma_wait3A_1789 = tpu.memref_squeeze %dma_wait3A_1788 : memref<1x1x8x128xi32, #tpu.memory_space<vmem>> -> memref<8x128xi32, #tpu.memory_space<vmem>>
      %dma_wait3A_1790 = arith.constant 0 : i32
      %dma_wait3A_1791 = tpu.memref_slice %arg2[%multiple_of3A_1783, %dma_wait3A_1790] : memref<102400x128xi32, #tpu.memory_space<hbm>> -> memref<8x128xi32, #tpu.memory_space<hbm>>
      %dma_wait3A_1792 = arith.constant 0 : i32
      %dma_wait3A_1793 = arith.constant 0 : i32
      %dma_wait3A_1794 = tpu.memref_slice %arg12[%dma_wait3A_1784, %dma_wait3A_1785, %dma_wait3A_1792, %dma_wait3A_1793] : memref<2x8x8x128xi32, #tpu.memory_space<vmem>> -> memref<1x1x8x128xi32, #tpu.memory_space<vmem>>
      %dma_wait3A_1795 = tpu.memref_squeeze %dma_wait3A_1794 : memref<1x1x8x128xi32, #tpu.memory_space<vmem>> -> memref<8x128xi32, #tpu.memory_space<vmem>>
      %dma_wait3A_1796 = arith.constant 0 : i32
      %dma_wait3A_1797 = tpu.memref_slice %arg2[%multiple_of3A_1783, %dma_wait3A_1796] : memref<102400x128xi32, #tpu.memory_space<hbm>> -> memref<8x128xi32, #tpu.memory_space<hbm>>
      tpu.wait_dma2 semaphore(%arg15 : memref<!tpu.dma_semaphore, #tpu.memory_space<semaphore_mem>>) src(%dma_wait3A_1797 : memref<8x128xi32, #tpu.memory_space<hbm>>) dst(%dma_wait3A_1795 : memref<8x128xi32, #tpu.memory_space<vmem>>)
      %gt3A_1798 = arith.constant 0 : i32
      %gt3A_1799 = arith.cmpi sgt, %scan3A_803, %gt3A_1798 : i32
      %convert_element_type3A_1800 = arith.extui %gt3A_1799 : i1 to i32
      %cond3A_1801 = arith.constant 0 : i32
      %cond3A_1802 = arith.cmpi ne, %convert_element_type3A_1800, %cond3A_1801 : i32
      scf.if %cond3A_1802 {
        %sub3A = arith.constant 1 : i32
        %sub3A_2166 = arith.subi %scan3A_803, %sub3A : i32
        %mul3A_2167 = arith.constant 1024 : i32
        %mul3A_2168 = arith.muli %sub3A_2166, %mul3A_2167 : i32
        %add3A_2169 = arith.constant 0 : i32
        %add3A_2170 = arith.addi %add3A_2169, %mul3A_2168 : i32
        %add3A_2171 = arith.constant 2 : i32
        %add3A_2172 = arith.addi %mul3A_2, %add3A_2171 : i32
        %mul3A_2173 = arith.constant 8 : i32
        %mul3A_2174 = arith.muli %add3A_2172, %mul3A_2173 : i32
        %add3A_2175 = arith.addi %add3A_2170, %mul3A_2174 : i32
        %multiple_of3A_2176 = tpu.assume_multiple %add3A_2175, 8 : i32
        %dma_wait3A_2177 = arith.constant 1 : i32
        %dma_wait3A_2178 = arith.constant 0 : i32
        %dma_wait3A_2179 = arith.constant 0 : i32
        %dma_wait3A_2180 = arith.constant 0 : i32
        %dma_wait3A_2181 = tpu.memref_slice %arg13[%dma_wait3A_2177, %dma_wait3A_2178, %dma_wait3A_2179, %dma_wait3A_2180] : memref<2x15x16x128xf32, #tpu.memory_space<vmem>> -> memref<1x1x16x128xf32, #tpu.memory_space<vmem>>
        %dma_wait3A_2182 = tpu.memref_squeeze %dma_wait3A_2181 : memref<1x1x16x128xf32, #tpu.memory_space<vmem>> -> memref<16x128xf32, #tpu.memory_space<vmem>>
        %dma_wait3A_2183 = arith.constant 0 : i32
        %dma_wait3A_2184 = tpu.memref_slice %arg7[%multiple_of3A_2176, %dma_wait3A_2183] : memref<384000x128xf32, #tpu.memory_space<hbm>> -> memref<16x128xf32, #tpu.memory_space<hbm>>
        %dma_wait3A_2185 = arith.constant 0 : i32
        %dma_wait3A_2186 = tpu.memref_slice %arg7[%multiple_of3A_2176, %dma_wait3A_2185] : memref<384000x128xf32, #tpu.memory_space<hbm>> -> memref<16x128xf32, #tpu.memory_space<hbm>>
        %dma_wait3A_2187 = arith.constant 0 : i32
        %dma_wait3A_2188 = arith.constant 0 : i32
        %dma_wait3A_2189 = tpu.memref_slice %arg13[%dma_wait3A_2177, %dma_wait3A_2178, %dma_wait3A_2187, %dma_wait3A_2188] : memref<2x15x16x128xf32, #tpu.memory_space<vmem>> -> memref<1x1x16x128xf32, #tpu.memory_space<vmem>>
        %dma_wait3A_2190 = tpu.memref_squeeze %dma_wait3A_2189 : memref<1x1x16x128xf32, #tpu.memory_space<vmem>> -> memref<16x128xf32, #tpu.memory_space<vmem>>
        tpu.wait_dma2 semaphore(%arg17 : memref<!tpu.dma_semaphore, #tpu.memory_space<semaphore_mem>>) src(%dma_wait3A_2190 : memref<16x128xf32, #tpu.memory_space<vmem>>) dst(%dma_wait3A_2186 : memref<16x128xf32, #tpu.memory_space<hbm>>)
        %mul3A_2191 = arith.constant 1024 : i32
        %mul3A_2192 = arith.muli %sub3A_2166, %mul3A_2191 : i32
        %add3A_2193 = arith.constant 25600 : i32
        %add3A_2194 = arith.addi %add3A_2193, %mul3A_2192 : i32
        %add3A_2195 = arith.constant 2 : i32
        %add3A_2196 = arith.addi %mul3A_2, %add3A_2195 : i32
        %mul3A_2197 = arith.constant 8 : i32
        %mul3A_2198 = arith.muli %add3A_2196, %mul3A_2197 : i32
        %add3A_2199 = arith.addi %add3A_2194, %mul3A_2198 : i32
        %multiple_of3A_2200 = tpu.assume_multiple %add3A_2199, 8 : i32
        %dma_wait3A_2201 = arith.constant 1 : i32
        %dma_wait3A_2202 = arith.constant 1 : i32
        %dma_wait3A_2203 = arith.constant 0 : i32
        %dma_wait3A_2204 = arith.constant 0 : i32
        %dma_wait3A_2205 = tpu.memref_slice %arg13[%dma_wait3A_2201, %dma_wait3A_2202, %dma_wait3A_2203, %dma_wait3A_2204] : memref<2x15x16x128xf32, #tpu.memory_space<vmem>> -> memref<1x1x16x128xf32, #tpu.memory_space<vmem>>
        %dma_wait3A_2206 = tpu.memref_squeeze %dma_wait3A_2205 : memref<1x1x16x128xf32, #tpu.memory_space<vmem>> -> memref<16x128xf32, #tpu.memory_space<vmem>>
        %dma_wait3A_2207 = arith.constant 0 : i32
        %dma_wait3A_2208 = tpu.memref_slice %arg7[%multiple_of3A_2200, %dma_wait3A_2207] : memref<384000x128xf32, #tpu.memory_space<hbm>> -> memref<16x128xf32, #tpu.memory_space<hbm>>
        %dma_wait3A_2209 = arith.constant 0 : i32
        %dma_wait3A_2210 = tpu.memref_slice %arg7[%multiple_of3A_2200, %dma_wait3A_2209] : memref<384000x128xf32, #tpu.memory_space<hbm>> -> memref<16x128xf32, #tpu.memory_space<hbm>>
        %dma_wait3A_2211 = arith.constant 0 : i32
        %dma_wait3A_2212 = arith.constant 0 : i32
        %dma_wait3A_2213 = tpu.memref_slice %arg13[%dma_wait3A_2201, %dma_wait3A_2202, %dma_wait3A_2211, %dma_wait3A_2212] : memref<2x15x16x128xf32, #tpu.memory_space<vmem>> -> memref<1x1x16x128xf32, #tpu.memory_space<vmem>>
        %dma_wait3A_2214 = tpu.memref_squeeze %dma_wait3A_2213 : memref<1x1x16x128xf32, #tpu.memory_space<vmem>> -> memref<16x128xf32, #tpu.memory_space<vmem>>
        tpu.wait_dma2 semaphore(%arg17 : memref<!tpu.dma_semaphore, #tpu.memory_space<semaphore_mem>>) src(%dma_wait3A_2214 : memref<16x128xf32, #tpu.memory_space<vmem>>) dst(%dma_wait3A_2210 : memref<16x128xf32, #tpu.memory_space<hbm>>)
        %mul3A_2215 = arith.constant 1024 : i32
        %mul3A_2216 = arith.muli %sub3A_2166, %mul3A_2215 : i32
        %add3A_2217 = arith.constant 51200 : i32
        %add3A_2218 = arith.addi %add3A_2217, %mul3A_2216 : i32
        %add3A_2219 = arith.constant 2 : i32
        %add3A_2220 = arith.addi %mul3A_2, %add3A_2219 : i32
        %mul3A_2221 = arith.constant 8 : i32
        %mul3A_2222 = arith.muli %add3A_2220, %mul3A_2221 : i32
        %add3A_2223 = arith.addi %add3A_2218, %mul3A_2222 : i32
        %multiple_of3A_2224 = tpu.assume_multiple %add3A_2223, 8 : i32
        %dma_wait3A_2225 = arith.constant 1 : i32
        %dma_wait3A_2226 = arith.constant 2 : i32
        %dma_wait3A_2227 = arith.constant 0 : i32
        %dma_wait3A_2228 = arith.constant 0 : i32
        %dma_wait3A_2229 = tpu.memref_slice %arg13[%dma_wait3A_2225, %dma_wait3A_2226, %dma_wait3A_2227, %dma_wait3A_2228] : memref<2x15x16x128xf32, #tpu.memory_space<vmem>> -> memref<1x1x16x128xf32, #tpu.memory_space<vmem>>
        %dma_wait3A_2230 = tpu.memref_squeeze %dma_wait3A_2229 : memref<1x1x16x128xf32, #tpu.memory_space<vmem>> -> memref<16x128xf32, #tpu.memory_space<vmem>>
        %dma_wait3A_2231 = arith.constant 0 : i32
        %dma_wait3A_2232 = tpu.memref_slice %arg7[%multiple_of3A_2224, %dma_wait3A_2231] : memref<384000x128xf32, #tpu.memory_space<hbm>> -> memref<16x128xf32, #tpu.memory_space<hbm>>
        %dma_wait3A_2233 = arith.constant 0 : i32
        %dma_wait3A_2234 = tpu.memref_slice %arg7[%multiple_of3A_2224, %dma_wait3A_2233] : memref<384000x128xf32, #tpu.memory_space<hbm>> -> memref<16x128xf32, #tpu.memory_space<hbm>>
        %dma_wait3A_2235 = arith.constant 0 : i32
        %dma_wait3A_2236 = arith.constant 0 : i32
        %dma_wait3A_2237 = tpu.memref_slice %arg13[%dma_wait3A_2225, %dma_wait3A_2226, %dma_wait3A_2235, %dma_wait3A_2236] : memref<2x15x16x128xf32, #tpu.memory_space<vmem>> -> memref<1x1x16x128xf32, #tpu.memory_space<vmem>>
        %dma_wait3A_2238 = tpu.memref_squeeze %dma_wait3A_2237 : memref<1x1x16x128xf32, #tpu.memory_space<vmem>> -> memref<16x128xf32, #tpu.memory_space<vmem>>
        tpu.wait_dma2 semaphore(%arg17 : memref<!tpu.dma_semaphore, #tpu.memory_space<semaphore_mem>>) src(%dma_wait3A_2238 : memref<16x128xf32, #tpu.memory_space<vmem>>) dst(%dma_wait3A_2234 : memref<16x128xf32, #tpu.memory_space<hbm>>)
        %mul3A_2239 = arith.constant 1024 : i32
        %mul3A_2240 = arith.muli %sub3A_2166, %mul3A_2239 : i32
        %add3A_2241 = arith.constant 76800 : i32
        %add3A_2242 = arith.addi %add3A_2241, %mul3A_2240 : i32
        %add3A_2243 = arith.constant 2 : i32
        %add3A_2244 = arith.addi %mul3A_2, %add3A_2243 : i32
        %mul3A_2245 = arith.constant 8 : i32
        %mul3A_2246 = arith.muli %add3A_2244, %mul3A_2245 : i32
        %add3A_2247 = arith.addi %add3A_2242, %mul3A_2246 : i32
        %multiple_of3A_2248 = tpu.assume_multiple %add3A_2247, 8 : i32
        %dma_wait3A_2249 = arith.constant 1 : i32
        %dma_wait3A_2250 = arith.constant 3 : i32
        %dma_wait3A_2251 = arith.constant 0 : i32
        %dma_wait3A_2252 = arith.constant 0 : i32
        %dma_wait3A_2253 = tpu.memref_slice %arg13[%dma_wait3A_2249, %dma_wait3A_2250, %dma_wait3A_2251, %dma_wait3A_2252] : memref<2x15x16x128xf32, #tpu.memory_space<vmem>> -> memref<1x1x16x128xf32, #tpu.memory_space<vmem>>
        %dma_wait3A_2254 = tpu.memref_squeeze %dma_wait3A_2253 : memref<1x1x16x128xf32, #tpu.memory_space<vmem>> -> memref<16x128xf32, #tpu.memory_space<vmem>>
        %dma_wait3A_2255 = arith.constant 0 : i32
        %dma_wait3A_2256 = tpu.memref_slice %arg7[%multiple_of3A_2248, %dma_wait3A_2255] : memref<384000x128xf32, #tpu.memory_space<hbm>> -> memref<16x128xf32, #tpu.memory_space<hbm>>
        %dma_wait3A_2257 = arith.constant 0 : i32
        %dma_wait3A_2258 = tpu.memref_slice %arg7[%multiple_of3A_2248, %dma_wait3A_2257] : memref<384000x128xf32, #tpu.memory_space<hbm>> -> memref<16x128xf32, #tpu.memory_space<hbm>>
        %dma_wait3A_2259 = arith.constant 0 : i32
        %dma_wait3A_2260 = arith.constant 0 : i32
        %dma_wait3A_2261 = tpu.memref_slice %arg13[%dma_wait3A_2249, %dma_wait3A_2250, %dma_wait3A_2259, %dma_wait3A_2260] : memref<2x15x16x128xf32, #tpu.memory_space<vmem>> -> memref<1x1x16x128xf32, #tpu.memory_space<vmem>>
        %dma_wait3A_2262 = tpu.memref_squeeze %dma_wait3A_2261 : memref<1x1x16x128xf32, #tpu.memory_space<vmem>> -> memref<16x128xf32, #tpu.memory_space<vmem>>
        tpu.wait_dma2 semaphore(%arg17 : memref<!tpu.dma_semaphore, #tpu.memory_space<semaphore_mem>>) src(%dma_wait3A_2262 : memref<16x128xf32, #tpu.memory_space<vmem>>) dst(%dma_wait3A_2258 : memref<16x128xf32, #tpu.memory_space<hbm>>)
        %mul3A_2263 = arith.constant 1024 : i32
        %mul3A_2264 = arith.muli %sub3A_2166, %mul3A_2263 : i32
        %add3A_2265 = arith.constant 102400 : i32
        %add3A_2266 = arith.addi %add3A_2265, %mul3A_2264 : i32
        %add3A_2267 = arith.constant 2 : i32
        %add3A_2268 = arith.addi %mul3A_2, %add3A_2267 : i32
        %mul3A_2269 = arith.constant 8 : i32
        %mul3A_2270 = arith.muli %add3A_2268, %mul3A_2269 : i32
        %add3A_2271 = arith.addi %add3A_2266, %mul3A_2270 : i32
        %multiple_of3A_2272 = tpu.assume_multiple %add3A_2271, 8 : i32
        %dma_wait3A_2273 = arith.constant 1 : i32
        %dma_wait3A_2274 = arith.constant 4 : i32
        %dma_wait3A_2275 = arith.constant 0 : i32
        %dma_wait3A_2276 = arith.constant 0 : i32
        %dma_wait3A_2277 = tpu.memref_slice %arg13[%dma_wait3A_2273, %dma_wait3A_2274, %dma_wait3A_2275, %dma_wait3A_2276] : memref<2x15x16x128xf32, #tpu.memory_space<vmem>> -> memref<1x1x16x128xf32, #tpu.memory_space<vmem>>
        %dma_wait3A_2278 = tpu.memref_squeeze %dma_wait3A_2277 : memref<1x1x16x128xf32, #tpu.memory_space<vmem>> -> memref<16x128xf32, #tpu.memory_space<vmem>>
        %dma_wait3A_2279 = arith.constant 0 : i32
        %dma_wait3A_2280 = tpu.memref_slice %arg7[%multiple_of3A_2272, %dma_wait3A_2279] : memref<384000x128xf32, #tpu.memory_space<hbm>> -> memref<16x128xf32, #tpu.memory_space<hbm>>
        %dma_wait3A_2281 = arith.constant 0 : i32
        %dma_wait3A_2282 = tpu.memref_slice %arg7[%multiple_of3A_2272, %dma_wait3A_2281] : memref<384000x128xf32, #tpu.memory_space<hbm>> -> memref<16x128xf32, #tpu.memory_space<hbm>>
        %dma_wait3A_2283 = arith.constant 0 : i32
        %dma_wait3A_2284 = arith.constant 0 : i32
        %dma_wait3A_2285 = tpu.memref_slice %arg13[%dma_wait3A_2273, %dma_wait3A_2274, %dma_wait3A_2283, %dma_wait3A_2284] : memref<2x15x16x128xf32, #tpu.memory_space<vmem>> -> memref<1x1x16x128xf32, #tpu.memory_space<vmem>>
        %dma_wait3A_2286 = tpu.memref_squeeze %dma_wait3A_2285 : memref<1x1x16x128xf32, #tpu.memory_space<vmem>> -> memref<16x128xf32, #tpu.memory_space<vmem>>
        tpu.wait_dma2 semaphore(%arg17 : memref<!tpu.dma_semaphore, #tpu.memory_space<semaphore_mem>>) src(%dma_wait3A_2286 : memref<16x128xf32, #tpu.memory_space<vmem>>) dst(%dma_wait3A_2282 : memref<16x128xf32, #tpu.memory_space<hbm>>)
        %mul3A_2287 = arith.constant 1024 : i32
        %mul3A_2288 = arith.muli %sub3A_2166, %mul3A_2287 : i32
        %add3A_2289 = arith.constant 128000 : i32
        %add3A_2290 = arith.addi %add3A_2289, %mul3A_2288 : i32
        %add3A_2291 = arith.constant 2 : i32
        %add3A_2292 = arith.addi %mul3A_2, %add3A_2291 : i32
        %mul3A_2293 = arith.constant 8 : i32
        %mul3A_2294 = arith.muli %add3A_2292, %mul3A_2293 : i32
        %add3A_2295 = arith.addi %add3A_2290, %mul3A_2294 : i32
        %multiple_of3A_2296 = tpu.assume_multiple %add3A_2295, 8 : i32
        %dma_wait3A_2297 = arith.constant 1 : i32
        %dma_wait3A_2298 = arith.constant 5 : i32
        %dma_wait3A_2299 = arith.constant 0 : i32
        %dma_wait3A_2300 = arith.constant 0 : i32
        %dma_wait3A_2301 = tpu.memref_slice %arg13[%dma_wait3A_2297, %dma_wait3A_2298, %dma_wait3A_2299, %dma_wait3A_2300] : memref<2x15x16x128xf32, #tpu.memory_space<vmem>> -> memref<1x1x16x128xf32, #tpu.memory_space<vmem>>
        %dma_wait3A_2302 = tpu.memref_squeeze %dma_wait3A_2301 : memref<1x1x16x128xf32, #tpu.memory_space<vmem>> -> memref<16x128xf32, #tpu.memory_space<vmem>>
        %dma_wait3A_2303 = arith.constant 0 : i32
        %dma_wait3A_2304 = tpu.memref_slice %arg7[%multiple_of3A_2296, %dma_wait3A_2303] : memref<384000x128xf32, #tpu.memory_space<hbm>> -> memref<16x128xf32, #tpu.memory_space<hbm>>
        %dma_wait3A_2305 = arith.constant 0 : i32
        %dma_wait3A_2306 = tpu.memref_slice %arg7[%multiple_of3A_2296, %dma_wait3A_2305] : memref<384000x128xf32, #tpu.memory_space<hbm>> -> memref<16x128xf32, #tpu.memory_space<hbm>>
        %dma_wait3A_2307 = arith.constant 0 : i32
        %dma_wait3A_2308 = arith.constant 0 : i32
        %dma_wait3A_2309 = tpu.memref_slice %arg13[%dma_wait3A_2297, %dma_wait3A_2298, %dma_wait3A_2307, %dma_wait3A_2308] : memref<2x15x16x128xf32, #tpu.memory_space<vmem>> -> memref<1x1x16x128xf32, #tpu.memory_space<vmem>>
        %dma_wait3A_2310 = tpu.memref_squeeze %dma_wait3A_2309 : memref<1x1x16x128xf32, #tpu.memory_space<vmem>> -> memref<16x128xf32, #tpu.memory_space<vmem>>
        tpu.wait_dma2 semaphore(%arg17 : memref<!tpu.dma_semaphore, #tpu.memory_space<semaphore_mem>>) src(%dma_wait3A_2310 : memref<16x128xf32, #tpu.memory_space<vmem>>) dst(%dma_wait3A_2306 : memref<16x128xf32, #tpu.memory_space<hbm>>)
        %mul3A_2311 = arith.constant 1024 : i32
        %mul3A_2312 = arith.muli %sub3A_2166, %mul3A_2311 : i32
        %add3A_2313 = arith.constant 153600 : i32
        %add3A_2314 = arith.addi %add3A_2313, %mul3A_2312 : i32
        %add3A_2315 = arith.constant 2 : i32
        %add3A_2316 = arith.addi %mul3A_2, %add3A_2315 : i32
        %mul3A_2317 = arith.constant 8 : i32
        %mul3A_2318 = arith.muli %add3A_2316, %mul3A_2317 : i32
        %add3A_2319 = arith.addi %add3A_2314, %mul3A_2318 : i32
        %multiple_of3A_2320 = tpu.assume_multiple %add3A_2319, 8 : i32
        %dma_wait3A_2321 = arith.constant 1 : i32
        %dma_wait3A_2322 = arith.constant 6 : i32
        %dma_wait3A_2323 = arith.constant 0 : i32
        %dma_wait3A_2324 = arith.constant 0 : i32
        %dma_wait3A_2325 = tpu.memref_slice %arg13[%dma_wait3A_2321, %dma_wait3A_2322, %dma_wait3A_2323, %dma_wait3A_2324] : memref<2x15x16x128xf32, #tpu.memory_space<vmem>> -> memref<1x1x16x128xf32, #tpu.memory_space<vmem>>
        %dma_wait3A_2326 = tpu.memref_squeeze %dma_wait3A_2325 : memref<1x1x16x128xf32, #tpu.memory_space<vmem>> -> memref<16x128xf32, #tpu.memory_space<vmem>>
        %dma_wait3A_2327 = arith.constant 0 : i32
        %dma_wait3A_2328 = tpu.memref_slice %arg7[%multiple_of3A_2320, %dma_wait3A_2327] : memref<384000x128xf32, #tpu.memory_space<hbm>> -> memref<16x128xf32, #tpu.memory_space<hbm>>
        %dma_wait3A_2329 = arith.constant 0 : i32
        %dma_wait3A_2330 = tpu.memref_slice %arg7[%multiple_of3A_2320, %dma_wait3A_2329] : memref<384000x128xf32, #tpu.memory_space<hbm>> -> memref<16x128xf32, #tpu.memory_space<hbm>>
        %dma_wait3A_2331 = arith.constant 0 : i32
        %dma_wait3A_2332 = arith.constant 0 : i32
        %dma_wait3A_2333 = tpu.memref_slice %arg13[%dma_wait3A_2321, %dma_wait3A_2322, %dma_wait3A_2331, %dma_wait3A_2332] : memref<2x15x16x128xf32, #tpu.memory_space<vmem>> -> memref<1x1x16x128xf32, #tpu.memory_space<vmem>>
        %dma_wait3A_2334 = tpu.memref_squeeze %dma_wait3A_2333 : memref<1x1x16x128xf32, #tpu.memory_space<vmem>> -> memref<16x128xf32, #tpu.memory_space<vmem>>
        tpu.wait_dma2 semaphore(%arg17 : memref<!tpu.dma_semaphore, #tpu.memory_space<semaphore_mem>>) src(%dma_wait3A_2334 : memref<16x128xf32, #tpu.memory_space<vmem>>) dst(%dma_wait3A_2330 : memref<16x128xf32, #tpu.memory_space<hbm>>)
        %mul3A_2335 = arith.constant 1024 : i32
        %mul3A_2336 = arith.muli %sub3A_2166, %mul3A_2335 : i32
        %add3A_2337 = arith.constant 179200 : i32
        %add3A_2338 = arith.addi %add3A_2337, %mul3A_2336 : i32
        %add3A_2339 = arith.constant 2 : i32
        %add3A_2340 = arith.addi %mul3A_2, %add3A_2339 : i32
        %mul3A_2341 = arith.constant 8 : i32
        %mul3A_2342 = arith.muli %add3A_2340, %mul3A_2341 : i32
        %add3A_2343 = arith.addi %add3A_2338, %mul3A_2342 : i32
        %multiple_of3A_2344 = tpu.assume_multiple %add3A_2343, 8 : i32
        %dma_wait3A_2345 = arith.constant 1 : i32
        %dma_wait3A_2346 = arith.constant 7 : i32
        %dma_wait3A_2347 = arith.constant 0 : i32
        %dma_wait3A_2348 = arith.constant 0 : i32
        %dma_wait3A_2349 = tpu.memref_slice %arg13[%dma_wait3A_2345, %dma_wait3A_2346, %dma_wait3A_2347, %dma_wait3A_2348] : memref<2x15x16x128xf32, #tpu.memory_space<vmem>> -> memref<1x1x16x128xf32, #tpu.memory_space<vmem>>
        %dma_wait3A_2350 = tpu.memref_squeeze %dma_wait3A_2349 : memref<1x1x16x128xf32, #tpu.memory_space<vmem>> -> memref<16x128xf32, #tpu.memory_space<vmem>>
        %dma_wait3A_2351 = arith.constant 0 : i32
        %dma_wait3A_2352 = tpu.memref_slice %arg7[%multiple_of3A_2344, %dma_wait3A_2351] : memref<384000x128xf32, #tpu.memory_space<hbm>> -> memref<16x128xf32, #tpu.memory_space<hbm>>
        %dma_wait3A_2353 = arith.constant 0 : i32
        %dma_wait3A_2354 = tpu.memref_slice %arg7[%multiple_of3A_2344, %dma_wait3A_2353] : memref<384000x128xf32, #tpu.memory_space<hbm>> -> memref<16x128xf32, #tpu.memory_space<hbm>>
        %dma_wait3A_2355 = arith.constant 0 : i32
        %dma_wait3A_2356 = arith.constant 0 : i32
        %dma_wait3A_2357 = tpu.memref_slice %arg13[%dma_wait3A_2345, %dma_wait3A_2346, %dma_wait3A_2355, %dma_wait3A_2356] : memref<2x15x16x128xf32, #tpu.memory_space<vmem>> -> memref<1x1x16x128xf32, #tpu.memory_space<vmem>>
        %dma_wait3A_2358 = tpu.memref_squeeze %dma_wait3A_2357 : memref<1x1x16x128xf32, #tpu.memory_space<vmem>> -> memref<16x128xf32, #tpu.memory_space<vmem>>
        tpu.wait_dma2 semaphore(%arg17 : memref<!tpu.dma_semaphore, #tpu.memory_space<semaphore_mem>>) src(%dma_wait3A_2358 : memref<16x128xf32, #tpu.memory_space<vmem>>) dst(%dma_wait3A_2354 : memref<16x128xf32, #tpu.memory_space<hbm>>)
        %mul3A_2359 = arith.constant 1024 : i32
        %mul3A_2360 = arith.muli %sub3A_2166, %mul3A_2359 : i32
        %add3A_2361 = arith.constant 204800 : i32
        %add3A_2362 = arith.addi %add3A_2361, %mul3A_2360 : i32
        %add3A_2363 = arith.constant 2 : i32
        %add3A_2364 = arith.addi %mul3A_2, %add3A_2363 : i32
        %mul3A_2365 = arith.constant 8 : i32
        %mul3A_2366 = arith.muli %add3A_2364, %mul3A_2365 : i32
        %add3A_2367 = arith.addi %add3A_2362, %mul3A_2366 : i32
        %multiple_of3A_2368 = tpu.assume_multiple %add3A_2367, 8 : i32
        %dma_wait3A_2369 = arith.constant 1 : i32
        %dma_wait3A_2370 = arith.constant 8 : i32
        %dma_wait3A_2371 = arith.constant 0 : i32
        %dma_wait3A_2372 = arith.constant 0 : i32
        %dma_wait3A_2373 = tpu.memref_slice %arg13[%dma_wait3A_2369, %dma_wait3A_2370, %dma_wait3A_2371, %dma_wait3A_2372] : memref<2x15x16x128xf32, #tpu.memory_space<vmem>> -> memref<1x1x16x128xf32, #tpu.memory_space<vmem>>
        %dma_wait3A_2374 = tpu.memref_squeeze %dma_wait3A_2373 : memref<1x1x16x128xf32, #tpu.memory_space<vmem>> -> memref<16x128xf32, #tpu.memory_space<vmem>>
        %dma_wait3A_2375 = arith.constant 0 : i32
        %dma_wait3A_2376 = tpu.memref_slice %arg7[%multiple_of3A_2368, %dma_wait3A_2375] : memref<384000x128xf32, #tpu.memory_space<hbm>> -> memref<16x128xf32, #tpu.memory_space<hbm>>
        %dma_wait3A_2377 = arith.constant 0 : i32
        %dma_wait3A_2378 = tpu.memref_slice %arg7[%multiple_of3A_2368, %dma_wait3A_2377] : memref<384000x128xf32, #tpu.memory_space<hbm>> -> memref<16x128xf32, #tpu.memory_space<hbm>>
        %dma_wait3A_2379 = arith.constant 0 : i32
        %dma_wait3A_2380 = arith.constant 0 : i32
        %dma_wait3A_2381 = tpu.memref_slice %arg13[%dma_wait3A_2369, %dma_wait3A_2370, %dma_wait3A_2379, %dma_wait3A_2380] : memref<2x15x16x128xf32, #tpu.memory_space<vmem>> -> memref<1x1x16x128xf32, #tpu.memory_space<vmem>>
        %dma_wait3A_2382 = tpu.memref_squeeze %dma_wait3A_2381 : memref<1x1x16x128xf32, #tpu.memory_space<vmem>> -> memref<16x128xf32, #tpu.memory_space<vmem>>
        tpu.wait_dma2 semaphore(%arg17 : memref<!tpu.dma_semaphore, #tpu.memory_space<semaphore_mem>>) src(%dma_wait3A_2382 : memref<16x128xf32, #tpu.memory_space<vmem>>) dst(%dma_wait3A_2378 : memref<16x128xf32, #tpu.memory_space<hbm>>)
        %mul3A_2383 = arith.constant 1024 : i32
        %mul3A_2384 = arith.muli %sub3A_2166, %mul3A_2383 : i32
        %add3A_2385 = arith.constant 230400 : i32
        %add3A_2386 = arith.addi %add3A_2385, %mul3A_2384 : i32
        %add3A_2387 = arith.constant 2 : i32
        %add3A_2388 = arith.addi %mul3A_2, %add3A_2387 : i32
        %mul3A_2389 = arith.constant 8 : i32
        %mul3A_2390 = arith.muli %add3A_2388, %mul3A_2389 : i32
        %add3A_2391 = arith.addi %add3A_2386, %mul3A_2390 : i32
        %multiple_of3A_2392 = tpu.assume_multiple %add3A_2391, 8 : i32
        %dma_wait3A_2393 = arith.constant 1 : i32
        %dma_wait3A_2394 = arith.constant 9 : i32
        %dma_wait3A_2395 = arith.constant 0 : i32
        %dma_wait3A_2396 = arith.constant 0 : i32
        %dma_wait3A_2397 = tpu.memref_slice %arg13[%dma_wait3A_2393, %dma_wait3A_2394, %dma_wait3A_2395, %dma_wait3A_2396] : memref<2x15x16x128xf32, #tpu.memory_space<vmem>> -> memref<1x1x16x128xf32, #tpu.memory_space<vmem>>
        %dma_wait3A_2398 = tpu.memref_squeeze %dma_wait3A_2397 : memref<1x1x16x128xf32, #tpu.memory_space<vmem>> -> memref<16x128xf32, #tpu.memory_space<vmem>>
        %dma_wait3A_2399 = arith.constant 0 : i32
        %dma_wait3A_2400 = tpu.memref_slice %arg7[%multiple_of3A_2392, %dma_wait3A_2399] : memref<384000x128xf32, #tpu.memory_space<hbm>> -> memref<16x128xf32, #tpu.memory_space<hbm>>
        %dma_wait3A_2401 = arith.constant 0 : i32
        %dma_wait3A_2402 = tpu.memref_slice %arg7[%multiple_of3A_2392, %dma_wait3A_2401] : memref<384000x128xf32, #tpu.memory_space<hbm>> -> memref<16x128xf32, #tpu.memory_space<hbm>>
        %dma_wait3A_2403 = arith.constant 0 : i32
        %dma_wait3A_2404 = arith.constant 0 : i32
        %dma_wait3A_2405 = tpu.memref_slice %arg13[%dma_wait3A_2393, %dma_wait3A_2394, %dma_wait3A_2403, %dma_wait3A_2404] : memref<2x15x16x128xf32, #tpu.memory_space<vmem>> -> memref<1x1x16x128xf32, #tpu.memory_space<vmem>>
        %dma_wait3A_2406 = tpu.memref_squeeze %dma_wait3A_2405 : memref<1x1x16x128xf32, #tpu.memory_space<vmem>> -> memref<16x128xf32, #tpu.memory_space<vmem>>
        tpu.wait_dma2 semaphore(%arg17 : memref<!tpu.dma_semaphore, #tpu.memory_space<semaphore_mem>>) src(%dma_wait3A_2406 : memref<16x128xf32, #tpu.memory_space<vmem>>) dst(%dma_wait3A_2402 : memref<16x128xf32, #tpu.memory_space<hbm>>)
        %mul3A_2407 = arith.constant 1024 : i32
        %mul3A_2408 = arith.muli %sub3A_2166, %mul3A_2407 : i32
        %add3A_2409 = arith.constant 256000 : i32
        %add3A_2410 = arith.addi %add3A_2409, %mul3A_2408 : i32
        %add3A_2411 = arith.constant 2 : i32
        %add3A_2412 = arith.addi %mul3A_2, %add3A_2411 : i32
        %mul3A_2413 = arith.constant 8 : i32
        %mul3A_2414 = arith.muli %add3A_2412, %mul3A_2413 : i32
        %add3A_2415 = arith.addi %add3A_2410, %mul3A_2414 : i32
        %multiple_of3A_2416 = tpu.assume_multiple %add3A_2415, 8 : i32
        %dma_wait3A_2417 = arith.constant 1 : i32
        %dma_wait3A_2418 = arith.constant 10 : i32
        %dma_wait3A_2419 = arith.constant 0 : i32
        %dma_wait3A_2420 = arith.constant 0 : i32
        %dma_wait3A_2421 = tpu.memref_slice %arg13[%dma_wait3A_2417, %dma_wait3A_2418, %dma_wait3A_2419, %dma_wait3A_2420] : memref<2x15x16x128xf32, #tpu.memory_space<vmem>> -> memref<1x1x16x128xf32, #tpu.memory_space<vmem>>
        %dma_wait3A_2422 = tpu.memref_squeeze %dma_wait3A_2421 : memref<1x1x16x128xf32, #tpu.memory_space<vmem>> -> memref<16x128xf32, #tpu.memory_space<vmem>>
        %dma_wait3A_2423 = arith.constant 0 : i32
        %dma_wait3A_2424 = tpu.memref_slice %arg7[%multiple_of3A_2416, %dma_wait3A_2423] : memref<384000x128xf32, #tpu.memory_space<hbm>> -> memref<16x128xf32, #tpu.memory_space<hbm>>
        %dma_wait3A_2425 = arith.constant 0 : i32
        %dma_wait3A_2426 = tpu.memref_slice %arg7[%multiple_of3A_2416, %dma_wait3A_2425] : memref<384000x128xf32, #tpu.memory_space<hbm>> -> memref<16x128xf32, #tpu.memory_space<hbm>>
        %dma_wait3A_2427 = arith.constant 0 : i32
        %dma_wait3A_2428 = arith.constant 0 : i32
        %dma_wait3A_2429 = tpu.memref_slice %arg13[%dma_wait3A_2417, %dma_wait3A_2418, %dma_wait3A_2427, %dma_wait3A_2428] : memref<2x15x16x128xf32, #tpu.memory_space<vmem>> -> memref<1x1x16x128xf32, #tpu.memory_space<vmem>>
        %dma_wait3A_2430 = tpu.memref_squeeze %dma_wait3A_2429 : memref<1x1x16x128xf32, #tpu.memory_space<vmem>> -> memref<16x128xf32, #tpu.memory_space<vmem>>
        tpu.wait_dma2 semaphore(%arg17 : memref<!tpu.dma_semaphore, #tpu.memory_space<semaphore_mem>>) src(%dma_wait3A_2430 : memref<16x128xf32, #tpu.memory_space<vmem>>) dst(%dma_wait3A_2426 : memref<16x128xf32, #tpu.memory_space<hbm>>)
        %mul3A_2431 = arith.constant 1024 : i32
        %mul3A_2432 = arith.muli %sub3A_2166, %mul3A_2431 : i32
        %add3A_2433 = arith.constant 281600 : i32
        %add3A_2434 = arith.addi %add3A_2433, %mul3A_2432 : i32
        %add3A_2435 = arith.constant 2 : i32
        %add3A_2436 = arith.addi %mul3A_2, %add3A_2435 : i32
        %mul3A_2437 = arith.constant 8 : i32
        %mul3A_2438 = arith.muli %add3A_2436, %mul3A_2437 : i32
        %add3A_2439 = arith.addi %add3A_2434, %mul3A_2438 : i32
        %multiple_of3A_2440 = tpu.assume_multiple %add3A_2439, 8 : i32
        %dma_wait3A_2441 = arith.constant 1 : i32
        %dma_wait3A_2442 = arith.constant 11 : i32
        %dma_wait3A_2443 = arith.constant 0 : i32
        %dma_wait3A_2444 = arith.constant 0 : i32
        %dma_wait3A_2445 = tpu.memref_slice %arg13[%dma_wait3A_2441, %dma_wait3A_2442, %dma_wait3A_2443, %dma_wait3A_2444] : memref<2x15x16x128xf32, #tpu.memory_space<vmem>> -> memref<1x1x16x128xf32, #tpu.memory_space<vmem>>
        %dma_wait3A_2446 = tpu.memref_squeeze %dma_wait3A_2445 : memref<1x1x16x128xf32, #tpu.memory_space<vmem>> -> memref<16x128xf32, #tpu.memory_space<vmem>>
        %dma_wait3A_2447 = arith.constant 0 : i32
        %dma_wait3A_2448 = tpu.memref_slice %arg7[%multiple_of3A_2440, %dma_wait3A_2447] : memref<384000x128xf32, #tpu.memory_space<hbm>> -> memref<16x128xf32, #tpu.memory_space<hbm>>
        %dma_wait3A_2449 = arith.constant 0 : i32
        %dma_wait3A_2450 = tpu.memref_slice %arg7[%multiple_of3A_2440, %dma_wait3A_2449] : memref<384000x128xf32, #tpu.memory_space<hbm>> -> memref<16x128xf32, #tpu.memory_space<hbm>>
        %dma_wait3A_2451 = arith.constant 0 : i32
        %dma_wait3A_2452 = arith.constant 0 : i32
        %dma_wait3A_2453 = tpu.memref_slice %arg13[%dma_wait3A_2441, %dma_wait3A_2442, %dma_wait3A_2451, %dma_wait3A_2452] : memref<2x15x16x128xf32, #tpu.memory_space<vmem>> -> memref<1x1x16x128xf32, #tpu.memory_space<vmem>>
        %dma_wait3A_2454 = tpu.memref_squeeze %dma_wait3A_2453 : memref<1x1x16x128xf32, #tpu.memory_space<vmem>> -> memref<16x128xf32, #tpu.memory_space<vmem>>
        tpu.wait_dma2 semaphore(%arg17 : memref<!tpu.dma_semaphore, #tpu.memory_space<semaphore_mem>>) src(%dma_wait3A_2454 : memref<16x128xf32, #tpu.memory_space<vmem>>) dst(%dma_wait3A_2450 : memref<16x128xf32, #tpu.memory_space<hbm>>)
        %mul3A_2455 = arith.constant 1024 : i32
        %mul3A_2456 = arith.muli %sub3A_2166, %mul3A_2455 : i32
        %add3A_2457 = arith.constant 307200 : i32
        %add3A_2458 = arith.addi %add3A_2457, %mul3A_2456 : i32
        %add3A_2459 = arith.constant 2 : i32
        %add3A_2460 = arith.addi %mul3A_2, %add3A_2459 : i32
        %mul3A_2461 = arith.constant 8 : i32
        %mul3A_2462 = arith.muli %add3A_2460, %mul3A_2461 : i32
        %add3A_2463 = arith.addi %add3A_2458, %mul3A_2462 : i32
        %multiple_of3A_2464 = tpu.assume_multiple %add3A_2463, 8 : i32
        %dma_wait3A_2465 = arith.constant 1 : i32
        %dma_wait3A_2466 = arith.constant 12 : i32
        %dma_wait3A_2467 = arith.constant 0 : i32
        %dma_wait3A_2468 = arith.constant 0 : i32
        %dma_wait3A_2469 = tpu.memref_slice %arg13[%dma_wait3A_2465, %dma_wait3A_2466, %dma_wait3A_2467, %dma_wait3A_2468] : memref<2x15x16x128xf32, #tpu.memory_space<vmem>> -> memref<1x1x16x128xf32, #tpu.memory_space<vmem>>
        %dma_wait3A_2470 = tpu.memref_squeeze %dma_wait3A_2469 : memref<1x1x16x128xf32, #tpu.memory_space<vmem>> -> memref<16x128xf32, #tpu.memory_space<vmem>>
        %dma_wait3A_2471 = arith.constant 0 : i32
        %dma_wait3A_2472 = tpu.memref_slice %arg7[%multiple_of3A_2464, %dma_wait3A_2471] : memref<384000x128xf32, #tpu.memory_space<hbm>> -> memref<16x128xf32, #tpu.memory_space<hbm>>
        %dma_wait3A_2473 = arith.constant 0 : i32
        %dma_wait3A_2474 = tpu.memref_slice %arg7[%multiple_of3A_2464, %dma_wait3A_2473] : memref<384000x128xf32, #tpu.memory_space<hbm>> -> memref<16x128xf32, #tpu.memory_space<hbm>>
        %dma_wait3A_2475 = arith.constant 0 : i32
        %dma_wait3A_2476 = arith.constant 0 : i32
        %dma_wait3A_2477 = tpu.memref_slice %arg13[%dma_wait3A_2465, %dma_wait3A_2466, %dma_wait3A_2475, %dma_wait3A_2476] : memref<2x15x16x128xf32, #tpu.memory_space<vmem>> -> memref<1x1x16x128xf32, #tpu.memory_space<vmem>>
        %dma_wait3A_2478 = tpu.memref_squeeze %dma_wait3A_2477 : memref<1x1x16x128xf32, #tpu.memory_space<vmem>> -> memref<16x128xf32, #tpu.memory_space<vmem>>
        tpu.wait_dma2 semaphore(%arg17 : memref<!tpu.dma_semaphore, #tpu.memory_space<semaphore_mem>>) src(%dma_wait3A_2478 : memref<16x128xf32, #tpu.memory_space<vmem>>) dst(%dma_wait3A_2474 : memref<16x128xf32, #tpu.memory_space<hbm>>)
        %mul3A_2479 = arith.constant 1024 : i32
        %mul3A_2480 = arith.muli %sub3A_2166, %mul3A_2479 : i32
        %add3A_2481 = arith.constant 332800 : i32
        %add3A_2482 = arith.addi %add3A_2481, %mul3A_2480 : i32
        %add3A_2483 = arith.constant 2 : i32
        %add3A_2484 = arith.addi %mul3A_2, %add3A_2483 : i32
        %mul3A_2485 = arith.constant 8 : i32
        %mul3A_2486 = arith.muli %add3A_2484, %mul3A_2485 : i32
        %add3A_2487 = arith.addi %add3A_2482, %mul3A_2486 : i32
        %multiple_of3A_2488 = tpu.assume_multiple %add3A_2487, 8 : i32
        %dma_wait3A_2489 = arith.constant 1 : i32
        %dma_wait3A_2490 = arith.constant 13 : i32
        %dma_wait3A_2491 = arith.constant 0 : i32
        %dma_wait3A_2492 = arith.constant 0 : i32
        %dma_wait3A_2493 = tpu.memref_slice %arg13[%dma_wait3A_2489, %dma_wait3A_2490, %dma_wait3A_2491, %dma_wait3A_2492] : memref<2x15x16x128xf32, #tpu.memory_space<vmem>> -> memref<1x1x16x128xf32, #tpu.memory_space<vmem>>
        %dma_wait3A_2494 = tpu.memref_squeeze %dma_wait3A_2493 : memref<1x1x16x128xf32, #tpu.memory_space<vmem>> -> memref<16x128xf32, #tpu.memory_space<vmem>>
        %dma_wait3A_2495 = arith.constant 0 : i32
        %dma_wait3A_2496 = tpu.memref_slice %arg7[%multiple_of3A_2488, %dma_wait3A_2495] : memref<384000x128xf32, #tpu.memory_space<hbm>> -> memref<16x128xf32, #tpu.memory_space<hbm>>
        %dma_wait3A_2497 = arith.constant 0 : i32
        %dma_wait3A_2498 = tpu.memref_slice %arg7[%multiple_of3A_2488, %dma_wait3A_2497] : memref<384000x128xf32, #tpu.memory_space<hbm>> -> memref<16x128xf32, #tpu.memory_space<hbm>>
        %dma_wait3A_2499 = arith.constant 0 : i32
        %dma_wait3A_2500 = arith.constant 0 : i32
        %dma_wait3A_2501 = tpu.memref_slice %arg13[%dma_wait3A_2489, %dma_wait3A_2490, %dma_wait3A_2499, %dma_wait3A_2500] : memref<2x15x16x128xf32, #tpu.memory_space<vmem>> -> memref<1x1x16x128xf32, #tpu.memory_space<vmem>>
        %dma_wait3A_2502 = tpu.memref_squeeze %dma_wait3A_2501 : memref<1x1x16x128xf32, #tpu.memory_space<vmem>> -> memref<16x128xf32, #tpu.memory_space<vmem>>
        tpu.wait_dma2 semaphore(%arg17 : memref<!tpu.dma_semaphore, #tpu.memory_space<semaphore_mem>>) src(%dma_wait3A_2502 : memref<16x128xf32, #tpu.memory_space<vmem>>) dst(%dma_wait3A_2498 : memref<16x128xf32, #tpu.memory_space<hbm>>)
        %mul3A_2503 = arith.constant 1024 : i32
        %mul3A_2504 = arith.muli %sub3A_2166, %mul3A_2503 : i32
        %add3A_2505 = arith.constant 358400 : i32
        %add3A_2506 = arith.addi %add3A_2505, %mul3A_2504 : i32
        %add3A_2507 = arith.constant 2 : i32
        %add3A_2508 = arith.addi %mul3A_2, %add3A_2507 : i32
        %mul3A_2509 = arith.constant 8 : i32
        %mul3A_2510 = arith.muli %add3A_2508, %mul3A_2509 : i32
        %add3A_2511 = arith.addi %add3A_2506, %mul3A_2510 : i32
        %multiple_of3A_2512 = tpu.assume_multiple %add3A_2511, 8 : i32
        %dma_wait3A_2513 = arith.constant 1 : i32
        %dma_wait3A_2514 = arith.constant 14 : i32
        %dma_wait3A_2515 = arith.constant 0 : i32
        %dma_wait3A_2516 = arith.constant 0 : i32
        %dma_wait3A_2517 = tpu.memref_slice %arg13[%dma_wait3A_2513, %dma_wait3A_2514, %dma_wait3A_2515, %dma_wait3A_2516] : memref<2x15x16x128xf32, #tpu.memory_space<vmem>> -> memref<1x1x16x128xf32, #tpu.memory_space<vmem>>
        %dma_wait3A_2518 = tpu.memref_squeeze %dma_wait3A_2517 : memref<1x1x16x128xf32, #tpu.memory_space<vmem>> -> memref<16x128xf32, #tpu.memory_space<vmem>>
        %dma_wait3A_2519 = arith.constant 0 : i32
        %dma_wait3A_2520 = tpu.memref_slice %arg7[%multiple_of3A_2512, %dma_wait3A_2519] : memref<384000x128xf32, #tpu.memory_space<hbm>> -> memref<16x128xf32, #tpu.memory_space<hbm>>
        %dma_wait3A_2521 = arith.constant 0 : i32
        %dma_wait3A_2522 = tpu.memref_slice %arg7[%multiple_of3A_2512, %dma_wait3A_2521] : memref<384000x128xf32, #tpu.memory_space<hbm>> -> memref<16x128xf32, #tpu.memory_space<hbm>>
        %dma_wait3A_2523 = arith.constant 0 : i32
        %dma_wait3A_2524 = arith.constant 0 : i32
        %dma_wait3A_2525 = tpu.memref_slice %arg13[%dma_wait3A_2513, %dma_wait3A_2514, %dma_wait3A_2523, %dma_wait3A_2524] : memref<2x15x16x128xf32, #tpu.memory_space<vmem>> -> memref<1x1x16x128xf32, #tpu.memory_space<vmem>>
        %dma_wait3A_2526 = tpu.memref_squeeze %dma_wait3A_2525 : memref<1x1x16x128xf32, #tpu.memory_space<vmem>> -> memref<16x128xf32, #tpu.memory_space<vmem>>
        tpu.wait_dma2 semaphore(%arg17 : memref<!tpu.dma_semaphore, #tpu.memory_space<semaphore_mem>>) src(%dma_wait3A_2526 : memref<16x128xf32, #tpu.memory_space<vmem>>) dst(%dma_wait3A_2522 : memref<16x128xf32, #tpu.memory_space<hbm>>)
      } else {
      }
      %parallel_loop3A_1803 = arith.constant 0 : i32
      %parallel_loop3A_1804 = arith.constant 128 : i32
      %parallel_loop3A_1805 = arith.constant 1 : i32
      scf.for %parallel_loop3A_2166 = %parallel_loop3A_1803 to %parallel_loop3A_1804 step %parallel_loop3A_1805  : i32 {
        %parallel_loop3A_2167 = arith.constant 8 : i32
        %parallel_loop3A_2168 = arith.constant 0 : i32
        %parallel_loop3A_2169 = arith.cmpi eq, %parallel_loop3A_2167, %parallel_loop3A_2168 : i32
        %parallel_loop3A_2170 = arith.constant 1 : i32
        %parallel_loop3A_2171 = arith.select %parallel_loop3A_2169, %parallel_loop3A_2170, %parallel_loop3A_2167 : i32
        %parallel_loop3A_2172 = arith.remsi %parallel_loop3A_2166, %parallel_loop3A_2171 : i32
        %parallel_loop3A_2173 = arith.constant 0 : i32
        %parallel_loop3A_2174 = arith.cmpi ne, %parallel_loop3A_2172, %parallel_loop3A_2173 : i32
        %parallel_loop3A_2175 = arith.constant 0 : i32
        %parallel_loop3A_2176 = arith.cmpi slt, %parallel_loop3A_2172, %parallel_loop3A_2175 : i32
        %parallel_loop3A_2177 = arith.constant 0 : i32
        %parallel_loop3A_2178 = arith.cmpi slt, %parallel_loop3A_2171, %parallel_loop3A_2177 : i32
        %parallel_loop3A_2179 = arith.xori %parallel_loop3A_2176, %parallel_loop3A_2178 : i1
        %parallel_loop3A_2180 = arith.andi %parallel_loop3A_2179, %parallel_loop3A_2174 : i1
        %parallel_loop3A_2181 = arith.addi %parallel_loop3A_2172, %parallel_loop3A_2171 : i32
        %parallel_loop3A_2182 = arith.select %parallel_loop3A_2180, %parallel_loop3A_2181, %parallel_loop3A_2172 : i32
        %parallel_loop3A_2183 = arith.constant 8 : i32
        %parallel_loop3A_2184 = arith.divsi %parallel_loop3A_2166, %parallel_loop3A_2183 : i32
        %parallel_loop3A_2185 = arith.constant 0 : i32
        %parallel_loop3A_2186 = arith.cmpi sgt, %parallel_loop3A_2166, %parallel_loop3A_2185 : i32
        %parallel_loop3A_2187 = arith.extui %parallel_loop3A_2186 : i1 to i32
        %parallel_loop3A_2188 = arith.constant 0 : i32
        %parallel_loop3A_2189 = arith.cmpi slt, %parallel_loop3A_2166, %parallel_loop3A_2188 : i32
        %parallel_loop3A_2190 = arith.extui %parallel_loop3A_2189 : i1 to i32
        %parallel_loop3A_2191 = arith.subi %parallel_loop3A_2187, %parallel_loop3A_2190 : i32
        %parallel_loop3A_2192 = arith.constant 0 : i32
        %parallel_loop3A_2193 = arith.cmpi sgt, %parallel_loop3A_2183, %parallel_loop3A_2192 : i32
        %parallel_loop3A_2194 = arith.extui %parallel_loop3A_2193 : i1 to i32
        %parallel_loop3A_2195 = arith.constant 0 : i32
        %parallel_loop3A_2196 = arith.cmpi slt, %parallel_loop3A_2183, %parallel_loop3A_2195 : i32
        %parallel_loop3A_2197 = arith.extui %parallel_loop3A_2196 : i1 to i32
        %parallel_loop3A_2198 = arith.subi %parallel_loop3A_2194, %parallel_loop3A_2197 : i32
        %parallel_loop3A_2199 = arith.cmpi ne, %parallel_loop3A_2191, %parallel_loop3A_2198 : i32
        %parallel_loop3A_2200 = arith.remsi %parallel_loop3A_2166, %parallel_loop3A_2183 : i32
        %parallel_loop3A_2201 = arith.constant 0 : i32
        %parallel_loop3A_2202 = arith.cmpi ne, %parallel_loop3A_2200, %parallel_loop3A_2201 : i32
        %parallel_loop3A_2203 = arith.andi %parallel_loop3A_2199, %parallel_loop3A_2202 : i1
        %parallel_loop3A_2204 = arith.constant 1 : i32
        %parallel_loop3A_2205 = arith.subi %parallel_loop3A_2184, %parallel_loop3A_2204 : i32
        %parallel_loop3A_2206 = arith.select %parallel_loop3A_2203, %parallel_loop3A_2205, %parallel_loop3A_2184 : i32
        %parallel_loop3A_2207 = arith.constant 2 : i32
        %parallel_loop3A_2208 = arith.constant 0 : i32
        %parallel_loop3A_2209 = arith.cmpi eq, %parallel_loop3A_2207, %parallel_loop3A_2208 : i32
        %parallel_loop3A_2210 = arith.constant 1 : i32
        %parallel_loop3A_2211 = arith.select %parallel_loop3A_2209, %parallel_loop3A_2210, %parallel_loop3A_2207 : i32
        %parallel_loop3A_2212 = arith.remsi %parallel_loop3A_2206, %parallel_loop3A_2211 : i32
        %parallel_loop3A_2213 = arith.constant 0 : i32
        %parallel_loop3A_2214 = arith.cmpi ne, %parallel_loop3A_2212, %parallel_loop3A_2213 : i32
        %parallel_loop3A_2215 = arith.constant 0 : i32
        %parallel_loop3A_2216 = arith.cmpi slt, %parallel_loop3A_2212, %parallel_loop3A_2215 : i32
        %parallel_loop3A_2217 = arith.constant 0 : i32
        %parallel_loop3A_2218 = arith.cmpi slt, %parallel_loop3A_2211, %parallel_loop3A_2217 : i32
        %parallel_loop3A_2219 = arith.xori %parallel_loop3A_2216, %parallel_loop3A_2218 : i1
        %parallel_loop3A_2220 = arith.andi %parallel_loop3A_2219, %parallel_loop3A_2214 : i1
        %parallel_loop3A_2221 = arith.addi %parallel_loop3A_2212, %parallel_loop3A_2211 : i32
        %parallel_loop3A_2222 = arith.select %parallel_loop3A_2220, %parallel_loop3A_2221, %parallel_loop3A_2212 : i32
        %parallel_loop3A_2223 = arith.constant 16 : i32
        %parallel_loop3A_2224 = arith.divsi %parallel_loop3A_2166, %parallel_loop3A_2223 : i32
        %parallel_loop3A_2225 = arith.constant 0 : i32
        %parallel_loop3A_2226 = arith.cmpi sgt, %parallel_loop3A_2166, %parallel_loop3A_2225 : i32
        %parallel_loop3A_2227 = arith.extui %parallel_loop3A_2226 : i1 to i32
        %parallel_loop3A_2228 = arith.constant 0 : i32
        %parallel_loop3A_2229 = arith.cmpi slt, %parallel_loop3A_2166, %parallel_loop3A_2228 : i32
        %parallel_loop3A_2230 = arith.extui %parallel_loop3A_2229 : i1 to i32
        %parallel_loop3A_2231 = arith.subi %parallel_loop3A_2227, %parallel_loop3A_2230 : i32
        %parallel_loop3A_2232 = arith.constant 0 : i32
        %parallel_loop3A_2233 = arith.cmpi sgt, %parallel_loop3A_2223, %parallel_loop3A_2232 : i32
        %parallel_loop3A_2234 = arith.extui %parallel_loop3A_2233 : i1 to i32
        %parallel_loop3A_2235 = arith.constant 0 : i32
        %parallel_loop3A_2236 = arith.cmpi slt, %parallel_loop3A_2223, %parallel_loop3A_2235 : i32
        %parallel_loop3A_2237 = arith.extui %parallel_loop3A_2236 : i1 to i32
        %parallel_loop3A_2238 = arith.subi %parallel_loop3A_2234, %parallel_loop3A_2237 : i32
        %parallel_loop3A_2239 = arith.cmpi ne, %parallel_loop3A_2231, %parallel_loop3A_2238 : i32
        %parallel_loop3A_2240 = arith.remsi %parallel_loop3A_2166, %parallel_loop3A_2223 : i32
        %parallel_loop3A_2241 = arith.constant 0 : i32
        %parallel_loop3A_2242 = arith.cmpi ne, %parallel_loop3A_2240, %parallel_loop3A_2241 : i32
        %parallel_loop3A_2243 = arith.andi %parallel_loop3A_2239, %parallel_loop3A_2242 : i1
        %parallel_loop3A_2244 = arith.constant 1 : i32
        %parallel_loop3A_2245 = arith.subi %parallel_loop3A_2224, %parallel_loop3A_2244 : i32
        %parallel_loop3A_2246 = arith.select %parallel_loop3A_2243, %parallel_loop3A_2245, %parallel_loop3A_2224 : i32
        %parallel_loop3A_2247 = arith.constant 8 : i32
        %parallel_loop3A_2248 = arith.muli %parallel_loop3A_2222, %parallel_loop3A_2247 : i32
        %parallel_loop3A_2249 = arith.addi %parallel_loop3A_2248, %parallel_loop3A_2246 : i32
        %parallel_loop3A_2250 = arith.constant 16 : i32
        %parallel_loop3A_2251 = arith.muli %parallel_loop3A_2182, %parallel_loop3A_2250 : i32
        %parallel_loop3A_2252 = arith.constant 4 : i32
        %parallel_loop3A_2253 = arith.muli %parallel_loop3A_2222, %parallel_loop3A_2252 : i32
        %parallel_loop3A_2254 = arith.constant 0 : i32
        %parallel_loop3A_2255 = arith.addi %parallel_loop3A_2253, %parallel_loop3A_2254 : i32
        %parallel_loop3A_2256 = arith.constant 1 : i32
        %parallel_loop3A_2257 = arith.index_cast %parallel_loop3A_2256 : i32 to index
        %parallel_loop3A_2258 = arith.index_cast %parallel_loop3A_2246 : i32 to index
        %parallel_loop3A_2259 = arith.index_cast %parallel_loop3A_2255 : i32 to index
        %parallel_loop3A_2260 = arith.index_cast %parallel_loop3A_2251 : i32 to index
        %parallel_loop3A_2261 = tpu.vector_load %arg12[%parallel_loop3A_2257, %parallel_loop3A_2258, %parallel_loop3A_2259, %parallel_loop3A_2260] {strides = array<i32>} : memref<2x8x8x128xi32, #tpu.memory_space<vmem>>, vector<16xi32>,
        %parallel_loop3A_2262 = arith.constant 4 : i32
        %parallel_loop3A_2263 = arith.muli %parallel_loop3A_2222, %parallel_loop3A_2262 : i32
        %parallel_loop3A_2264 = arith.constant 1 : i32
        %parallel_loop3A_2265 = arith.addi %parallel_loop3A_2263, %parallel_loop3A_2264 : i32
        %parallel_loop3A_2266 = arith.constant 1 : i32
        %parallel_loop3A_2267 = arith.index_cast %parallel_loop3A_2266 : i32 to index
        %parallel_loop3A_2268 = arith.index_cast %parallel_loop3A_2246 : i32 to index
        %parallel_loop3A_2269 = arith.index_cast %parallel_loop3A_2265 : i32 to index
        %parallel_loop3A_2270 = arith.index_cast %parallel_loop3A_2251 : i32 to index
        %parallel_loop3A_2271 = tpu.vector_load %arg12[%parallel_loop3A_2267, %parallel_loop3A_2268, %parallel_loop3A_2269, %parallel_loop3A_2270] {strides = array<i32>} : memref<2x8x8x128xi32, #tpu.memory_space<vmem>>, vector<16xi32>,
        %parallel_loop3A_2272 = arith.constant 4 : i32
        %parallel_loop3A_2273 = arith.muli %parallel_loop3A_2222, %parallel_loop3A_2272 : i32
        %parallel_loop3A_2274 = arith.constant 2 : i32
        %parallel_loop3A_2275 = arith.addi %parallel_loop3A_2273, %parallel_loop3A_2274 : i32
        %parallel_loop3A_2276 = arith.constant 1 : i32
        %parallel_loop3A_2277 = arith.index_cast %parallel_loop3A_2276 : i32 to index
        %parallel_loop3A_2278 = arith.index_cast %parallel_loop3A_2246 : i32 to index
        %parallel_loop3A_2279 = arith.index_cast %parallel_loop3A_2275 : i32 to index
        %parallel_loop3A_2280 = arith.index_cast %parallel_loop3A_2251 : i32 to index
        %parallel_loop3A_2281 = tpu.vector_load %arg12[%parallel_loop3A_2277, %parallel_loop3A_2278, %parallel_loop3A_2279, %parallel_loop3A_2280] {strides = array<i32>} : memref<2x8x8x128xi32, #tpu.memory_space<vmem>>, vector<16xi32>,
        %parallel_loop3A_2282 = arith.constant 4 : i32
        %parallel_loop3A_2283 = arith.muli %parallel_loop3A_2222, %parallel_loop3A_2282 : i32
        %parallel_loop3A_2284 = arith.constant 3 : i32
        %parallel_loop3A_2285 = arith.addi %parallel_loop3A_2283, %parallel_loop3A_2284 : i32
        %parallel_loop3A_2286 = arith.constant 1 : i32
        %parallel_loop3A_2287 = arith.index_cast %parallel_loop3A_2286 : i32 to index
        %parallel_loop3A_2288 = arith.index_cast %parallel_loop3A_2246 : i32 to index
        %parallel_loop3A_2289 = arith.index_cast %parallel_loop3A_2285 : i32 to index
        %parallel_loop3A_2290 = arith.index_cast %parallel_loop3A_2251 : i32 to index
        %parallel_loop3A_2291 = tpu.vector_load %arg12[%parallel_loop3A_2287, %parallel_loop3A_2288, %parallel_loop3A_2289, %parallel_loop3A_2290] {strides = array<i32>} : memref<2x8x8x128xi32, #tpu.memory_space<vmem>>, vector<16xi32>,
        %parallel_loop3A_2292 = arith.constant 3 : i32
        %parallel_loop3A_2293 = vector.broadcast %parallel_loop3A_2292 : i32 to vector<16xi32>
        %parallel_loop3A_2294 = arith.muli %parallel_loop3A_2261, %parallel_loop3A_2293 : vector<16xi32>
        %parallel_loop3A_2295 = arith.constant 4 : i32
        %parallel_loop3A_2296 = vector.broadcast %parallel_loop3A_2295 : i32 to vector<16xi32>
        %parallel_loop3A_2297 = arith.muli %parallel_loop3A_2271, %parallel_loop3A_2296 : vector<16xi32>
        %parallel_loop3A_2298 = arith.constant 3 : i32
        %parallel_loop3A_2299 = vector.broadcast %parallel_loop3A_2298 : i32 to vector<16xi32>
        %parallel_loop3A_2300 = arith.muli %parallel_loop3A_2281, %parallel_loop3A_2299 : vector<16xi32>
        %parallel_loop3A_2301 = arith.constant 5 : i32
        %parallel_loop3A_2302 = vector.broadcast %parallel_loop3A_2301 : i32 to vector<16xi32>
        %parallel_loop3A_2303 = arith.muli %parallel_loop3A_2291, %parallel_loop3A_2302 : vector<16xi32>
        %parallel_loop3A_2304 = arith.constant 0 : i32
        %parallel_loop3A_2305 = vector.broadcast %parallel_loop3A_2304 : i32 to vector<16xi32>
        %parallel_loop3A_2306 = arith.addi %parallel_loop3A_2294, %parallel_loop3A_2305 : vector<16xi32>
        %parallel_loop3A_2307 = tpu.vector_load_idx %arg8[%parallel_loop3A_2306] : memref<33xf32, #tpu.memory_space<vmem>>[vector<16xi32>], vector<16xf32>,
        %parallel_loop3A_2308 = arith.constant 1 : i32
        %parallel_loop3A_2309 = vector.broadcast %parallel_loop3A_2308 : i32 to vector<16xi32>
        %parallel_loop3A_2310 = arith.addi %parallel_loop3A_2294, %parallel_loop3A_2309 : vector<16xi32>
        %parallel_loop3A_2311 = tpu.vector_load_idx %arg8[%parallel_loop3A_2310] : memref<33xf32, #tpu.memory_space<vmem>>[vector<16xi32>], vector<16xf32>,
        %parallel_loop3A_2312 = arith.constant 2 : i32
        %parallel_loop3A_2313 = vector.broadcast %parallel_loop3A_2312 : i32 to vector<16xi32>
        %parallel_loop3A_2314 = arith.addi %parallel_loop3A_2294, %parallel_loop3A_2313 : vector<16xi32>
        %parallel_loop3A_2315 = tpu.vector_load_idx %arg8[%parallel_loop3A_2314] : memref<33xf32, #tpu.memory_space<vmem>>[vector<16xi32>], vector<16xf32>,
        %parallel_loop3A_2316 = arith.constant 0 : i32
        %parallel_loop3A_2317 = vector.broadcast %parallel_loop3A_2316 : i32 to vector<16xi32>
        %parallel_loop3A_2318 = arith.addi %parallel_loop3A_2297, %parallel_loop3A_2317 : vector<16xi32>
        %parallel_loop3A_2319 = tpu.vector_load_idx %arg9[%parallel_loop3A_2318] : memref<72xf32, #tpu.memory_space<vmem>>[vector<16xi32>], vector<16xf32>,
        %parallel_loop3A_2320 = arith.constant 1 : i32
        %parallel_loop3A_2321 = vector.broadcast %parallel_loop3A_2320 : i32 to vector<16xi32>
        %parallel_loop3A_2322 = arith.addi %parallel_loop3A_2297, %parallel_loop3A_2321 : vector<16xi32>
        %parallel_loop3A_2323 = tpu.vector_load_idx %arg9[%parallel_loop3A_2322] : memref<72xf32, #tpu.memory_space<vmem>>[vector<16xi32>], vector<16xf32>,
        %parallel_loop3A_2324 = arith.constant 2 : i32
        %parallel_loop3A_2325 = vector.broadcast %parallel_loop3A_2324 : i32 to vector<16xi32>
        %parallel_loop3A_2326 = arith.addi %parallel_loop3A_2297, %parallel_loop3A_2325 : vector<16xi32>
        %parallel_loop3A_2327 = tpu.vector_load_idx %arg9[%parallel_loop3A_2326] : memref<72xf32, #tpu.memory_space<vmem>>[vector<16xi32>], vector<16xf32>,
        %parallel_loop3A_2328 = arith.constant 3 : i32
        %parallel_loop3A_2329 = vector.broadcast %parallel_loop3A_2328 : i32 to vector<16xi32>
        %parallel_loop3A_2330 = arith.addi %parallel_loop3A_2297, %parallel_loop3A_2329 : vector<16xi32>
        %parallel_loop3A_2331 = tpu.vector_load_idx %arg9[%parallel_loop3A_2330] : memref<72xf32, #tpu.memory_space<vmem>>[vector<16xi32>], vector<16xf32>,
        %parallel_loop3A_2332 = arith.constant 0 : i32
        %parallel_loop3A_2333 = vector.broadcast %parallel_loop3A_2332 : i32 to vector<16xi32>
        %parallel_loop3A_2334 = arith.addi %parallel_loop3A_2300, %parallel_loop3A_2333 : vector<16xi32>
        %parallel_loop3A_2335 = tpu.vector_load_idx %arg10[%parallel_loop3A_2334] : memref<72xf32, #tpu.memory_space<vmem>>[vector<16xi32>], vector<16xf32>,
        %parallel_loop3A_2336 = arith.constant 1 : i32
        %parallel_loop3A_2337 = vector.broadcast %parallel_loop3A_2336 : i32 to vector<16xi32>
        %parallel_loop3A_2338 = arith.addi %parallel_loop3A_2300, %parallel_loop3A_2337 : vector<16xi32>
        %parallel_loop3A_2339 = tpu.vector_load_idx %arg10[%parallel_loop3A_2338] : memref<72xf32, #tpu.memory_space<vmem>>[vector<16xi32>], vector<16xf32>,
        %parallel_loop3A_2340 = arith.constant 2 : i32
        %parallel_loop3A_2341 = vector.broadcast %parallel_loop3A_2340 : i32 to vector<16xi32>
        %parallel_loop3A_2342 = arith.addi %parallel_loop3A_2300, %parallel_loop3A_2341 : vector<16xi32>
        %parallel_loop3A_2343 = tpu.vector_load_idx %arg10[%parallel_loop3A_2342] : memref<72xf32, #tpu.memory_space<vmem>>[vector<16xi32>], vector<16xf32>,
        %parallel_loop3A_2344 = arith.constant 0 : i32
        %parallel_loop3A_2345 = vector.broadcast %parallel_loop3A_2344 : i32 to vector<16xi32>
        %parallel_loop3A_2346 = arith.addi %parallel_loop3A_2303, %parallel_loop3A_2345 : vector<16xi32>
        %parallel_loop3A_2347 = tpu.vector_load_idx %arg11[%parallel_loop3A_2346] : memref<35xf32, #tpu.memory_space<vmem>>[vector<16xi32>], vector<16xf32>,
        %parallel_loop3A_2348 = arith.constant 1 : i32
        %parallel_loop3A_2349 = vector.broadcast %parallel_loop3A_2348 : i32 to vector<16xi32>
        %parallel_loop3A_2350 = arith.addi %parallel_loop3A_2303, %parallel_loop3A_2349 : vector<16xi32>
        %parallel_loop3A_2351 = tpu.vector_load_idx %arg11[%parallel_loop3A_2350] : memref<35xf32, #tpu.memory_space<vmem>>[vector<16xi32>], vector<16xf32>,
        %parallel_loop3A_2352 = arith.constant 2 : i32
        %parallel_loop3A_2353 = vector.broadcast %parallel_loop3A_2352 : i32 to vector<16xi32>
        %parallel_loop3A_2354 = arith.addi %parallel_loop3A_2303, %parallel_loop3A_2353 : vector<16xi32>
        %parallel_loop3A_2355 = tpu.vector_load_idx %arg11[%parallel_loop3A_2354] : memref<35xf32, #tpu.memory_space<vmem>>[vector<16xi32>], vector<16xf32>,
        %parallel_loop3A_2356 = arith.constant 3 : i32
        %parallel_loop3A_2357 = vector.broadcast %parallel_loop3A_2356 : i32 to vector<16xi32>
        %parallel_loop3A_2358 = arith.addi %parallel_loop3A_2303, %parallel_loop3A_2357 : vector<16xi32>
        %parallel_loop3A_2359 = tpu.vector_load_idx %arg11[%parallel_loop3A_2358] : memref<35xf32, #tpu.memory_space<vmem>>[vector<16xi32>], vector<16xf32>,
        %parallel_loop3A_2360 = arith.constant 4 : i32
        %parallel_loop3A_2361 = vector.broadcast %parallel_loop3A_2360 : i32 to vector<16xi32>
        %parallel_loop3A_2362 = arith.addi %parallel_loop3A_2303, %parallel_loop3A_2361 : vector<16xi32>
        %parallel_loop3A_2363 = tpu.vector_load_idx %arg11[%parallel_loop3A_2362] : memref<35xf32, #tpu.memory_space<vmem>>[vector<16xi32>], vector<16xf32>,
        %parallel_loop3A_2364 = arith.constant 1 : i32
        %parallel_loop3A_2365 = arith.constant 0 : i32
        %parallel_loop3A_2366 = arith.index_cast %parallel_loop3A_2364 : i32 to index
        %parallel_loop3A_2367 = arith.index_cast %parallel_loop3A_2365 : i32 to index
        %parallel_loop3A_2368 = arith.index_cast %parallel_loop3A_2249 : i32 to index
        %parallel_loop3A_2369 = arith.index_cast %parallel_loop3A_2251 : i32 to index
        %parallel_loop3A_2370 = tpu.vector_load %arg13[%parallel_loop3A_2366, %parallel_loop3A_2367, %parallel_loop3A_2368, %parallel_loop3A_2369] {strides = array<i32>} : memref<2x15x16x128xf32, #tpu.memory_space<vmem>>, vector<16xf32>,
        tpu.vector_store %arg13[%parallel_loop3A_2366, %parallel_loop3A_2367, %parallel_loop3A_2368, %parallel_loop3A_2369], %parallel_loop3A_2307 {strides = array<i32>} : memref<2x15x16x128xf32, #tpu.memory_space<vmem>>, vector<16xf32>,
        %parallel_loop3A_2371 = arith.constant 1 : i32
        %parallel_loop3A_2372 = arith.constant 1 : i32
        %parallel_loop3A_2373 = arith.index_cast %parallel_loop3A_2371 : i32 to index
        %parallel_loop3A_2374 = arith.index_cast %parallel_loop3A_2372 : i32 to index
        %parallel_loop3A_2375 = arith.index_cast %parallel_loop3A_2249 : i32 to index
        %parallel_loop3A_2376 = arith.index_cast %parallel_loop3A_2251 : i32 to index
        %parallel_loop3A_2377 = tpu.vector_load %arg13[%parallel_loop3A_2373, %parallel_loop3A_2374, %parallel_loop3A_2375, %parallel_loop3A_2376] {strides = array<i32>} : memref<2x15x16x128xf32, #tpu.memory_space<vmem>>, vector<16xf32>,
        tpu.vector_store %arg13[%parallel_loop3A_2373, %parallel_loop3A_2374, %parallel_loop3A_2375, %parallel_loop3A_2376], %parallel_loop3A_2311 {strides = array<i32>} : memref<2x15x16x128xf32, #tpu.memory_space<vmem>>, vector<16xf32>,
        %parallel_loop3A_2378 = arith.constant 1 : i32
        %parallel_loop3A_2379 = arith.constant 2 : i32
        %parallel_loop3A_2380 = arith.index_cast %parallel_loop3A_2378 : i32 to index
        %parallel_loop3A_2381 = arith.index_cast %parallel_loop3A_2379 : i32 to index
        %parallel_loop3A_2382 = arith.index_cast %parallel_loop3A_2249 : i32 to index
        %parallel_loop3A_2383 = arith.index_cast %parallel_loop3A_2251 : i32 to index
        %parallel_loop3A_2384 = tpu.vector_load %arg13[%parallel_loop3A_2380, %parallel_loop3A_2381, %parallel_loop3A_2382, %parallel_loop3A_2383] {strides = array<i32>} : memref<2x15x16x128xf32, #tpu.memory_space<vmem>>, vector<16xf32>,
        tpu.vector_store %arg13[%parallel_loop3A_2380, %parallel_loop3A_2381, %parallel_loop3A_2382, %parallel_loop3A_2383], %parallel_loop3A_2315 {strides = array<i32>} : memref<2x15x16x128xf32, #tpu.memory_space<vmem>>, vector<16xf32>,
        %parallel_loop3A_2385 = arith.constant 1 : i32
        %parallel_loop3A_2386 = arith.constant 3 : i32
        %parallel_loop3A_2387 = arith.index_cast %parallel_loop3A_2385 : i32 to index
        %parallel_loop3A_2388 = arith.index_cast %parallel_loop3A_2386 : i32 to index
        %parallel_loop3A_2389 = arith.index_cast %parallel_loop3A_2249 : i32 to index
        %parallel_loop3A_2390 = arith.index_cast %parallel_loop3A_2251 : i32 to index
        %parallel_loop3A_2391 = tpu.vector_load %arg13[%parallel_loop3A_2387, %parallel_loop3A_2388, %parallel_loop3A_2389, %parallel_loop3A_2390] {strides = array<i32>} : memref<2x15x16x128xf32, #tpu.memory_space<vmem>>, vector<16xf32>,
        tpu.vector_store %arg13[%parallel_loop3A_2387, %parallel_loop3A_2388, %parallel_loop3A_2389, %parallel_loop3A_2390], %parallel_loop3A_2319 {strides = array<i32>} : memref<2x15x16x128xf32, #tpu.memory_space<vmem>>, vector<16xf32>,
        %parallel_loop3A_2392 = arith.constant 1 : i32
        %parallel_loop3A_2393 = arith.constant 4 : i32
        %parallel_loop3A_2394 = arith.index_cast %parallel_loop3A_2392 : i32 to index
        %parallel_loop3A_2395 = arith.index_cast %parallel_loop3A_2393 : i32 to index
        %parallel_loop3A_2396 = arith.index_cast %parallel_loop3A_2249 : i32 to index
        %parallel_loop3A_2397 = arith.index_cast %parallel_loop3A_2251 : i32 to index
        %parallel_loop3A_2398 = tpu.vector_load %arg13[%parallel_loop3A_2394, %parallel_loop3A_2395, %parallel_loop3A_2396, %parallel_loop3A_2397] {strides = array<i32>} : memref<2x15x16x128xf32, #tpu.memory_space<vmem>>, vector<16xf32>,
        tpu.vector_store %arg13[%parallel_loop3A_2394, %parallel_loop3A_2395, %parallel_loop3A_2396, %parallel_loop3A_2397], %parallel_loop3A_2323 {strides = array<i32>} : memref<2x15x16x128xf32, #tpu.memory_space<vmem>>, vector<16xf32>,
        %parallel_loop3A_2399 = arith.constant 1 : i32
        %parallel_loop3A_2400 = arith.constant 5 : i32
        %parallel_loop3A_2401 = arith.index_cast %parallel_loop3A_2399 : i32 to index
        %parallel_loop3A_2402 = arith.index_cast %parallel_loop3A_2400 : i32 to index
        %parallel_loop3A_2403 = arith.index_cast %parallel_loop3A_2249 : i32 to index
        %parallel_loop3A_2404 = arith.index_cast %parallel_loop3A_2251 : i32 to index
        %parallel_loop3A_2405 = tpu.vector_load %arg13[%parallel_loop3A_2401, %parallel_loop3A_2402, %parallel_loop3A_2403, %parallel_loop3A_2404] {strides = array<i32>} : memref<2x15x16x128xf32, #tpu.memory_space<vmem>>, vector<16xf32>,
        tpu.vector_store %arg13[%parallel_loop3A_2401, %parallel_loop3A_2402, %parallel_loop3A_2403, %parallel_loop3A_2404], %parallel_loop3A_2327 {strides = array<i32>} : memref<2x15x16x128xf32, #tpu.memory_space<vmem>>, vector<16xf32>,
        %parallel_loop3A_2406 = arith.constant 1 : i32
        %parallel_loop3A_2407 = arith.constant 6 : i32
        %parallel_loop3A_2408 = arith.index_cast %parallel_loop3A_2406 : i32 to index
        %parallel_loop3A_2409 = arith.index_cast %parallel_loop3A_2407 : i32 to index
        %parallel_loop3A_2410 = arith.index_cast %parallel_loop3A_2249 : i32 to index
        %parallel_loop3A_2411 = arith.index_cast %parallel_loop3A_2251 : i32 to index
        %parallel_loop3A_2412 = tpu.vector_load %arg13[%parallel_loop3A_2408, %parallel_loop3A_2409, %parallel_loop3A_2410, %parallel_loop3A_2411] {strides = array<i32>} : memref<2x15x16x128xf32, #tpu.memory_space<vmem>>, vector<16xf32>,
        tpu.vector_store %arg13[%parallel_loop3A_2408, %parallel_loop3A_2409, %parallel_loop3A_2410, %parallel_loop3A_2411], %parallel_loop3A_2331 {strides = array<i32>} : memref<2x15x16x128xf32, #tpu.memory_space<vmem>>, vector<16xf32>,
        %parallel_loop3A_2413 = arith.constant 1 : i32
        %parallel_loop3A_2414 = arith.constant 7 : i32
        %parallel_loop3A_2415 = arith.index_cast %parallel_loop3A_2413 : i32 to index
        %parallel_loop3A_2416 = arith.index_cast %parallel_loop3A_2414 : i32 to index
        %parallel_loop3A_2417 = arith.index_cast %parallel_loop3A_2249 : i32 to index
        %parallel_loop3A_2418 = arith.index_cast %parallel_loop3A_2251 : i32 to index
        %parallel_loop3A_2419 = tpu.vector_load %arg13[%parallel_loop3A_2415, %parallel_loop3A_2416, %parallel_loop3A_2417, %parallel_loop3A_2418] {strides = array<i32>} : memref<2x15x16x128xf32, #tpu.memory_space<vmem>>, vector<16xf32>,
        tpu.vector_store %arg13[%parallel_loop3A_2415, %parallel_loop3A_2416, %parallel_loop3A_2417, %parallel_loop3A_2418], %parallel_loop3A_2335 {strides = array<i32>} : memref<2x15x16x128xf32, #tpu.memory_space<vmem>>, vector<16xf32>,
        %parallel_loop3A_2420 = arith.constant 1 : i32
        %parallel_loop3A_2421 = arith.constant 8 : i32
        %parallel_loop3A_2422 = arith.index_cast %parallel_loop3A_2420 : i32 to index
        %parallel_loop3A_2423 = arith.index_cast %parallel_loop3A_2421 : i32 to index
        %parallel_loop3A_2424 = arith.index_cast %parallel_loop3A_2249 : i32 to index
        %parallel_loop3A_2425 = arith.index_cast %parallel_loop3A_2251 : i32 to index
        %parallel_loop3A_2426 = tpu.vector_load %arg13[%parallel_loop3A_2422, %parallel_loop3A_2423, %parallel_loop3A_2424, %parallel_loop3A_2425] {strides = array<i32>} : memref<2x15x16x128xf32, #tpu.memory_space<vmem>>, vector<16xf32>,
        tpu.vector_store %arg13[%parallel_loop3A_2422, %parallel_loop3A_2423, %parallel_loop3A_2424, %parallel_loop3A_2425], %parallel_loop3A_2339 {strides = array<i32>} : memref<2x15x16x128xf32, #tpu.memory_space<vmem>>, vector<16xf32>,
        %parallel_loop3A_2427 = arith.constant 1 : i32
        %parallel_loop3A_2428 = arith.constant 9 : i32
        %parallel_loop3A_2429 = arith.index_cast %parallel_loop3A_2427 : i32 to index
        %parallel_loop3A_2430 = arith.index_cast %parallel_loop3A_2428 : i32 to index
        %parallel_loop3A_2431 = arith.index_cast %parallel_loop3A_2249 : i32 to index
        %parallel_loop3A_2432 = arith.index_cast %parallel_loop3A_2251 : i32 to index
        %parallel_loop3A_2433 = tpu.vector_load %arg13[%parallel_loop3A_2429, %parallel_loop3A_2430, %parallel_loop3A_2431, %parallel_loop3A_2432] {strides = array<i32>} : memref<2x15x16x128xf32, #tpu.memory_space<vmem>>, vector<16xf32>,
        tpu.vector_store %arg13[%parallel_loop3A_2429, %parallel_loop3A_2430, %parallel_loop3A_2431, %parallel_loop3A_2432], %parallel_loop3A_2343 {strides = array<i32>} : memref<2x15x16x128xf32, #tpu.memory_space<vmem>>, vector<16xf32>,
        %parallel_loop3A_2434 = arith.constant 1 : i32
        %parallel_loop3A_2435 = arith.constant 10 : i32
        %parallel_loop3A_2436 = arith.index_cast %parallel_loop3A_2434 : i32 to index
        %parallel_loop3A_2437 = arith.index_cast %parallel_loop3A_2435 : i32 to index
        %parallel_loop3A_2438 = arith.index_cast %parallel_loop3A_2249 : i32 to index
        %parallel_loop3A_2439 = arith.index_cast %parallel_loop3A_2251 : i32 to index
        %parallel_loop3A_2440 = tpu.vector_load %arg13[%parallel_loop3A_2436, %parallel_loop3A_2437, %parallel_loop3A_2438, %parallel_loop3A_2439] {strides = array<i32>} : memref<2x15x16x128xf32, #tpu.memory_space<vmem>>, vector<16xf32>,
        tpu.vector_store %arg13[%parallel_loop3A_2436, %parallel_loop3A_2437, %parallel_loop3A_2438, %parallel_loop3A_2439], %parallel_loop3A_2347 {strides = array<i32>} : memref<2x15x16x128xf32, #tpu.memory_space<vmem>>, vector<16xf32>,
        %parallel_loop3A_2441 = arith.constant 1 : i32
        %parallel_loop3A_2442 = arith.constant 11 : i32
        %parallel_loop3A_2443 = arith.index_cast %parallel_loop3A_2441 : i32 to index
        %parallel_loop3A_2444 = arith.index_cast %parallel_loop3A_2442 : i32 to index
        %parallel_loop3A_2445 = arith.index_cast %parallel_loop3A_2249 : i32 to index
        %parallel_loop3A_2446 = arith.index_cast %parallel_loop3A_2251 : i32 to index
        %parallel_loop3A_2447 = tpu.vector_load %arg13[%parallel_loop3A_2443, %parallel_loop3A_2444, %parallel_loop3A_2445, %parallel_loop3A_2446] {strides = array<i32>} : memref<2x15x16x128xf32, #tpu.memory_space<vmem>>, vector<16xf32>,
        tpu.vector_store %arg13[%parallel_loop3A_2443, %parallel_loop3A_2444, %parallel_loop3A_2445, %parallel_loop3A_2446], %parallel_loop3A_2351 {strides = array<i32>} : memref<2x15x16x128xf32, #tpu.memory_space<vmem>>, vector<16xf32>,
        %parallel_loop3A_2448 = arith.constant 1 : i32
        %parallel_loop3A_2449 = arith.constant 12 : i32
        %parallel_loop3A_2450 = arith.index_cast %parallel_loop3A_2448 : i32 to index
        %parallel_loop3A_2451 = arith.index_cast %parallel_loop3A_2449 : i32 to index
        %parallel_loop3A_2452 = arith.index_cast %parallel_loop3A_2249 : i32 to index
        %parallel_loop3A_2453 = arith.index_cast %parallel_loop3A_2251 : i32 to index
        %parallel_loop3A_2454 = tpu.vector_load %arg13[%parallel_loop3A_2450, %parallel_loop3A_2451, %parallel_loop3A_2452, %parallel_loop3A_2453] {strides = array<i32>} : memref<2x15x16x128xf32, #tpu.memory_space<vmem>>, vector<16xf32>,
        tpu.vector_store %arg13[%parallel_loop3A_2450, %parallel_loop3A_2451, %parallel_loop3A_2452, %parallel_loop3A_2453], %parallel_loop3A_2355 {strides = array<i32>} : memref<2x15x16x128xf32, #tpu.memory_space<vmem>>, vector<16xf32>,
        %parallel_loop3A_2455 = arith.constant 1 : i32
        %parallel_loop3A_2456 = arith.constant 13 : i32
        %parallel_loop3A_2457 = arith.index_cast %parallel_loop3A_2455 : i32 to index
        %parallel_loop3A_2458 = arith.index_cast %parallel_loop3A_2456 : i32 to index
        %parallel_loop3A_2459 = arith.index_cast %parallel_loop3A_2249 : i32 to index
        %parallel_loop3A_2460 = arith.index_cast %parallel_loop3A_2251 : i32 to index
        %parallel_loop3A_2461 = tpu.vector_load %arg13[%parallel_loop3A_2457, %parallel_loop3A_2458, %parallel_loop3A_2459, %parallel_loop3A_2460] {strides = array<i32>} : memref<2x15x16x128xf32, #tpu.memory_space<vmem>>, vector<16xf32>,
        tpu.vector_store %arg13[%parallel_loop3A_2457, %parallel_loop3A_2458, %parallel_loop3A_2459, %parallel_loop3A_2460], %parallel_loop3A_2359 {strides = array<i32>} : memref<2x15x16x128xf32, #tpu.memory_space<vmem>>, vector<16xf32>,
        %parallel_loop3A_2462 = arith.constant 1 : i32
        %parallel_loop3A_2463 = arith.constant 14 : i32
        %parallel_loop3A_2464 = arith.index_cast %parallel_loop3A_2462 : i32 to index
        %parallel_loop3A_2465 = arith.index_cast %parallel_loop3A_2463 : i32 to index
        %parallel_loop3A_2466 = arith.index_cast %parallel_loop3A_2249 : i32 to index
        %parallel_loop3A_2467 = arith.index_cast %parallel_loop3A_2251 : i32 to index
        %parallel_loop3A_2468 = tpu.vector_load %arg13[%parallel_loop3A_2464, %parallel_loop3A_2465, %parallel_loop3A_2466, %parallel_loop3A_2467] {strides = array<i32>} : memref<2x15x16x128xf32, #tpu.memory_space<vmem>>, vector<16xf32>,
        tpu.vector_store %arg13[%parallel_loop3A_2464, %parallel_loop3A_2465, %parallel_loop3A_2466, %parallel_loop3A_2467], %parallel_loop3A_2363 {strides = array<i32>} : memref<2x15x16x128xf32, #tpu.memory_space<vmem>>, vector<16xf32>,
      } {sc.loop_unroll_factor = 2 : i64, sc.parallel_access}
      %mul3A_1806 = arith.constant 1024 : i32
      %mul3A_1807 = arith.muli %scan3A_803, %mul3A_1806 : i32
      %add3A_1808 = arith.constant 0 : i32
      %add3A_1809 = arith.addi %add3A_1808, %mul3A_1807 : i32
      %add3A_1810 = arith.constant 2 : i32
      %add3A_1811 = arith.addi %mul3A_2, %add3A_1810 : i32
      %mul3A_1812 = arith.constant 8 : i32
      %mul3A_1813 = arith.muli %add3A_1811, %mul3A_1812 : i32
      %add3A_1814 = arith.addi %add3A_1809, %mul3A_1813 : i32
      %multiple_of3A_1815 = tpu.assume_multiple %add3A_1814, 8 : i32
      %dma_start3A_1816 = arith.constant 1 : i32
      %dma_start3A_1817 = arith.constant 0 : i32
      %dma_start3A_1818 = arith.constant 0 : i32
      %dma_start3A_1819 = arith.constant 0 : i32
      %dma_start3A_1820 = tpu.memref_slice %arg13[%dma_start3A_1816, %dma_start3A_1817, %dma_start3A_1818, %dma_start3A_1819] : memref<2x15x16x128xf32, #tpu.memory_space<vmem>> -> memref<1x1x16x128xf32, #tpu.memory_space<vmem>>
      %dma_start3A_1821 = tpu.memref_squeeze %dma_start3A_1820 : memref<1x1x16x128xf32, #tpu.memory_space<vmem>> -> memref<16x128xf32, #tpu.memory_space<vmem>>
      %dma_start3A_1822 = arith.constant 0 : i32
      %dma_start3A_1823 = tpu.memref_slice %arg7[%multiple_of3A_1815, %dma_start3A_1822] : memref<384000x128xf32, #tpu.memory_space<hbm>> -> memref<16x128xf32, #tpu.memory_space<hbm>>
      %dma_start3A_1824 = arith.constant 0 : i32
      %dma_start3A_1825 = tpu.memref_slice %arg7[%multiple_of3A_1815, %dma_start3A_1824] : memref<384000x128xf32, #tpu.memory_space<hbm>> -> memref<16x128xf32, #tpu.memory_space<hbm>>
      %dma_start3A_1826 = arith.constant 0 : i32
      %dma_start3A_1827 = arith.constant 0 : i32
      %dma_start3A_1828 = tpu.memref_slice %arg13[%dma_start3A_1816, %dma_start3A_1817, %dma_start3A_1826, %dma_start3A_1827] : memref<2x15x16x128xf32, #tpu.memory_space<vmem>> -> memref<1x1x16x128xf32, #tpu.memory_space<vmem>>
      %dma_start3A_1829 = tpu.memref_squeeze %dma_start3A_1828 : memref<1x1x16x128xf32, #tpu.memory_space<vmem>> -> memref<16x128xf32, #tpu.memory_space<vmem>>
      tpu.enqueue_dma source(%dma_start3A_1829 : memref<16x128xf32, #tpu.memory_space<vmem>>) target(%dma_start3A_1825 : memref<16x128xf32, #tpu.memory_space<hbm>>) target_semaphore(%arg17 : memref<!tpu.dma_semaphore, #tpu.memory_space<semaphore_mem>>)
      %mul3A_1830 = arith.constant 1024 : i32
      %mul3A_1831 = arith.muli %scan3A_803, %mul3A_1830 : i32
      %add3A_1832 = arith.constant 25600 : i32
      %add3A_1833 = arith.addi %add3A_1832, %mul3A_1831 : i32
      %add3A_1834 = arith.constant 2 : i32
      %add3A_1835 = arith.addi %mul3A_2, %add3A_1834 : i32
      %mul3A_1836 = arith.constant 8 : i32
      %mul3A_1837 = arith.muli %add3A_1835, %mul3A_1836 : i32
      %add3A_1838 = arith.addi %add3A_1833, %mul3A_1837 : i32
      %multiple_of3A_1839 = tpu.assume_multiple %add3A_1838, 8 : i32
      %dma_start3A_1840 = arith.constant 1 : i32
      %dma_start3A_1841 = arith.constant 1 : i32
      %dma_start3A_1842 = arith.constant 0 : i32
      %dma_start3A_1843 = arith.constant 0 : i32
      %dma_start3A_1844 = tpu.memref_slice %arg13[%dma_start3A_1840, %dma_start3A_1841, %dma_start3A_1842, %dma_start3A_1843] : memref<2x15x16x128xf32, #tpu.memory_space<vmem>> -> memref<1x1x16x128xf32, #tpu.memory_space<vmem>>
      %dma_start3A_1845 = tpu.memref_squeeze %dma_start3A_1844 : memref<1x1x16x128xf32, #tpu.memory_space<vmem>> -> memref<16x128xf32, #tpu.memory_space<vmem>>
      %dma_start3A_1846 = arith.constant 0 : i32
      %dma_start3A_1847 = tpu.memref_slice %arg7[%multiple_of3A_1839, %dma_start3A_1846] : memref<384000x128xf32, #tpu.memory_space<hbm>> -> memref<16x128xf32, #tpu.memory_space<hbm>>
      %dma_start3A_1848 = arith.constant 0 : i32
      %dma_start3A_1849 = tpu.memref_slice %arg7[%multiple_of3A_1839, %dma_start3A_1848] : memref<384000x128xf32, #tpu.memory_space<hbm>> -> memref<16x128xf32, #tpu.memory_space<hbm>>
      %dma_start3A_1850 = arith.constant 0 : i32
      %dma_start3A_1851 = arith.constant 0 : i32
      %dma_start3A_1852 = tpu.memref_slice %arg13[%dma_start3A_1840, %dma_start3A_1841, %dma_start3A_1850, %dma_start3A_1851] : memref<2x15x16x128xf32, #tpu.memory_space<vmem>> -> memref<1x1x16x128xf32, #tpu.memory_space<vmem>>
      %dma_start3A_1853 = tpu.memref_squeeze %dma_start3A_1852 : memref<1x1x16x128xf32, #tpu.memory_space<vmem>> -> memref<16x128xf32, #tpu.memory_space<vmem>>
      tpu.enqueue_dma source(%dma_start3A_1853 : memref<16x128xf32, #tpu.memory_space<vmem>>) target(%dma_start3A_1849 : memref<16x128xf32, #tpu.memory_space<hbm>>) target_semaphore(%arg17 : memref<!tpu.dma_semaphore, #tpu.memory_space<semaphore_mem>>)
      %mul3A_1854 = arith.constant 1024 : i32
      %mul3A_1855 = arith.muli %scan3A_803, %mul3A_1854 : i32
      %add3A_1856 = arith.constant 51200 : i32
      %add3A_1857 = arith.addi %add3A_1856, %mul3A_1855 : i32
      %add3A_1858 = arith.constant 2 : i32
      %add3A_1859 = arith.addi %mul3A_2, %add3A_1858 : i32
      %mul3A_1860 = arith.constant 8 : i32
      %mul3A_1861 = arith.muli %add3A_1859, %mul3A_1860 : i32
      %add3A_1862 = arith.addi %add3A_1857, %mul3A_1861 : i32
      %multiple_of3A_1863 = tpu.assume_multiple %add3A_1862, 8 : i32
      %dma_start3A_1864 = arith.constant 1 : i32
      %dma_start3A_1865 = arith.constant 2 : i32
      %dma_start3A_1866 = arith.constant 0 : i32
      %dma_start3A_1867 = arith.constant 0 : i32
      %dma_start3A_1868 = tpu.memref_slice %arg13[%dma_start3A_1864, %dma_start3A_1865, %dma_start3A_1866, %dma_start3A_1867] : memref<2x15x16x128xf32, #tpu.memory_space<vmem>> -> memref<1x1x16x128xf32, #tpu.memory_space<vmem>>
      %dma_start3A_1869 = tpu.memref_squeeze %dma_start3A_1868 : memref<1x1x16x128xf32, #tpu.memory_space<vmem>> -> memref<16x128xf32, #tpu.memory_space<vmem>>
      %dma_start3A_1870 = arith.constant 0 : i32
      %dma_start3A_1871 = tpu.memref_slice %arg7[%multiple_of3A_1863, %dma_start3A_1870] : memref<384000x128xf32, #tpu.memory_space<hbm>> -> memref<16x128xf32, #tpu.memory_space<hbm>>
      %dma_start3A_1872 = arith.constant 0 : i32
      %dma_start3A_1873 = tpu.memref_slice %arg7[%multiple_of3A_1863, %dma_start3A_1872] : memref<384000x128xf32, #tpu.memory_space<hbm>> -> memref<16x128xf32, #tpu.memory_space<hbm>>
      %dma_start3A_1874 = arith.constant 0 : i32
      %dma_start3A_1875 = arith.constant 0 : i32
      %dma_start3A_1876 = tpu.memref_slice %arg13[%dma_start3A_1864, %dma_start3A_1865, %dma_start3A_1874, %dma_start3A_1875] : memref<2x15x16x128xf32, #tpu.memory_space<vmem>> -> memref<1x1x16x128xf32, #tpu.memory_space<vmem>>
      %dma_start3A_1877 = tpu.memref_squeeze %dma_start3A_1876 : memref<1x1x16x128xf32, #tpu.memory_space<vmem>> -> memref<16x128xf32, #tpu.memory_space<vmem>>
      tpu.enqueue_dma source(%dma_start3A_1877 : memref<16x128xf32, #tpu.memory_space<vmem>>) target(%dma_start3A_1873 : memref<16x128xf32, #tpu.memory_space<hbm>>) target_semaphore(%arg17 : memref<!tpu.dma_semaphore, #tpu.memory_space<semaphore_mem>>)
      %mul3A_1878 = arith.constant 1024 : i32
      %mul3A_1879 = arith.muli %scan3A_803, %mul3A_1878 : i32
      %add3A_1880 = arith.constant 76800 : i32
      %add3A_1881 = arith.addi %add3A_1880, %mul3A_1879 : i32
      %add3A_1882 = arith.constant 2 : i32
      %add3A_1883 = arith.addi %mul3A_2, %add3A_1882 : i32
      %mul3A_1884 = arith.constant 8 : i32
      %mul3A_1885 = arith.muli %add3A_1883, %mul3A_1884 : i32
      %add3A_1886 = arith.addi %add3A_1881, %mul3A_1885 : i32
      %multiple_of3A_1887 = tpu.assume_multiple %add3A_1886, 8 : i32
      %dma_start3A_1888 = arith.constant 1 : i32
      %dma_start3A_1889 = arith.constant 3 : i32
      %dma_start3A_1890 = arith.constant 0 : i32
      %dma_start3A_1891 = arith.constant 0 : i32
      %dma_start3A_1892 = tpu.memref_slice %arg13[%dma_start3A_1888, %dma_start3A_1889, %dma_start3A_1890, %dma_start3A_1891] : memref<2x15x16x128xf32, #tpu.memory_space<vmem>> -> memref<1x1x16x128xf32, #tpu.memory_space<vmem>>
      %dma_start3A_1893 = tpu.memref_squeeze %dma_start3A_1892 : memref<1x1x16x128xf32, #tpu.memory_space<vmem>> -> memref<16x128xf32, #tpu.memory_space<vmem>>
      %dma_start3A_1894 = arith.constant 0 : i32
      %dma_start3A_1895 = tpu.memref_slice %arg7[%multiple_of3A_1887, %dma_start3A_1894] : memref<384000x128xf32, #tpu.memory_space<hbm>> -> memref<16x128xf32, #tpu.memory_space<hbm>>
      %dma_start3A_1896 = arith.constant 0 : i32
      %dma_start3A_1897 = tpu.memref_slice %arg7[%multiple_of3A_1887, %dma_start3A_1896] : memref<384000x128xf32, #tpu.memory_space<hbm>> -> memref<16x128xf32, #tpu.memory_space<hbm>>
      %dma_start3A_1898 = arith.constant 0 : i32
      %dma_start3A_1899 = arith.constant 0 : i32
      %dma_start3A_1900 = tpu.memref_slice %arg13[%dma_start3A_1888, %dma_start3A_1889, %dma_start3A_1898, %dma_start3A_1899] : memref<2x15x16x128xf32, #tpu.memory_space<vmem>> -> memref<1x1x16x128xf32, #tpu.memory_space<vmem>>
      %dma_start3A_1901 = tpu.memref_squeeze %dma_start3A_1900 : memref<1x1x16x128xf32, #tpu.memory_space<vmem>> -> memref<16x128xf32, #tpu.memory_space<vmem>>
      tpu.enqueue_dma source(%dma_start3A_1901 : memref<16x128xf32, #tpu.memory_space<vmem>>) target(%dma_start3A_1897 : memref<16x128xf32, #tpu.memory_space<hbm>>) target_semaphore(%arg17 : memref<!tpu.dma_semaphore, #tpu.memory_space<semaphore_mem>>)
      %mul3A_1902 = arith.constant 1024 : i32
      %mul3A_1903 = arith.muli %scan3A_803, %mul3A_1902 : i32
      %add3A_1904 = arith.constant 102400 : i32
      %add3A_1905 = arith.addi %add3A_1904, %mul3A_1903 : i32
      %add3A_1906 = arith.constant 2 : i32
      %add3A_1907 = arith.addi %mul3A_2, %add3A_1906 : i32
      %mul3A_1908 = arith.constant 8 : i32
      %mul3A_1909 = arith.muli %add3A_1907, %mul3A_1908 : i32
      %add3A_1910 = arith.addi %add3A_1905, %mul3A_1909 : i32
      %multiple_of3A_1911 = tpu.assume_multiple %add3A_1910, 8 : i32
      %dma_start3A_1912 = arith.constant 1 : i32
      %dma_start3A_1913 = arith.constant 4 : i32
      %dma_start3A_1914 = arith.constant 0 : i32
      %dma_start3A_1915 = arith.constant 0 : i32
      %dma_start3A_1916 = tpu.memref_slice %arg13[%dma_start3A_1912, %dma_start3A_1913, %dma_start3A_1914, %dma_start3A_1915] : memref<2x15x16x128xf32, #tpu.memory_space<vmem>> -> memref<1x1x16x128xf32, #tpu.memory_space<vmem>>
      %dma_start3A_1917 = tpu.memref_squeeze %dma_start3A_1916 : memref<1x1x16x128xf32, #tpu.memory_space<vmem>> -> memref<16x128xf32, #tpu.memory_space<vmem>>
      %dma_start3A_1918 = arith.constant 0 : i32
      %dma_start3A_1919 = tpu.memref_slice %arg7[%multiple_of3A_1911, %dma_start3A_1918] : memref<384000x128xf32, #tpu.memory_space<hbm>> -> memref<16x128xf32, #tpu.memory_space<hbm>>
      %dma_start3A_1920 = arith.constant 0 : i32
      %dma_start3A_1921 = tpu.memref_slice %arg7[%multiple_of3A_1911, %dma_start3A_1920] : memref<384000x128xf32, #tpu.memory_space<hbm>> -> memref<16x128xf32, #tpu.memory_space<hbm>>
      %dma_start3A_1922 = arith.constant 0 : i32
      %dma_start3A_1923 = arith.constant 0 : i32
      %dma_start3A_1924 = tpu.memref_slice %arg13[%dma_start3A_1912, %dma_start3A_1913, %dma_start3A_1922, %dma_start3A_1923] : memref<2x15x16x128xf32, #tpu.memory_space<vmem>> -> memref<1x1x16x128xf32, #tpu.memory_space<vmem>>
      %dma_start3A_1925 = tpu.memref_squeeze %dma_start3A_1924 : memref<1x1x16x128xf32, #tpu.memory_space<vmem>> -> memref<16x128xf32, #tpu.memory_space<vmem>>
      tpu.enqueue_dma source(%dma_start3A_1925 : memref<16x128xf32, #tpu.memory_space<vmem>>) target(%dma_start3A_1921 : memref<16x128xf32, #tpu.memory_space<hbm>>) target_semaphore(%arg17 : memref<!tpu.dma_semaphore, #tpu.memory_space<semaphore_mem>>)
      %mul3A_1926 = arith.constant 1024 : i32
      %mul3A_1927 = arith.muli %scan3A_803, %mul3A_1926 : i32
      %add3A_1928 = arith.constant 128000 : i32
      %add3A_1929 = arith.addi %add3A_1928, %mul3A_1927 : i32
      %add3A_1930 = arith.constant 2 : i32
      %add3A_1931 = arith.addi %mul3A_2, %add3A_1930 : i32
      %mul3A_1932 = arith.constant 8 : i32
      %mul3A_1933 = arith.muli %add3A_1931, %mul3A_1932 : i32
      %add3A_1934 = arith.addi %add3A_1929, %mul3A_1933 : i32
      %multiple_of3A_1935 = tpu.assume_multiple %add3A_1934, 8 : i32
      %dma_start3A_1936 = arith.constant 1 : i32
      %dma_start3A_1937 = arith.constant 5 : i32
      %dma_start3A_1938 = arith.constant 0 : i32
      %dma_start3A_1939 = arith.constant 0 : i32
      %dma_start3A_1940 = tpu.memref_slice %arg13[%dma_start3A_1936, %dma_start3A_1937, %dma_start3A_1938, %dma_start3A_1939] : memref<2x15x16x128xf32, #tpu.memory_space<vmem>> -> memref<1x1x16x128xf32, #tpu.memory_space<vmem>>
      %dma_start3A_1941 = tpu.memref_squeeze %dma_start3A_1940 : memref<1x1x16x128xf32, #tpu.memory_space<vmem>> -> memref<16x128xf32, #tpu.memory_space<vmem>>
      %dma_start3A_1942 = arith.constant 0 : i32
      %dma_start3A_1943 = tpu.memref_slice %arg7[%multiple_of3A_1935, %dma_start3A_1942] : memref<384000x128xf32, #tpu.memory_space<hbm>> -> memref<16x128xf32, #tpu.memory_space<hbm>>
      %dma_start3A_1944 = arith.constant 0 : i32
      %dma_start3A_1945 = tpu.memref_slice %arg7[%multiple_of3A_1935, %dma_start3A_1944] : memref<384000x128xf32, #tpu.memory_space<hbm>> -> memref<16x128xf32, #tpu.memory_space<hbm>>
      %dma_start3A_1946 = arith.constant 0 : i32
      %dma_start3A_1947 = arith.constant 0 : i32
      %dma_start3A_1948 = tpu.memref_slice %arg13[%dma_start3A_1936, %dma_start3A_1937, %dma_start3A_1946, %dma_start3A_1947] : memref<2x15x16x128xf32, #tpu.memory_space<vmem>> -> memref<1x1x16x128xf32, #tpu.memory_space<vmem>>
      %dma_start3A_1949 = tpu.memref_squeeze %dma_start3A_1948 : memref<1x1x16x128xf32, #tpu.memory_space<vmem>> -> memref<16x128xf32, #tpu.memory_space<vmem>>
      tpu.enqueue_dma source(%dma_start3A_1949 : memref<16x128xf32, #tpu.memory_space<vmem>>) target(%dma_start3A_1945 : memref<16x128xf32, #tpu.memory_space<hbm>>) target_semaphore(%arg17 : memref<!tpu.dma_semaphore, #tpu.memory_space<semaphore_mem>>)
      %mul3A_1950 = arith.constant 1024 : i32
      %mul3A_1951 = arith.muli %scan3A_803, %mul3A_1950 : i32
      %add3A_1952 = arith.constant 153600 : i32
      %add3A_1953 = arith.addi %add3A_1952, %mul3A_1951 : i32
      %add3A_1954 = arith.constant 2 : i32
      %add3A_1955 = arith.addi %mul3A_2, %add3A_1954 : i32
      %mul3A_1956 = arith.constant 8 : i32
      %mul3A_1957 = arith.muli %add3A_1955, %mul3A_1956 : i32
      %add3A_1958 = arith.addi %add3A_1953, %mul3A_1957 : i32
      %multiple_of3A_1959 = tpu.assume_multiple %add3A_1958, 8 : i32
      %dma_start3A_1960 = arith.constant 1 : i32
      %dma_start3A_1961 = arith.constant 6 : i32
      %dma_start3A_1962 = arith.constant 0 : i32
      %dma_start3A_1963 = arith.constant 0 : i32
      %dma_start3A_1964 = tpu.memref_slice %arg13[%dma_start3A_1960, %dma_start3A_1961, %dma_start3A_1962, %dma_start3A_1963] : memref<2x15x16x128xf32, #tpu.memory_space<vmem>> -> memref<1x1x16x128xf32, #tpu.memory_space<vmem>>
      %dma_start3A_1965 = tpu.memref_squeeze %dma_start3A_1964 : memref<1x1x16x128xf32, #tpu.memory_space<vmem>> -> memref<16x128xf32, #tpu.memory_space<vmem>>
      %dma_start3A_1966 = arith.constant 0 : i32
      %dma_start3A_1967 = tpu.memref_slice %arg7[%multiple_of3A_1959, %dma_start3A_1966] : memref<384000x128xf32, #tpu.memory_space<hbm>> -> memref<16x128xf32, #tpu.memory_space<hbm>>
      %dma_start3A_1968 = arith.constant 0 : i32
      %dma_start3A_1969 = tpu.memref_slice %arg7[%multiple_of3A_1959, %dma_start3A_1968] : memref<384000x128xf32, #tpu.memory_space<hbm>> -> memref<16x128xf32, #tpu.memory_space<hbm>>
      %dma_start3A_1970 = arith.constant 0 : i32
      %dma_start3A_1971 = arith.constant 0 : i32
      %dma_start3A_1972 = tpu.memref_slice %arg13[%dma_start3A_1960, %dma_start3A_1961, %dma_start3A_1970, %dma_start3A_1971] : memref<2x15x16x128xf32, #tpu.memory_space<vmem>> -> memref<1x1x16x128xf32, #tpu.memory_space<vmem>>
      %dma_start3A_1973 = tpu.memref_squeeze %dma_start3A_1972 : memref<1x1x16x128xf32, #tpu.memory_space<vmem>> -> memref<16x128xf32, #tpu.memory_space<vmem>>
      tpu.enqueue_dma source(%dma_start3A_1973 : memref<16x128xf32, #tpu.memory_space<vmem>>) target(%dma_start3A_1969 : memref<16x128xf32, #tpu.memory_space<hbm>>) target_semaphore(%arg17 : memref<!tpu.dma_semaphore, #tpu.memory_space<semaphore_mem>>)
      %mul3A_1974 = arith.constant 1024 : i32
      %mul3A_1975 = arith.muli %scan3A_803, %mul3A_1974 : i32
      %add3A_1976 = arith.constant 179200 : i32
      %add3A_1977 = arith.addi %add3A_1976, %mul3A_1975 : i32
      %add3A_1978 = arith.constant 2 : i32
      %add3A_1979 = arith.addi %mul3A_2, %add3A_1978 : i32
      %mul3A_1980 = arith.constant 8 : i32
      %mul3A_1981 = arith.muli %add3A_1979, %mul3A_1980 : i32
      %add3A_1982 = arith.addi %add3A_1977, %mul3A_1981 : i32
      %multiple_of3A_1983 = tpu.assume_multiple %add3A_1982, 8 : i32
      %dma_start3A_1984 = arith.constant 1 : i32
      %dma_start3A_1985 = arith.constant 7 : i32
      %dma_start3A_1986 = arith.constant 0 : i32
      %dma_start3A_1987 = arith.constant 0 : i32
      %dma_start3A_1988 = tpu.memref_slice %arg13[%dma_start3A_1984, %dma_start3A_1985, %dma_start3A_1986, %dma_start3A_1987] : memref<2x15x16x128xf32, #tpu.memory_space<vmem>> -> memref<1x1x16x128xf32, #tpu.memory_space<vmem>>
      %dma_start3A_1989 = tpu.memref_squeeze %dma_start3A_1988 : memref<1x1x16x128xf32, #tpu.memory_space<vmem>> -> memref<16x128xf32, #tpu.memory_space<vmem>>
      %dma_start3A_1990 = arith.constant 0 : i32
      %dma_start3A_1991 = tpu.memref_slice %arg7[%multiple_of3A_1983, %dma_start3A_1990] : memref<384000x128xf32, #tpu.memory_space<hbm>> -> memref<16x128xf32, #tpu.memory_space<hbm>>
      %dma_start3A_1992 = arith.constant 0 : i32
      %dma_start3A_1993 = tpu.memref_slice %arg7[%multiple_of3A_1983, %dma_start3A_1992] : memref<384000x128xf32, #tpu.memory_space<hbm>> -> memref<16x128xf32, #tpu.memory_space<hbm>>
      %dma_start3A_1994 = arith.constant 0 : i32
      %dma_start3A_1995 = arith.constant 0 : i32
      %dma_start3A_1996 = tpu.memref_slice %arg13[%dma_start3A_1984, %dma_start3A_1985, %dma_start3A_1994, %dma_start3A_1995] : memref<2x15x16x128xf32, #tpu.memory_space<vmem>> -> memref<1x1x16x128xf32, #tpu.memory_space<vmem>>
      %dma_start3A_1997 = tpu.memref_squeeze %dma_start3A_1996 : memref<1x1x16x128xf32, #tpu.memory_space<vmem>> -> memref<16x128xf32, #tpu.memory_space<vmem>>
      tpu.enqueue_dma source(%dma_start3A_1997 : memref<16x128xf32, #tpu.memory_space<vmem>>) target(%dma_start3A_1993 : memref<16x128xf32, #tpu.memory_space<hbm>>) target_semaphore(%arg17 : memref<!tpu.dma_semaphore, #tpu.memory_space<semaphore_mem>>)
      %mul3A_1998 = arith.constant 1024 : i32
      %mul3A_1999 = arith.muli %scan3A_803, %mul3A_1998 : i32
      %add3A_2000 = arith.constant 204800 : i32
      %add3A_2001 = arith.addi %add3A_2000, %mul3A_1999 : i32
      %add3A_2002 = arith.constant 2 : i32
      %add3A_2003 = arith.addi %mul3A_2, %add3A_2002 : i32
      %mul3A_2004 = arith.constant 8 : i32
      %mul3A_2005 = arith.muli %add3A_2003, %mul3A_2004 : i32
      %add3A_2006 = arith.addi %add3A_2001, %mul3A_2005 : i32
      %multiple_of3A_2007 = tpu.assume_multiple %add3A_2006, 8 : i32
      %dma_start3A_2008 = arith.constant 1 : i32
      %dma_start3A_2009 = arith.constant 8 : i32
      %dma_start3A_2010 = arith.constant 0 : i32
      %dma_start3A_2011 = arith.constant 0 : i32
      %dma_start3A_2012 = tpu.memref_slice %arg13[%dma_start3A_2008, %dma_start3A_2009, %dma_start3A_2010, %dma_start3A_2011] : memref<2x15x16x128xf32, #tpu.memory_space<vmem>> -> memref<1x1x16x128xf32, #tpu.memory_space<vmem>>
      %dma_start3A_2013 = tpu.memref_squeeze %dma_start3A_2012 : memref<1x1x16x128xf32, #tpu.memory_space<vmem>> -> memref<16x128xf32, #tpu.memory_space<vmem>>
      %dma_start3A_2014 = arith.constant 0 : i32
      %dma_start3A_2015 = tpu.memref_slice %arg7[%multiple_of3A_2007, %dma_start3A_2014] : memref<384000x128xf32, #tpu.memory_space<hbm>> -> memref<16x128xf32, #tpu.memory_space<hbm>>
      %dma_start3A_2016 = arith.constant 0 : i32
      %dma_start3A_2017 = tpu.memref_slice %arg7[%multiple_of3A_2007, %dma_start3A_2016] : memref<384000x128xf32, #tpu.memory_space<hbm>> -> memref<16x128xf32, #tpu.memory_space<hbm>>
      %dma_start3A_2018 = arith.constant 0 : i32
      %dma_start3A_2019 = arith.constant 0 : i32
      %dma_start3A_2020 = tpu.memref_slice %arg13[%dma_start3A_2008, %dma_start3A_2009, %dma_start3A_2018, %dma_start3A_2019] : memref<2x15x16x128xf32, #tpu.memory_space<vmem>> -> memref<1x1x16x128xf32, #tpu.memory_space<vmem>>
      %dma_start3A_2021 = tpu.memref_squeeze %dma_start3A_2020 : memref<1x1x16x128xf32, #tpu.memory_space<vmem>> -> memref<16x128xf32, #tpu.memory_space<vmem>>
      tpu.enqueue_dma source(%dma_start3A_2021 : memref<16x128xf32, #tpu.memory_space<vmem>>) target(%dma_start3A_2017 : memref<16x128xf32, #tpu.memory_space<hbm>>) target_semaphore(%arg17 : memref<!tpu.dma_semaphore, #tpu.memory_space<semaphore_mem>>)
      %mul3A_2022 = arith.constant 1024 : i32
      %mul3A_2023 = arith.muli %scan3A_803, %mul3A_2022 : i32
      %add3A_2024 = arith.constant 230400 : i32
      %add3A_2025 = arith.addi %add3A_2024, %mul3A_2023 : i32
      %add3A_2026 = arith.constant 2 : i32
      %add3A_2027 = arith.addi %mul3A_2, %add3A_2026 : i32
      %mul3A_2028 = arith.constant 8 : i32
      %mul3A_2029 = arith.muli %add3A_2027, %mul3A_2028 : i32
      %add3A_2030 = arith.addi %add3A_2025, %mul3A_2029 : i32
      %multiple_of3A_2031 = tpu.assume_multiple %add3A_2030, 8 : i32
      %dma_start3A_2032 = arith.constant 1 : i32
      %dma_start3A_2033 = arith.constant 9 : i32
      %dma_start3A_2034 = arith.constant 0 : i32
      %dma_start3A_2035 = arith.constant 0 : i32
      %dma_start3A_2036 = tpu.memref_slice %arg13[%dma_start3A_2032, %dma_start3A_2033, %dma_start3A_2034, %dma_start3A_2035] : memref<2x15x16x128xf32, #tpu.memory_space<vmem>> -> memref<1x1x16x128xf32, #tpu.memory_space<vmem>>
      %dma_start3A_2037 = tpu.memref_squeeze %dma_start3A_2036 : memref<1x1x16x128xf32, #tpu.memory_space<vmem>> -> memref<16x128xf32, #tpu.memory_space<vmem>>
      %dma_start3A_2038 = arith.constant 0 : i32
      %dma_start3A_2039 = tpu.memref_slice %arg7[%multiple_of3A_2031, %dma_start3A_2038] : memref<384000x128xf32, #tpu.memory_space<hbm>> -> memref<16x128xf32, #tpu.memory_space<hbm>>
      %dma_start3A_2040 = arith.constant 0 : i32
      %dma_start3A_2041 = tpu.memref_slice %arg7[%multiple_of3A_2031, %dma_start3A_2040] : memref<384000x128xf32, #tpu.memory_space<hbm>> -> memref<16x128xf32, #tpu.memory_space<hbm>>
      %dma_start3A_2042 = arith.constant 0 : i32
      %dma_start3A_2043 = arith.constant 0 : i32
      %dma_start3A_2044 = tpu.memref_slice %arg13[%dma_start3A_2032, %dma_start3A_2033, %dma_start3A_2042, %dma_start3A_2043] : memref<2x15x16x128xf32, #tpu.memory_space<vmem>> -> memref<1x1x16x128xf32, #tpu.memory_space<vmem>>
      %dma_start3A_2045 = tpu.memref_squeeze %dma_start3A_2044 : memref<1x1x16x128xf32, #tpu.memory_space<vmem>> -> memref<16x128xf32, #tpu.memory_space<vmem>>
      tpu.enqueue_dma source(%dma_start3A_2045 : memref<16x128xf32, #tpu.memory_space<vmem>>) target(%dma_start3A_2041 : memref<16x128xf32, #tpu.memory_space<hbm>>) target_semaphore(%arg17 : memref<!tpu.dma_semaphore, #tpu.memory_space<semaphore_mem>>)
      %mul3A_2046 = arith.constant 1024 : i32
      %mul3A_2047 = arith.muli %scan3A_803, %mul3A_2046 : i32
      %add3A_2048 = arith.constant 256000 : i32
      %add3A_2049 = arith.addi %add3A_2048, %mul3A_2047 : i32
      %add3A_2050 = arith.constant 2 : i32
      %add3A_2051 = arith.addi %mul3A_2, %add3A_2050 : i32
      %mul3A_2052 = arith.constant 8 : i32
      %mul3A_2053 = arith.muli %add3A_2051, %mul3A_2052 : i32
      %add3A_2054 = arith.addi %add3A_2049, %mul3A_2053 : i32
      %multiple_of3A_2055 = tpu.assume_multiple %add3A_2054, 8 : i32
      %dma_start3A_2056 = arith.constant 1 : i32
      %dma_start3A_2057 = arith.constant 10 : i32
      %dma_start3A_2058 = arith.constant 0 : i32
      %dma_start3A_2059 = arith.constant 0 : i32
      %dma_start3A_2060 = tpu.memref_slice %arg13[%dma_start3A_2056, %dma_start3A_2057, %dma_start3A_2058, %dma_start3A_2059] : memref<2x15x16x128xf32, #tpu.memory_space<vmem>> -> memref<1x1x16x128xf32, #tpu.memory_space<vmem>>
      %dma_start3A_2061 = tpu.memref_squeeze %dma_start3A_2060 : memref<1x1x16x128xf32, #tpu.memory_space<vmem>> -> memref<16x128xf32, #tpu.memory_space<vmem>>
      %dma_start3A_2062 = arith.constant 0 : i32
      %dma_start3A_2063 = tpu.memref_slice %arg7[%multiple_of3A_2055, %dma_start3A_2062] : memref<384000x128xf32, #tpu.memory_space<hbm>> -> memref<16x128xf32, #tpu.memory_space<hbm>>
      %dma_start3A_2064 = arith.constant 0 : i32
      %dma_start3A_2065 = tpu.memref_slice %arg7[%multiple_of3A_2055, %dma_start3A_2064] : memref<384000x128xf32, #tpu.memory_space<hbm>> -> memref<16x128xf32, #tpu.memory_space<hbm>>
      %dma_start3A_2066 = arith.constant 0 : i32
      %dma_start3A_2067 = arith.constant 0 : i32
      %dma_start3A_2068 = tpu.memref_slice %arg13[%dma_start3A_2056, %dma_start3A_2057, %dma_start3A_2066, %dma_start3A_2067] : memref<2x15x16x128xf32, #tpu.memory_space<vmem>> -> memref<1x1x16x128xf32, #tpu.memory_space<vmem>>
      %dma_start3A_2069 = tpu.memref_squeeze %dma_start3A_2068 : memref<1x1x16x128xf32, #tpu.memory_space<vmem>> -> memref<16x128xf32, #tpu.memory_space<vmem>>
      tpu.enqueue_dma source(%dma_start3A_2069 : memref<16x128xf32, #tpu.memory_space<vmem>>) target(%dma_start3A_2065 : memref<16x128xf32, #tpu.memory_space<hbm>>) target_semaphore(%arg17 : memref<!tpu.dma_semaphore, #tpu.memory_space<semaphore_mem>>)
      %mul3A_2070 = arith.constant 1024 : i32
      %mul3A_2071 = arith.muli %scan3A_803, %mul3A_2070 : i32
      %add3A_2072 = arith.constant 281600 : i32
      %add3A_2073 = arith.addi %add3A_2072, %mul3A_2071 : i32
      %add3A_2074 = arith.constant 2 : i32
      %add3A_2075 = arith.addi %mul3A_2, %add3A_2074 : i32
      %mul3A_2076 = arith.constant 8 : i32
      %mul3A_2077 = arith.muli %add3A_2075, %mul3A_2076 : i32
      %add3A_2078 = arith.addi %add3A_2073, %mul3A_2077 : i32
      %multiple_of3A_2079 = tpu.assume_multiple %add3A_2078, 8 : i32
      %dma_start3A_2080 = arith.constant 1 : i32
      %dma_start3A_2081 = arith.constant 11 : i32
      %dma_start3A_2082 = arith.constant 0 : i32
      %dma_start3A_2083 = arith.constant 0 : i32
      %dma_start3A_2084 = tpu.memref_slice %arg13[%dma_start3A_2080, %dma_start3A_2081, %dma_start3A_2082, %dma_start3A_2083] : memref<2x15x16x128xf32, #tpu.memory_space<vmem>> -> memref<1x1x16x128xf32, #tpu.memory_space<vmem>>
      %dma_start3A_2085 = tpu.memref_squeeze %dma_start3A_2084 : memref<1x1x16x128xf32, #tpu.memory_space<vmem>> -> memref<16x128xf32, #tpu.memory_space<vmem>>
      %dma_start3A_2086 = arith.constant 0 : i32
      %dma_start3A_2087 = tpu.memref_slice %arg7[%multiple_of3A_2079, %dma_start3A_2086] : memref<384000x128xf32, #tpu.memory_space<hbm>> -> memref<16x128xf32, #tpu.memory_space<hbm>>
      %dma_start3A_2088 = arith.constant 0 : i32
      %dma_start3A_2089 = tpu.memref_slice %arg7[%multiple_of3A_2079, %dma_start3A_2088] : memref<384000x128xf32, #tpu.memory_space<hbm>> -> memref<16x128xf32, #tpu.memory_space<hbm>>
      %dma_start3A_2090 = arith.constant 0 : i32
      %dma_start3A_2091 = arith.constant 0 : i32
      %dma_start3A_2092 = tpu.memref_slice %arg13[%dma_start3A_2080, %dma_start3A_2081, %dma_start3A_2090, %dma_start3A_2091] : memref<2x15x16x128xf32, #tpu.memory_space<vmem>> -> memref<1x1x16x128xf32, #tpu.memory_space<vmem>>
      %dma_start3A_2093 = tpu.memref_squeeze %dma_start3A_2092 : memref<1x1x16x128xf32, #tpu.memory_space<vmem>> -> memref<16x128xf32, #tpu.memory_space<vmem>>
      tpu.enqueue_dma source(%dma_start3A_2093 : memref<16x128xf32, #tpu.memory_space<vmem>>) target(%dma_start3A_2089 : memref<16x128xf32, #tpu.memory_space<hbm>>) target_semaphore(%arg17 : memref<!tpu.dma_semaphore, #tpu.memory_space<semaphore_mem>>)
      %mul3A_2094 = arith.constant 1024 : i32
      %mul3A_2095 = arith.muli %scan3A_803, %mul3A_2094 : i32
      %add3A_2096 = arith.constant 307200 : i32
      %add3A_2097 = arith.addi %add3A_2096, %mul3A_2095 : i32
      %add3A_2098 = arith.constant 2 : i32
      %add3A_2099 = arith.addi %mul3A_2, %add3A_2098 : i32
      %mul3A_2100 = arith.constant 8 : i32
      %mul3A_2101 = arith.muli %add3A_2099, %mul3A_2100 : i32
      %add3A_2102 = arith.addi %add3A_2097, %mul3A_2101 : i32
      %multiple_of3A_2103 = tpu.assume_multiple %add3A_2102, 8 : i32
      %dma_start3A_2104 = arith.constant 1 : i32
      %dma_start3A_2105 = arith.constant 12 : i32
      %dma_start3A_2106 = arith.constant 0 : i32
      %dma_start3A_2107 = arith.constant 0 : i32
      %dma_start3A_2108 = tpu.memref_slice %arg13[%dma_start3A_2104, %dma_start3A_2105, %dma_start3A_2106, %dma_start3A_2107] : memref<2x15x16x128xf32, #tpu.memory_space<vmem>> -> memref<1x1x16x128xf32, #tpu.memory_space<vmem>>
      %dma_start3A_2109 = tpu.memref_squeeze %dma_start3A_2108 : memref<1x1x16x128xf32, #tpu.memory_space<vmem>> -> memref<16x128xf32, #tpu.memory_space<vmem>>
      %dma_start3A_2110 = arith.constant 0 : i32
      %dma_start3A_2111 = tpu.memref_slice %arg7[%multiple_of3A_2103, %dma_start3A_2110] : memref<384000x128xf32, #tpu.memory_space<hbm>> -> memref<16x128xf32, #tpu.memory_space<hbm>>
      %dma_start3A_2112 = arith.constant 0 : i32
      %dma_start3A_2113 = tpu.memref_slice %arg7[%multiple_of3A_2103, %dma_start3A_2112] : memref<384000x128xf32, #tpu.memory_space<hbm>> -> memref<16x128xf32, #tpu.memory_space<hbm>>
      %dma_start3A_2114 = arith.constant 0 : i32
      %dma_start3A_2115 = arith.constant 0 : i32
      %dma_start3A_2116 = tpu.memref_slice %arg13[%dma_start3A_2104, %dma_start3A_2105, %dma_start3A_2114, %dma_start3A_2115] : memref<2x15x16x128xf32, #tpu.memory_space<vmem>> -> memref<1x1x16x128xf32, #tpu.memory_space<vmem>>
      %dma_start3A_2117 = tpu.memref_squeeze %dma_start3A_2116 : memref<1x1x16x128xf32, #tpu.memory_space<vmem>> -> memref<16x128xf32, #tpu.memory_space<vmem>>
      tpu.enqueue_dma source(%dma_start3A_2117 : memref<16x128xf32, #tpu.memory_space<vmem>>) target(%dma_start3A_2113 : memref<16x128xf32, #tpu.memory_space<hbm>>) target_semaphore(%arg17 : memref<!tpu.dma_semaphore, #tpu.memory_space<semaphore_mem>>)
      %mul3A_2118 = arith.constant 1024 : i32
      %mul3A_2119 = arith.muli %scan3A_803, %mul3A_2118 : i32
      %add3A_2120 = arith.constant 332800 : i32
      %add3A_2121 = arith.addi %add3A_2120, %mul3A_2119 : i32
      %add3A_2122 = arith.constant 2 : i32
      %add3A_2123 = arith.addi %mul3A_2, %add3A_2122 : i32
      %mul3A_2124 = arith.constant 8 : i32
      %mul3A_2125 = arith.muli %add3A_2123, %mul3A_2124 : i32
      %add3A_2126 = arith.addi %add3A_2121, %mul3A_2125 : i32
      %multiple_of3A_2127 = tpu.assume_multiple %add3A_2126, 8 : i32
      %dma_start3A_2128 = arith.constant 1 : i32
      %dma_start3A_2129 = arith.constant 13 : i32
      %dma_start3A_2130 = arith.constant 0 : i32
      %dma_start3A_2131 = arith.constant 0 : i32
      %dma_start3A_2132 = tpu.memref_slice %arg13[%dma_start3A_2128, %dma_start3A_2129, %dma_start3A_2130, %dma_start3A_2131] : memref<2x15x16x128xf32, #tpu.memory_space<vmem>> -> memref<1x1x16x128xf32, #tpu.memory_space<vmem>>
      %dma_start3A_2133 = tpu.memref_squeeze %dma_start3A_2132 : memref<1x1x16x128xf32, #tpu.memory_space<vmem>> -> memref<16x128xf32, #tpu.memory_space<vmem>>
      %dma_start3A_2134 = arith.constant 0 : i32
      %dma_start3A_2135 = tpu.memref_slice %arg7[%multiple_of3A_2127, %dma_start3A_2134] : memref<384000x128xf32, #tpu.memory_space<hbm>> -> memref<16x128xf32, #tpu.memory_space<hbm>>
      %dma_start3A_2136 = arith.constant 0 : i32
      %dma_start3A_2137 = tpu.memref_slice %arg7[%multiple_of3A_2127, %dma_start3A_2136] : memref<384000x128xf32, #tpu.memory_space<hbm>> -> memref<16x128xf32, #tpu.memory_space<hbm>>
      %dma_start3A_2138 = arith.constant 0 : i32
      %dma_start3A_2139 = arith.constant 0 : i32
      %dma_start3A_2140 = tpu.memref_slice %arg13[%dma_start3A_2128, %dma_start3A_2129, %dma_start3A_2138, %dma_start3A_2139] : memref<2x15x16x128xf32, #tpu.memory_space<vmem>> -> memref<1x1x16x128xf32, #tpu.memory_space<vmem>>
      %dma_start3A_2141 = tpu.memref_squeeze %dma_start3A_2140 : memref<1x1x16x128xf32, #tpu.memory_space<vmem>> -> memref<16x128xf32, #tpu.memory_space<vmem>>
      tpu.enqueue_dma source(%dma_start3A_2141 : memref<16x128xf32, #tpu.memory_space<vmem>>) target(%dma_start3A_2137 : memref<16x128xf32, #tpu.memory_space<hbm>>) target_semaphore(%arg17 : memref<!tpu.dma_semaphore, #tpu.memory_space<semaphore_mem>>)
      %mul3A_2142 = arith.constant 1024 : i32
      %mul3A_2143 = arith.muli %scan3A_803, %mul3A_2142 : i32
      %add3A_2144 = arith.constant 358400 : i32
      %add3A_2145 = arith.addi %add3A_2144, %mul3A_2143 : i32
      %add3A_2146 = arith.constant 2 : i32
      %add3A_2147 = arith.addi %mul3A_2, %add3A_2146 : i32
      %mul3A_2148 = arith.constant 8 : i32
      %mul3A_2149 = arith.muli %add3A_2147, %mul3A_2148 : i32
      %add3A_2150 = arith.addi %add3A_2145, %mul3A_2149 : i32
      %multiple_of3A_2151 = tpu.assume_multiple %add3A_2150, 8 : i32
      %dma_start3A_2152 = arith.constant 1 : i32
      %dma_start3A_2153 = arith.constant 14 : i32
      %dma_start3A_2154 = arith.constant 0 : i32
      %dma_start3A_2155 = arith.constant 0 : i32
      %dma_start3A_2156 = tpu.memref_slice %arg13[%dma_start3A_2152, %dma_start3A_2153, %dma_start3A_2154, %dma_start3A_2155] : memref<2x15x16x128xf32, #tpu.memory_space<vmem>> -> memref<1x1x16x128xf32, #tpu.memory_space<vmem>>
      %dma_start3A_2157 = tpu.memref_squeeze %dma_start3A_2156 : memref<1x1x16x128xf32, #tpu.memory_space<vmem>> -> memref<16x128xf32, #tpu.memory_space<vmem>>
      %dma_start3A_2158 = arith.constant 0 : i32
      %dma_start3A_2159 = tpu.memref_slice %arg7[%multiple_of3A_2151, %dma_start3A_2158] : memref<384000x128xf32, #tpu.memory_space<hbm>> -> memref<16x128xf32, #tpu.memory_space<hbm>>
      %dma_start3A_2160 = arith.constant 0 : i32
      %dma_start3A_2161 = tpu.memref_slice %arg7[%multiple_of3A_2151, %dma_start3A_2160] : memref<384000x128xf32, #tpu.memory_space<hbm>> -> memref<16x128xf32, #tpu.memory_space<hbm>>
      %dma_start3A_2162 = arith.constant 0 : i32
      %dma_start3A_2163 = arith.constant 0 : i32
      %dma_start3A_2164 = tpu.memref_slice %arg13[%dma_start3A_2152, %dma_start3A_2153, %dma_start3A_2162, %dma_start3A_2163] : memref<2x15x16x128xf32, #tpu.memory_space<vmem>> -> memref<1x1x16x128xf32, #tpu.memory_space<vmem>>
      %dma_start3A_2165 = tpu.memref_squeeze %dma_start3A_2164 : memref<1x1x16x128xf32, #tpu.memory_space<vmem>> -> memref<16x128xf32, #tpu.memory_space<vmem>>
      tpu.enqueue_dma source(%dma_start3A_2165 : memref<16x128xf32, #tpu.memory_space<vmem>>) target(%dma_start3A_2161 : memref<16x128xf32, #tpu.memory_space<hbm>>) target_semaphore(%arg17 : memref<!tpu.dma_semaphore, #tpu.memory_space<semaphore_mem>>)
    }
    %scan3A_173 = arith.constant 25 : i32
    %add3A_174 = arith.constant 0 : i32
    %add3A_175 = arith.addi %mul3A_2, %add3A_174 : i32
    %mul3A_176 = arith.constant 8 : i32
    %mul3A_177 = arith.muli %add3A_175, %mul3A_176 : i32
    %add3A_178 = arith.constant 24576 : i32
    %add3A_179 = arith.addi %add3A_178, %mul3A_177 : i32
    %multiple_of3A_180 = tpu.assume_multiple %add3A_179, 8 : i32
    %dma_wait3A = arith.constant 0 : i32
    %dma_wait3A_181 = arith.constant 0 : i32
    %dma_wait3A_182 = arith.constant 0 : i32
    %dma_wait3A_183 = arith.constant 0 : i32
    %dma_wait3A_184 = tpu.memref_slice %arg13[%dma_wait3A, %dma_wait3A_181, %dma_wait3A_182, %dma_wait3A_183] : memref<2x15x16x128xf32, #tpu.memory_space<vmem>> -> memref<1x1x16x128xf32, #tpu.memory_space<vmem>>
    %dma_wait3A_185 = tpu.memref_squeeze %dma_wait3A_184 : memref<1x1x16x128xf32, #tpu.memory_space<vmem>> -> memref<16x128xf32, #tpu.memory_space<vmem>>
    %dma_wait3A_186 = arith.constant 0 : i32
    %dma_wait3A_187 = tpu.memref_slice %arg7[%multiple_of3A_180, %dma_wait3A_186] : memref<384000x128xf32, #tpu.memory_space<hbm>> -> memref<16x128xf32, #tpu.memory_space<hbm>>
    %dma_wait3A_188 = arith.constant 0 : i32
    %dma_wait3A_189 = tpu.memref_slice %arg7[%multiple_of3A_180, %dma_wait3A_188] : memref<384000x128xf32, #tpu.memory_space<hbm>> -> memref<16x128xf32, #tpu.memory_space<hbm>>
    %dma_wait3A_190 = arith.constant 0 : i32
    %dma_wait3A_191 = arith.constant 0 : i32
    %dma_wait3A_192 = tpu.memref_slice %arg13[%dma_wait3A, %dma_wait3A_181, %dma_wait3A_190, %dma_wait3A_191] : memref<2x15x16x128xf32, #tpu.memory_space<vmem>> -> memref<1x1x16x128xf32, #tpu.memory_space<vmem>>
    %dma_wait3A_193 = tpu.memref_squeeze %dma_wait3A_192 : memref<1x1x16x128xf32, #tpu.memory_space<vmem>> -> memref<16x128xf32, #tpu.memory_space<vmem>>
    tpu.wait_dma2 semaphore(%arg16 : memref<!tpu.dma_semaphore, #tpu.memory_space<semaphore_mem>>) src(%dma_wait3A_193 : memref<16x128xf32, #tpu.memory_space<vmem>>) dst(%dma_wait3A_189 : memref<16x128xf32, #tpu.memory_space<hbm>>)
    %add3A_194 = arith.constant 0 : i32
    %add3A_195 = arith.addi %mul3A_2, %add3A_194 : i32
    %mul3A_196 = arith.constant 8 : i32
    %mul3A_197 = arith.muli %add3A_195, %mul3A_196 : i32
    %add3A_198 = arith.constant 50176 : i32
    %add3A_199 = arith.addi %add3A_198, %mul3A_197 : i32
    %multiple_of3A_200 = tpu.assume_multiple %add3A_199, 8 : i32
    %dma_wait3A_201 = arith.constant 0 : i32
    %dma_wait3A_202 = arith.constant 1 : i32
    %dma_wait3A_203 = arith.constant 0 : i32
    %dma_wait3A_204 = arith.constant 0 : i32
    %dma_wait3A_205 = tpu.memref_slice %arg13[%dma_wait3A_201, %dma_wait3A_202, %dma_wait3A_203, %dma_wait3A_204] : memref<2x15x16x128xf32, #tpu.memory_space<vmem>> -> memref<1x1x16x128xf32, #tpu.memory_space<vmem>>
    %dma_wait3A_206 = tpu.memref_squeeze %dma_wait3A_205 : memref<1x1x16x128xf32, #tpu.memory_space<vmem>> -> memref<16x128xf32, #tpu.memory_space<vmem>>
    %dma_wait3A_207 = arith.constant 0 : i32
    %dma_wait3A_208 = tpu.memref_slice %arg7[%multiple_of3A_200, %dma_wait3A_207] : memref<384000x128xf32, #tpu.memory_space<hbm>> -> memref<16x128xf32, #tpu.memory_space<hbm>>
    %dma_wait3A_209 = arith.constant 0 : i32
    %dma_wait3A_210 = tpu.memref_slice %arg7[%multiple_of3A_200, %dma_wait3A_209] : memref<384000x128xf32, #tpu.memory_space<hbm>> -> memref<16x128xf32, #tpu.memory_space<hbm>>
    %dma_wait3A_211 = arith.constant 0 : i32
    %dma_wait3A_212 = arith.constant 0 : i32
    %dma_wait3A_213 = tpu.memref_slice %arg13[%dma_wait3A_201, %dma_wait3A_202, %dma_wait3A_211, %dma_wait3A_212] : memref<2x15x16x128xf32, #tpu.memory_space<vmem>> -> memref<1x1x16x128xf32, #tpu.memory_space<vmem>>
    %dma_wait3A_214 = tpu.memref_squeeze %dma_wait3A_213 : memref<1x1x16x128xf32, #tpu.memory_space<vmem>> -> memref<16x128xf32, #tpu.memory_space<vmem>>
    tpu.wait_dma2 semaphore(%arg16 : memref<!tpu.dma_semaphore, #tpu.memory_space<semaphore_mem>>) src(%dma_wait3A_214 : memref<16x128xf32, #tpu.memory_space<vmem>>) dst(%dma_wait3A_210 : memref<16x128xf32, #tpu.memory_space<hbm>>)
    %add3A_215 = arith.constant 0 : i32
    %add3A_216 = arith.addi %mul3A_2, %add3A_215 : i32
    %mul3A_217 = arith.constant 8 : i32
    %mul3A_218 = arith.muli %add3A_216, %mul3A_217 : i32
    %add3A_219 = arith.constant 75776 : i32
    %add3A_220 = arith.addi %add3A_219, %mul3A_218 : i32
    %multiple_of3A_221 = tpu.assume_multiple %add3A_220, 8 : i32
    %dma_wait3A_222 = arith.constant 0 : i32
    %dma_wait3A_223 = arith.constant 2 : i32
    %dma_wait3A_224 = arith.constant 0 : i32
    %dma_wait3A_225 = arith.constant 0 : i32
    %dma_wait3A_226 = tpu.memref_slice %arg13[%dma_wait3A_222, %dma_wait3A_223, %dma_wait3A_224, %dma_wait3A_225] : memref<2x15x16x128xf32, #tpu.memory_space<vmem>> -> memref<1x1x16x128xf32, #tpu.memory_space<vmem>>
    %dma_wait3A_227 = tpu.memref_squeeze %dma_wait3A_226 : memref<1x1x16x128xf32, #tpu.memory_space<vmem>> -> memref<16x128xf32, #tpu.memory_space<vmem>>
    %dma_wait3A_228 = arith.constant 0 : i32
    %dma_wait3A_229 = tpu.memref_slice %arg7[%multiple_of3A_221, %dma_wait3A_228] : memref<384000x128xf32, #tpu.memory_space<hbm>> -> memref<16x128xf32, #tpu.memory_space<hbm>>
    %dma_wait3A_230 = arith.constant 0 : i32
    %dma_wait3A_231 = tpu.memref_slice %arg7[%multiple_of3A_221, %dma_wait3A_230] : memref<384000x128xf32, #tpu.memory_space<hbm>> -> memref<16x128xf32, #tpu.memory_space<hbm>>
    %dma_wait3A_232 = arith.constant 0 : i32
    %dma_wait3A_233 = arith.constant 0 : i32
    %dma_wait3A_234 = tpu.memref_slice %arg13[%dma_wait3A_222, %dma_wait3A_223, %dma_wait3A_232, %dma_wait3A_233] : memref<2x15x16x128xf32, #tpu.memory_space<vmem>> -> memref<1x1x16x128xf32, #tpu.memory_space<vmem>>
    %dma_wait3A_235 = tpu.memref_squeeze %dma_wait3A_234 : memref<1x1x16x128xf32, #tpu.memory_space<vmem>> -> memref<16x128xf32, #tpu.memory_space<vmem>>
    tpu.wait_dma2 semaphore(%arg16 : memref<!tpu.dma_semaphore, #tpu.memory_space<semaphore_mem>>) src(%dma_wait3A_235 : memref<16x128xf32, #tpu.memory_space<vmem>>) dst(%dma_wait3A_231 : memref<16x128xf32, #tpu.memory_space<hbm>>)
    %add3A_236 = arith.constant 0 : i32
    %add3A_237 = arith.addi %mul3A_2, %add3A_236 : i32
    %mul3A_238 = arith.constant 8 : i32
    %mul3A_239 = arith.muli %add3A_237, %mul3A_238 : i32
    %add3A_240 = arith.constant 101376 : i32
    %add3A_241 = arith.addi %add3A_240, %mul3A_239 : i32
    %multiple_of3A_242 = tpu.assume_multiple %add3A_241, 8 : i32
    %dma_wait3A_243 = arith.constant 0 : i32
    %dma_wait3A_244 = arith.constant 3 : i32
    %dma_wait3A_245 = arith.constant 0 : i32
    %dma_wait3A_246 = arith.constant 0 : i32
    %dma_wait3A_247 = tpu.memref_slice %arg13[%dma_wait3A_243, %dma_wait3A_244, %dma_wait3A_245, %dma_wait3A_246] : memref<2x15x16x128xf32, #tpu.memory_space<vmem>> -> memref<1x1x16x128xf32, #tpu.memory_space<vmem>>
    %dma_wait3A_248 = tpu.memref_squeeze %dma_wait3A_247 : memref<1x1x16x128xf32, #tpu.memory_space<vmem>> -> memref<16x128xf32, #tpu.memory_space<vmem>>
    %dma_wait3A_249 = arith.constant 0 : i32
    %dma_wait3A_250 = tpu.memref_slice %arg7[%multiple_of3A_242, %dma_wait3A_249] : memref<384000x128xf32, #tpu.memory_space<hbm>> -> memref<16x128xf32, #tpu.memory_space<hbm>>
    %dma_wait3A_251 = arith.constant 0 : i32
    %dma_wait3A_252 = tpu.memref_slice %arg7[%multiple_of3A_242, %dma_wait3A_251] : memref<384000x128xf32, #tpu.memory_space<hbm>> -> memref<16x128xf32, #tpu.memory_space<hbm>>
    %dma_wait3A_253 = arith.constant 0 : i32
    %dma_wait3A_254 = arith.constant 0 : i32
    %dma_wait3A_255 = tpu.memref_slice %arg13[%dma_wait3A_243, %dma_wait3A_244, %dma_wait3A_253, %dma_wait3A_254] : memref<2x15x16x128xf32, #tpu.memory_space<vmem>> -> memref<1x1x16x128xf32, #tpu.memory_space<vmem>>
    %dma_wait3A_256 = tpu.memref_squeeze %dma_wait3A_255 : memref<1x1x16x128xf32, #tpu.memory_space<vmem>> -> memref<16x128xf32, #tpu.memory_space<vmem>>
    tpu.wait_dma2 semaphore(%arg16 : memref<!tpu.dma_semaphore, #tpu.memory_space<semaphore_mem>>) src(%dma_wait3A_256 : memref<16x128xf32, #tpu.memory_space<vmem>>) dst(%dma_wait3A_252 : memref<16x128xf32, #tpu.memory_space<hbm>>)
    %add3A_257 = arith.constant 0 : i32
    %add3A_258 = arith.addi %mul3A_2, %add3A_257 : i32
    %mul3A_259 = arith.constant 8 : i32
    %mul3A_260 = arith.muli %add3A_258, %mul3A_259 : i32
    %add3A_261 = arith.constant 126976 : i32
    %add3A_262 = arith.addi %add3A_261, %mul3A_260 : i32
    %multiple_of3A_263 = tpu.assume_multiple %add3A_262, 8 : i32
    %dma_wait3A_264 = arith.constant 0 : i32
    %dma_wait3A_265 = arith.constant 4 : i32
    %dma_wait3A_266 = arith.constant 0 : i32
    %dma_wait3A_267 = arith.constant 0 : i32
    %dma_wait3A_268 = tpu.memref_slice %arg13[%dma_wait3A_264, %dma_wait3A_265, %dma_wait3A_266, %dma_wait3A_267] : memref<2x15x16x128xf32, #tpu.memory_space<vmem>> -> memref<1x1x16x128xf32, #tpu.memory_space<vmem>>
    %dma_wait3A_269 = tpu.memref_squeeze %dma_wait3A_268 : memref<1x1x16x128xf32, #tpu.memory_space<vmem>> -> memref<16x128xf32, #tpu.memory_space<vmem>>
    %dma_wait3A_270 = arith.constant 0 : i32
    %dma_wait3A_271 = tpu.memref_slice %arg7[%multiple_of3A_263, %dma_wait3A_270] : memref<384000x128xf32, #tpu.memory_space<hbm>> -> memref<16x128xf32, #tpu.memory_space<hbm>>
    %dma_wait3A_272 = arith.constant 0 : i32
    %dma_wait3A_273 = tpu.memref_slice %arg7[%multiple_of3A_263, %dma_wait3A_272] : memref<384000x128xf32, #tpu.memory_space<hbm>> -> memref<16x128xf32, #tpu.memory_space<hbm>>
    %dma_wait3A_274 = arith.constant 0 : i32
    %dma_wait3A_275 = arith.constant 0 : i32
    %dma_wait3A_276 = tpu.memref_slice %arg13[%dma_wait3A_264, %dma_wait3A_265, %dma_wait3A_274, %dma_wait3A_275] : memref<2x15x16x128xf32, #tpu.memory_space<vmem>> -> memref<1x1x16x128xf32, #tpu.memory_space<vmem>>
    %dma_wait3A_277 = tpu.memref_squeeze %dma_wait3A_276 : memref<1x1x16x128xf32, #tpu.memory_space<vmem>> -> memref<16x128xf32, #tpu.memory_space<vmem>>
    tpu.wait_dma2 semaphore(%arg16 : memref<!tpu.dma_semaphore, #tpu.memory_space<semaphore_mem>>) src(%dma_wait3A_277 : memref<16x128xf32, #tpu.memory_space<vmem>>) dst(%dma_wait3A_273 : memref<16x128xf32, #tpu.memory_space<hbm>>)
    %add3A_278 = arith.constant 0 : i32
    %add3A_279 = arith.addi %mul3A_2, %add3A_278 : i32
    %mul3A_280 = arith.constant 8 : i32
    %mul3A_281 = arith.muli %add3A_279, %mul3A_280 : i32
    %add3A_282 = arith.constant 152576 : i32
    %add3A_283 = arith.addi %add3A_282, %mul3A_281 : i32
    %multiple_of3A_284 = tpu.assume_multiple %add3A_283, 8 : i32
    %dma_wait3A_285 = arith.constant 0 : i32
    %dma_wait3A_286 = arith.constant 5 : i32
    %dma_wait3A_287 = arith.constant 0 : i32
    %dma_wait3A_288 = arith.constant 0 : i32
    %dma_wait3A_289 = tpu.memref_slice %arg13[%dma_wait3A_285, %dma_wait3A_286, %dma_wait3A_287, %dma_wait3A_288] : memref<2x15x16x128xf32, #tpu.memory_space<vmem>> -> memref<1x1x16x128xf32, #tpu.memory_space<vmem>>
    %dma_wait3A_290 = tpu.memref_squeeze %dma_wait3A_289 : memref<1x1x16x128xf32, #tpu.memory_space<vmem>> -> memref<16x128xf32, #tpu.memory_space<vmem>>
    %dma_wait3A_291 = arith.constant 0 : i32
    %dma_wait3A_292 = tpu.memref_slice %arg7[%multiple_of3A_284, %dma_wait3A_291] : memref<384000x128xf32, #tpu.memory_space<hbm>> -> memref<16x128xf32, #tpu.memory_space<hbm>>
    %dma_wait3A_293 = arith.constant 0 : i32
    %dma_wait3A_294 = tpu.memref_slice %arg7[%multiple_of3A_284, %dma_wait3A_293] : memref<384000x128xf32, #tpu.memory_space<hbm>> -> memref<16x128xf32, #tpu.memory_space<hbm>>
    %dma_wait3A_295 = arith.constant 0 : i32
    %dma_wait3A_296 = arith.constant 0 : i32
    %dma_wait3A_297 = tpu.memref_slice %arg13[%dma_wait3A_285, %dma_wait3A_286, %dma_wait3A_295, %dma_wait3A_296] : memref<2x15x16x128xf32, #tpu.memory_space<vmem>> -> memref<1x1x16x128xf32, #tpu.memory_space<vmem>>
    %dma_wait3A_298 = tpu.memref_squeeze %dma_wait3A_297 : memref<1x1x16x128xf32, #tpu.memory_space<vmem>> -> memref<16x128xf32, #tpu.memory_space<vmem>>
    tpu.wait_dma2 semaphore(%arg16 : memref<!tpu.dma_semaphore, #tpu.memory_space<semaphore_mem>>) src(%dma_wait3A_298 : memref<16x128xf32, #tpu.memory_space<vmem>>) dst(%dma_wait3A_294 : memref<16x128xf32, #tpu.memory_space<hbm>>)
    %add3A_299 = arith.constant 0 : i32
    %add3A_300 = arith.addi %mul3A_2, %add3A_299 : i32
    %mul3A_301 = arith.constant 8 : i32
    %mul3A_302 = arith.muli %add3A_300, %mul3A_301 : i32
    %add3A_303 = arith.constant 178176 : i32
    %add3A_304 = arith.addi %add3A_303, %mul3A_302 : i32
    %multiple_of3A_305 = tpu.assume_multiple %add3A_304, 8 : i32
    %dma_wait3A_306 = arith.constant 0 : i32
    %dma_wait3A_307 = arith.constant 6 : i32
    %dma_wait3A_308 = arith.constant 0 : i32
    %dma_wait3A_309 = arith.constant 0 : i32
    %dma_wait3A_310 = tpu.memref_slice %arg13[%dma_wait3A_306, %dma_wait3A_307, %dma_wait3A_308, %dma_wait3A_309] : memref<2x15x16x128xf32, #tpu.memory_space<vmem>> -> memref<1x1x16x128xf32, #tpu.memory_space<vmem>>
    %dma_wait3A_311 = tpu.memref_squeeze %dma_wait3A_310 : memref<1x1x16x128xf32, #tpu.memory_space<vmem>> -> memref<16x128xf32, #tpu.memory_space<vmem>>
    %dma_wait3A_312 = arith.constant 0 : i32
    %dma_wait3A_313 = tpu.memref_slice %arg7[%multiple_of3A_305, %dma_wait3A_312] : memref<384000x128xf32, #tpu.memory_space<hbm>> -> memref<16x128xf32, #tpu.memory_space<hbm>>
    %dma_wait3A_314 = arith.constant 0 : i32
    %dma_wait3A_315 = tpu.memref_slice %arg7[%multiple_of3A_305, %dma_wait3A_314] : memref<384000x128xf32, #tpu.memory_space<hbm>> -> memref<16x128xf32, #tpu.memory_space<hbm>>
    %dma_wait3A_316 = arith.constant 0 : i32
    %dma_wait3A_317 = arith.constant 0 : i32
    %dma_wait3A_318 = tpu.memref_slice %arg13[%dma_wait3A_306, %dma_wait3A_307, %dma_wait3A_316, %dma_wait3A_317] : memref<2x15x16x128xf32, #tpu.memory_space<vmem>> -> memref<1x1x16x128xf32, #tpu.memory_space<vmem>>
    %dma_wait3A_319 = tpu.memref_squeeze %dma_wait3A_318 : memref<1x1x16x128xf32, #tpu.memory_space<vmem>> -> memref<16x128xf32, #tpu.memory_space<vmem>>
    tpu.wait_dma2 semaphore(%arg16 : memref<!tpu.dma_semaphore, #tpu.memory_space<semaphore_mem>>) src(%dma_wait3A_319 : memref<16x128xf32, #tpu.memory_space<vmem>>) dst(%dma_wait3A_315 : memref<16x128xf32, #tpu.memory_space<hbm>>)
    %add3A_320 = arith.constant 0 : i32
    %add3A_321 = arith.addi %mul3A_2, %add3A_320 : i32
    %mul3A_322 = arith.constant 8 : i32
    %mul3A_323 = arith.muli %add3A_321, %mul3A_322 : i32
    %add3A_324 = arith.constant 203776 : i32
    %add3A_325 = arith.addi %add3A_324, %mul3A_323 : i32
    %multiple_of3A_326 = tpu.assume_multiple %add3A_325, 8 : i32
    %dma_wait3A_327 = arith.constant 0 : i32
    %dma_wait3A_328 = arith.constant 7 : i32
    %dma_wait3A_329 = arith.constant 0 : i32
    %dma_wait3A_330 = arith.constant 0 : i32
    %dma_wait3A_331 = tpu.memref_slice %arg13[%dma_wait3A_327, %dma_wait3A_328, %dma_wait3A_329, %dma_wait3A_330] : memref<2x15x16x128xf32, #tpu.memory_space<vmem>> -> memref<1x1x16x128xf32, #tpu.memory_space<vmem>>
    %dma_wait3A_332 = tpu.memref_squeeze %dma_wait3A_331 : memref<1x1x16x128xf32, #tpu.memory_space<vmem>> -> memref<16x128xf32, #tpu.memory_space<vmem>>
    %dma_wait3A_333 = arith.constant 0 : i32
    %dma_wait3A_334 = tpu.memref_slice %arg7[%multiple_of3A_326, %dma_wait3A_333] : memref<384000x128xf32, #tpu.memory_space<hbm>> -> memref<16x128xf32, #tpu.memory_space<hbm>>
    %dma_wait3A_335 = arith.constant 0 : i32
    %dma_wait3A_336 = tpu.memref_slice %arg7[%multiple_of3A_326, %dma_wait3A_335] : memref<384000x128xf32, #tpu.memory_space<hbm>> -> memref<16x128xf32, #tpu.memory_space<hbm>>
    %dma_wait3A_337 = arith.constant 0 : i32
    %dma_wait3A_338 = arith.constant 0 : i32
    %dma_wait3A_339 = tpu.memref_slice %arg13[%dma_wait3A_327, %dma_wait3A_328, %dma_wait3A_337, %dma_wait3A_338] : memref<2x15x16x128xf32, #tpu.memory_space<vmem>> -> memref<1x1x16x128xf32, #tpu.memory_space<vmem>>
    %dma_wait3A_340 = tpu.memref_squeeze %dma_wait3A_339 : memref<1x1x16x128xf32, #tpu.memory_space<vmem>> -> memref<16x128xf32, #tpu.memory_space<vmem>>
    tpu.wait_dma2 semaphore(%arg16 : memref<!tpu.dma_semaphore, #tpu.memory_space<semaphore_mem>>) src(%dma_wait3A_340 : memref<16x128xf32, #tpu.memory_space<vmem>>) dst(%dma_wait3A_336 : memref<16x128xf32, #tpu.memory_space<hbm>>)
    %add3A_341 = arith.constant 0 : i32
    %add3A_342 = arith.addi %mul3A_2, %add3A_341 : i32
    %mul3A_343 = arith.constant 8 : i32
    %mul3A_344 = arith.muli %add3A_342, %mul3A_343 : i32
    %add3A_345 = arith.constant 229376 : i32
    %add3A_346 = arith.addi %add3A_345, %mul3A_344 : i32
    %multiple_of3A_347 = tpu.assume_multiple %add3A_346, 8 : i32
    %dma_wait3A_348 = arith.constant 0 : i32
    %dma_wait3A_349 = arith.constant 8 : i32
    %dma_wait3A_350 = arith.constant 0 : i32
    %dma_wait3A_351 = arith.constant 0 : i32
    %dma_wait3A_352 = tpu.memref_slice %arg13[%dma_wait3A_348, %dma_wait3A_349, %dma_wait3A_350, %dma_wait3A_351] : memref<2x15x16x128xf32, #tpu.memory_space<vmem>> -> memref<1x1x16x128xf32, #tpu.memory_space<vmem>>
    %dma_wait3A_353 = tpu.memref_squeeze %dma_wait3A_352 : memref<1x1x16x128xf32, #tpu.memory_space<vmem>> -> memref<16x128xf32, #tpu.memory_space<vmem>>
    %dma_wait3A_354 = arith.constant 0 : i32
    %dma_wait3A_355 = tpu.memref_slice %arg7[%multiple_of3A_347, %dma_wait3A_354] : memref<384000x128xf32, #tpu.memory_space<hbm>> -> memref<16x128xf32, #tpu.memory_space<hbm>>
    %dma_wait3A_356 = arith.constant 0 : i32
    %dma_wait3A_357 = tpu.memref_slice %arg7[%multiple_of3A_347, %dma_wait3A_356] : memref<384000x128xf32, #tpu.memory_space<hbm>> -> memref<16x128xf32, #tpu.memory_space<hbm>>
    %dma_wait3A_358 = arith.constant 0 : i32
    %dma_wait3A_359 = arith.constant 0 : i32
    %dma_wait3A_360 = tpu.memref_slice %arg13[%dma_wait3A_348, %dma_wait3A_349, %dma_wait3A_358, %dma_wait3A_359] : memref<2x15x16x128xf32, #tpu.memory_space<vmem>> -> memref<1x1x16x128xf32, #tpu.memory_space<vmem>>
    %dma_wait3A_361 = tpu.memref_squeeze %dma_wait3A_360 : memref<1x1x16x128xf32, #tpu.memory_space<vmem>> -> memref<16x128xf32, #tpu.memory_space<vmem>>
    tpu.wait_dma2 semaphore(%arg16 : memref<!tpu.dma_semaphore, #tpu.memory_space<semaphore_mem>>) src(%dma_wait3A_361 : memref<16x128xf32, #tpu.memory_space<vmem>>) dst(%dma_wait3A_357 : memref<16x128xf32, #tpu.memory_space<hbm>>)
    %add3A_362 = arith.constant 0 : i32
    %add3A_363 = arith.addi %mul3A_2, %add3A_362 : i32
    %mul3A_364 = arith.constant 8 : i32
    %mul3A_365 = arith.muli %add3A_363, %mul3A_364 : i32
    %add3A_366 = arith.constant 254976 : i32
    %add3A_367 = arith.addi %add3A_366, %mul3A_365 : i32
    %multiple_of3A_368 = tpu.assume_multiple %add3A_367, 8 : i32
    %dma_wait3A_369 = arith.constant 0 : i32
    %dma_wait3A_370 = arith.constant 9 : i32
    %dma_wait3A_371 = arith.constant 0 : i32
    %dma_wait3A_372 = arith.constant 0 : i32
    %dma_wait3A_373 = tpu.memref_slice %arg13[%dma_wait3A_369, %dma_wait3A_370, %dma_wait3A_371, %dma_wait3A_372] : memref<2x15x16x128xf32, #tpu.memory_space<vmem>> -> memref<1x1x16x128xf32, #tpu.memory_space<vmem>>
    %dma_wait3A_374 = tpu.memref_squeeze %dma_wait3A_373 : memref<1x1x16x128xf32, #tpu.memory_space<vmem>> -> memref<16x128xf32, #tpu.memory_space<vmem>>
    %dma_wait3A_375 = arith.constant 0 : i32
    %dma_wait3A_376 = tpu.memref_slice %arg7[%multiple_of3A_368, %dma_wait3A_375] : memref<384000x128xf32, #tpu.memory_space<hbm>> -> memref<16x128xf32, #tpu.memory_space<hbm>>
    %dma_wait3A_377 = arith.constant 0 : i32
    %dma_wait3A_378 = tpu.memref_slice %arg7[%multiple_of3A_368, %dma_wait3A_377] : memref<384000x128xf32, #tpu.memory_space<hbm>> -> memref<16x128xf32, #tpu.memory_space<hbm>>
    %dma_wait3A_379 = arith.constant 0 : i32
    %dma_wait3A_380 = arith.constant 0 : i32
    %dma_wait3A_381 = tpu.memref_slice %arg13[%dma_wait3A_369, %dma_wait3A_370, %dma_wait3A_379, %dma_wait3A_380] : memref<2x15x16x128xf32, #tpu.memory_space<vmem>> -> memref<1x1x16x128xf32, #tpu.memory_space<vmem>>
    %dma_wait3A_382 = tpu.memref_squeeze %dma_wait3A_381 : memref<1x1x16x128xf32, #tpu.memory_space<vmem>> -> memref<16x128xf32, #tpu.memory_space<vmem>>
    tpu.wait_dma2 semaphore(%arg16 : memref<!tpu.dma_semaphore, #tpu.memory_space<semaphore_mem>>) src(%dma_wait3A_382 : memref<16x128xf32, #tpu.memory_space<vmem>>) dst(%dma_wait3A_378 : memref<16x128xf32, #tpu.memory_space<hbm>>)
    %add3A_383 = arith.constant 0 : i32
    %add3A_384 = arith.addi %mul3A_2, %add3A_383 : i32
    %mul3A_385 = arith.constant 8 : i32
    %mul3A_386 = arith.muli %add3A_384, %mul3A_385 : i32
    %add3A_387 = arith.constant 280576 : i32
    %add3A_388 = arith.addi %add3A_387, %mul3A_386 : i32
    %multiple_of3A_389 = tpu.assume_multiple %add3A_388, 8 : i32
    %dma_wait3A_390 = arith.constant 0 : i32
    %dma_wait3A_391 = arith.constant 10 : i32
    %dma_wait3A_392 = arith.constant 0 : i32
    %dma_wait3A_393 = arith.constant 0 : i32
    %dma_wait3A_394 = tpu.memref_slice %arg13[%dma_wait3A_390, %dma_wait3A_391, %dma_wait3A_392, %dma_wait3A_393] : memref<2x15x16x128xf32, #tpu.memory_space<vmem>> -> memref<1x1x16x128xf32, #tpu.memory_space<vmem>>
    %dma_wait3A_395 = tpu.memref_squeeze %dma_wait3A_394 : memref<1x1x16x128xf32, #tpu.memory_space<vmem>> -> memref<16x128xf32, #tpu.memory_space<vmem>>
    %dma_wait3A_396 = arith.constant 0 : i32
    %dma_wait3A_397 = tpu.memref_slice %arg7[%multiple_of3A_389, %dma_wait3A_396] : memref<384000x128xf32, #tpu.memory_space<hbm>> -> memref<16x128xf32, #tpu.memory_space<hbm>>
    %dma_wait3A_398 = arith.constant 0 : i32
    %dma_wait3A_399 = tpu.memref_slice %arg7[%multiple_of3A_389, %dma_wait3A_398] : memref<384000x128xf32, #tpu.memory_space<hbm>> -> memref<16x128xf32, #tpu.memory_space<hbm>>
    %dma_wait3A_400 = arith.constant 0 : i32
    %dma_wait3A_401 = arith.constant 0 : i32
    %dma_wait3A_402 = tpu.memref_slice %arg13[%dma_wait3A_390, %dma_wait3A_391, %dma_wait3A_400, %dma_wait3A_401] : memref<2x15x16x128xf32, #tpu.memory_space<vmem>> -> memref<1x1x16x128xf32, #tpu.memory_space<vmem>>
    %dma_wait3A_403 = tpu.memref_squeeze %dma_wait3A_402 : memref<1x1x16x128xf32, #tpu.memory_space<vmem>> -> memref<16x128xf32, #tpu.memory_space<vmem>>
    tpu.wait_dma2 semaphore(%arg16 : memref<!tpu.dma_semaphore, #tpu.memory_space<semaphore_mem>>) src(%dma_wait3A_403 : memref<16x128xf32, #tpu.memory_space<vmem>>) dst(%dma_wait3A_399 : memref<16x128xf32, #tpu.memory_space<hbm>>)
    %add3A_404 = arith.constant 0 : i32
    %add3A_405 = arith.addi %mul3A_2, %add3A_404 : i32
    %mul3A_406 = arith.constant 8 : i32
    %mul3A_407 = arith.muli %add3A_405, %mul3A_406 : i32
    %add3A_408 = arith.constant 306176 : i32
    %add3A_409 = arith.addi %add3A_408, %mul3A_407 : i32
    %multiple_of3A_410 = tpu.assume_multiple %add3A_409, 8 : i32
    %dma_wait3A_411 = arith.constant 0 : i32
    %dma_wait3A_412 = arith.constant 11 : i32
    %dma_wait3A_413 = arith.constant 0 : i32
    %dma_wait3A_414 = arith.constant 0 : i32
    %dma_wait3A_415 = tpu.memref_slice %arg13[%dma_wait3A_411, %dma_wait3A_412, %dma_wait3A_413, %dma_wait3A_414] : memref<2x15x16x128xf32, #tpu.memory_space<vmem>> -> memref<1x1x16x128xf32, #tpu.memory_space<vmem>>
    %dma_wait3A_416 = tpu.memref_squeeze %dma_wait3A_415 : memref<1x1x16x128xf32, #tpu.memory_space<vmem>> -> memref<16x128xf32, #tpu.memory_space<vmem>>
    %dma_wait3A_417 = arith.constant 0 : i32
    %dma_wait3A_418 = tpu.memref_slice %arg7[%multiple_of3A_410, %dma_wait3A_417] : memref<384000x128xf32, #tpu.memory_space<hbm>> -> memref<16x128xf32, #tpu.memory_space<hbm>>
    %dma_wait3A_419 = arith.constant 0 : i32
    %dma_wait3A_420 = tpu.memref_slice %arg7[%multiple_of3A_410, %dma_wait3A_419] : memref<384000x128xf32, #tpu.memory_space<hbm>> -> memref<16x128xf32, #tpu.memory_space<hbm>>
    %dma_wait3A_421 = arith.constant 0 : i32
    %dma_wait3A_422 = arith.constant 0 : i32
    %dma_wait3A_423 = tpu.memref_slice %arg13[%dma_wait3A_411, %dma_wait3A_412, %dma_wait3A_421, %dma_wait3A_422] : memref<2x15x16x128xf32, #tpu.memory_space<vmem>> -> memref<1x1x16x128xf32, #tpu.memory_space<vmem>>
    %dma_wait3A_424 = tpu.memref_squeeze %dma_wait3A_423 : memref<1x1x16x128xf32, #tpu.memory_space<vmem>> -> memref<16x128xf32, #tpu.memory_space<vmem>>
    tpu.wait_dma2 semaphore(%arg16 : memref<!tpu.dma_semaphore, #tpu.memory_space<semaphore_mem>>) src(%dma_wait3A_424 : memref<16x128xf32, #tpu.memory_space<vmem>>) dst(%dma_wait3A_420 : memref<16x128xf32, #tpu.memory_space<hbm>>)
    %add3A_425 = arith.constant 0 : i32
    %add3A_426 = arith.addi %mul3A_2, %add3A_425 : i32
    %mul3A_427 = arith.constant 8 : i32
    %mul3A_428 = arith.muli %add3A_426, %mul3A_427 : i32
    %add3A_429 = arith.constant 331776 : i32
    %add3A_430 = arith.addi %add3A_429, %mul3A_428 : i32
    %multiple_of3A_431 = tpu.assume_multiple %add3A_430, 8 : i32
    %dma_wait3A_432 = arith.constant 0 : i32
    %dma_wait3A_433 = arith.constant 12 : i32
    %dma_wait3A_434 = arith.constant 0 : i32
    %dma_wait3A_435 = arith.constant 0 : i32
    %dma_wait3A_436 = tpu.memref_slice %arg13[%dma_wait3A_432, %dma_wait3A_433, %dma_wait3A_434, %dma_wait3A_435] : memref<2x15x16x128xf32, #tpu.memory_space<vmem>> -> memref<1x1x16x128xf32, #tpu.memory_space<vmem>>
    %dma_wait3A_437 = tpu.memref_squeeze %dma_wait3A_436 : memref<1x1x16x128xf32, #tpu.memory_space<vmem>> -> memref<16x128xf32, #tpu.memory_space<vmem>>
    %dma_wait3A_438 = arith.constant 0 : i32
    %dma_wait3A_439 = tpu.memref_slice %arg7[%multiple_of3A_431, %dma_wait3A_438] : memref<384000x128xf32, #tpu.memory_space<hbm>> -> memref<16x128xf32, #tpu.memory_space<hbm>>
    %dma_wait3A_440 = arith.constant 0 : i32
    %dma_wait3A_441 = tpu.memref_slice %arg7[%multiple_of3A_431, %dma_wait3A_440] : memref<384000x128xf32, #tpu.memory_space<hbm>> -> memref<16x128xf32, #tpu.memory_space<hbm>>
    %dma_wait3A_442 = arith.constant 0 : i32
    %dma_wait3A_443 = arith.constant 0 : i32
    %dma_wait3A_444 = tpu.memref_slice %arg13[%dma_wait3A_432, %dma_wait3A_433, %dma_wait3A_442, %dma_wait3A_443] : memref<2x15x16x128xf32, #tpu.memory_space<vmem>> -> memref<1x1x16x128xf32, #tpu.memory_space<vmem>>
    %dma_wait3A_445 = tpu.memref_squeeze %dma_wait3A_444 : memref<1x1x16x128xf32, #tpu.memory_space<vmem>> -> memref<16x128xf32, #tpu.memory_space<vmem>>
    tpu.wait_dma2 semaphore(%arg16 : memref<!tpu.dma_semaphore, #tpu.memory_space<semaphore_mem>>) src(%dma_wait3A_445 : memref<16x128xf32, #tpu.memory_space<vmem>>) dst(%dma_wait3A_441 : memref<16x128xf32, #tpu.memory_space<hbm>>)
    %add3A_446 = arith.constant 0 : i32
    %add3A_447 = arith.addi %mul3A_2, %add3A_446 : i32
    %mul3A_448 = arith.constant 8 : i32
    %mul3A_449 = arith.muli %add3A_447, %mul3A_448 : i32
    %add3A_450 = arith.constant 357376 : i32
    %add3A_451 = arith.addi %add3A_450, %mul3A_449 : i32
    %multiple_of3A_452 = tpu.assume_multiple %add3A_451, 8 : i32
    %dma_wait3A_453 = arith.constant 0 : i32
    %dma_wait3A_454 = arith.constant 13 : i32
    %dma_wait3A_455 = arith.constant 0 : i32
    %dma_wait3A_456 = arith.constant 0 : i32
    %dma_wait3A_457 = tpu.memref_slice %arg13[%dma_wait3A_453, %dma_wait3A_454, %dma_wait3A_455, %dma_wait3A_456] : memref<2x15x16x128xf32, #tpu.memory_space<vmem>> -> memref<1x1x16x128xf32, #tpu.memory_space<vmem>>
    %dma_wait3A_458 = tpu.memref_squeeze %dma_wait3A_457 : memref<1x1x16x128xf32, #tpu.memory_space<vmem>> -> memref<16x128xf32, #tpu.memory_space<vmem>>
    %dma_wait3A_459 = arith.constant 0 : i32
    %dma_wait3A_460 = tpu.memref_slice %arg7[%multiple_of3A_452, %dma_wait3A_459] : memref<384000x128xf32, #tpu.memory_space<hbm>> -> memref<16x128xf32, #tpu.memory_space<hbm>>
    %dma_wait3A_461 = arith.constant 0 : i32
    %dma_wait3A_462 = tpu.memref_slice %arg7[%multiple_of3A_452, %dma_wait3A_461] : memref<384000x128xf32, #tpu.memory_space<hbm>> -> memref<16x128xf32, #tpu.memory_space<hbm>>
    %dma_wait3A_463 = arith.constant 0 : i32
    %dma_wait3A_464 = arith.constant 0 : i32
    %dma_wait3A_465 = tpu.memref_slice %arg13[%dma_wait3A_453, %dma_wait3A_454, %dma_wait3A_463, %dma_wait3A_464] : memref<2x15x16x128xf32, #tpu.memory_space<vmem>> -> memref<1x1x16x128xf32, #tpu.memory_space<vmem>>
    %dma_wait3A_466 = tpu.memref_squeeze %dma_wait3A_465 : memref<1x1x16x128xf32, #tpu.memory_space<vmem>> -> memref<16x128xf32, #tpu.memory_space<vmem>>
    tpu.wait_dma2 semaphore(%arg16 : memref<!tpu.dma_semaphore, #tpu.memory_space<semaphore_mem>>) src(%dma_wait3A_466 : memref<16x128xf32, #tpu.memory_space<vmem>>) dst(%dma_wait3A_462 : memref<16x128xf32, #tpu.memory_space<hbm>>)
    %add3A_467 = arith.constant 0 : i32
    %add3A_468 = arith.addi %mul3A_2, %add3A_467 : i32
    %mul3A_469 = arith.constant 8 : i32
    %mul3A_470 = arith.muli %add3A_468, %mul3A_469 : i32
    %add3A_471 = arith.constant 382976 : i32
    %add3A_472 = arith.addi %add3A_471, %mul3A_470 : i32
    %multiple_of3A_473 = tpu.assume_multiple %add3A_472, 8 : i32
    %dma_wait3A_474 = arith.constant 0 : i32
    %dma_wait3A_475 = arith.constant 14 : i32
    %dma_wait3A_476 = arith.constant 0 : i32
    %dma_wait3A_477 = arith.constant 0 : i32
    %dma_wait3A_478 = tpu.memref_slice %arg13[%dma_wait3A_474, %dma_wait3A_475, %dma_wait3A_476, %dma_wait3A_477] : memref<2x15x16x128xf32, #tpu.memory_space<vmem>> -> memref<1x1x16x128xf32, #tpu.memory_space<vmem>>
    %dma_wait3A_479 = tpu.memref_squeeze %dma_wait3A_478 : memref<1x1x16x128xf32, #tpu.memory_space<vmem>> -> memref<16x128xf32, #tpu.memory_space<vmem>>
    %dma_wait3A_480 = arith.constant 0 : i32
    %dma_wait3A_481 = tpu.memref_slice %arg7[%multiple_of3A_473, %dma_wait3A_480] : memref<384000x128xf32, #tpu.memory_space<hbm>> -> memref<16x128xf32, #tpu.memory_space<hbm>>
    %dma_wait3A_482 = arith.constant 0 : i32
    %dma_wait3A_483 = tpu.memref_slice %arg7[%multiple_of3A_473, %dma_wait3A_482] : memref<384000x128xf32, #tpu.memory_space<hbm>> -> memref<16x128xf32, #tpu.memory_space<hbm>>
    %dma_wait3A_484 = arith.constant 0 : i32
    %dma_wait3A_485 = arith.constant 0 : i32
    %dma_wait3A_486 = tpu.memref_slice %arg13[%dma_wait3A_474, %dma_wait3A_475, %dma_wait3A_484, %dma_wait3A_485] : memref<2x15x16x128xf32, #tpu.memory_space<vmem>> -> memref<1x1x16x128xf32, #tpu.memory_space<vmem>>
    %dma_wait3A_487 = tpu.memref_squeeze %dma_wait3A_486 : memref<1x1x16x128xf32, #tpu.memory_space<vmem>> -> memref<16x128xf32, #tpu.memory_space<vmem>>
    tpu.wait_dma2 semaphore(%arg16 : memref<!tpu.dma_semaphore, #tpu.memory_space<semaphore_mem>>) src(%dma_wait3A_487 : memref<16x128xf32, #tpu.memory_space<vmem>>) dst(%dma_wait3A_483 : memref<16x128xf32, #tpu.memory_space<hbm>>)
    %add3A_488 = arith.constant 2 : i32
    %add3A_489 = arith.addi %mul3A_2, %add3A_488 : i32
    %mul3A_490 = arith.constant 8 : i32
    %mul3A_491 = arith.muli %add3A_489, %mul3A_490 : i32
    %add3A_492 = arith.constant 24576 : i32
    %add3A_493 = arith.addi %add3A_492, %mul3A_491 : i32
    %multiple_of3A_494 = tpu.assume_multiple %add3A_493, 8 : i32
    %dma_wait3A_495 = arith.constant 1 : i32
    %dma_wait3A_496 = arith.constant 0 : i32
    %dma_wait3A_497 = arith.constant 0 : i32
    %dma_wait3A_498 = arith.constant 0 : i32
    %dma_wait3A_499 = tpu.memref_slice %arg13[%dma_wait3A_495, %dma_wait3A_496, %dma_wait3A_497, %dma_wait3A_498] : memref<2x15x16x128xf32, #tpu.memory_space<vmem>> -> memref<1x1x16x128xf32, #tpu.memory_space<vmem>>
    %dma_wait3A_500 = tpu.memref_squeeze %dma_wait3A_499 : memref<1x1x16x128xf32, #tpu.memory_space<vmem>> -> memref<16x128xf32, #tpu.memory_space<vmem>>
    %dma_wait3A_501 = arith.constant 0 : i32
    %dma_wait3A_502 = tpu.memref_slice %arg7[%multiple_of3A_494, %dma_wait3A_501] : memref<384000x128xf32, #tpu.memory_space<hbm>> -> memref<16x128xf32, #tpu.memory_space<hbm>>
    %dma_wait3A_503 = arith.constant 0 : i32
    %dma_wait3A_504 = tpu.memref_slice %arg7[%multiple_of3A_494, %dma_wait3A_503] : memref<384000x128xf32, #tpu.memory_space<hbm>> -> memref<16x128xf32, #tpu.memory_space<hbm>>
    %dma_wait3A_505 = arith.constant 0 : i32
    %dma_wait3A_506 = arith.constant 0 : i32
    %dma_wait3A_507 = tpu.memref_slice %arg13[%dma_wait3A_495, %dma_wait3A_496, %dma_wait3A_505, %dma_wait3A_506] : memref<2x15x16x128xf32, #tpu.memory_space<vmem>> -> memref<1x1x16x128xf32, #tpu.memory_space<vmem>>
    %dma_wait3A_508 = tpu.memref_squeeze %dma_wait3A_507 : memref<1x1x16x128xf32, #tpu.memory_space<vmem>> -> memref<16x128xf32, #tpu.memory_space<vmem>>
    tpu.wait_dma2 semaphore(%arg17 : memref<!tpu.dma_semaphore, #tpu.memory_space<semaphore_mem>>) src(%dma_wait3A_508 : memref<16x128xf32, #tpu.memory_space<vmem>>) dst(%dma_wait3A_504 : memref<16x128xf32, #tpu.memory_space<hbm>>)
    %add3A_509 = arith.constant 2 : i32
    %add3A_510 = arith.addi %mul3A_2, %add3A_509 : i32
    %mul3A_511 = arith.constant 8 : i32
    %mul3A_512 = arith.muli %add3A_510, %mul3A_511 : i32
    %add3A_513 = arith.constant 50176 : i32
    %add3A_514 = arith.addi %add3A_513, %mul3A_512 : i32
    %multiple_of3A_515 = tpu.assume_multiple %add3A_514, 8 : i32
    %dma_wait3A_516 = arith.constant 1 : i32
    %dma_wait3A_517 = arith.constant 1 : i32
    %dma_wait3A_518 = arith.constant 0 : i32
    %dma_wait3A_519 = arith.constant 0 : i32
    %dma_wait3A_520 = tpu.memref_slice %arg13[%dma_wait3A_516, %dma_wait3A_517, %dma_wait3A_518, %dma_wait3A_519] : memref<2x15x16x128xf32, #tpu.memory_space<vmem>> -> memref<1x1x16x128xf32, #tpu.memory_space<vmem>>
    %dma_wait3A_521 = tpu.memref_squeeze %dma_wait3A_520 : memref<1x1x16x128xf32, #tpu.memory_space<vmem>> -> memref<16x128xf32, #tpu.memory_space<vmem>>
    %dma_wait3A_522 = arith.constant 0 : i32
    %dma_wait3A_523 = tpu.memref_slice %arg7[%multiple_of3A_515, %dma_wait3A_522] : memref<384000x128xf32, #tpu.memory_space<hbm>> -> memref<16x128xf32, #tpu.memory_space<hbm>>
    %dma_wait3A_524 = arith.constant 0 : i32
    %dma_wait3A_525 = tpu.memref_slice %arg7[%multiple_of3A_515, %dma_wait3A_524] : memref<384000x128xf32, #tpu.memory_space<hbm>> -> memref<16x128xf32, #tpu.memory_space<hbm>>
    %dma_wait3A_526 = arith.constant 0 : i32
    %dma_wait3A_527 = arith.constant 0 : i32
    %dma_wait3A_528 = tpu.memref_slice %arg13[%dma_wait3A_516, %dma_wait3A_517, %dma_wait3A_526, %dma_wait3A_527] : memref<2x15x16x128xf32, #tpu.memory_space<vmem>> -> memref<1x1x16x128xf32, #tpu.memory_space<vmem>>
    %dma_wait3A_529 = tpu.memref_squeeze %dma_wait3A_528 : memref<1x1x16x128xf32, #tpu.memory_space<vmem>> -> memref<16x128xf32, #tpu.memory_space<vmem>>
    tpu.wait_dma2 semaphore(%arg17 : memref<!tpu.dma_semaphore, #tpu.memory_space<semaphore_mem>>) src(%dma_wait3A_529 : memref<16x128xf32, #tpu.memory_space<vmem>>) dst(%dma_wait3A_525 : memref<16x128xf32, #tpu.memory_space<hbm>>)
    %add3A_530 = arith.constant 2 : i32
    %add3A_531 = arith.addi %mul3A_2, %add3A_530 : i32
    %mul3A_532 = arith.constant 8 : i32
    %mul3A_533 = arith.muli %add3A_531, %mul3A_532 : i32
    %add3A_534 = arith.constant 75776 : i32
    %add3A_535 = arith.addi %add3A_534, %mul3A_533 : i32
    %multiple_of3A_536 = tpu.assume_multiple %add3A_535, 8 : i32
    %dma_wait3A_537 = arith.constant 1 : i32
    %dma_wait3A_538 = arith.constant 2 : i32
    %dma_wait3A_539 = arith.constant 0 : i32
    %dma_wait3A_540 = arith.constant 0 : i32
    %dma_wait3A_541 = tpu.memref_slice %arg13[%dma_wait3A_537, %dma_wait3A_538, %dma_wait3A_539, %dma_wait3A_540] : memref<2x15x16x128xf32, #tpu.memory_space<vmem>> -> memref<1x1x16x128xf32, #tpu.memory_space<vmem>>
    %dma_wait3A_542 = tpu.memref_squeeze %dma_wait3A_541 : memref<1x1x16x128xf32, #tpu.memory_space<vmem>> -> memref<16x128xf32, #tpu.memory_space<vmem>>
    %dma_wait3A_543 = arith.constant 0 : i32
    %dma_wait3A_544 = tpu.memref_slice %arg7[%multiple_of3A_536, %dma_wait3A_543] : memref<384000x128xf32, #tpu.memory_space<hbm>> -> memref<16x128xf32, #tpu.memory_space<hbm>>
    %dma_wait3A_545 = arith.constant 0 : i32
    %dma_wait3A_546 = tpu.memref_slice %arg7[%multiple_of3A_536, %dma_wait3A_545] : memref<384000x128xf32, #tpu.memory_space<hbm>> -> memref<16x128xf32, #tpu.memory_space<hbm>>
    %dma_wait3A_547 = arith.constant 0 : i32
    %dma_wait3A_548 = arith.constant 0 : i32
    %dma_wait3A_549 = tpu.memref_slice %arg13[%dma_wait3A_537, %dma_wait3A_538, %dma_wait3A_547, %dma_wait3A_548] : memref<2x15x16x128xf32, #tpu.memory_space<vmem>> -> memref<1x1x16x128xf32, #tpu.memory_space<vmem>>
    %dma_wait3A_550 = tpu.memref_squeeze %dma_wait3A_549 : memref<1x1x16x128xf32, #tpu.memory_space<vmem>> -> memref<16x128xf32, #tpu.memory_space<vmem>>
    tpu.wait_dma2 semaphore(%arg17 : memref<!tpu.dma_semaphore, #tpu.memory_space<semaphore_mem>>) src(%dma_wait3A_550 : memref<16x128xf32, #tpu.memory_space<vmem>>) dst(%dma_wait3A_546 : memref<16x128xf32, #tpu.memory_space<hbm>>)
    %add3A_551 = arith.constant 2 : i32
    %add3A_552 = arith.addi %mul3A_2, %add3A_551 : i32
    %mul3A_553 = arith.constant 8 : i32
    %mul3A_554 = arith.muli %add3A_552, %mul3A_553 : i32
    %add3A_555 = arith.constant 101376 : i32
    %add3A_556 = arith.addi %add3A_555, %mul3A_554 : i32
    %multiple_of3A_557 = tpu.assume_multiple %add3A_556, 8 : i32
    %dma_wait3A_558 = arith.constant 1 : i32
    %dma_wait3A_559 = arith.constant 3 : i32
    %dma_wait3A_560 = arith.constant 0 : i32
    %dma_wait3A_561 = arith.constant 0 : i32
    %dma_wait3A_562 = tpu.memref_slice %arg13[%dma_wait3A_558, %dma_wait3A_559, %dma_wait3A_560, %dma_wait3A_561] : memref<2x15x16x128xf32, #tpu.memory_space<vmem>> -> memref<1x1x16x128xf32, #tpu.memory_space<vmem>>
    %dma_wait3A_563 = tpu.memref_squeeze %dma_wait3A_562 : memref<1x1x16x128xf32, #tpu.memory_space<vmem>> -> memref<16x128xf32, #tpu.memory_space<vmem>>
    %dma_wait3A_564 = arith.constant 0 : i32
    %dma_wait3A_565 = tpu.memref_slice %arg7[%multiple_of3A_557, %dma_wait3A_564] : memref<384000x128xf32, #tpu.memory_space<hbm>> -> memref<16x128xf32, #tpu.memory_space<hbm>>
    %dma_wait3A_566 = arith.constant 0 : i32
    %dma_wait3A_567 = tpu.memref_slice %arg7[%multiple_of3A_557, %dma_wait3A_566] : memref<384000x128xf32, #tpu.memory_space<hbm>> -> memref<16x128xf32, #tpu.memory_space<hbm>>
    %dma_wait3A_568 = arith.constant 0 : i32
    %dma_wait3A_569 = arith.constant 0 : i32
    %dma_wait3A_570 = tpu.memref_slice %arg13[%dma_wait3A_558, %dma_wait3A_559, %dma_wait3A_568, %dma_wait3A_569] : memref<2x15x16x128xf32, #tpu.memory_space<vmem>> -> memref<1x1x16x128xf32, #tpu.memory_space<vmem>>
    %dma_wait3A_571 = tpu.memref_squeeze %dma_wait3A_570 : memref<1x1x16x128xf32, #tpu.memory_space<vmem>> -> memref<16x128xf32, #tpu.memory_space<vmem>>
    tpu.wait_dma2 semaphore(%arg17 : memref<!tpu.dma_semaphore, #tpu.memory_space<semaphore_mem>>) src(%dma_wait3A_571 : memref<16x128xf32, #tpu.memory_space<vmem>>) dst(%dma_wait3A_567 : memref<16x128xf32, #tpu.memory_space<hbm>>)
    %add3A_572 = arith.constant 2 : i32
    %add3A_573 = arith.addi %mul3A_2, %add3A_572 : i32
    %mul3A_574 = arith.constant 8 : i32
    %mul3A_575 = arith.muli %add3A_573, %mul3A_574 : i32
    %add3A_576 = arith.constant 126976 : i32
    %add3A_577 = arith.addi %add3A_576, %mul3A_575 : i32
    %multiple_of3A_578 = tpu.assume_multiple %add3A_577, 8 : i32
    %dma_wait3A_579 = arith.constant 1 : i32
    %dma_wait3A_580 = arith.constant 4 : i32
    %dma_wait3A_581 = arith.constant 0 : i32
    %dma_wait3A_582 = arith.constant 0 : i32
    %dma_wait3A_583 = tpu.memref_slice %arg13[%dma_wait3A_579, %dma_wait3A_580, %dma_wait3A_581, %dma_wait3A_582] : memref<2x15x16x128xf32, #tpu.memory_space<vmem>> -> memref<1x1x16x128xf32, #tpu.memory_space<vmem>>
    %dma_wait3A_584 = tpu.memref_squeeze %dma_wait3A_583 : memref<1x1x16x128xf32, #tpu.memory_space<vmem>> -> memref<16x128xf32, #tpu.memory_space<vmem>>
    %dma_wait3A_585 = arith.constant 0 : i32
    %dma_wait3A_586 = tpu.memref_slice %arg7[%multiple_of3A_578, %dma_wait3A_585] : memref<384000x128xf32, #tpu.memory_space<hbm>> -> memref<16x128xf32, #tpu.memory_space<hbm>>
    %dma_wait3A_587 = arith.constant 0 : i32
    %dma_wait3A_588 = tpu.memref_slice %arg7[%multiple_of3A_578, %dma_wait3A_587] : memref<384000x128xf32, #tpu.memory_space<hbm>> -> memref<16x128xf32, #tpu.memory_space<hbm>>
    %dma_wait3A_589 = arith.constant 0 : i32
    %dma_wait3A_590 = arith.constant 0 : i32
    %dma_wait3A_591 = tpu.memref_slice %arg13[%dma_wait3A_579, %dma_wait3A_580, %dma_wait3A_589, %dma_wait3A_590] : memref<2x15x16x128xf32, #tpu.memory_space<vmem>> -> memref<1x1x16x128xf32, #tpu.memory_space<vmem>>
    %dma_wait3A_592 = tpu.memref_squeeze %dma_wait3A_591 : memref<1x1x16x128xf32, #tpu.memory_space<vmem>> -> memref<16x128xf32, #tpu.memory_space<vmem>>
    tpu.wait_dma2 semaphore(%arg17 : memref<!tpu.dma_semaphore, #tpu.memory_space<semaphore_mem>>) src(%dma_wait3A_592 : memref<16x128xf32, #tpu.memory_space<vmem>>) dst(%dma_wait3A_588 : memref<16x128xf32, #tpu.memory_space<hbm>>)
    %add3A_593 = arith.constant 2 : i32
    %add3A_594 = arith.addi %mul3A_2, %add3A_593 : i32
    %mul3A_595 = arith.constant 8 : i32
    %mul3A_596 = arith.muli %add3A_594, %mul3A_595 : i32
    %add3A_597 = arith.constant 152576 : i32
    %add3A_598 = arith.addi %add3A_597, %mul3A_596 : i32
    %multiple_of3A_599 = tpu.assume_multiple %add3A_598, 8 : i32
    %dma_wait3A_600 = arith.constant 1 : i32
    %dma_wait3A_601 = arith.constant 5 : i32
    %dma_wait3A_602 = arith.constant 0 : i32
    %dma_wait3A_603 = arith.constant 0 : i32
    %dma_wait3A_604 = tpu.memref_slice %arg13[%dma_wait3A_600, %dma_wait3A_601, %dma_wait3A_602, %dma_wait3A_603] : memref<2x15x16x128xf32, #tpu.memory_space<vmem>> -> memref<1x1x16x128xf32, #tpu.memory_space<vmem>>
    %dma_wait3A_605 = tpu.memref_squeeze %dma_wait3A_604 : memref<1x1x16x128xf32, #tpu.memory_space<vmem>> -> memref<16x128xf32, #tpu.memory_space<vmem>>
    %dma_wait3A_606 = arith.constant 0 : i32
    %dma_wait3A_607 = tpu.memref_slice %arg7[%multiple_of3A_599, %dma_wait3A_606] : memref<384000x128xf32, #tpu.memory_space<hbm>> -> memref<16x128xf32, #tpu.memory_space<hbm>>
    %dma_wait3A_608 = arith.constant 0 : i32
    %dma_wait3A_609 = tpu.memref_slice %arg7[%multiple_of3A_599, %dma_wait3A_608] : memref<384000x128xf32, #tpu.memory_space<hbm>> -> memref<16x128xf32, #tpu.memory_space<hbm>>
    %dma_wait3A_610 = arith.constant 0 : i32
    %dma_wait3A_611 = arith.constant 0 : i32
    %dma_wait3A_612 = tpu.memref_slice %arg13[%dma_wait3A_600, %dma_wait3A_601, %dma_wait3A_610, %dma_wait3A_611] : memref<2x15x16x128xf32, #tpu.memory_space<vmem>> -> memref<1x1x16x128xf32, #tpu.memory_space<vmem>>
    %dma_wait3A_613 = tpu.memref_squeeze %dma_wait3A_612 : memref<1x1x16x128xf32, #tpu.memory_space<vmem>> -> memref<16x128xf32, #tpu.memory_space<vmem>>
    tpu.wait_dma2 semaphore(%arg17 : memref<!tpu.dma_semaphore, #tpu.memory_space<semaphore_mem>>) src(%dma_wait3A_613 : memref<16x128xf32, #tpu.memory_space<vmem>>) dst(%dma_wait3A_609 : memref<16x128xf32, #tpu.memory_space<hbm>>)
    %add3A_614 = arith.constant 2 : i32
    %add3A_615 = arith.addi %mul3A_2, %add3A_614 : i32
    %mul3A_616 = arith.constant 8 : i32
    %mul3A_617 = arith.muli %add3A_615, %mul3A_616 : i32
    %add3A_618 = arith.constant 178176 : i32
    %add3A_619 = arith.addi %add3A_618, %mul3A_617 : i32
    %multiple_of3A_620 = tpu.assume_multiple %add3A_619, 8 : i32
    %dma_wait3A_621 = arith.constant 1 : i32
    %dma_wait3A_622 = arith.constant 6 : i32
    %dma_wait3A_623 = arith.constant 0 : i32
    %dma_wait3A_624 = arith.constant 0 : i32
    %dma_wait3A_625 = tpu.memref_slice %arg13[%dma_wait3A_621, %dma_wait3A_622, %dma_wait3A_623, %dma_wait3A_624] : memref<2x15x16x128xf32, #tpu.memory_space<vmem>> -> memref<1x1x16x128xf32, #tpu.memory_space<vmem>>
    %dma_wait3A_626 = tpu.memref_squeeze %dma_wait3A_625 : memref<1x1x16x128xf32, #tpu.memory_space<vmem>> -> memref<16x128xf32, #tpu.memory_space<vmem>>
    %dma_wait3A_627 = arith.constant 0 : i32
    %dma_wait3A_628 = tpu.memref_slice %arg7[%multiple_of3A_620, %dma_wait3A_627] : memref<384000x128xf32, #tpu.memory_space<hbm>> -> memref<16x128xf32, #tpu.memory_space<hbm>>
    %dma_wait3A_629 = arith.constant 0 : i32
    %dma_wait3A_630 = tpu.memref_slice %arg7[%multiple_of3A_620, %dma_wait3A_629] : memref<384000x128xf32, #tpu.memory_space<hbm>> -> memref<16x128xf32, #tpu.memory_space<hbm>>
    %dma_wait3A_631 = arith.constant 0 : i32
    %dma_wait3A_632 = arith.constant 0 : i32
    %dma_wait3A_633 = tpu.memref_slice %arg13[%dma_wait3A_621, %dma_wait3A_622, %dma_wait3A_631, %dma_wait3A_632] : memref<2x15x16x128xf32, #tpu.memory_space<vmem>> -> memref<1x1x16x128xf32, #tpu.memory_space<vmem>>
    %dma_wait3A_634 = tpu.memref_squeeze %dma_wait3A_633 : memref<1x1x16x128xf32, #tpu.memory_space<vmem>> -> memref<16x128xf32, #tpu.memory_space<vmem>>
    tpu.wait_dma2 semaphore(%arg17 : memref<!tpu.dma_semaphore, #tpu.memory_space<semaphore_mem>>) src(%dma_wait3A_634 : memref<16x128xf32, #tpu.memory_space<vmem>>) dst(%dma_wait3A_630 : memref<16x128xf32, #tpu.memory_space<hbm>>)
    %add3A_635 = arith.constant 2 : i32
    %add3A_636 = arith.addi %mul3A_2, %add3A_635 : i32
    %mul3A_637 = arith.constant 8 : i32
    %mul3A_638 = arith.muli %add3A_636, %mul3A_637 : i32
    %add3A_639 = arith.constant 203776 : i32
    %add3A_640 = arith.addi %add3A_639, %mul3A_638 : i32
    %multiple_of3A_641 = tpu.assume_multiple %add3A_640, 8 : i32
    %dma_wait3A_642 = arith.constant 1 : i32
    %dma_wait3A_643 = arith.constant 7 : i32
    %dma_wait3A_644 = arith.constant 0 : i32
    %dma_wait3A_645 = arith.constant 0 : i32
    %dma_wait3A_646 = tpu.memref_slice %arg13[%dma_wait3A_642, %dma_wait3A_643, %dma_wait3A_644, %dma_wait3A_645] : memref<2x15x16x128xf32, #tpu.memory_space<vmem>> -> memref<1x1x16x128xf32, #tpu.memory_space<vmem>>
    %dma_wait3A_647 = tpu.memref_squeeze %dma_wait3A_646 : memref<1x1x16x128xf32, #tpu.memory_space<vmem>> -> memref<16x128xf32, #tpu.memory_space<vmem>>
    %dma_wait3A_648 = arith.constant 0 : i32
    %dma_wait3A_649 = tpu.memref_slice %arg7[%multiple_of3A_641, %dma_wait3A_648] : memref<384000x128xf32, #tpu.memory_space<hbm>> -> memref<16x128xf32, #tpu.memory_space<hbm>>
    %dma_wait3A_650 = arith.constant 0 : i32
    %dma_wait3A_651 = tpu.memref_slice %arg7[%multiple_of3A_641, %dma_wait3A_650] : memref<384000x128xf32, #tpu.memory_space<hbm>> -> memref<16x128xf32, #tpu.memory_space<hbm>>
    %dma_wait3A_652 = arith.constant 0 : i32
    %dma_wait3A_653 = arith.constant 0 : i32
    %dma_wait3A_654 = tpu.memref_slice %arg13[%dma_wait3A_642, %dma_wait3A_643, %dma_wait3A_652, %dma_wait3A_653] : memref<2x15x16x128xf32, #tpu.memory_space<vmem>> -> memref<1x1x16x128xf32, #tpu.memory_space<vmem>>
    %dma_wait3A_655 = tpu.memref_squeeze %dma_wait3A_654 : memref<1x1x16x128xf32, #tpu.memory_space<vmem>> -> memref<16x128xf32, #tpu.memory_space<vmem>>
    tpu.wait_dma2 semaphore(%arg17 : memref<!tpu.dma_semaphore, #tpu.memory_space<semaphore_mem>>) src(%dma_wait3A_655 : memref<16x128xf32, #tpu.memory_space<vmem>>) dst(%dma_wait3A_651 : memref<16x128xf32, #tpu.memory_space<hbm>>)
    %add3A_656 = arith.constant 2 : i32
    %add3A_657 = arith.addi %mul3A_2, %add3A_656 : i32
    %mul3A_658 = arith.constant 8 : i32
    %mul3A_659 = arith.muli %add3A_657, %mul3A_658 : i32
    %add3A_660 = arith.constant 229376 : i32
    %add3A_661 = arith.addi %add3A_660, %mul3A_659 : i32
    %multiple_of3A_662 = tpu.assume_multiple %add3A_661, 8 : i32
    %dma_wait3A_663 = arith.constant 1 : i32
    %dma_wait3A_664 = arith.constant 8 : i32
    %dma_wait3A_665 = arith.constant 0 : i32
    %dma_wait3A_666 = arith.constant 0 : i32
    %dma_wait3A_667 = tpu.memref_slice %arg13[%dma_wait3A_663, %dma_wait3A_664, %dma_wait3A_665, %dma_wait3A_666] : memref<2x15x16x128xf32, #tpu.memory_space<vmem>> -> memref<1x1x16x128xf32, #tpu.memory_space<vmem>>
    %dma_wait3A_668 = tpu.memref_squeeze %dma_wait3A_667 : memref<1x1x16x128xf32, #tpu.memory_space<vmem>> -> memref<16x128xf32, #tpu.memory_space<vmem>>
    %dma_wait3A_669 = arith.constant 0 : i32
    %dma_wait3A_670 = tpu.memref_slice %arg7[%multiple_of3A_662, %dma_wait3A_669] : memref<384000x128xf32, #tpu.memory_space<hbm>> -> memref<16x128xf32, #tpu.memory_space<hbm>>
    %dma_wait3A_671 = arith.constant 0 : i32
    %dma_wait3A_672 = tpu.memref_slice %arg7[%multiple_of3A_662, %dma_wait3A_671] : memref<384000x128xf32, #tpu.memory_space<hbm>> -> memref<16x128xf32, #tpu.memory_space<hbm>>
    %dma_wait3A_673 = arith.constant 0 : i32
    %dma_wait3A_674 = arith.constant 0 : i32
    %dma_wait3A_675 = tpu.memref_slice %arg13[%dma_wait3A_663, %dma_wait3A_664, %dma_wait3A_673, %dma_wait3A_674] : memref<2x15x16x128xf32, #tpu.memory_space<vmem>> -> memref<1x1x16x128xf32, #tpu.memory_space<vmem>>
    %dma_wait3A_676 = tpu.memref_squeeze %dma_wait3A_675 : memref<1x1x16x128xf32, #tpu.memory_space<vmem>> -> memref<16x128xf32, #tpu.memory_space<vmem>>
    tpu.wait_dma2 semaphore(%arg17 : memref<!tpu.dma_semaphore, #tpu.memory_space<semaphore_mem>>) src(%dma_wait3A_676 : memref<16x128xf32, #tpu.memory_space<vmem>>) dst(%dma_wait3A_672 : memref<16x128xf32, #tpu.memory_space<hbm>>)
    %add3A_677 = arith.constant 2 : i32
    %add3A_678 = arith.addi %mul3A_2, %add3A_677 : i32
    %mul3A_679 = arith.constant 8 : i32
    %mul3A_680 = arith.muli %add3A_678, %mul3A_679 : i32
    %add3A_681 = arith.constant 254976 : i32
    %add3A_682 = arith.addi %add3A_681, %mul3A_680 : i32
    %multiple_of3A_683 = tpu.assume_multiple %add3A_682, 8 : i32
    %dma_wait3A_684 = arith.constant 1 : i32
    %dma_wait3A_685 = arith.constant 9 : i32
    %dma_wait3A_686 = arith.constant 0 : i32
    %dma_wait3A_687 = arith.constant 0 : i32
    %dma_wait3A_688 = tpu.memref_slice %arg13[%dma_wait3A_684, %dma_wait3A_685, %dma_wait3A_686, %dma_wait3A_687] : memref<2x15x16x128xf32, #tpu.memory_space<vmem>> -> memref<1x1x16x128xf32, #tpu.memory_space<vmem>>
    %dma_wait3A_689 = tpu.memref_squeeze %dma_wait3A_688 : memref<1x1x16x128xf32, #tpu.memory_space<vmem>> -> memref<16x128xf32, #tpu.memory_space<vmem>>
    %dma_wait3A_690 = arith.constant 0 : i32
    %dma_wait3A_691 = tpu.memref_slice %arg7[%multiple_of3A_683, %dma_wait3A_690] : memref<384000x128xf32, #tpu.memory_space<hbm>> -> memref<16x128xf32, #tpu.memory_space<hbm>>
    %dma_wait3A_692 = arith.constant 0 : i32
    %dma_wait3A_693 = tpu.memref_slice %arg7[%multiple_of3A_683, %dma_wait3A_692] : memref<384000x128xf32, #tpu.memory_space<hbm>> -> memref<16x128xf32, #tpu.memory_space<hbm>>
    %dma_wait3A_694 = arith.constant 0 : i32
    %dma_wait3A_695 = arith.constant 0 : i32
    %dma_wait3A_696 = tpu.memref_slice %arg13[%dma_wait3A_684, %dma_wait3A_685, %dma_wait3A_694, %dma_wait3A_695] : memref<2x15x16x128xf32, #tpu.memory_space<vmem>> -> memref<1x1x16x128xf32, #tpu.memory_space<vmem>>
    %dma_wait3A_697 = tpu.memref_squeeze %dma_wait3A_696 : memref<1x1x16x128xf32, #tpu.memory_space<vmem>> -> memref<16x128xf32, #tpu.memory_space<vmem>>
    tpu.wait_dma2 semaphore(%arg17 : memref<!tpu.dma_semaphore, #tpu.memory_space<semaphore_mem>>) src(%dma_wait3A_697 : memref<16x128xf32, #tpu.memory_space<vmem>>) dst(%dma_wait3A_693 : memref<16x128xf32, #tpu.memory_space<hbm>>)
    %add3A_698 = arith.constant 2 : i32
    %add3A_699 = arith.addi %mul3A_2, %add3A_698 : i32
    %mul3A_700 = arith.constant 8 : i32
    %mul3A_701 = arith.muli %add3A_699, %mul3A_700 : i32
    %add3A_702 = arith.constant 280576 : i32
    %add3A_703 = arith.addi %add3A_702, %mul3A_701 : i32
    %multiple_of3A_704 = tpu.assume_multiple %add3A_703, 8 : i32
    %dma_wait3A_705 = arith.constant 1 : i32
    %dma_wait3A_706 = arith.constant 10 : i32
    %dma_wait3A_707 = arith.constant 0 : i32
    %dma_wait3A_708 = arith.constant 0 : i32
    %dma_wait3A_709 = tpu.memref_slice %arg13[%dma_wait3A_705, %dma_wait3A_706, %dma_wait3A_707, %dma_wait3A_708] : memref<2x15x16x128xf32, #tpu.memory_space<vmem>> -> memref<1x1x16x128xf32, #tpu.memory_space<vmem>>
    %dma_wait3A_710 = tpu.memref_squeeze %dma_wait3A_709 : memref<1x1x16x128xf32, #tpu.memory_space<vmem>> -> memref<16x128xf32, #tpu.memory_space<vmem>>
    %dma_wait3A_711 = arith.constant 0 : i32
    %dma_wait3A_712 = tpu.memref_slice %arg7[%multiple_of3A_704, %dma_wait3A_711] : memref<384000x128xf32, #tpu.memory_space<hbm>> -> memref<16x128xf32, #tpu.memory_space<hbm>>
    %dma_wait3A_713 = arith.constant 0 : i32
    %dma_wait3A_714 = tpu.memref_slice %arg7[%multiple_of3A_704, %dma_wait3A_713] : memref<384000x128xf32, #tpu.memory_space<hbm>> -> memref<16x128xf32, #tpu.memory_space<hbm>>
    %dma_wait3A_715 = arith.constant 0 : i32
    %dma_wait3A_716 = arith.constant 0 : i32
    %dma_wait3A_717 = tpu.memref_slice %arg13[%dma_wait3A_705, %dma_wait3A_706, %dma_wait3A_715, %dma_wait3A_716] : memref<2x15x16x128xf32, #tpu.memory_space<vmem>> -> memref<1x1x16x128xf32, #tpu.memory_space<vmem>>
    %dma_wait3A_718 = tpu.memref_squeeze %dma_wait3A_717 : memref<1x1x16x128xf32, #tpu.memory_space<vmem>> -> memref<16x128xf32, #tpu.memory_space<vmem>>
    tpu.wait_dma2 semaphore(%arg17 : memref<!tpu.dma_semaphore, #tpu.memory_space<semaphore_mem>>) src(%dma_wait3A_718 : memref<16x128xf32, #tpu.memory_space<vmem>>) dst(%dma_wait3A_714 : memref<16x128xf32, #tpu.memory_space<hbm>>)
    %add3A_719 = arith.constant 2 : i32
    %add3A_720 = arith.addi %mul3A_2, %add3A_719 : i32
    %mul3A_721 = arith.constant 8 : i32
    %mul3A_722 = arith.muli %add3A_720, %mul3A_721 : i32
    %add3A_723 = arith.constant 306176 : i32
    %add3A_724 = arith.addi %add3A_723, %mul3A_722 : i32
    %multiple_of3A_725 = tpu.assume_multiple %add3A_724, 8 : i32
    %dma_wait3A_726 = arith.constant 1 : i32
    %dma_wait3A_727 = arith.constant 11 : i32
    %dma_wait3A_728 = arith.constant 0 : i32
    %dma_wait3A_729 = arith.constant 0 : i32
    %dma_wait3A_730 = tpu.memref_slice %arg13[%dma_wait3A_726, %dma_wait3A_727, %dma_wait3A_728, %dma_wait3A_729] : memref<2x15x16x128xf32, #tpu.memory_space<vmem>> -> memref<1x1x16x128xf32, #tpu.memory_space<vmem>>
    %dma_wait3A_731 = tpu.memref_squeeze %dma_wait3A_730 : memref<1x1x16x128xf32, #tpu.memory_space<vmem>> -> memref<16x128xf32, #tpu.memory_space<vmem>>
    %dma_wait3A_732 = arith.constant 0 : i32
    %dma_wait3A_733 = tpu.memref_slice %arg7[%multiple_of3A_725, %dma_wait3A_732] : memref<384000x128xf32, #tpu.memory_space<hbm>> -> memref<16x128xf32, #tpu.memory_space<hbm>>
    %dma_wait3A_734 = arith.constant 0 : i32
    %dma_wait3A_735 = tpu.memref_slice %arg7[%multiple_of3A_725, %dma_wait3A_734] : memref<384000x128xf32, #tpu.memory_space<hbm>> -> memref<16x128xf32, #tpu.memory_space<hbm>>
    %dma_wait3A_736 = arith.constant 0 : i32
    %dma_wait3A_737 = arith.constant 0 : i32
    %dma_wait3A_738 = tpu.memref_slice %arg13[%dma_wait3A_726, %dma_wait3A_727, %dma_wait3A_736, %dma_wait3A_737] : memref<2x15x16x128xf32, #tpu.memory_space<vmem>> -> memref<1x1x16x128xf32, #tpu.memory_space<vmem>>
    %dma_wait3A_739 = tpu.memref_squeeze %dma_wait3A_738 : memref<1x1x16x128xf32, #tpu.memory_space<vmem>> -> memref<16x128xf32, #tpu.memory_space<vmem>>
    tpu.wait_dma2 semaphore(%arg17 : memref<!tpu.dma_semaphore, #tpu.memory_space<semaphore_mem>>) src(%dma_wait3A_739 : memref<16x128xf32, #tpu.memory_space<vmem>>) dst(%dma_wait3A_735 : memref<16x128xf32, #tpu.memory_space<hbm>>)
    %add3A_740 = arith.constant 2 : i32
    %add3A_741 = arith.addi %mul3A_2, %add3A_740 : i32
    %mul3A_742 = arith.constant 8 : i32
    %mul3A_743 = arith.muli %add3A_741, %mul3A_742 : i32
    %add3A_744 = arith.constant 331776 : i32
    %add3A_745 = arith.addi %add3A_744, %mul3A_743 : i32
    %multiple_of3A_746 = tpu.assume_multiple %add3A_745, 8 : i32
    %dma_wait3A_747 = arith.constant 1 : i32
    %dma_wait3A_748 = arith.constant 12 : i32
    %dma_wait3A_749 = arith.constant 0 : i32
    %dma_wait3A_750 = arith.constant 0 : i32
    %dma_wait3A_751 = tpu.memref_slice %arg13[%dma_wait3A_747, %dma_wait3A_748, %dma_wait3A_749, %dma_wait3A_750] : memref<2x15x16x128xf32, #tpu.memory_space<vmem>> -> memref<1x1x16x128xf32, #tpu.memory_space<vmem>>
    %dma_wait3A_752 = tpu.memref_squeeze %dma_wait3A_751 : memref<1x1x16x128xf32, #tpu.memory_space<vmem>> -> memref<16x128xf32, #tpu.memory_space<vmem>>
    %dma_wait3A_753 = arith.constant 0 : i32
    %dma_wait3A_754 = tpu.memref_slice %arg7[%multiple_of3A_746, %dma_wait3A_753] : memref<384000x128xf32, #tpu.memory_space<hbm>> -> memref<16x128xf32, #tpu.memory_space<hbm>>
    %dma_wait3A_755 = arith.constant 0 : i32
    %dma_wait3A_756 = tpu.memref_slice %arg7[%multiple_of3A_746, %dma_wait3A_755] : memref<384000x128xf32, #tpu.memory_space<hbm>> -> memref<16x128xf32, #tpu.memory_space<hbm>>
    %dma_wait3A_757 = arith.constant 0 : i32
    %dma_wait3A_758 = arith.constant 0 : i32
    %dma_wait3A_759 = tpu.memref_slice %arg13[%dma_wait3A_747, %dma_wait3A_748, %dma_wait3A_757, %dma_wait3A_758] : memref<2x15x16x128xf32, #tpu.memory_space<vmem>> -> memref<1x1x16x128xf32, #tpu.memory_space<vmem>>
    %dma_wait3A_760 = tpu.memref_squeeze %dma_wait3A_759 : memref<1x1x16x128xf32, #tpu.memory_space<vmem>> -> memref<16x128xf32, #tpu.memory_space<vmem>>
    tpu.wait_dma2 semaphore(%arg17 : memref<!tpu.dma_semaphore, #tpu.memory_space<semaphore_mem>>) src(%dma_wait3A_760 : memref<16x128xf32, #tpu.memory_space<vmem>>) dst(%dma_wait3A_756 : memref<16x128xf32, #tpu.memory_space<hbm>>)
    %add3A_761 = arith.constant 2 : i32
    %add3A_762 = arith.addi %mul3A_2, %add3A_761 : i32
    %mul3A_763 = arith.constant 8 : i32
    %mul3A_764 = arith.muli %add3A_762, %mul3A_763 : i32
    %add3A_765 = arith.constant 357376 : i32
    %add3A_766 = arith.addi %add3A_765, %mul3A_764 : i32
    %multiple_of3A_767 = tpu.assume_multiple %add3A_766, 8 : i32
    %dma_wait3A_768 = arith.constant 1 : i32
    %dma_wait3A_769 = arith.constant 13 : i32
    %dma_wait3A_770 = arith.constant 0 : i32
    %dma_wait3A_771 = arith.constant 0 : i32
    %dma_wait3A_772 = tpu.memref_slice %arg13[%dma_wait3A_768, %dma_wait3A_769, %dma_wait3A_770, %dma_wait3A_771] : memref<2x15x16x128xf32, #tpu.memory_space<vmem>> -> memref<1x1x16x128xf32, #tpu.memory_space<vmem>>
    %dma_wait3A_773 = tpu.memref_squeeze %dma_wait3A_772 : memref<1x1x16x128xf32, #tpu.memory_space<vmem>> -> memref<16x128xf32, #tpu.memory_space<vmem>>
    %dma_wait3A_774 = arith.constant 0 : i32
    %dma_wait3A_775 = tpu.memref_slice %arg7[%multiple_of3A_767, %dma_wait3A_774] : memref<384000x128xf32, #tpu.memory_space<hbm>> -> memref<16x128xf32, #tpu.memory_space<hbm>>
    %dma_wait3A_776 = arith.constant 0 : i32
    %dma_wait3A_777 = tpu.memref_slice %arg7[%multiple_of3A_767, %dma_wait3A_776] : memref<384000x128xf32, #tpu.memory_space<hbm>> -> memref<16x128xf32, #tpu.memory_space<hbm>>
    %dma_wait3A_778 = arith.constant 0 : i32
    %dma_wait3A_779 = arith.constant 0 : i32
    %dma_wait3A_780 = tpu.memref_slice %arg13[%dma_wait3A_768, %dma_wait3A_769, %dma_wait3A_778, %dma_wait3A_779] : memref<2x15x16x128xf32, #tpu.memory_space<vmem>> -> memref<1x1x16x128xf32, #tpu.memory_space<vmem>>
    %dma_wait3A_781 = tpu.memref_squeeze %dma_wait3A_780 : memref<1x1x16x128xf32, #tpu.memory_space<vmem>> -> memref<16x128xf32, #tpu.memory_space<vmem>>
    tpu.wait_dma2 semaphore(%arg17 : memref<!tpu.dma_semaphore, #tpu.memory_space<semaphore_mem>>) src(%dma_wait3A_781 : memref<16x128xf32, #tpu.memory_space<vmem>>) dst(%dma_wait3A_777 : memref<16x128xf32, #tpu.memory_space<hbm>>)
    %add3A_782 = arith.constant 2 : i32
    %add3A_783 = arith.addi %mul3A_2, %add3A_782 : i32
    %mul3A_784 = arith.constant 8 : i32
    %mul3A_785 = arith.muli %add3A_783, %mul3A_784 : i32
    %add3A_786 = arith.constant 382976 : i32
    %add3A_787 = arith.addi %add3A_786, %mul3A_785 : i32
    %multiple_of3A_788 = tpu.assume_multiple %add3A_787, 8 : i32
    %dma_wait3A_789 = arith.constant 1 : i32
    %dma_wait3A_790 = arith.constant 14 : i32
    %dma_wait3A_791 = arith.constant 0 : i32
    %dma_wait3A_792 = arith.constant 0 : i32
    %dma_wait3A_793 = tpu.memref_slice %arg13[%dma_wait3A_789, %dma_wait3A_790, %dma_wait3A_791, %dma_wait3A_792] : memref<2x15x16x128xf32, #tpu.memory_space<vmem>> -> memref<1x1x16x128xf32, #tpu.memory_space<vmem>>
    %dma_wait3A_794 = tpu.memref_squeeze %dma_wait3A_793 : memref<1x1x16x128xf32, #tpu.memory_space<vmem>> -> memref<16x128xf32, #tpu.memory_space<vmem>>
    %dma_wait3A_795 = arith.constant 0 : i32
    %dma_wait3A_796 = tpu.memref_slice %arg7[%multiple_of3A_788, %dma_wait3A_795] : memref<384000x128xf32, #tpu.memory_space<hbm>> -> memref<16x128xf32, #tpu.memory_space<hbm>>
    %dma_wait3A_797 = arith.constant 0 : i32
    %dma_wait3A_798 = tpu.memref_slice %arg7[%multiple_of3A_788, %dma_wait3A_797] : memref<384000x128xf32, #tpu.memory_space<hbm>> -> memref<16x128xf32, #tpu.memory_space<hbm>>
    %dma_wait3A_799 = arith.constant 0 : i32
    %dma_wait3A_800 = arith.constant 0 : i32
    %dma_wait3A_801 = tpu.memref_slice %arg13[%dma_wait3A_789, %dma_wait3A_790, %dma_wait3A_799, %dma_wait3A_800] : memref<2x15x16x128xf32, #tpu.memory_space<vmem>> -> memref<1x1x16x128xf32, #tpu.memory_space<vmem>>
    %dma_wait3A_802 = tpu.memref_squeeze %dma_wait3A_801 : memref<1x1x16x128xf32, #tpu.memory_space<vmem>> -> memref<16x128xf32, #tpu.memory_space<vmem>>
    tpu.wait_dma2 semaphore(%arg17 : memref<!tpu.dma_semaphore, #tpu.memory_space<semaphore_mem>>) src(%dma_wait3A_802 : memref<16x128xf32, #tpu.memory_space<vmem>>) dst(%dma_wait3A_798 : memref<16x128xf32, #tpu.memory_space<hbm>>)
    return
  }
}

</mosaic_0001>

<sc_bundles>
// kernel: kernel.3.cloned.1.call-start
scs
__scs_entry_jumppad:
0x0: {  	(pc) =	sbr.rel $0x88, $3  }
0x1: {  	(tag) =	ssettag $0x0;
	lr =	simm.s32 $0x1  }
0x2: {  	[smem:$0x3F9C] =	sst lr;
	_ =	strace $0xD0000000  }
0x3: {  	_ = 	snop  }
0x4: {  	_ = 	snop  }
0x5: {  	_ = 	snop  }
0x6: {  	_ = 	snop  }
0x7: {  	_ = 	snop  }
__scs_overlays_trampoline_lowered:
0x8: {  	[smem:$0x3FAB] =	sst s0  }
0x9: {  	[smem:$0x3FAC] =	sst s1  }
0xa: {  	[smem:$0x3FAD] =	sst s2  }
0xb: {  	[smem:$0x3FAE] =	sst s3  }
0xc: {  	[smem:$0x3FAF] =	sst s4  }
0xd: {  	[smem:$0x3FB0] =	sst s5  }
0xe: {  	[smem:$0x3FB1] =	sst s6  }
0xf: {  	[smem:$0x3FB2] =	sst s7  }
0x10: {  	[smem:$0x3FB3] =	sst s8  }
0x11: {  	[smem:$0x3FB4] =	sst s9;
	s0 =	simm.s32 @!p0 $0x0  }
0x12: {  	s1 =	sld [smem:$0x3F9A];
	s0 =	simm.s32 @p0 $0x1  }
0x13: {  	[smem:$0x3FB5] =	sst s0;
	s0 =	simm.s32 @!p1 $0x0  }
0x14: {  	s2 =	sld [smem:$0x3F99];
	s0 =	simm.s32 @p1 $0x1  }
0x15: {  	[smem:$0x3FB6] =	sst s0;
	s0 =	simm.s32 @!p2 $0x0  }
0x16: {  	s3 =	sld [smem:$0x3FDB];
	s0 =	simm.s32 @p2 $0x1  }
0x17: {  	s4 =	simm.s32 $0x1BF5;
	[smem:$0x3FB8] =	sst s0  }
0x18: {  	s0 =	sld [smem:$0x3F9B];
	_ =	swait.ge [sflag:s4], $0x0  }
0x19: {  	s7 =	sld [smem:$0x3F9C]  }
0x1a: {  	s8 =	sadd.s32 $0xFFFFE003, lr  }
0x1b: {  	s9 =	sadd.s32 $0xFFFFFEF7, lr;
	s5 =	simm.s32 $0xFFFFFFFF;
	p2 =	slt.u32 s8, $0xFFFFF086  }
0x1c: {  	p1 =	slt.u32 s9, $0xF7A;
	s5 =	simm.s32 @!p2 $0x0  }
0x1d: {  	s5 =	simm.s32 @p1 $0x1;
	p0 =	seq.s32 s7, s2  }
0x1e: {  	s7 =	smul.u32 @!p0 $0xF7A, s2;
	p2 =	seq.s32 @!p0 s5, $0x0  }
0x1f: {  	s9 =	smul.u32 $0xF7A, s1;
	s8 =	simm.s32 @!p0 $0x1BF5;
	p2 =	por !p2, p0  }
0x20: {  	[sflag:s8] =	ssyncset.s32 @!p0 $0xFFFFF086;
	s6 =	sadd.s32 @!p0 s3, s7;
	s7 =	simm.s32 @!p0 $0x108  }
0x21: {  	s3 =	sadd.s32 s3, s9;
	s6 =	sadd.s32 @!p0 $0x88, s6;
	s7 =	simm.s32 @p2 $0x1082  }
0x22: {  	[simem:s7], [sflag:s8] =	dma.local @!p0 [hbm:s6], $0xF7A  }
0x23: {  	s9 =	sor.u32 $0xD0000000, s2;
	s6 =	simm.s32 $0x108;
	_ =	swait.ge @!p0 [sflag:s8], $0x0  }
0x24: {  	s3 =	sadd.s32 $0x88, s3;
	s6 =	simm.s32 @!p1 $0x1082;
	[sflag:s4] =	ssyncset.s32 $0xFFFFF086  }
0x25: {  	[simem:s6], [sflag:s4] =	dma.local [hbm:s3], $0xF7A  }
0x26: {  	[smem:$0x3F9C] =	sst s1;
	(tag) =	ssettag s2;
	_ =	strace s9  }
0x27: {  	s1 =	sld [smem:$0x3FAC]  }
0x28: {  	s2 =	sld [smem:$0x3FAD]  }
0x29: {  	s4 =	sld [smem:$0x3FAF]  }
0x2a: {  	p0 =	seq.s32 s5, $0x0;
	s5 =	sld [smem:$0x3FB0]  }
0x2b: {  	s6 =	sld [smem:$0x3FB1]  }
0x2c: {  	s7 =	sld [smem:$0x3FB2]  }
0x2d: {  	s3 =	simm.s32 $0x108;
	s8 =	sld [smem:$0x3FB3]  }
0x2e: {  	s3 =	simm.s32 @!p0 $0x1082;
	s9 =	sld [smem:$0x3FB4]  }
0x2f: {  	lr =	sadd.s32 s0, s3;
	s0 =	sld [smem:$0x3FAB]  }
0x30: {  	s3 =	sld [smem:$0x3FAE]  }
0x31: {  	[smem:$0x3FB7] =	sst s10  }
0x32: {  	s10 =	sld [smem:$0x3FB5];
	_ =	sdelay $0x3  }
0x33: {  	p0 =	seq.s32 s10, $0x1;
	s10 =	sld [smem:$0x3FB7];
	_ =	sdelay $0x3  }
0x34: {  	[smem:$0x3FB7] =	sst s10  }
0x35: {  	s10 =	sld [smem:$0x3FB6];
	_ =	sdelay $0x3  }
0x36: {  	p1 =	seq.s32 s10, $0x1;
	s10 =	sld [smem:$0x3FB7];
	_ =	sdelay $0x3  }
0x37: {  	[smem:$0x3FB7] =	sst s10  }
0x38: {  	s10 =	sld [smem:$0x3FB8]  }
0x39: {  	_ = 	snop;
	(pc) =	sbr.ind lr, $3  }
0x3a: {  	_ = 	snop  }
0x3b: {  	_ = 	snop  }
0x3c: {  	p2 =	seq.s32 s10, $0x1;
	s10 =	sld [smem:$0x3FB7]  }
0x3d: {  	_ =	shalt  }
0x3e: {  	_ =	shalt  }
0x3f: {  	_ =	shalt  }
0x40: {  	_ =	shalt  }
0x41: {  	_ =	shalt  }
0x42: {  	_ =	shalt  }
0x43: {  	_ =	shalt  }
0x44: {  	_ =	shalt  }
0x45: {  	_ =	shalt  }
0x46: {  	_ =	shalt  }
0x47: {  	_ =	shalt  }
0x48: {  	_ =	shalt  }
0x49: {  	_ =	shalt  }
0x4a: {  	_ =	shalt  }
0x4b: {  	_ =	shalt  }
0x4c: {  	_ =	shalt  }
0x4d: {  	_ =	shalt  }
0x4e: {  	_ =	shalt  }
0x4f: {  	_ =	shalt  }
0x50: {  	_ =	shalt  }
0x51: {  	_ =	shalt  }
0x52: {  	_ =	shalt  }
0x53: {  	_ =	shalt  }
0x54: {  	_ =	shalt  }
0x55: {  	_ =	shalt  }
0x56: {  	_ =	shalt  }
0x57: {  	_ =	shalt  }
0x58: {  	_ =	shalt  }
0x59: {  	_ =	shalt  }
0x5a: {  	_ =	shalt  }
0x5b: {  	_ =	shalt  }
0x5c: {  	_ =	shalt  }
0x5d: {  	_ =	shalt  }
0x5e: {  	_ =	shalt  }
0x5f: {  	_ =	shalt  }
0x60: {  	_ =	shalt  }
0x61: {  	_ =	shalt  }
0x62: {  	_ =	shalt  }
0x63: {  	_ =	shalt  }
0x64: {  	_ =	shalt  }
0x65: {  	_ =	shalt  }
0x66: {  	_ =	shalt  }
0x67: {  	_ =	shalt  }
0x68: {  	_ =	shalt  }
0x69: {  	_ =	shalt  }
0x6a: {  	_ =	shalt  }
0x6b: {  	_ =	shalt  }
0x6c: {  	_ =	shalt  }
0x6d: {  	_ =	shalt  }
0x6e: {  	_ =	shalt  }
0x6f: {  	_ =	shalt  }
0x70: {  	_ =	shalt  }
0x71: {  	_ =	shalt  }
0x72: {  	_ =	shalt  }
0x73: {  	_ =	shalt  }
0x74: {  	_ =	shalt  }
0x75: {  	_ =	shalt  }
0x76: {  	_ =	shalt  }
0x77: {  	_ =	shalt  }
0x78: {  	_ =	shalt  }
0x79: {  	_ =	shalt  }
0x7a: {  	_ =	shalt  }
0x7b: {  	_ =	shalt  }
0x7c: {  	_ =	shalt  }
0x7d: {  	_ =	shalt  }
0x7e: {  	_ =	shalt  }
0x7f: {  	_ =	shalt  }
0x80: {  	_ =	shalt  }
0x81: {  	_ =	shalt  }
0x82: {  	_ =	shalt  }
0x83: {  	_ =	shalt  }
0x84: {  	_ =	shalt  }
0x85: {  	_ =	shalt  }
0x86: {  	_ =	shalt  }
0x87: {  	_ =	shalt  }
.Lfunc_end0:
.L_simem_size_0:
called_computation_lowered:
.L_overlay_start_0:
0x88: {  	s2 =	sld [smem:$0x3FD9]  }
0x89: {  	s3 =	sld [smem:$0x3FFE];
	_ =	sdelay $0x1  }
0x8a: {  	s1 =	srdreg.scid  }
0x8b: {  	s0 =	sand.u32 $0x1, s1  }
0x8c: {  	s17 =	sshll.u32 s0, $0xA;
	s2 =	sadd.s32 s3, s2  }
0x8d: {  	s2 =	sadd.s32 s2, s17  }
0x8e: {  	[smem:$0x3FC3] =	sst s2  }
0x8f: {  	_ = 	snop  }
0x90: {  	s2 =	sld [smem:$0x3FC9]  }
0x91: {  	s18 =	sld [smem:$0x3FD0];
	(tm) =	ssettm $0x1  }
0x92: {  	s4 =	sld [smem:$0x3FFB];
	_ =	sdelay $0x3  }
0x93: {  	_ =	strace s4  }
0x94: {  	s4 =	sld [smem:$0x3FFC];
	_ =	sdelay $0x3  }
0x95: {  	_ =	strace s4  }
0x96: {  	s4 =	sld [smem:$0x3FFD];
	_ =	sdelay $0x3  }
0x97: {  	_ =	strace s4  }
0x98: {  	_ =	strace $0x8FFFFFFF  }
0x99: {  	s19 =	sld [smem:$0x3FDB];
	_ =	sdelay $0x1  }
0x9a: {  	s5 =	simm.s32 $_scs_section_size  }
0x9b: {  	s6 =	simm.s32 $_size__tile_overlayer_lowered;
	s7 =	simm.s32 $_tile_overlayer_lowered  }
0x9c: {  	s22 =	simm.s32 $0x1BFF;
	s21 =	sshll.u32 s7, $0x1;
	s4 =	sadd.s32 s5, s19  }
0x9d: {  	s8 =	simm.s32 $0x0;
	s20 =	sshll.u32 s6, $0x1;
	s6 =	sadd.s32 s21, s4  }
0x9e: {  	[timem:s8], [sflag:s22] =	dma.local [hbm:s6], s20  }
0x9f: {  	_ =	swait.ge [sflag:s22], s20  }
0xa0: {  	s5 =	ssub.s32 $0x0, s20;
	[sflag:s22] =	ssyncset.done $0x0  }
0xa1: {  	[sflag:s22] =	ssyncadd.s32 s5;
	_ =	sdelay $0x1  }
0xa2: {  	s23 =	simm.s32 $0x1B8B  }
0xa3: {  	_ =	swait.ge [sflag:s23], $0x1  }
0xa4: {  	[sflag:s23] =	ssyncset.done $0x0  }
0xa5: {  	s25 =	simm.s32 $0x1B8E;
	s24 =	sld [smem:$0x3FFE];
	[sflag:s23] =	ssyncadd.s32 $0xFFFFFFFF  }
0xa6: {  	s26 =	simm.s32 $execute0_lowered;
	[smem:$0x3FD2] =	sst s25  }
0xa7: {  	s6 =	sshll.u32 s26, $0x1;
	_ =	strace $0x80000046;
	[dreg:$0x1] =	wrdreg $0xFFFFFFFF  }
0xa8: {  	s28 =	simm.s32 $_size_execute0_lowered;
	s4 =	sadd.s32 s4, s6;
	[dreg:$0x0] =	wrdreg $0x0  }
0xa9: {  	s6 =	sshll.u32 s28, $0x1;
	[dreg:$0x2] =	wrdreg s4  }
0xaa: {  	[dreg:$0x3] =	wrdreg s6  }
0xab: {  	[dreg:$0x4] =	wrdreg $0xC0  }
0xac: {  	_ =	task [dreg:s8], $0x5FFFF  }
0xad: {  	[dreg:$0x1] =	wrdreg $0xFFFFFFFF  }
0xae: {  	[dreg:$0x0] =	wrdreg $0x60  }
0xaf: {  	[dreg:$0x2] =	wrdreg s2  }
0xb0: {  	[dreg:$0x3] =	wrdreg s24  }
0xb1: {  	[dreg:$0x4] =	wrdreg s18  }
0xb2: {  	[dreg:$0x5] =	wrdreg $0x9  }
0xb3: {  	_ =	task.clear_ibuf [dreg:s8], $0x6FFFF;
	_ =	strace $0x90000046  }
0xb4: {  	s29 =	simm.s32 $0x9;
	_ =	strace $0x80000048  }
0xb5: {  	_ =	swait.ge [sflag:s29], $0x1  }
0xb6: {  	[sflag:s29] =	ssyncadd.s32 $0xFFFFFFFF  }
0xb7: {  	_ =	strace $0x90000048  }
0xb8: {  	_ =	sfence  }
0xb9: {  	s30 =	sld [smem:$0x0];
	_ =	sdelay $0x2  }
0xba: {  	s31 =	sshll.u32 s1, $0xD;
	s1 =	sshrl.u32 s1, $0x2  }
0xbb: {  	s3 =	sand.u32 $0x4000, s31;
	s1 =	sadd.s32 s1, s30  }
0xbc: {  	s0 =	sor.u32 s3, s0;
	s1 =	sshll.u32 s1, $0x11  }
0xbd: {  	s0 =	sor.u32 s1, s0  }
0xbe: {  	s0 =	sadd.s32 $0x8F2B, s0  }
0xbf: {  	[sflag:s0] =	ssyncadd.remote.s32 $0x1  }
0xc0: {  	_ =	sfence.sel $0xFFFF  }
0xc1: {  	[dreg:$0x0] =	wrdreg $0xFFFFFFFF;
	(pc) =	sbr.abs _section_cstart, $3  }
0xc2: {  	[dreg:$0x1] =	wrdreg $0xFFFFFFFF  }
0xc3: {  	_ =	task.clear_ibuf [dreg:s8], $0x2FFFF;
	_ =	strace $0x9FFFFFFF  }
0xc4: {  	(tm) =	ssettm $0x7FFFFFFF  }
0xc5: {  	_ =	shalt  }
tec
execute0_lowered:
.L_overlay_start_1:
0x0: {  	(tag) =	ssettag $0x1  }
0x1: {  	s3 =	rddreg [dreg:$0x0]  }
0x2: {  	s0 =	rddreg [dreg:$0x1];
	s24 =	simm.s32 $0x0  }
0x3: {  	[smem:$0x7FF] =	sst s24;
	s1 =	sadd.s32 $0x600, s0  }
0x4: {  	s2 =	sadd.s32 $0x800, s0;
	_ =	strace $0x80000047;
	[dreg:$0x5] =	wrdreg s1  }
0x5: {  	s13 =	sadd.s32 $0xA00, s0;
	[dreg:$0x6] =	wrdreg s2  }
0x6: {  	s0 =	sadd.s32 $0x400, s0;
	[dreg:$0x7] =	wrdreg s13  }
0x7: {  	s17 =	sadd.s32 $0x2000, s3;
	[dreg:$0x8] =	wrdreg s0  }
0x8: {  	s6 =	sadd.s32 $0x4000, s3;
	[dreg:$0xb] =	wrdreg s17  }
0x9: {  	s19 =	sadd.s32 $0x6000, s3;
	[dreg:$0xc] =	wrdreg s6  }
0xa: {  	s12 =	srdreg.scid;
	s20 =	sadd.s32 $0x8000, s3;
	[dreg:$0xf] =	wrdreg s19  }
0xb: {  	s4 =	stileid.u32;
	s21 =	sadd.s32 $0xA000, s3;
	[dreg:$0x11] =	wrdreg s20  }
0xc: {  	s4 =	sshll.u32 s4, $0x1;
	s23 =	sadd.s32 $0xC000, s3;
	[dreg:$0x12] =	wrdreg s21  }
0xd: {  	s29 =	sadd.s32 $0xE000, s3;
	s1 =	sand.u32 $0x1, s12;
	[dreg:$0x15] =	wrdreg s23  }
0xe: {  	[dreg:$0x1a] =	wrdreg s29;
	s14 =	ssub.s32 $0x2, s1;
	s1 =	sor.u32 s1, s4  }
0xf: {  	s16 =	sshll.u32 s1, $0x2;
	s4 =	sshll.u32 s1, $0x8;
	s1 =	sshll.u32 s1, $0x5  }
0x10: {  	[dreg:$0x17] =	wrdreg s1  }
0x11: {  	s5 =	sadd.s32 s3, s4;
	[dreg:$0x9] =	wrdreg s4  }
0x12: {  	s18 =	sadd.s32 s4, s6;
	[dreg:$0xa] =	wrdreg s5  }
0x13: {  	s22 =	sadd.s32 s4, s21;
	[dreg:$0xe] =	wrdreg s18  }
0x14: {  	s30 =	sadd.s32 s4, s23;
	[dreg:$0x14] =	wrdreg s22  }
0x15: {  	s2 =	sor.u32 $0x2, s16;
	s5 =	sadd.s32 s4, s17;
	[dreg:$0x1b] =	wrdreg s30  }
0x16: {  	s15 =	sshrl.u32 s14, $0x1;
	s25 =	sshll.u32 s2, $0x6;
	[dreg:$0xd] =	wrdreg s5  }
0x17: {  	s0 =	ssub.s32 s14, s15;
	s26 =	sshll.u32 s2, $0x3;
	[dreg:$0x16] =	wrdreg s25  }
0x18: {  	s0 =	smax.u32 s0, $0x1;
	[dreg:$0x18] =	wrdreg s26  }
0x19: {  	s5 =	sadd.s32 s4, s19;
	[dreg:$0x19] =	wrdreg s0  }
0x1a: {  	s31 =	simm.s32 $0x80;
	s0 =	sadd.s32 s4, s29;
	[dreg:$0x10] =	wrdreg s5  }
0x1b: {  	s28 =	simm.s32 $0x100;
	s5 =	sadd.s32 s4, s20;
	[dreg:$0x1c] =	wrdreg s0  }
0x1c: {  	s23 =	simm.s32 $0x180;
	s2 =	simm.s32 $0x0;
	[dreg:$0x13] =	wrdreg s5  }
.LBB2_1:
0x1d: {  	[dreg:$0x1d] =	wrdreg s2  }
0x1e: {  	s0 =	rddreg [dreg:$0x5];
	s1 =	simm.s32 $0x5  }
0x1f: {  	[tilespmem:s24], [sflag:$0x5] =	stream.linear.gather [hbm4b:s0+s24], $0x80, $0x38;
	[tilespmem:$0x13200] =	vst v63  }
0x20: {  	_ =	swait.ge [sflag:s1], $0x80  }
0x21: {  	[sflag:s1] =	ssyncset.done $0x0  }
0x22: {  	s8 =	rddreg [dreg:$0x6];
	[sflag:s1] =	ssyncadd.s32 $0xFFFFFF80  }
0x23: {  	[tilespmem:s31], [sflag:$0x5] =	stream.linear.gather [hbm4b:s8+s24], $0x80, $0x38;
	[tilespmem:$0x13200] =	vst v63  }
0x24: {  	_ =	swait.ge [sflag:s1], $0x80  }
0x25: {  	[sflag:s1] =	ssyncset.done $0x0  }
0x26: {  	s9 =	rddreg [dreg:$0x7];
	[sflag:s1] =	ssyncadd.s32 $0xFFFFFF80  }
0x27: {  	[tilespmem:s28], [sflag:$0x5] =	stream.linear.gather [hbm4b:s9+s24], $0x80, $0x38;
	[tilespmem:$0x13200] =	vst v63  }
0x28: {  	_ =	swait.ge [sflag:s1], $0x80  }
0x29: {  	[sflag:s1] =	ssyncset.done $0x0  }
0x2a: {  	s10 =	rddreg [dreg:$0x8];
	[sflag:s1] =	ssyncadd.s32 $0xFFFFFF80  }
0x2b: {  	[tilespmem:s23], [sflag:$0x5] =	stream.linear.gather [hbm4b:s10+s24], $0x80, $0x38;
	[tilespmem:$0x13200] =	vst v63  }
0x2c: {  	_ =	swait.ge [sflag:s1], $0x80  }
0x2d: {  	[sflag:s1] =	ssyncset.done $0x0  }
0x2e: {  	s12 =	simm.s32 $0x200;
	s11 =	rddreg [dreg:$0xa];
	[sflag:s1] =	ssyncadd.s32 $0xFFFFFF80  }
0x2f: {  	[tilespmem:s12], [sflag:$0x1] =	stream.linear.gather [hbm4b:s11+s24], $0x400, $0x38;
	[tilespmem:$0x13200] =	vst v63  }
0x30: {  	s14 =	simm.s32 $0x600;
	s13 =	rddreg [dreg:$0xd]  }
0x31: {  	[tilespmem:s14], [sflag:$0x1] =	stream.linear.gather [hbm4b:s13+s24], $0x400, $0x38;
	[tilespmem:$0x13200] =	vst v63  }
0x32: {  	s16 =	simm.s32 $0xA00;
	s15 =	rddreg [dreg:$0xe]  }
0x33: {  	[tilespmem:s16], [sflag:$0x1] =	stream.linear.gather [hbm4b:s15+s24], $0x400, $0x38;
	[tilespmem:$0x13200] =	vst v63  }
0x34: {  	s18 =	simm.s32 $0xE00;
	s17 =	rddreg [dreg:$0x10]  }
0x35: {  	[tilespmem:s18], [sflag:$0x1] =	stream.linear.gather [hbm4b:s17+s24], $0x400, $0x38;
	[tilespmem:$0x13200] =	vst v63  }
0x36: {  	s20 =	simm.s32 $0x1200;
	s19 =	rddreg [dreg:$0x13]  }
0x37: {  	[tilespmem:s20], [sflag:$0x1] =	stream.linear.gather [hbm4b:s19+s24], $0x400, $0x38;
	[tilespmem:$0x13200] =	vst v63  }
0x38: {  	s22 =	simm.s32 $0x1600;
	s21 =	rddreg [dreg:$0x14]  }
0x39: {  	[tilespmem:s22], [sflag:$0x1] =	stream.linear.gather [hbm4b:s21+s24], $0x400, $0x38;
	[tilespmem:$0x13200] =	vst v63  }
0x3a: {  	s26 =	simm.s32 $0x1A00;
	s25 =	rddreg [dreg:$0x1b]  }
0x3b: {  	[tilespmem:s26], [sflag:$0x1] =	stream.linear.gather [hbm4b:s25+s24], $0x400, $0x38;
	[tilespmem:$0x13200] =	vst v63  }
0x3c: {  	s30 =	simm.s32 $0x1E00;
	s3 =	simm.s32 $0x0;
	s29 =	rddreg [dreg:$0x1c]  }
0x3d: {  	[tilespmem:s30], [sflag:$0x1] =	stream.linear.gather [hbm4b:s29+s24], $0x400, $0x38;
	[tilespmem:$0x13200] =	vst v63  }
.LBB2_2:
0x3e: {  	s1 =	sshll.u32 s3, $0x10;
	s0 =	rddreg [dreg:$0x16]  }
0x3f: {  	s22 =	rddreg [dreg:$0x0];
	s1 =	sor.u32 s0, s1  }
0x40: {  	s25 =	simm.s32 $0x2200;
	s2 =	sadd.s32 s22, s1  }
0x41: {  	[tilespmem:s25], [sflag:$0x2] =	stream.linear.gather [hbm4b:s2+s24], $0x400, $0x38;
	[tilespmem:$0x13200] =	vst v63  }
0x42: {  	s26 =	simm.s32 $0x2600;
	s5 =	sadd.s32 $0x2000, s2  }
0x43: {  	[tilespmem:s26], [sflag:$0x2] =	stream.linear.gather [hbm4b:s5+s24], $0x400, $0x38;
	[tilespmem:$0x13200] =	vst v63  }
0x44: {  	s30 =	simm.s32 $0x2A00;
	s29 =	sadd.s32 $0x4000, s2  }
0x45: {  	[tilespmem:s30], [sflag:$0x2] =	stream.linear.gather [hbm4b:s29+s24], $0x400, $0x38;
	[tilespmem:$0x13200] =	vst v63  }
0x46: {  	s4 =	simm.s32 $0x2E00;
	s0 =	sadd.s32 $0x6000, s2  }
0x47: {  	[tilespmem:s4], [sflag:$0x2] =	stream.linear.gather [hbm4b:s0+s24], $0x400, $0x38;
	[tilespmem:$0x13200] =	vst v63  }
0x48: {  	s7 =	simm.s32 $0x3200;
	s6 =	sadd.s32 $0x8000, s2  }
0x49: {  	[tilespmem:s7], [sflag:$0x2] =	stream.linear.gather [hbm4b:s6+s24], $0x400, $0x38;
	[tilespmem:$0x13200] =	vst v63  }
0x4a: {  	s9 =	simm.s32 $0x3600;
	s8 =	sadd.s32 $0xA000, s2  }
0x4b: {  	[tilespmem:s9], [sflag:$0x2] =	stream.linear.gather [hbm4b:s8+s24], $0x400, $0x38;
	[tilespmem:$0x13200] =	vst v63  }
0x4c: {  	s10 =	simm.s32 $0x3A00;
	s11 =	rddreg [dreg:$0x1a];
	s2 =	sadd.s32 $0xC000, s2  }
0x4d: {  	[tilespmem:s10], [sflag:$0x2] =	stream.linear.gather [hbm4b:s2+s24], $0x400, $0x38;
	[tilespmem:$0x13200] =	vst v63  }
0x4e: {  	s12 =	simm.s32 $0x3E00;
	s13 =	simm.s32 $0x1;
	s1 =	sadd.s32 s1, s11  }
0x4f: {  	[tilespmem:s12], [sflag:$0x2] =	stream.linear.gather [hbm4b:s1+s24], $0x400, $0x38;
	[tilespmem:$0x13200] =	vst v63  }
0x50: {  	_ =	swait.ge [sflag:s13], $0x400  }
0x51: {  	[sflag:s13] =	ssyncset.done $0x0  }
0x52: {  	[sflag:s13] =	ssyncadd.s32 $0xFFFFFC00  }
0x53: {  	_ =	swait.ge [sflag:s13], $0x400  }
0x54: {  	[sflag:s13] =	ssyncset.done $0x0  }
0x55: {  	[sflag:s13] =	ssyncadd.s32 $0xFFFFFC00  }
0x56: {  	_ =	swait.ge [sflag:s13], $0x400  }
0x57: {  	[sflag:s13] =	ssyncset.done $0x0  }
0x58: {  	[sflag:s13] =	ssyncadd.s32 $0xFFFFFC00  }
0x59: {  	_ =	swait.ge [sflag:s13], $0x400  }
0x5a: {  	[sflag:s13] =	ssyncset.done $0x0  }
0x5b: {  	[sflag:s13] =	ssyncadd.s32 $0xFFFFFC00  }
0x5c: {  	_ =	swait.ge [sflag:s13], $0x400  }
0x5d: {  	[sflag:s13] =	ssyncset.done $0x0  }
0x5e: {  	[sflag:s13] =	ssyncadd.s32 $0xFFFFFC00  }
0x5f: {  	_ =	swait.ge [sflag:s13], $0x400  }
0x60: {  	[sflag:s13] =	ssyncset.done $0x0  }
0x61: {  	[sflag:s13] =	ssyncadd.s32 $0xFFFFFC00  }
0x62: {  	_ =	swait.ge [sflag:s13], $0x400  }
0x63: {  	[sflag:s13] =	ssyncset.done $0x0  }
0x64: {  	[sflag:s13] =	ssyncadd.s32 $0xFFFFFC00  }
0x65: {  	_ =	swait.ge [sflag:s13], $0x400  }
0x66: {  	p0 =	seq.s32 s3, $0x0;
	[sflag:s13] =	ssyncset.done $0x0  }
0x67: {  	s2 =	simm.s32 @!p0 $0x3;
	[smem:$0x7FD] =	sst s3;
	[sflag:s13] =	ssyncadd.s32 $0xFFFFFC00  }
0x68: {  	_ =	swait.ge @!p0 [sflag:s2], $0x800  }
0x69: {  	[sflag:s2] =	ssyncset.done @!p0 $0x0  }
0x6a: {  	[sflag:s2] =	ssyncadd.s32 @!p0 $0xFFFFF800  }
0x6b: {  	_ =	swait.ge @!p0 [sflag:s2], $0x800  }
0x6c: {  	[sflag:s2] =	ssyncset.done @!p0 $0x0  }
0x6d: {  	[sflag:s2] =	ssyncadd.s32 @!p0 $0xFFFFF800  }
0x6e: {  	_ =	swait.ge @!p0 [sflag:s2], $0x800  }
0x6f: {  	[sflag:s2] =	ssyncset.done @!p0 $0x0  }
0x70: {  	[sflag:s2] =	ssyncadd.s32 @!p0 $0xFFFFF800  }
0x71: {  	_ =	swait.ge @!p0 [sflag:s2], $0x800  }
0x72: {  	[sflag:s2] =	ssyncset.done @!p0 $0x0  }
0x73: {  	[sflag:s2] =	ssyncadd.s32 @!p0 $0xFFFFF800  }
0x74: {  	_ =	swait.ge @!p0 [sflag:s2], $0x800  }
0x75: {  	[sflag:s2] =	ssyncset.done @!p0 $0x0  }
0x76: {  	[sflag:s2] =	ssyncadd.s32 @!p0 $0xFFFFF800  }
0x77: {  	_ =	swait.ge @!p0 [sflag:s2], $0x800  }
0x78: {  	[sflag:s2] =	ssyncset.done @!p0 $0x0  }
0x79: {  	[sflag:s2] =	ssyncadd.s32 @!p0 $0xFFFFF800  }
0x7a: {  	_ =	swait.ge @!p0 [sflag:s2], $0x800  }
0x7b: {  	[sflag:s2] =	ssyncset.done @!p0 $0x0  }
0x7c: {  	[sflag:s2] =	ssyncadd.s32 @!p0 $0xFFFFF800  }
0x7d: {  	_ =	swait.ge @!p0 [sflag:s2], $0x800  }
0x7e: {  	[sflag:s2] =	ssyncset.done @!p0 $0x0  }
0x7f: {  	[sflag:s2] =	ssyncadd.s32 @!p0 $0xFFFFF800  }
0x80: {  	_ =	swait.ge @!p0 [sflag:s2], $0x800  }
0x81: {  	[sflag:s2] =	ssyncset.done @!p0 $0x0  }
0x82: {  	[sflag:s2] =	ssyncadd.s32 @!p0 $0xFFFFF800  }
0x83: {  	_ =	swait.ge @!p0 [sflag:s2], $0x800  }
0x84: {  	[sflag:s2] =	ssyncset.done @!p0 $0x0  }
0x85: {  	[sflag:s2] =	ssyncadd.s32 @!p0 $0xFFFFF800  }
0x86: {  	_ =	swait.ge @!p0 [sflag:s2], $0x800  }
0x87: {  	[sflag:s2] =	ssyncset.done @!p0 $0x0  }
0x88: {  	[sflag:s2] =	ssyncadd.s32 @!p0 $0xFFFFF800  }
0x89: {  	_ =	swait.ge @!p0 [sflag:s2], $0x800  }
0x8a: {  	[sflag:s2] =	ssyncset.done @!p0 $0x0  }
0x8b: {  	[sflag:s2] =	ssyncadd.s32 @!p0 $0xFFFFF800  }
0x8c: {  	_ =	swait.ge @!p0 [sflag:s2], $0x800  }
0x8d: {  	[sflag:s2] =	ssyncset.done @!p0 $0x0  }
0x8e: {  	[sflag:s2] =	ssyncadd.s32 @!p0 $0xFFFFF800  }
0x8f: {  	s14 =	simm.s32 $0x0;
	s15 =	simm.s32 $0x0;
	_ =	swait.ge @!p0 [sflag:s2], $0x800  }
0x90: {  	s5 =	sand.u32 $0x3FFFFC00, s15;
	s1 =	sand.u32 $0x8, s14;
	[sflag:s2] =	ssyncset.done @!p0 $0x0  }
0x91: {  	s6 =	simm.s32 $0x0;
	s8 =	sshll.u32 s1, $0x6;
	[sflag:s2] =	ssyncadd.s32 @!p0 $0xFFFFF800  }
0x92: {  	s7 =	sand.u32 $0x60, s6;
	s5 =	sor.u32 s8, s5;
	_ =	swait.ge @!p0 [sflag:s2], $0x800  }
0x93: {  	s8 =	sor.u32 $0x10, s7;
	s16 =	sadd.s32 $0x280, s5;
	[sflag:s2] =	ssyncset.done @!p0 $0x0  }
0x94: {  	s17 =	sadd.s32 $0x200, s5;
	s9 =	sor.u32 s8, s16;
	[sflag:s2] =	ssyncadd.s32 @!p0 $0xFFFFF800  }
0x95: {  	s10 =	sor.u32 s8, s17;
	v0 =	vld [tilespmem:s9+$0x0]  }
0x96: {  	v1 =	vld [tilespmem:s10+$0x0];
	_ =	sdelay $0x1  }
0x97: {  	s18 =	sadd.s32 $0x300, s5  }
0x98: {  	s5 =	sadd.s32 $0x380, s5;
	s19 =	sor.u32 s8, s18  }
0x99: {  	s20 =	sor.u32 s8, s5;
	v2 =	vld [tilespmem:s19+$0x0]  }
0x9a: {  	s2 =	sor.u32 s7, s17;
	v3 =	vld [tilespmem:s20+$0x0];
	v1 =	vmul.u32 $0x3, v1;
	v0 =	vshll.u32 v0, $0x2  }
0x9b: {  	s6 =	sor.u32 s7, s16;
	v4 =	vld [tilespmem:s2+$0x0]  }
0x9c: {  	s21 =	sor.u32 s7, s18;
	v5 =	vld [tilespmem:s6+$0x0];
	v6 =	vor.u32 $0x1, v0  }
0x9d: {  	s5 =	sor.u32 s7, s5;
	v7 =	vld [tilespmem:s21+$0x0];
	v8 =	vor.u32 $0x2, v0  }
0x9e: {  	v9 =	vld [tilespmem:s5+$0x0];
	v2 =	vmul.u32 $0x3, v2;
	v10 =	vor.u32 $0x3, v0  }
0x9f: {  	v3 =	vmul.u32 $0x5, v3;
	v11 =	vld.idx.msk [tilespmem:v0+s31+$0x0], $0xffff  }
0xa0: {  	v12 =	vld.idx.msk [tilespmem:v1+s24+$0x0], $0xffff  }
0xa1: {  	v13 =	vadd.s32 $0x1, v2;
	v6 =	vld.idx.msk [tilespmem:v6+s31+$0x0], $0xffff  }
0xa2: {  	v16 =	vadd.s32 $0x1, v3;
	v8 =	vld.idx.msk [tilespmem:v8+s31+$0x0], $0xffff  }
0xa3: {  	v18 =	vmul.u32 $0x3, v4;
	v0 =	vadd.s32 $0x1, v1;
	v10 =	vld.idx.msk [tilespmem:v10+s31+$0x0], $0xffff  }
0xa4: {  	v1 =	vadd.s32 $0x2, v1;
	v14 =	vld.idx.msk [tilespmem:v2+s28+$0x0], $0xffff  }
0xa5: {  	v4 =	vadd.s32 $0x1, v18;
	v15 =	vld.idx.msk [tilespmem:v3+s23+$0x0], $0xffff  }
0xa6: {  	v2 =	vadd.s32 $0x2, v2;
	v13 =	vld.idx.msk [tilespmem:v13+s28+$0x0], $0xffff  }
0xa7: {  	v16 =	vld.idx.msk [tilespmem:v16+s23+$0x0], $0xffff  }
0xa8: {  	v17 =	vld.idx.msk [tilespmem:v0+s24+$0x0], $0xffff;
	v0 =	vadd.s32 $0x2, v3  }
0xa9: {  	v19 =	vld.idx.msk [tilespmem:v1+s24+$0x0], $0xffff;
	v1 =	vadd.s32 $0x3, v3  }
0xaa: {  	v20 =	vmul.u32 $0x3, v7;
	v26 =	vld.idx.msk [tilespmem:v4+s24+$0x0], $0xffff;
	v3 =	vadd.s32 $0x4, v3  }
0xab: {  	s25 =	simm.s32 $0x80;
	s1 =	sadd.s32 $0x0, s1;
	v21 =	vld.idx.msk [tilespmem:v2+s28+$0x0], $0xffff;
	v2 =	vadd.s32 $0x2, v18  }
0xac: {  	s26 =	simm.s32 $0x20;
	s1 =	sshll.u32 s1, $0x7;
	s5 =	simm.s32 $0x2;
	v7 =	vadd.s32 $0x1, v20;
	v18 =	vld.idx.msk [tilespmem:v18+s24+$0x0], $0xffff  }
0xad: {  	s14 =	sand.u32 $0x3FFFFC00, s25;
	s13 =	sand.u32 $0x3FFFFF80, s1;
	s9 =	sand.u32 $0x8, s5;
	v22 =	vld.idx.msk [tilespmem:v0+s23+$0x0], $0xffff  }
0xae: {  	s1 =	sand.u32 $0x60, s26;
	s11 =	sadd.s32 $0x4200, s13;
	s15 =	sshll.u32 s9, $0x6;
	v9 =	vmul.u32 $0x5, v9;
	v23 =	vld.idx.msk [tilespmem:v1+s23+$0x0], $0xffff  }
0xaf: {  	s12 =	sadd.s32 $0x5200, s13;
	s22 =	sor.u32 s8, s11;
	s19 =	sor.u32 s15, s14;
	v0 =	vadd.s32 $0x2, v20;
	v24 =	vld.idx.msk [tilespmem:v3+s23+$0x0], $0xffff  }
0xb0: {  	s10 =	sadd.s32 $0x4A00, s13;
	s6 =	sor.u32 $0x10, s1;
	s18 =	sadd.s32 $0x280, s19;
	v25 =	vadd.s32 $0x2, v9;
	v28 =	vld.idx.msk [tilespmem:v2+s24+$0x0], $0xffff  }
0xb1: {  	s29 =	sor.u32 s8, s10;
	s30 =	sadd.s32 $0x200, s19;
	s16 =	sor.u32 s6, s18;
	v3 =	vld.idx.msk [tilespmem:v7+s28+$0x0], $0xffff;
	[tilespmem:s22+$0x0] =	vst v12  }
0xb2: {  	s17 =	sor.u32 s8, s12;
	s21 =	sor.u32 s6, s30;
	[tilespmem:s29+$0x0] =	vst v17;
	v17 =	vld [tilespmem:s16+$0x0]  }
0xb3: {  	s14 =	sadd.s32 $0x5A00, s13;
	v5 =	vshll.u32 v5, $0x2;
	[tilespmem:s17+$0x0] =	vst v19;
	v19 =	vld [tilespmem:s21+$0x0]  }
0xb4: {  	s15 =	sadd.s32 $0x6200, s13;
	s0 =	sor.u32 s8, s14;
	s20 =	sadd.s32 $0x300, s19;
	v1 =	vadd.s32 $0x1, v9;
	v4 =	vld.idx.msk [tilespmem:v0+s28+$0x0], $0xffff  }
0xb5: {  	s3 =	sor.u32 s8, s15;
	v27 =	vadd.s32 $0x3, v9;
	s29 =	sor.u32 s6, s20;
	[tilespmem:s0+$0x0] =	vst v11;
	v0 =	vld.idx.msk [tilespmem:v25+s23+$0x0], $0xffff  }
0xb6: {  	v2 =	vadd.s32 $0x4, v9;
	s0 =	simm.s32 $0x180;
	[tilespmem:s3+$0x0] =	vst v6;
	v6 =	vld [tilespmem:s29+$0x0]  }
0xb7: {  	v29 =	vor.u32 $0x1, v5;
	v9 =	vld.idx.msk [tilespmem:v9+s0+$0x0], $0xffff  }
0xb8: {  	v30 =	vor.u32 $0x2, v5;
	v25 =	vor.u32 $0x3, v5;
	v5 =	vld.idx.msk [tilespmem:v5+s31+$0x0], $0xffff  }
0xb9: {  	v7 =	vld.idx.msk [tilespmem:v1+s23+$0x0], $0xffff  }
0xba: {  	v1 =	vld.idx.msk [tilespmem:v27+s23+$0x0], $0xffff  }
0xbb: {  	v2 =	vld.idx.msk [tilespmem:v2+s23+$0x0], $0xffff  }
0xbc: {  	s19 =	sadd.s32 $0x380, s19;
	s16 =	sadd.s32 $0x6A00, s13;
	v27 =	vld.idx.msk [tilespmem:v29+s31+$0x0], $0xffff  }
0xbd: {  	s22 =	sor.u32 s1, s18;
	s17 =	sadd.s32 $0x7200, s13;
	s4 =	sor.u32 s8, s16;
	v29 =	vld.idx.msk [tilespmem:v30+s31+$0x0], $0xffff  }
0xbe: {  	s2 =	sor.u32 s1, s30;
	s18 =	sadd.s32 $0x7A00, s13;
	s26 =	sor.u32 s8, s17;
	v30 =	vld [tilespmem:s22+$0x0];
	[tilespmem:s4+$0x0] =	vst v8  }
0xbf: {  	s25 =	sor.u32 s6, s19;
	s30 =	sor.u32 s8, s18;
	s21 =	sadd.s32 $0x8200, s13;
	v8 =	vld.idx.msk [tilespmem:v20+s28+$0x0], $0xffff;
	[tilespmem:s26+$0x0] =	vst v10  }
0xc0: {  	s22 =	sadd.s32 $0x8A00, s13;
	s4 =	sor.u32 s1, s19;
	s26 =	sor.u32 s8, s21;
	v10 =	vld [tilespmem:s25+$0x0];
	[tilespmem:s30+$0x0] =	vst v14  }
0xc1: {  	s3 =	sor.u32 s8, s22;
	v31 =	vld [tilespmem:s4+$0x0];
	v11 =	vmul.u32 $0x3, v19;
	v14 =	vshll.u32 v17, $0x2;
	[tilespmem:s26+$0x0] =	vst v13  }
0xc2: {  	s4 =	sor.u32 s7, s11;
	v12 =	vld.idx.msk [tilespmem:v25+s31+$0x0], $0xffff;
	[tilespmem:s3+$0x0] =	vst v21  }
0xc3: {  	s11 =	sor.u32 s7, s10;
	v17 =	vor.u32 $0x1, v14;
	v25 =	vld [tilespmem:s2+$0x0];
	s2 =	sadd.s32 $0x9200, s13;
	[tilespmem:s4+$0x0] =	vst v18  }
0xc4: {  	s23 =	sor.u32 s1, s20;
	s19 =	sadd.s32 $0x9A00, s13;
	v20 =	vor.u32 $0x2, v14;
	s20 =	sor.u32 s8, s2;
	[tilespmem:s11+$0x0] =	vst v26  }
0xc5: {  	s25 =	sor.u32 s8, s19;
	v13 =	vld [tilespmem:s23+$0x0];
	v21 =	vadd.s32 $0x1, v11;
	[tilespmem:s20+$0x0] =	vst v15  }
0xc6: {  	s12 =	sor.u32 s7, s12;
	v6 =	vmul.u32 $0x3, v6;
	[tilespmem:s25+$0x0] =	vst v16;
	v16 =	vor.u32 $0x3, v14;
	v15 =	vld.idx.msk [tilespmem:v14+s31+$0x0], $0xffff  }
0xc7: {  	s14 =	sor.u32 s7, s14;
	s23 =	sadd.s32 $0xA200, s13;
	v10 =	vmul.u32 $0x5, v10;
	[tilespmem:s12+$0x0] =	vst v28;
	v14 =	vld.idx.msk [tilespmem:v11+s24+$0x0], $0xffff  }
0xc8: {  	s30 =	sor.u32 s8, s23;
	[tilespmem:s14+$0x0] =	vst v5;
	v19 =	vld.idx.msk [tilespmem:v17+s31+$0x0], $0xffff  }
0xc9: {  	s15 =	sor.u32 s7, s15;
	s29 =	sadd.s32 $0xAA00, s13;
	[tilespmem:s30+$0x0] =	vst v22;
	v22 =	vadd.s32 $0x2, v11;
	v18 =	vld.idx.msk [tilespmem:v20+s31+$0x0], $0xffff  }
0xca: {  	s3 =	sor.u32 s8, s29;
	v20 =	vadd.s32 $0x1, v6;
	[tilespmem:s15+$0x0] =	vst v27;
	v26 =	vld.idx.msk [tilespmem:v21+s24+$0x0], $0xffff  }
0xcb: {  	s16 =	sor.u32 s7, s16;
	s13 =	sadd.s32 $0xB200, s13;
	v5 =	vadd.s32 $0x1, v10;
	[tilespmem:s3+$0x0] =	vst v23;
	v17 =	vld.idx.msk [tilespmem:v16+s31+$0x0], $0xffff  }
0xcc: {  	s8 =	sor.u32 s8, s13;
	v23 =	vadd.s32 $0x2, v6;
	[tilespmem:s16+$0x0] =	vst v29;
	v16 =	vld.idx.msk [tilespmem:v6+s28+$0x0], $0xffff  }
0xcd: {  	s17 =	sor.u32 s7, s17;
	v21 =	vadd.s32 $0x2, v10;
	[tilespmem:s8+$0x0] =	vst v24;
	v11 =	vld.idx.msk [tilespmem:v10+s0+$0x0], $0xffff  }
0xce: {  	s18 =	sor.u32 s7, s18;
	[tilespmem:s17+$0x0] =	vst v12;
	v33 =	vld.idx.msk [tilespmem:v22+s24+$0x0], $0xffff  }
0xcf: {  	s9 =	sadd.s32 $0x0, s9;
	s20 =	sor.u32 s7, s21;
	v12 =	vadd.s32 $0x4, v10;
	[tilespmem:s18+$0x0] =	vst v8;
	v6 =	vmul.u32 $0x3, v25;
	v24 =	vld.idx.msk [tilespmem:v20+s28+$0x0], $0xffff  }
0xd0: {  	s9 =	sshll.u32 s9, $0x7;
	s21 =	sor.u32 s7, s22;
	[tilespmem:s20+$0x0] =	vst v3;
	v22 =	vadd.s32 $0x3, v10;
	v20 =	vld.idx.msk [tilespmem:v5+s0+$0x0], $0xffff  }
0xd1: {  	s25 =	sor.u32 s7, s13;
	s8 =	sor.u32 s7, s23;
	s23 =	simm.s32 $0x180;
	[tilespmem:s21+$0x0] =	vst v4;
	v25 =	vld.idx.msk [tilespmem:v23+s28+$0x0], $0xffff;
	v35 =	vadd.s32 $0x1, v6  }
0xd2: {  	s2 =	sor.u32 s7, s2;
	s14 =	sand.u32 $0x3FFFFF80, s9;
	v3 =	vshll.u32 v30, $0x2;
	v21 =	vld.idx.msk [tilespmem:v21+s23+$0x0], $0xffff;
	[dreg:$0x4] =	wrdreg s25  }
0xd3: {  	s22 =	sor.u32 s7, s19;
	s12 =	simm.s32 $0x40;
	s26 =	sadd.s32 $0x4200, s14;
	v5 =	vmul.u32 $0x3, v13;
	v4 =	vmul.u32 $0x5, v31;
	v10 =	vor.u32 $0x1, v3;
	[tilespmem:s2+$0x0] =	vst v9  }
0xd4: {  	s9 =	sor.u32 s7, s29;
	s29 =	sadd.s32 $0x4A00, s14;
	s30 =	sor.u32 s6, s26;
	v8 =	vor.u32 $0x3, v3;
	v28 =	vadd.s32 $0x2, v6;
	v9 =	vor.u32 $0x2, v3;
	v23 =	vld.idx.msk [tilespmem:v12+s23+$0x0], $0xffff;
	[tilespmem:s22+$0x0] =	vst v7  }
0xd5: {  	s15 =	sadd.s32 $0x5200, s14;
	s10 =	sor.u32 s1, s26;
	v34 =	vadd.s32 $0x1, v5;
	v32 =	vadd.s32 $0x2, v5;
	v31 =	vadd.s32 $0x1, v4;
	s2 =	sor.u32 s6, s29;
	v22 =	vld.idx.msk [tilespmem:v22+s23+$0x0], $0xffff;
	[tilespmem:s30+$0x0] =	vst v14  }
0xd6: {  	s11 =	sor.u32 s1, s29;
	s16 =	sadd.s32 $0x5A00, s14;
	v30 =	vadd.s32 $0x2, v4;
	v29 =	vadd.s32 $0x3, v4;
	v27 =	vadd.s32 $0x4, v4;
	v7 =	vld.idx.msk [tilespmem:v35+s24+$0x0], $0xffff;
	[tilespmem:s2+$0x0] =	vst v26;
	s2 =	sor.u32 s6, s15  }
.LBB2_3:
0xd7: {  	_ =	sdelay $0x1  }
0xd8: {  	s5 =	sadd.s32 $0x2, s5  }
0xd9: {  	s21 =	sadd.s32 $0x6200, s14;
	[tilespmem:s2+$0x0] =	vst v33;
	s18 =	sor.u32 s6, s16;
	s17 =	sand.u32 $0x60, s12;
	v13 =	vld.idx.msk [tilespmem:v34+s28+$0x0], $0xffff  }
0xda: {  	s22 =	sadd.s32 $0x6A00, s14;
	v14 =	vld.idx.msk [tilespmem:v32+s28+$0x0], $0xffff;
	s28 =	sadd.s32 $0x7200, s14;
	s19 =	sor.u32 s6, s21;
	[tilespmem:s18+$0x0] =	vst v15  }
0xdb: {  	v26 =	vld.idx.msk [tilespmem:v28+s24+$0x0], $0xffff;
	s2 =	sadd.s32 $0x7A00, s14;
	s3 =	simm.s32 $0x180;
	s18 =	sor.u32 s6, s22;
	[tilespmem:s19+$0x0] =	vst v19  }
0xdc: {  	v12 =	vld.idx.msk [tilespmem:v31+s23+$0x0], $0xffff;
	s0 =	simm.s32 $0x0;
	s24 =	sadd.s32 $0x8200, s14;
	s20 =	sor.u32 s6, s28;
	[tilespmem:s18+$0x0] =	vst v18  }
0xdd: {  	s29 =	sadd.s32 $0x8A00, s14;
	s30 =	sadd.s32 $0x9200, s14;
	s25 =	sor.u32 s6, s2;
	v15 =	vld.idx.msk [tilespmem:v30+s3+$0x0], $0xffff;
	[tilespmem:s20+$0x0] =	vst v17  }
0xde: {  	s23 =	sadd.s32 $0x9A00, s14;
	s13 =	sand.u32 $0x8, s5;
	s26 =	sor.u32 s6, s24;
	v18 =	vld.idx.msk [tilespmem:v6+s0+$0x0], $0xffff;
	[tilespmem:s25+$0x0] =	vst v16  }
0xdf: {  	s4 =	sor.u32 s6, s23;
	s19 =	sshll.u32 s5, $0x6;
	v17 =	vld.idx.msk [tilespmem:v29+s3+$0x0], $0xffff;
	[tilespmem:s26+$0x0] =	vst v24;
	s26 =	sor.u32 s6, s29  }
0xe0: {  	s19 =	sand.u32 $0x3FFFFC00, s19;
	s0 =	sor.u32 s6, s30;
	s25 =	sshll.u32 s13, $0x6;
	v16 =	vld.idx.msk [tilespmem:v27+s3+$0x0], $0xffff;
	[tilespmem:s26+$0x0] =	vst v25  }
0xe1: {  	s18 =	sor.u32 $0x10, s17;
	s3 =	sadd.s32 $0xA200, s14;
	s20 =	sor.u32 s25, s19;
	v24 =	vld.idx.msk [tilespmem:v10+s31+$0x0], $0xffff;
	[tilespmem:s0+$0x0] =	vst v11  }
0xe2: {  	s7 =	sor.u32 s6, s3;
	s25 =	sadd.s32 $0x280, s20;
	v25 =	vld.idx.msk [tilespmem:v9+s31+$0x0], $0xffff;
	[tilespmem:s4+$0x0] =	vst v20;
	s4 =	simm.s32 $0x80  }
0xe3: {  	s26 =	sadd.s32 $0x200, s20;
	s0 =	sadd.s32 $0xAA00, s14;
	s31 =	sor.u32 s18, s25;
	v20 =	vld.idx.msk [tilespmem:v8+s4+$0x0], $0xffff;
	[tilespmem:s7+$0x0] =	vst v21  }
0xe4: {  	s4 =	sadd.s32 $0xB200, s14;
	s14 =	sor.u32 s6, s0;
	s7 =	sor.u32 s17, s26;
	v6 =	vld [tilespmem:s31+$0x0]  }
0xe5: {  	s19 =	sor.u32 s18, s26;
	[tilespmem:s14+$0x0] =	vst v22;
	v9 =	vld [tilespmem:s7+$0x0]  }
0xe6: {  	s26 =	sor.u32 s6, s4;
	s14 =	sor.u32 s17, s25;
	[tilespmem:s8+$0x0] =	vst v0;
	s8 =	sadd.s32 $0x300, s20;
	v8 =	vld [tilespmem:s19+$0x0]  }
0xe7: {  	s19 =	sor.u32 s1, s15;
	s15 =	sor.u32 s1, s28;
	s28 =	simm.s32 $0x100;
	v10 =	vld [tilespmem:s14+$0x0];
	[tilespmem:s9+$0x0] =	vst v1  }
0xe8: {  	[tilespmem:s26+$0x0] =	vst v23;
	s26 =	sor.u32 s1, s21;
	s9 =	sadd.s32 $0x380, s20;
	s6 =	sor.u32 s18, s8;
	v21 =	vld.idx.msk [tilespmem:v5+s28+$0x0], $0xffff  }
0xe9: {  	s21 =	sor.u32 s1, s22;
	s20 =	rddreg [dreg:$0x4];
	v5 =	vld [tilespmem:s6+$0x0];
	s22 =	sor.u32 s18, s9  }
0xea: {  	v0 =	vmov v15;
	[tilespmem:s20+$0x0] =	vst v2;
	s20 =	sor.u32 s17, s9;
	v11 =	vld [tilespmem:s22+$0x0];
	v15 =	vshll.u32 v6, $0x2  }
0xeb: {  	s25 =	sor.u32 s1, s16;
	s16 =	sor.u32 s1, s2;
	s2 =	sor.u32 s17, s8;
	v19 =	vld [tilespmem:s20+$0x0];
	v22 =	vor.u32 $0x1, v15  }
0xec: {  	s31 =	simm.s32 $0x80;
	v1 =	vmov v17;
	v17 =	vld [tilespmem:s2+$0x0];
	v23 =	vor.u32 $0x2, v15  }
0xed: {  	v2 =	vmov v16;
	s22 =	sor.u32 s1, s23;
	s23 =	simm.s32 $0x180;
	v37 =	vld.idx.msk [tilespmem:v3+s31+$0x0], $0xffff;
	v16 =	vmul.u32 $0x3, v8;
	v27 =	vor.u32 $0x3, v15  }
0xee: {  	v36 =	vld.idx.msk [tilespmem:v4+s23+$0x0], $0xffff;
	[tilespmem:s10+$0x0] =	vst v18;
	v62 =	vmul.u32 $0x3, v5  }
0xef: {  	[tilespmem:s11+$0x0] =	vst v7;
	v15 =	vld.idx.msk [tilespmem:v15+s31+$0x0], $0xffff  }
0xf0: {  	[tilespmem:s19+$0x0] =	vst v26;
	v38 =	vmul.u32 $0x5, v11;
	v4 =	vmul.u32 $0x5, v19;
	v26 =	vadd.s32 $0x1, v16;
	v19 =	vld.idx.msk [tilespmem:v22+s31+$0x0], $0xffff  }
0xf1: {  	v18 =	vld.idx.msk [tilespmem:v23+s31+$0x0], $0xffff  }
0xf2: {  	s14 =	sor.u32 s1, s24;
	s24 =	simm.s32 $0x0;
	v5 =	vmul.u32 $0x3, v17;
	v22 =	vadd.s32 $0x2, v16;
	v17 =	vld.idx.msk [tilespmem:v27+s31+$0x0], $0xffff  }
0xf3: {  	v23 =	vadd.s32 $0x1, v62;
	v7 =	vld.idx.msk [tilespmem:v16+s24+$0x0], $0xffff  }
0xf4: {  	[tilespmem:s25+$0x0] =	vst v37;
	v39 =	vadd.s32 $0x2, v62;
	v16 =	vld.idx.msk [tilespmem:v62+s28+$0x0], $0xffff  }
0xf5: {  	[tilespmem:s26+$0x0] =	vst v24;
	v63 =	vadd.s32 $0x1, v38;
	v26 =	vld.idx.msk [tilespmem:v26+s24+$0x0], $0xffff  }
0xf6: {  	v40 =	vadd.s32 $0x2, v38;
	[tilespmem:s21+$0x0] =	vst v25;
	v11 =	vld.idx.msk [tilespmem:v38+s23+$0x0], $0xffff  }
0xf7: {  	s12 =	sadd.s32 $0x20, s12;
	p1 =	slt.u32 s5, $0x7E;
	v6 =	vmul.u32 $0x3, v9;
	s26 =	sshrl.u32 s5, $0x4;
	[tilespmem:s15+$0x0] =	vst v20;
	v33 =	vld.idx.msk [tilespmem:v22+s24+$0x0], $0xffff;
	v22 =	vadd.s32 $0x3, v38  }
0xf8: {  	s30 =	sor.u32 s1, s30;
	s9 =	sor.u32 s1, s0;
	s0 =	sadd.s32 s26, s13;
	[tilespmem:s16+$0x0] =	vst v21;
	v24 =	vld.idx.msk [tilespmem:v23+s28+$0x0], $0xffff;
	v23 =	vadd.s32 $0x4, v38  }
0xf9: {  	s29 =	sor.u32 s1, s29;
	s7 =	sor.u32 s1, s4;
	v35 =	vadd.s32 $0x1, v6;
	s0 =	sshll.u32 s0, $0x7;
	[tilespmem:s14+$0x0] =	vst v13;
	v25 =	vld.idx.msk [tilespmem:v39+s28+$0x0], $0xffff  }
.Ltmp0:
0xfa: {  	s8 =	sor.u32 s1, s3;
	v8 =	vshll.u32 v10, $0x2;
	s14 =	sand.u32 $0x3FFFFF80, s0;
	[tilespmem:s29+$0x0] =	vst v14;
	v20 =	vld.idx.msk [tilespmem:v63+s23+$0x0], $0xffff;
	(pc) =	sbr.rel @p1 .LBB2_3-.Ltmp0, $4  }
0xfb: {  	s6 =	smov.u32 s18;
	s1 =	smov.u32 s17;
	v28 =	vadd.s32 $0x2, v6;
	v3 =	vmov v8;
	s0 =	sadd.s32 $0x4200, s14;
	v21 =	vld.idx.msk [tilespmem:v40+s23+$0x0], $0xffff;
	[tilespmem:s30+$0x0] =	vst v36  }
0xfc: {  	v10 =	vor.u32 $0x1, v8;
	v9 =	vor.u32 $0x2, v3;
	v8 =	vor.u32 $0x3, v3;
	s29 =	sadd.s32 $0x4A00, s14;
	s10 =	sor.u32 s1, s0;
	s0 =	sor.u32 s6, s0;
	[tilespmem:s22+$0x0] =	vst v12;
	v22 =	vld.idx.msk [tilespmem:v22+s23+$0x0], $0xffff  }
0xfd: {  	[dreg:$0x4] =	wrdreg s7;
	v34 =	vadd.s32 $0x1, v5;
	v32 =	vadd.s32 $0x2, v5;
	v31 =	vadd.s32 $0x1, v4;
	s15 =	sadd.s32 $0x5200, s14;
	s30 =	sor.u32 s6, s29;
	v23 =	vld.idx.msk [tilespmem:v23+s23+$0x0], $0xffff;
	[tilespmem:s0+$0x0] =	vst v7  }
0xfe: {  	v30 =	vadd.s32 $0x2, v4;
	v29 =	vadd.s32 $0x3, v4;
	v27 =	vadd.s32 $0x4, v4;
	s16 =	sadd.s32 $0x5A00, s14;
	s11 =	sor.u32 s1, s29;
	s2 =	sor.u32 s6, s15;
	v7 =	vld.idx.msk [tilespmem:v35+s24+$0x0], $0xffff;
	[tilespmem:s30+$0x0] =	vst v26  }
0xff: {  	[tilespmem:s2+$0x0] =	vst v33  }
0x100: {  	s13 =	sor.u32 s6, s16;
	[tilespmem:s8+$0x0] =	vst v0  }
0x101: {  	s0 =	sadd.s32 $0x6200, s14;
	[tilespmem:s13+$0x0] =	vst v15  }
0x102: {  	s3 =	sadd.s32 $0x6A00, s14;
	s17 =	sor.u32 s6, s0;
	[tilespmem:s9+$0x0] =	vst v1  }
0x103: {  	v12 =	vld.idx.msk [tilespmem:v28+s24+$0x0], $0xffff;
	s4 =	sadd.s32 $0x7200, s14;
	s18 =	sor.u32 s6, s3;
	[tilespmem:s17+$0x0] =	vst v19  }
0x104: {  	v13 =	vld.idx.msk [tilespmem:v34+s28+$0x0], $0xffff;
	s5 =	sadd.s32 $0x7A00, s14;
	s19 =	sor.u32 s6, s4;
	[tilespmem:s18+$0x0] =	vst v18  }
0x105: {  	v14 =	vld.idx.msk [tilespmem:v32+s28+$0x0], $0xffff;
	s7 =	sadd.s32 $0x8200, s14;
	s20 =	sor.u32 s6, s5;
	[tilespmem:s19+$0x0] =	vst v17  }
0x106: {  	s12 =	sadd.s32 $0x8A00, s14;
	v6 =	vld.idx.msk [tilespmem:v6+s24+$0x0], $0xffff;
	s21 =	sor.u32 s6, s7;
	[tilespmem:s20+$0x0] =	vst v16  }
0x107: {  	v10 =	vld.idx.msk [tilespmem:v10+s31+$0x0], $0xffff;
	s13 =	sadd.s32 $0x9200, s14;
	s22 =	sor.u32 s6, s12;
	[tilespmem:s21+$0x0] =	vst v24  }
0x108: {  	v9 =	vld.idx.msk [tilespmem:v9+s31+$0x0], $0xffff;
	s17 =	sadd.s32 $0x9A00, s14;
	s25 =	sor.u32 s6, s13;
	[tilespmem:s22+$0x0] =	vst v25  }
0x109: {  	v8 =	vld.idx.msk [tilespmem:v8+s31+$0x0], $0xffff;
	s18 =	sadd.s32 $0xA200, s14;
	s26 =	sor.u32 s6, s17;
	[tilespmem:s25+$0x0] =	vst v11  }
0x10a: {  	v0 =	vld.idx.msk [tilespmem:v5+s28+$0x0], $0xffff;
	s19 =	sadd.s32 $0xAA00, s14;
	s20 =	sor.u32 s6, s18;
	[tilespmem:s26+$0x0] =	vst v20  }
0x10b: {  	v15 =	vld.idx.msk [tilespmem:v31+s23+$0x0], $0xffff;
	s14 =	sadd.s32 $0xB200, s14;
	s21 =	sor.u32 s6, s19;
	[tilespmem:s20+$0x0] =	vst v21  }
0x10c: {  	v1 =	vld.idx.msk [tilespmem:v3+s31+$0x0], $0xffff;
	s22 =	sor.u32 s6, s14;
	[tilespmem:s21+$0x0] =	vst v22  }
0x10d: {  	v18 =	vld.idx.msk [tilespmem:v27+s23+$0x0], $0xffff;
	[tilespmem:s22+$0x0] =	vst v23  }
0x10e: {  	v17 =	vld.idx.msk [tilespmem:v29+s23+$0x0], $0xffff;
	s2 =	rddreg [dreg:$0x4]  }
0x10f: {  	v16 =	vld.idx.msk [tilespmem:v30+s23+$0x0], $0xffff;
	[tilespmem:s2+$0x0] =	vst v2  }
0x110: {  	v2 =	vld.idx.msk [tilespmem:v4+s23+$0x0], $0xffff;
	[tilespmem:s10+$0x0] =	vst v6  }
0x111: {  	s25 =	sor.u32 s1, s15;
	[tilespmem:s11+$0x0] =	vst v7  }
0x112: {  	s26 =	sor.u32 s1, s16;
	[tilespmem:s25+$0x0] =	vst v12  }
0x113: {  	s0 =	sor.u32 s1, s0;
	[tilespmem:s26+$0x0] =	vst v1  }
0x114: {  	s8 =	sor.u32 s1, s3;
	[tilespmem:s0+$0x0] =	vst v10  }
0x115: {  	s9 =	sor.u32 s1, s4;
	[tilespmem:s8+$0x0] =	vst v9  }
0x116: {  	s10 =	sor.u32 s1, s5;
	[tilespmem:s9+$0x0] =	vst v8  }
0x117: {  	s11 =	sor.u32 s1, s7;
	[tilespmem:s10+$0x0] =	vst v0  }
0x118: {  	s15 =	sor.u32 s1, s12;
	[tilespmem:s11+$0x0] =	vst v13  }
0x119: {  	s16 =	sor.u32 s1, s13;
	[tilespmem:s15+$0x0] =	vst v14  }
0x11a: {  	s20 =	sor.u32 s1, s17;
	[tilespmem:s16+$0x0] =	vst v2  }
0x11b: {  	[tilespmem:s20+$0x0] =	vst v15  }
0x11c: {  	s5 =	sld [smem:$0x7FD]  }
0x11d: {  	s21 =	sor.u32 s1, s18  }
0x11e: {  	[tilespmem:s21+$0x0] =	vst v16  }
0x11f: {  	s3 =	rddreg [dreg:$0x17];
	s4 =	sshll.u32 s5, $0xA  }
0x120: {  	s22 =	sor.u32 s1, s19;
	s25 =	sor.u32 s3, s4  }
0x121: {  	s26 =	sor.u32 s1, s14;
	s1 =	rddreg [dreg:$0x2];
	[tilespmem:s22+$0x0] =	vst v17;
	s0 =	sshll.u32 s25, $0x4  }
0x122: {  	s6 =	simm.s32 $0x4200;
	[tilespmem:s26+$0x0] =	vst v18;
	s7 =	sadd.s32 $0x6400, s4;
	s0 =	sadd.s32 s1, s0  }
0x123: {  	[hbm4b:s0+s24] =	stream.linear.scatter [tilespmem:s6], [sflag:$0x3], $0x800, $0x38;
	[tilespmem:$0x13200] =	vst v63  }
0x124: {  	s0 =	sor.u32 s3, s7  }
0x125: {  	s0 =	sshll.u32 s0, $0x4  }
0x126: {  	s8 =	simm.s32 $0x4A00;
	s9 =	sadd.s32 $0xC800, s4;
	s0 =	sadd.s32 s1, s0  }
0x127: {  	[hbm4b:s0+s24] =	stream.linear.scatter [tilespmem:s8], [sflag:$0x3], $0x800, $0x38;
	[tilespmem:$0x13200] =	vst v63  }
0x128: {  	s0 =	sor.u32 s3, s9  }
0x129: {  	s0 =	sshll.u32 s0, $0x4  }
0x12a: {  	s10 =	simm.s32 $0x5200;
	s11 =	sadd.s32 $0x12C00, s4;
	s0 =	sadd.s32 s1, s0  }
0x12b: {  	[hbm4b:s0+s24] =	stream.linear.scatter [tilespmem:s10], [sflag:$0x3], $0x800, $0x38;
	[tilespmem:$0x13200] =	vst v63  }
0x12c: {  	s0 =	sor.u32 s3, s11  }
0x12d: {  	s0 =	sshll.u32 s0, $0x4  }
0x12e: {  	s12 =	simm.s32 $0x5A00;
	s13 =	sadd.s32 $0x19000, s4;
	s0 =	sadd.s32 s1, s0  }
0x12f: {  	[hbm4b:s0+s24] =	stream.linear.scatter [tilespmem:s12], [sflag:$0x3], $0x800, $0x38;
	[tilespmem:$0x13200] =	vst v63  }
0x130: {  	s0 =	sor.u32 s3, s13  }
0x131: {  	s0 =	sshll.u32 s0, $0x4  }
0x132: {  	s14 =	simm.s32 $0x6200;
	s15 =	sadd.s32 $0x1F400, s4;
	s0 =	sadd.s32 s1, s0  }
0x133: {  	[hbm4b:s0+s24] =	stream.linear.scatter [tilespmem:s14], [sflag:$0x3], $0x800, $0x38;
	[tilespmem:$0x13200] =	vst v63  }
0x134: {  	s0 =	sor.u32 s3, s15  }
0x135: {  	s0 =	sshll.u32 s0, $0x4  }
0x136: {  	s16 =	simm.s32 $0x6A00;
	s17 =	sadd.s32 $0x25800, s4;
	s0 =	sadd.s32 s1, s0  }
0x137: {  	[hbm4b:s0+s24] =	stream.linear.scatter [tilespmem:s16], [sflag:$0x3], $0x800, $0x38;
	[tilespmem:$0x13200] =	vst v63  }
0x138: {  	s0 =	sor.u32 s3, s17  }
0x139: {  	s0 =	sshll.u32 s0, $0x4  }
0x13a: {  	s18 =	simm.s32 $0x7200;
	s19 =	sadd.s32 $0x2BC00, s4;
	s0 =	sadd.s32 s1, s0  }
0x13b: {  	[hbm4b:s0+s24] =	stream.linear.scatter [tilespmem:s18], [sflag:$0x3], $0x800, $0x38;
	[tilespmem:$0x13200] =	vst v63  }
0x13c: {  	s0 =	sor.u32 s3, s19  }
0x13d: {  	s0 =	sshll.u32 s0, $0x4  }
0x13e: {  	s20 =	simm.s32 $0x7A00;
	s21 =	sadd.s32 $0x32000, s4;
	s0 =	sadd.s32 s1, s0  }
0x13f: {  	[hbm4b:s0+s24] =	stream.linear.scatter [tilespmem:s20], [sflag:$0x3], $0x800, $0x38;
	[tilespmem:$0x13200] =	vst v63  }
0x140: {  	s0 =	sor.u32 s3, s21  }
0x141: {  	s0 =	sshll.u32 s0, $0x4  }
0x142: {  	s22 =	simm.s32 $0x8200;
	s25 =	sadd.s32 $0x38400, s4;
	s0 =	sadd.s32 s1, s0  }
0x143: {  	[hbm4b:s0+s24] =	stream.linear.scatter [tilespmem:s22], [sflag:$0x3], $0x800, $0x38;
	[tilespmem:$0x13200] =	vst v63  }
0x144: {  	s0 =	sor.u32 s3, s25  }
0x145: {  	s0 =	sshll.u32 s0, $0x4  }
0x146: {  	s26 =	simm.s32 $0x8A00;
	s6 =	sadd.s32 $0x3E800, s4;
	s0 =	sadd.s32 s1, s0  }
0x147: {  	[hbm4b:s0+s24] =	stream.linear.scatter [tilespmem:s26], [sflag:$0x3], $0x800, $0x38;
	[tilespmem:$0x13200] =	vst v63  }
0x148: {  	s0 =	sor.u32 s3, s6  }
0x149: {  	[dreg:$0x1f] =	wrdreg s7;
	s0 =	sshll.u32 s0, $0x4  }
0x14a: {  	s7 =	simm.s32 $0x9200;
	s8 =	sadd.s32 $0x44C00, s4;
	s0 =	sadd.s32 s1, s0  }
0x14b: {  	[hbm4b:s0+s24] =	stream.linear.scatter [tilespmem:s7], [sflag:$0x3], $0x800, $0x38;
	[tilespmem:$0x13200] =	vst v63  }
0x14c: {  	s0 =	sor.u32 s3, s8  }
0x14d: {  	[smem:$0x7EF] =	sst s9;
	s0 =	sshll.u32 s0, $0x4  }
0x14e: {  	s9 =	simm.s32 $0x9A00;
	s10 =	sadd.s32 $0x4B000, s4;
	s0 =	sadd.s32 s1, s0  }
0x14f: {  	[hbm4b:s0+s24] =	stream.linear.scatter [tilespmem:s9], [sflag:$0x3], $0x800, $0x38;
	[tilespmem:$0x13200] =	vst v63  }
0x150: {  	s0 =	sor.u32 s3, s10  }
0x151: {  	[smem:$0x7F0] =	sst s11;
	s0 =	sshll.u32 s0, $0x4  }
0x152: {  	s11 =	simm.s32 $0xA200;
	s12 =	sadd.s32 $0x51400, s4;
	s0 =	sadd.s32 s1, s0  }
0x153: {  	[hbm4b:s0+s24] =	stream.linear.scatter [tilespmem:s11], [sflag:$0x3], $0x800, $0x38;
	[tilespmem:$0x13200] =	vst v63  }
0x154: {  	[dreg:$0x1e] =	wrdreg s4;
	s0 =	sor.u32 s3, s12  }
0x155: {  	[smem:$0x7F1] =	sst s13;
	s0 =	sshll.u32 s0, $0x4  }
0x156: {  	s13 =	simm.s32 $0xAA00;
	s14 =	sadd.s32 $0x57800, s4;
	s0 =	sadd.s32 s1, s0  }
0x157: {  	[hbm4b:s0+s24] =	stream.linear.scatter [tilespmem:s13], [sflag:$0x3], $0x800, $0x38;
	[tilespmem:$0x13200] =	vst v63  }
0x158: {  	[smem:$0x7F2] =	sst s15;
	s0 =	sor.u32 s3, s14  }
0x159: {  	[smem:$0x7F3] =	sst s17;
	s0 =	sshll.u32 s0, $0x4  }
0x15a: {  	[smem:$0x7F4] =	sst s19;
	s15 =	simm.s32 $0xB200;
	s0 =	sadd.s32 s1, s0  }
0x15b: {  	[hbm4b:s0+s24] =	stream.linear.scatter [tilespmem:s15], [sflag:$0x3], $0x800, $0x38;
	[tilespmem:$0x13200] =	vst v63  }
0x15c: {  	p1 =	seq.s32 s5, $0x18;
	s1 =	rddreg [dreg:$0x9];
	s0 =	sadd.s32 $0x1, s5  }
0x15d: {  	[smem:$0x7FC] =	sst s0;
	s0 =	sshll.u32 @!p1 s0, $0x10  }
0x15e: {  	s2 =	simm.s32 @!p1 $0x0;
	s0 =	sor.u32 @!p1 s1, s0;
	s1 =	rddreg [dreg:$0x0]  }
0x15f: {  	[smem:$0x7F5] =	sst s21;
	s3 =	simm.s32 @!p1 $0x200;
	s1 =	sadd.s32 @!p1 s1, s0  }
0x160: {  	[tilespmem:s3], [sflag:$0x1] =	stream.linear.gather @!p1 [hbm4b:s1+s2], $0x400, $0x38;
	[tilespmem:$0x13200] =	vst v63  }
0x161: {  	s1 =	rddreg [dreg:$0xb]  }
0x162: {  	[smem:$0x7F6] =	sst s25;
	s3 =	simm.s32 @!p1 $0x600;
	s1 =	sadd.s32 @!p1 s0, s1  }
0x163: {  	[tilespmem:s3], [sflag:$0x1] =	stream.linear.gather @!p1 [hbm4b:s1+s2], $0x400, $0x38;
	[tilespmem:$0x13200] =	vst v63  }
0x164: {  	s1 =	rddreg [dreg:$0xc]  }
0x165: {  	[smem:$0x7F7] =	sst s6;
	s3 =	simm.s32 @!p1 $0xA00;
	s1 =	sadd.s32 @!p1 s0, s1  }
0x166: {  	[tilespmem:s3], [sflag:$0x1] =	stream.linear.gather @!p1 [hbm4b:s1+s2], $0x400, $0x38;
	[tilespmem:$0x13200] =	vst v63  }
0x167: {  	s1 =	rddreg [dreg:$0xf]  }
0x168: {  	[smem:$0x7F8] =	sst s8;
	s3 =	simm.s32 @!p1 $0xE00;
	s1 =	sadd.s32 @!p1 s0, s1  }
0x169: {  	[tilespmem:s3], [sflag:$0x1] =	stream.linear.gather @!p1 [hbm4b:s1+s2], $0x400, $0x38;
	[tilespmem:$0x13200] =	vst v63  }
0x16a: {  	s1 =	rddreg [dreg:$0x11]  }
0x16b: {  	[smem:$0x7F9] =	sst s10;
	s3 =	simm.s32 @!p1 $0x1200;
	s1 =	sadd.s32 @!p1 s0, s1  }
0x16c: {  	[tilespmem:s3], [sflag:$0x1] =	stream.linear.gather @!p1 [hbm4b:s1+s2], $0x400, $0x38;
	[tilespmem:$0x13200] =	vst v63  }
0x16d: {  	s1 =	rddreg [dreg:$0x12]  }
0x16e: {  	[smem:$0x7FA] =	sst s12;
	s3 =	simm.s32 @!p1 $0x1600;
	s1 =	sadd.s32 @!p1 s0, s1  }
0x16f: {  	[tilespmem:s3], [sflag:$0x1] =	stream.linear.gather @!p1 [hbm4b:s1+s2], $0x400, $0x38;
	[tilespmem:$0x13200] =	vst v63  }
0x170: {  	s1 =	rddreg [dreg:$0x15]  }
0x171: {  	[smem:$0x7FB] =	sst s14;
	s3 =	simm.s32 @!p1 $0x1A00;
	s1 =	sadd.s32 @!p1 s0, s1  }
0x172: {  	[tilespmem:s3], [sflag:$0x1] =	stream.linear.gather @!p1 [hbm4b:s1+s2], $0x400, $0x38;
	[tilespmem:$0x13200] =	vst v63  }
0x173: {  	s1 =	rddreg [dreg:$0x1a]  }
0x174: {  	s16 =	simm.s32 $0x2;
	s0 =	sadd.s32 @!p1 s0, s1;
	s1 =	simm.s32 @!p1 $0x1E00  }
0x175: {  	[tilespmem:s1], [sflag:$0x1] =	stream.linear.gather @!p1 [hbm4b:s0+s2], $0x400, $0x38;
	[tilespmem:$0x13200] =	vst v63  }
0x176: {  	_ =	swait.ge [sflag:s16], $0x400  }
0x177: {  	[sflag:s16] =	ssyncset.done $0x0  }
0x178: {  	[sflag:s16] =	ssyncadd.s32 $0xFFFFFC00  }
0x179: {  	_ =	swait.ge [sflag:s16], $0x400  }
0x17a: {  	[sflag:s16] =	ssyncset.done $0x0  }
0x17b: {  	[sflag:s16] =	ssyncadd.s32 $0xFFFFFC00  }
0x17c: {  	_ =	swait.ge [sflag:s16], $0x400  }
0x17d: {  	[sflag:s16] =	ssyncset.done $0x0  }
0x17e: {  	[sflag:s16] =	ssyncadd.s32 $0xFFFFFC00  }
0x17f: {  	_ =	swait.ge [sflag:s16], $0x400  }
0x180: {  	[sflag:s16] =	ssyncset.done $0x0  }
0x181: {  	[sflag:s16] =	ssyncadd.s32 $0xFFFFFC00  }
0x182: {  	_ =	swait.ge [sflag:s16], $0x400  }
0x183: {  	[sflag:s16] =	ssyncset.done $0x0  }
0x184: {  	[sflag:s16] =	ssyncadd.s32 $0xFFFFFC00  }
0x185: {  	_ =	swait.ge [sflag:s16], $0x400  }
0x186: {  	[sflag:s16] =	ssyncset.done $0x0  }
0x187: {  	[sflag:s16] =	ssyncadd.s32 $0xFFFFFC00  }
0x188: {  	_ =	swait.ge [sflag:s16], $0x400  }
0x189: {  	[sflag:s16] =	ssyncset.done $0x0  }
0x18a: {  	[sflag:s16] =	ssyncadd.s32 $0xFFFFFC00  }
0x18b: {  	_ =	swait.ge [sflag:s16], $0x400  }
0x18c: {  	[sflag:s16] =	ssyncset.done $0x0  }
0x18d: {  	s0 =	simm.s32 @!p0 $0x4;
	[sflag:s16] =	ssyncadd.s32 $0xFFFFFC00  }
0x18e: {  	_ =	swait.ge @!p0 [sflag:s0], $0x800  }
0x18f: {  	[sflag:s0] =	ssyncset.done @!p0 $0x0  }
0x190: {  	[sflag:s0] =	ssyncadd.s32 @!p0 $0xFFFFF800  }
0x191: {  	_ =	swait.ge @!p0 [sflag:s0], $0x800  }
0x192: {  	[sflag:s0] =	ssyncset.done @!p0 $0x0  }
0x193: {  	[sflag:s0] =	ssyncadd.s32 @!p0 $0xFFFFF800  }
0x194: {  	_ =	swait.ge @!p0 [sflag:s0], $0x800  }
0x195: {  	[sflag:s0] =	ssyncset.done @!p0 $0x0  }
0x196: {  	[sflag:s0] =	ssyncadd.s32 @!p0 $0xFFFFF800  }
0x197: {  	_ =	swait.ge @!p0 [sflag:s0], $0x800  }
0x198: {  	[sflag:s0] =	ssyncset.done @!p0 $0x0  }
0x199: {  	[sflag:s0] =	ssyncadd.s32 @!p0 $0xFFFFF800  }
0x19a: {  	_ =	swait.ge @!p0 [sflag:s0], $0x800  }
0x19b: {  	[sflag:s0] =	ssyncset.done @!p0 $0x0  }
0x19c: {  	[sflag:s0] =	ssyncadd.s32 @!p0 $0xFFFFF800  }
0x19d: {  	_ =	swait.ge @!p0 [sflag:s0], $0x800  }
0x19e: {  	[sflag:s0] =	ssyncset.done @!p0 $0x0  }
0x19f: {  	[sflag:s0] =	ssyncadd.s32 @!p0 $0xFFFFF800  }
0x1a0: {  	_ =	swait.ge @!p0 [sflag:s0], $0x800  }
0x1a1: {  	[sflag:s0] =	ssyncset.done @!p0 $0x0  }
0x1a2: {  	[sflag:s0] =	ssyncadd.s32 @!p0 $0xFFFFF800  }
0x1a3: {  	_ =	swait.ge @!p0 [sflag:s0], $0x800  }
0x1a4: {  	[sflag:s0] =	ssyncset.done @!p0 $0x0  }
0x1a5: {  	[sflag:s0] =	ssyncadd.s32 @!p0 $0xFFFFF800  }
0x1a6: {  	_ =	swait.ge @!p0 [sflag:s0], $0x800  }
0x1a7: {  	[sflag:s0] =	ssyncset.done @!p0 $0x0  }
0x1a8: {  	[sflag:s0] =	ssyncadd.s32 @!p0 $0xFFFFF800  }
0x1a9: {  	_ =	swait.ge @!p0 [sflag:s0], $0x800  }
0x1aa: {  	[sflag:s0] =	ssyncset.done @!p0 $0x0  }
0x1ab: {  	[sflag:s0] =	ssyncadd.s32 @!p0 $0xFFFFF800  }
0x1ac: {  	_ =	swait.ge @!p0 [sflag:s0], $0x800  }
0x1ad: {  	[sflag:s0] =	ssyncset.done @!p0 $0x0  }
0x1ae: {  	[sflag:s0] =	ssyncadd.s32 @!p0 $0xFFFFF800  }
0x1af: {  	_ =	swait.ge @!p0 [sflag:s0], $0x800  }
0x1b0: {  	[sflag:s0] =	ssyncset.done @!p0 $0x0  }
0x1b1: {  	[sflag:s0] =	ssyncadd.s32 @!p0 $0xFFFFF800  }
0x1b2: {  	_ =	swait.ge @!p0 [sflag:s0], $0x800  }
0x1b3: {  	[sflag:s0] =	ssyncset.done @!p0 $0x0  }
0x1b4: {  	[sflag:s0] =	ssyncadd.s32 @!p0 $0xFFFFF800  }
0x1b5: {  	s17 =	simm.s32 $0x0;
	s18 =	simm.s32 $0x0;
	_ =	swait.ge @!p0 [sflag:s0], $0x800  }
0x1b6: {  	s19 =	simm.s32 $0x0;
	s5 =	sand.u32 $0x8, s17;
	[sflag:s0] =	ssyncset.done @!p0 $0x0  }
0x1b7: {  	s20 =	sshll.u32 s5, $0x6;
	s1 =	sand.u32 $0x3FFFFC00, s18;
	[sflag:s0] =	ssyncadd.s32 @!p0 $0xFFFFF800  }
0x1b8: {  	s10 =	sand.u32 $0x60, s19;
	s1 =	sor.u32 s20, s1;
	_ =	swait.ge @!p0 [sflag:s0], $0x800  }
0x1b9: {  	s14 =	sor.u32 $0x10, s10;
	s21 =	sadd.s32 $0x2280, s1;
	[sflag:s0] =	ssyncset.done @!p0 $0x0  }
0x1ba: {  	s22 =	sadd.s32 $0x2200, s1;
	s25 =	sor.u32 s14, s21;
	[sflag:s0] =	ssyncadd.s32 @!p0 $0xFFFFF800  }
0x1bb: {  	s26 =	sor.u32 s14, s22;
	v0 =	vld [tilespmem:s25+$0x0]  }
0x1bc: {  	s11 =	simm.s32 $0x80;
	s12 =	simm.s32 $0x20;
	s0 =	sor.u32 s10, s22;
	v1 =	vld [tilespmem:s26+$0x0]  }
0x1bd: {  	s18 =	simm.s32 $0x2;
	s6 =	sadd.s32 $0x2300, s1;
	s2 =	sor.u32 s10, s21;
	v2 =	vld [tilespmem:s0+$0x0]  }
0x1be: {  	s13 =	sand.u32 $0x8, s18;
	s7 =	sadd.s32 $0x2380, s1;
	s8 =	sor.u32 s14, s6;
	v4 =	vld [tilespmem:s2+$0x0]  }
0x1bf: {  	s4 =	sand.u32 $0x3FFFFC00, s11;
	s15 =	sshll.u32 s13, $0x6;
	s9 =	sor.u32 s14, s7;
	v3 =	vld [tilespmem:s8+$0x0]  }
0x1c0: {  	s20 =	sand.u32 $0x60, s12;
	s17 =	sor.u32 s15, s4;
	s16 =	sor.u32 s10, s6;
	v5 =	vld [tilespmem:s9+$0x0]  }
0x1c1: {  	s19 =	sadd.s32 $0x2280, s17;
	s0 =	sor.u32 s10, s7;
	v6 =	vld [tilespmem:s16+$0x0];
	s9 =	sor.u32 $0x10, s20  }
0x1c2: {  	s21 =	sadd.s32 $0x2200, s17;
	v7 =	vld [tilespmem:s0+$0x0];
	s22 =	sor.u32 s9, s19  }
0x1c3: {  	s25 =	sor.u32 s9, s21;
	v9 =	vld [tilespmem:s22+$0x0]  }
0x1c4: {  	s26 =	sadd.s32 $0x2300, s17;
	s0 =	sor.u32 s20, s21;
	v11 =	vld [tilespmem:s25+$0x0];
	v1 =	vmul.u32 $0x3, v1;
	v0 =	vshll.u32 v0, $0x2  }
0x1c5: {  	s1 =	sadd.s32 $0x2380, s17;
	s4 =	sor.u32 s9, s26;
	v25 =	vld [tilespmem:s0+$0x0]  }
0x1c6: {  	s7 =	sor.u32 s9, s1;
	v27 =	vld [tilespmem:s4+$0x0];
	v8 =	vor.u32 $0x1, v0  }
0x1c7: {  	s1 =	sor.u32 s20, s1;
	v29 =	vld [tilespmem:s7+$0x0];
	v10 =	vor.u32 $0x2, v0  }
0x1c8: {  	v62 =	vld [tilespmem:s1+$0x0];
	v3 =	vmul.u32 $0x3, v3;
	v12 =	vor.u32 $0x3, v0  }
0x1c9: {  	v5 =	vmul.u32 $0x5, v5;
	v13 =	vld.idx.msk [tilespmem:v0+s31+$0x0], $0xffff  }
0x1ca: {  	v0 =	vld.idx.msk [tilespmem:v1+s24+$0x0], $0xffff  }
0x1cb: {  	v14 =	vadd.s32 $0x1, v1;
	v8 =	vld.idx.msk [tilespmem:v8+s31+$0x0], $0xffff  }
0x1cc: {  	v15 =	vadd.s32 $0x1, v3;
	v10 =	vld.idx.msk [tilespmem:v10+s31+$0x0], $0xffff  }
0x1cd: {  	v18 =	vadd.s32 $0x1, v5;
	v12 =	vld.idx.msk [tilespmem:v12+s31+$0x0], $0xffff  }
0x1ce: {  	v20 =	vmul.u32 $0x3, v2;
	v19 =	vadd.s32 $0x2, v5;
	v16 =	vld.idx.msk [tilespmem:v3+s28+$0x0], $0xffff  }
0x1cf: {  	v6 =	vmul.u32 $0x3, v6;
	v2 =	vadd.s32 $0x3, v5;
	v17 =	vld.idx.msk [tilespmem:v5+s23+$0x0], $0xffff  }
0x1d0: {  	v21 =	vadd.s32 $0x1, v20;
	v14 =	vld.idx.msk [tilespmem:v14+s24+$0x0], $0xffff  }
0x1d1: {  	v7 =	vmul.u32 $0x5, v7;
	v26 =	vadd.s32 $0x2, v6;
	v15 =	vld.idx.msk [tilespmem:v15+s28+$0x0], $0xffff  }
0x1d2: {  	v18 =	vld.idx.msk [tilespmem:v18+s23+$0x0], $0xffff  }
0x1d3: {  	v28 =	vadd.s32 $0x1, v7;
	v19 =	vld.idx.msk [tilespmem:v19+s23+$0x0], $0xffff  }
0x1d4: {  	v1 =	vadd.s32 $0x2, v1;
	v23 =	vld.idx.msk [tilespmem:v2+s23+$0x0], $0xffff  }
0x1d5: {  	v3 =	vadd.s32 $0x2, v3;
	v21 =	vld.idx.msk [tilespmem:v21+s24+$0x0], $0xffff  }
0x1d6: {  	v5 =	vadd.s32 $0x4, v5;
	v26 =	vld.idx.msk [tilespmem:v26+s28+$0x0], $0xffff  }
0x1d7: {  	s6 =	sadd.s32 $0x0, s5;
	v30 =	vadd.s32 $0x2, v7;
	v61 =	vadd.s32 $0x3, v7;
	v63 =	vadd.s32 $0x4, v7;
	v7 =	vld.idx.msk [tilespmem:v7+s23+$0x0], $0xffff  }
0x1d8: {  	s3 =	sshll.u32 s6, $0x7;
	v2 =	vadd.s32 $0x1, v6;
	v28 =	vld.idx.msk [tilespmem:v28+s23+$0x0], $0xffff  }
0x1d9: {  	s15 =	sand.u32 $0x3FFFFF80, s3;
	v1 =	vld.idx.msk [tilespmem:v1+s24+$0x0], $0xffff  }
0x1da: {  	s5 =	sadd.s32 $0xBA00, s15;
	v22 =	vld.idx.msk [tilespmem:v3+s28+$0x0], $0xffff;
	v3 =	vadd.s32 $0x2, v20  }
0x1db: {  	s8 =	sor.u32 s14, s5;
	v5 =	vld.idx.msk [tilespmem:v5+s23+$0x0], $0xffff  }
0x1dc: {  	s1 =	sadd.s32 $0xC200, s15;
	[tilespmem:s8+$0x0] =	vst v0;
	v0 =	vld.idx.msk [tilespmem:v30+s23+$0x0], $0xffff  }
0x1dd: {  	s6 =	sadd.s32 $0xCA00, s15;
	s11 =	sor.u32 s14, s1;
	v35 =	vld.idx.msk [tilespmem:v2+s28+$0x0], $0xffff  }
0x1de: {  	s12 =	sor.u32 s14, s6;
	s7 =	sadd.s32 $0xD200, s15;
	v4 =	vshll.u32 v4, $0x2;
	[tilespmem:s11+$0x0] =	vst v14;
	v2 =	vld.idx.msk [tilespmem:v63+s23+$0x0], $0xffff  }
0x1df: {  	s2 =	sor.u32 s20, s19;
	s16 =	sor.u32 s14, s7;
	v14 =	vor.u32 $0x1, v4;
	s11 =	sadd.s32 $0xDA00, s15;
	v24 =	vld.idx.msk [tilespmem:v3+s24+$0x0], $0xffff;
	[tilespmem:s12+$0x0] =	vst v1  }
0x1e0: {  	s17 =	sor.u32 s14, s11;
	v3 =	vld [tilespmem:s2+$0x0];
	[tilespmem:s16+$0x0] =	vst v13;
	s16 =	sadd.s32 $0xE200, s15  }
0x1e1: {  	v36 =	vor.u32 $0x2, v4;
	v1 =	vld.idx.msk [tilespmem:v61+s23+$0x0], $0xffff;
	[tilespmem:s17+$0x0] =	vst v8;
	s17 =	sadd.s32 $0xEA00, s15;
	s19 =	sor.u32 s14, s16  }
0x1e2: {  	v13 =	vor.u32 $0x3, v4;
	v8 =	vld.idx.msk [tilespmem:v20+s24+$0x0], $0xffff;
	[tilespmem:s19+$0x0] =	vst v10;
	s19 =	sadd.s32 $0xF200, s15;
	s21 =	sor.u32 s14, s17  }
0x1e3: {  	s12 =	sadd.s32 $0xFA00, s15;
	v4 =	vld.idx.msk [tilespmem:v4+s31+$0x0], $0xffff;
	[tilespmem:s21+$0x0] =	vst v12;
	s22 =	sor.u32 s14, s19  }
0x1e4: {  	s25 =	sor.u32 s14, s12;
	v10 =	vld.idx.msk [tilespmem:v14+s31+$0x0], $0xffff;
	s21 =	sadd.s32 $0x10200, s15;
	[tilespmem:s22+$0x0] =	vst v16  }
0x1e5: {  	s0 =	sor.u32 s20, s26;
	v11 =	vmul.u32 $0x3, v11;
	v9 =	vshll.u32 v9, $0x2;
	v14 =	vld.idx.msk [tilespmem:v6+s28+$0x0], $0xffff;
	s26 =	sor.u32 s14, s21;
	[tilespmem:s25+$0x0] =	vst v15  }
0x1e6: {  	s5 =	sor.u32 s10, s5;
	s2 =	sadd.s32 $0x10A00, s15;
	v12 =	vld.idx.msk [tilespmem:v36+s31+$0x0], $0xffff;
	[tilespmem:s26+$0x0] =	vst v22  }
0x1e7: {  	s3 =	sor.u32 s14, s2;
	v6 =	vor.u32 $0x1, v9;
	s22 =	sadd.s32 $0x11200, s15;
	v13 =	vld.idx.msk [tilespmem:v13+s31+$0x0], $0xffff;
	[tilespmem:s5+$0x0] =	vst v8  }
0x1e8: {  	v31 =	vld [tilespmem:s0+$0x0];
	s0 =	sadd.s32 $0x11A00, s15;
	v20 =	vmul.u32 $0x3, v27;
	v16 =	vor.u32 $0x2, v9;
	s4 =	sor.u32 s14, s22;
	[tilespmem:s3+$0x0] =	vst v17  }
0x1e9: {  	s8 =	sor.u32 s14, s0;
	s3 =	sadd.s32 $0x12200, s15;
	[tilespmem:s4+$0x0] =	vst v18  }
0x1ea: {  	v15 =	vld.idx.msk [tilespmem:v9+s31+$0x0], $0xffff;
	v8 =	vadd.s32 $0x1, v20;
	s4 =	sadd.s32 $0x12A00, s15;
	s25 =	sor.u32 s14, s3;
	[tilespmem:s8+$0x0] =	vst v19  }
0x1eb: {  	v22 =	vmul.u32 $0x5, v29;
	v29 =	vld.idx.msk [tilespmem:v11+s24+$0x0], $0xffff;
	v17 =	vor.u32 $0x3, v9;
	s14 =	sor.u32 s14, s4;
	[tilespmem:s25+$0x0] =	vst v23  }
0x1ec: {  	s1 =	sor.u32 s10, s1;
	v19 =	vld.idx.msk [tilespmem:v6+s31+$0x0], $0xffff;
	[tilespmem:s14+$0x0] =	vst v5;
	v5 =	vadd.s32 $0x1, v11  }
0x1ed: {  	s26 =	sor.u32 s10, s6;
	[tilespmem:s1+$0x0] =	vst v21;
	v6 =	vadd.s32 $0x2, v11;
	v18 =	vld.idx.msk [tilespmem:v16+s31+$0x0], $0xffff  }
0x1ee: {  	s5 =	sor.u32 s10, s7;
	[tilespmem:s26+$0x0] =	vst v24;
	v16 =	vld.idx.msk [tilespmem:v20+s28+$0x0], $0xffff  }
0x1ef: {  	s6 =	sor.u32 s10, s11;
	v9 =	vadd.s32 $0x2, v20;
	[tilespmem:s5+$0x0] =	vst v4;
	v24 =	vld.idx.msk [tilespmem:v8+s28+$0x0], $0xffff  }
0x1f0: {  	s7 =	sor.u32 s10, s16;
	v4 =	vadd.s32 $0x1, v22;
	[tilespmem:s6+$0x0] =	vst v10;
	v17 =	vld.idx.msk [tilespmem:v17+s31+$0x0], $0xffff  }
0x1f1: {  	s8 =	sor.u32 s10, s17;
	[tilespmem:s7+$0x0] =	vst v12;
	v30 =	vld.idx.msk [tilespmem:v5+s24+$0x0], $0xffff;
	v5 =	vadd.s32 $0x2, v22  }
0x1f2: {  	s11 =	sor.u32 s10, s19;
	v10 =	vadd.s32 $0x3, v22;
	[tilespmem:s8+$0x0] =	vst v13;
	v34 =	vld.idx.msk [tilespmem:v6+s24+$0x0], $0xffff;
	v6 =	vmul.u32 $0x3, v25  }
0x1f3: {  	s13 =	sadd.s32 $0x0, s13;
	s12 =	sor.u32 s10, s12;
	v8 =	vadd.s32 $0x4, v22;
	v11 =	vld.idx.msk [tilespmem:v22+s23+$0x0], $0xffff;
	[tilespmem:s11+$0x0] =	vst v14  }
0x1f4: {  	s2 =	sor.u32 s10, s2;
	s5 =	sshll.u32 s13, $0x7;
	s14 =	sor.u32 s10, s21;
	v25 =	vld.idx.msk [tilespmem:v9+s28+$0x0], $0xffff;
	[tilespmem:s12+$0x0] =	vst v35;
	v12 =	vadd.s32 $0x1, v6  }
0x1f5: {  	v3 =	vshll.u32 v3, $0x2;
	s15 =	sor.u32 s10, s22;
	s26 =	sor.u32 s10, s3;
	s25 =	sand.u32 $0x3FFFFF80, s5;
	v20 =	vld.idx.msk [tilespmem:v4+s23+$0x0], $0xffff;
	[tilespmem:s14+$0x0] =	vst v26  }
0x1f6: {  	s22 =	sor.u32 s10, s4;
	s21 =	sor.u32 s10, s0;
	s16 =	sadd.s32 $0xBA00, s25;
	v4 =	vmul.u32 $0x5, v62;
	v9 =	vor.u32 $0x2, v3;
	[tilespmem:s2+$0x0] =	vst v7;
	v21 =	vld.idx.msk [tilespmem:v5+s23+$0x0], $0xffff;
	v5 =	vmul.u32 $0x3, v31  }
0x1f7: {  	s17 =	sadd.s32 $0xC200, s25;
	s29 =	sadd.s32 $0xCA00, s25;
	s0 =	sor.u32 s9, s16;
	v27 =	vadd.s32 $0x2, v6;
	v22 =	vld.idx.msk [tilespmem:v10+s23+$0x0], $0xffff;
	v10 =	vor.u32 $0x1, v3;
	v7 =	vor.u32 $0x3, v3;
	[tilespmem:s15+$0x0] =	vst v28  }
0x1f8: {  	s30 =	sadd.s32 $0xD200, s25;
	s10 =	sor.u32 s20, s16;
	s19 =	sor.u32 s9, s17;
	v23 =	vld.idx.msk [tilespmem:v8+s23+$0x0], $0xffff;
	v28 =	vadd.s32 $0x4, v4;
	v31 =	vadd.s32 $0x1, v4;
	[tilespmem:s0+$0x0] =	vst v29;
	v33 =	vadd.s32 $0x1, v5  }
0x1f9: {  	s13 =	sor.u32 s20, s17;
	s14 =	simm.s32 $0x40;
	s2 =	sor.u32 s9, s29;
	v29 =	vadd.s32 $0x3, v4;
	v8 =	vld.idx.msk [tilespmem:v12+s24+$0x0], $0xffff;
	[tilespmem:s19+$0x0] =	vst v30;
	v30 =	vadd.s32 $0x2, v4;
	v32 =	vadd.s32 $0x2, v5  }
.LBB2_5:
0x1fa: {  	s18 =	sadd.s32 $0x2, s18;
	s1 =	sadd.s32 $0xDA00, s25  }
0x1fb: {  	s0 =	sor.u32 s9, s30;
	s5 =	sand.u32 $0x60, s14;
	s7 =	sadd.s32 $0xE200, s25  }
0x1fc: {  	v26 =	vld.idx.msk [tilespmem:v27+s24+$0x0], $0xffff;
	[tilespmem:s2+$0x0] =	vst v34;
	s2 =	sadd.s32 $0xEA00, s25;
	s4 =	sadd.s32 $0xFA00, s25;
	s15 =	sadd.s32 $0x10200, s25  }
0x1fd: {  	s17 =	sadd.s32 $0x10A00, s25;
	s8 =	simm.s32 $0x80;
	v13 =	vld.idx.msk [tilespmem:v33+s28+$0x0], $0xffff;
	[tilespmem:s0+$0x0] =	vst v15;
	s0 =	sor.u32 s9, s1  }
0x1fe: {  	s16 =	sand.u32 $0x8, s18;
	s3 =	sshll.u32 s18, $0x6;
	v14 =	vld.idx.msk [tilespmem:v32+s28+$0x0], $0xffff;
	[tilespmem:s0+$0x0] =	vst v19;
	s0 =	sor.u32 s9, s7  }
0x1ff: {  	s6 =	sor.u32 $0x10, s5;
	s28 =	sadd.s32 $0xF200, s25;
	v12 =	vld.idx.msk [tilespmem:v31+s23+$0x0], $0xffff;
	[tilespmem:s0+$0x0] =	vst v18;
	s0 =	sor.u32 s9, s2  }
0x200: {  	s3 =	sand.u32 $0x3FFFFC00, s3;
	s11 =	sshll.u32 s16, $0x6;
	v15 =	vld.idx.msk [tilespmem:v30+s23+$0x0], $0xffff;
	[tilespmem:s0+$0x0] =	vst v17;
	s0 =	sor.u32 s9, s28  }
0x201: {  	p0 =	slt.u32 s18, $0x7E;
	s3 =	sor.u32 s11, s3;
	v17 =	vld.idx.msk [tilespmem:v29+s23+$0x0], $0xffff;
	[tilespmem:s0+$0x0] =	vst v16;
	s0 =	sor.u32 s9, s4  }
0x202: {  	s7 =	sor.u32 s20, s7;
	s11 =	sadd.s32 $0x2280, s3;
	v16 =	vld.idx.msk [tilespmem:v28+s23+$0x0], $0xffff;
	[tilespmem:s0+$0x0] =	vst v24;
	s0 =	sor.u32 s9, s15  }
0x203: {  	s12 =	sadd.s32 $0x2200, s3;
	s23 =	sadd.s32 $0x11200, s25;
	v18 =	vld.idx.msk [tilespmem:v6+s24+$0x0], $0xffff;
	[tilespmem:s0+$0x0] =	vst v25;
	s0 =	sor.u32 s9, s17  }
0x204: {  	s19 =	sor.u32 s6, s11;
	s24 =	sadd.s32 $0x11A00, s25;
	v24 =	vld.idx.msk [tilespmem:v10+s31+$0x0], $0xffff;
	[tilespmem:s0+$0x0] =	vst v11;
	s0 =	sor.u32 s9, s23  }
0x205: {  	s15 =	sor.u32 s20, s15;
	v25 =	vld.idx.msk [tilespmem:v9+s31+$0x0], $0xffff;
	s31 =	sadd.s32 $0x12200, s25;
	[tilespmem:s0+$0x0] =	vst v20;
	s0 =	sor.u32 s9, s24  }
0x206: {  	s17 =	sor.u32 s20, s17;
	v20 =	vld.idx.msk [tilespmem:v7+s8+$0x0], $0xffff;
	s8 =	sadd.s32 $0x12A00, s25;
	[tilespmem:s0+$0x0] =	vst v21;
	s0 =	sor.u32 s9, s31  }
0x207: {  	s25 =	sor.u32 s5, s12;
	s12 =	sor.u32 s6, s12;
	v6 =	vld [tilespmem:s19+$0x0];
	[tilespmem:s0+$0x0] =	vst v22;
	s0 =	sor.u32 s9, s8  }
0x208: {  	s9 =	sor.u32 s5, s11;
	s19 =	sor.u32 s20, s29;
	s11 =	sor.u32 s20, s30;
	v7 =	vld [tilespmem:s12+$0x0];
	[tilespmem:s0+$0x0] =	vst v23  }
0x209: {  	s29 =	sor.u32 s20, s2;
	s30 =	sor.u32 s20, s28;
	s12 =	sor.u32 s20, s1;
	v9 =	vld [tilespmem:s25+$0x0];
	[tilespmem:s21+$0x0] =	vst v0;
	v0 =	vmov v15  }
0x20a: {  	s28 =	simm.s32 $0x100;
	s0 =	sadd.s32 $0x2300, s3;
	s25 =	sor.u32 s20, s4;
	v10 =	vld [tilespmem:s9+$0x0];
	[tilespmem:s26+$0x0] =	vst v1;
	v1 =	vmov v17  }
0x20b: {  	s1 =	sadd.s32 $0x2380, s3;
	s2 =	sor.u32 s5, s0;
	s0 =	sor.u32 s6, s0;
	v21 =	vld.idx.msk [tilespmem:v5+s28+$0x0], $0xffff;
	[tilespmem:s22+$0x0] =	vst v2;
	v2 =	vmov v16  }
0x20c: {  	s3 =	sor.u32 s5, s1;
	s21 =	sor.u32 s20, s24;
	v5 =	vld [tilespmem:s0+$0x0];
	s0 =	sor.u32 s6, s1  }
0x20d: {  	s24 =	simm.s32 $0x0;
	v15 =	vshll.u32 v6, $0x2;
	s1 =	sor.u32 s20, s23;
	s23 =	simm.s32 $0x180;
	v11 =	vld [tilespmem:s0+$0x0];
	v16 =	vmul.u32 $0x3, v7  }
0x20e: {  	s26 =	sor.u32 s20, s31;
	s31 =	simm.s32 $0x80;
	s22 =	sor.u32 s20, s8;
	v17 =	vld [tilespmem:s2+$0x0];
	v6 =	vmul.u32 $0x3, v9  }
0x20f: {  	s9 =	smov.u32 s6;
	s20 =	smov.u32 s5;
	v22 =	vor.u32 $0x1, v15;
	v19 =	vld [tilespmem:s3+$0x0];
	v7 =	vshll.u32 v10, $0x2  }
0x210: {  	v23 =	vor.u32 $0x2, v15;
	v35 =	vadd.s32 $0x1, v6;
	v27 =	vadd.s32 $0x2, v6;
	v36 =	vld.idx.msk [tilespmem:v4+s23+$0x0], $0xffff  }
0x211: {  	v28 =	vor.u32 $0x3, v15;
	v10 =	vor.u32 $0x1, v7;
	v34 =	vmul.u32 $0x3, v5;
	v37 =	vld.idx.msk [tilespmem:v3+s31+$0x0], $0xffff;
	[tilespmem:s10+$0x0] =	vst v18;
	v3 =	vmovc v7  }
0x212: {  	v9 =	vor.u32 $0x2, v3;
	v7 =	vor.u32 $0x3, v3;
	v38 =	vmul.u32 $0x5, v11;
	v15 =	vld.idx.msk [tilespmem:v15+s31+$0x0], $0xffff;
	[tilespmem:s13+$0x0] =	vst v8  }
0x213: {  	v5 =	vmul.u32 $0x3, v17;
	v8 =	vld.idx.msk [tilespmem:v16+s24+$0x0], $0xffff;
	[tilespmem:s19+$0x0] =	vst v26  }
0x214: {  	v26 =	vadd.s32 $0x1, v16;
	v4 =	vmul.u32 $0x5, v19;
	v19 =	vld.idx.msk [tilespmem:v22+s31+$0x0], $0xffff  }
0x215: {  	v22 =	vadd.s32 $0x2, v16;
	v33 =	vadd.s32 $0x1, v5;
	v32 =	vadd.s32 $0x2, v5;
	v18 =	vld.idx.msk [tilespmem:v23+s31+$0x0], $0xffff  }
0x216: {  	v23 =	vadd.s32 $0x1, v34;
	v31 =	vadd.s32 $0x1, v4;
	v30 =	vadd.s32 $0x2, v4;
	v17 =	vld.idx.msk [tilespmem:v28+s31+$0x0], $0xffff  }
0x217: {  	v39 =	vadd.s32 $0x2, v34;
	v29 =	vadd.s32 $0x3, v4;
	v28 =	vadd.s32 $0x4, v4;
	v16 =	vld.idx.msk [tilespmem:v34+s28+$0x0], $0xffff;
	[tilespmem:s11+$0x0] =	vst v37  }
0x218: {  	v37 =	vadd.s32 $0x1, v38;
	v11 =	vld.idx.msk [tilespmem:v38+s23+$0x0], $0xffff;
	[tilespmem:s12+$0x0] =	vst v24  }
0x219: {  	v40 =	vadd.s32 $0x2, v38;
	v26 =	vld.idx.msk [tilespmem:v26+s24+$0x0], $0xffff;
	[tilespmem:s7+$0x0] =	vst v25  }
0x21a: {  	s0 =	sshrl.u32 s18, $0x4;
	v34 =	vld.idx.msk [tilespmem:v22+s24+$0x0], $0xffff;
	v22 =	vadd.s32 $0x3, v38;
	[tilespmem:s29+$0x0] =	vst v20  }
0x21b: {  	s0 =	sadd.s32 s0, s16;
	v24 =	vld.idx.msk [tilespmem:v23+s28+$0x0], $0xffff;
	v23 =	vadd.s32 $0x4, v38;
	[tilespmem:s30+$0x0] =	vst v21  }
0x21c: {  	s0 =	sshll.u32 s0, $0x7;
	v25 =	vld.idx.msk [tilespmem:v39+s28+$0x0], $0xffff;
	[tilespmem:s25+$0x0] =	vst v13  }
.Ltmp1:
0x21d: {  	s25 =	sand.u32 $0x3FFFFF80, s0;
	v20 =	vld.idx.msk [tilespmem:v37+s23+$0x0], $0xffff;
	[tilespmem:s15+$0x0] =	vst v14;
	(pc) =	sbr.rel @p0 .LBB2_5-.Ltmp1, $4  }
0x21e: {  	s0 =	sadd.s32 $0xBA00, s25;
	v21 =	vld.idx.msk [tilespmem:v40+s23+$0x0], $0xffff;
	[tilespmem:s17+$0x0] =	vst v36  }
0x21f: {  	s2 =	sadd.s32 $0xC200, s25;
	s10 =	sor.u32 s20, s0;
	s0 =	sor.u32 s9, s0;
	v22 =	vld.idx.msk [tilespmem:v22+s23+$0x0], $0xffff;
	[tilespmem:s1+$0x0] =	vst v12  }
0x220: {  	s29 =	sadd.s32 $0xCA00, s25;
	s13 =	sor.u32 s20, s2;
	v23 =	vld.idx.msk [tilespmem:v23+s23+$0x0], $0xffff;
	[tilespmem:s0+$0x0] =	vst v8;
	s0 =	sor.u32 s9, s2  }
0x221: {  	s14 =	sadd.s32 $0x20, s14;
	s30 =	sadd.s32 $0xD200, s25;
	s2 =	sor.u32 s9, s29;
	v8 =	vld.idx.msk [tilespmem:v35+s24+$0x0], $0xffff;
	[tilespmem:s0+$0x0] =	vst v26  }
0x222: {  	_ =	sdelay $0x3  }
0x223: {  	v12 =	vld.idx.msk [tilespmem:v27+s24+$0x0], $0xffff  }
0x224: {  	v13 =	vld.idx.msk [tilespmem:v33+s28+$0x0], $0xffff  }
0x225: {  	v14 =	vld.idx.msk [tilespmem:v32+s28+$0x0], $0xffff  }
0x226: {  	v57 =	vld.idx.msk [tilespmem:v31+s23+$0x0], $0xffff  }
0x227: {  	[tilespmem:s2+$0x0] =	vst v34;
	v58 =	vld.idx.msk [tilespmem:v30+s23+$0x0], $0xffff  }
0x228: {  	s1 =	sor.u32 s9, s30;
	v59 =	vld.idx.msk [tilespmem:v29+s23+$0x0], $0xffff;
	[tilespmem:s21+$0x0] =	vst v0  }
0x229: {  	s0 =	sadd.s32 $0xDA00, s25;
	v60 =	vld.idx.msk [tilespmem:v28+s23+$0x0], $0xffff;
	[tilespmem:s1+$0x0] =	vst v15  }
0x22a: {  	v6 =	vld.idx.msk [tilespmem:v6+s24+$0x0], $0xffff;
	s14 =	sor.u32 s9, s0;
	[tilespmem:s26+$0x0] =	vst v1  }
0x22b: {  	v10 =	vld.idx.msk [tilespmem:v10+s31+$0x0], $0xffff;
	s1 =	sadd.s32 $0xE200, s25;
	[tilespmem:s14+$0x0] =	vst v19  }
0x22c: {  	s2 =	sadd.s32 $0xEA00, s25;
	v9 =	vld.idx.msk [tilespmem:v9+s31+$0x0], $0xffff;
	s3 =	sor.u32 s9, s1;
	[tilespmem:s22+$0x0] =	vst v2  }
0x22d: {  	v7 =	vld.idx.msk [tilespmem:v7+s31+$0x0], $0xffff;
	s4 =	sor.u32 s9, s2;
	[tilespmem:s3+$0x0] =	vst v18;
	s3 =	sadd.s32 $0xF200, s25  }
0x22e: {  	v61 =	vld.idx.msk [tilespmem:v5+s28+$0x0], $0xffff;
	[tilespmem:s4+$0x0] =	vst v17;
	s5 =	sor.u32 s9, s3  }
0x22f: {  	v62 =	vld.idx.msk [tilespmem:v3+s31+$0x0], $0xffff;
	s4 =	sadd.s32 $0xFA00, s25;
	[tilespmem:s5+$0x0] =	vst v16  }
0x230: {  	v63 =	vld.idx.msk [tilespmem:v4+s23+$0x0], $0xffff;
	s6 =	sor.u32 s9, s4;
	[tilespmem:s10+$0x0] =	vst v6  }
0x231: {  	s15 =	sadd.s32 $0x10200, s25;
	[tilespmem:s6+$0x0] =	vst v24  }
0x232: {  	s7 =	sor.u32 s9, s15;
	[tilespmem:s13+$0x0] =	vst v8  }
0x233: {  	s16 =	sadd.s32 $0x10A00, s25;
	s29 =	sor.u32 s20, s29;
	[tilespmem:s7+$0x0] =	vst v25  }
0x234: {  	s8 =	sor.u32 s9, s16;
	[tilespmem:s29+$0x0] =	vst v12  }
0x235: {  	s17 =	sadd.s32 $0x11200, s25;
	s30 =	sor.u32 s20, s30;
	[tilespmem:s8+$0x0] =	vst v11  }
0x236: {  	s11 =	sor.u32 s9, s17;
	[tilespmem:s30+$0x0] =	vst v62  }
0x237: {  	s18 =	sadd.s32 $0x11A00, s25;
	s0 =	sor.u32 s20, s0;
	[tilespmem:s11+$0x0] =	vst v20  }
0x238: {  	s12 =	sor.u32 s9, s18;
	[tilespmem:s0+$0x0] =	vst v10  }
0x239: {  	s19 =	sadd.s32 $0x12200, s25;
	s1 =	sor.u32 s20, s1;
	[tilespmem:s12+$0x0] =	vst v21  }
0x23a: {  	s14 =	sor.u32 s9, s19;
	s12 =	sadd.s32 $0x12A00, s25;
	[tilespmem:s1+$0x0] =	vst v9  }
0x23b: {  	[tilespmem:s14+$0x0] =	vst v22;
	s25 =	sor.u32 s9, s12  }
0x23c: {  	s9 =	sor.u32 s20, s2;
	[tilespmem:s25+$0x0] =	vst v23  }
0x23d: {  	s10 =	sor.u32 s20, s3;
	[tilespmem:s9+$0x0] =	vst v7  }
0x23e: {  	s13 =	sor.u32 s20, s4;
	[tilespmem:s10+$0x0] =	vst v61  }
0x23f: {  	s14 =	sor.u32 s20, s15;
	[tilespmem:s13+$0x0] =	vst v13  }
0x240: {  	s15 =	sor.u32 s20, s16;
	[tilespmem:s14+$0x0] =	vst v14  }
0x241: {  	s16 =	sor.u32 s20, s17;
	[tilespmem:s15+$0x0] =	vst v63  }
0x242: {  	s17 =	sor.u32 s20, s18;
	[tilespmem:s16+$0x0] =	vst v57  }
0x243: {  	[tilespmem:s17+$0x0] =	vst v58  }
0x244: {  	s3 =	rddreg [dreg:$0x18]  }
0x245: {  	s18 =	sor.u32 s20, s19;
	s19 =	rddreg [dreg:$0x1e]  }
0x246: {  	s20 =	sor.u32 s20, s12;
	[tilespmem:s18+$0x0] =	vst v59;
	s1 =	sor.u32 s3, s19  }
0x247: {  	[tilespmem:s20+$0x0] =	vst v60;
	s21 =	sshll.u32 s1, $0x4;
	s1 =	rddreg [dreg:$0x2]  }
0x248: {  	s22 =	simm.s32 $0xBA00;
	s25 =	rddreg [dreg:$0x1f];
	s0 =	sadd.s32 s1, s21  }
0x249: {  	[hbm4b:s0+s24] =	stream.linear.scatter [tilespmem:s22], [sflag:$0x4], $0x800, $0x38;
	[tilespmem:$0x13200] =	vst v63  }
0x24a: {  	s0 =	sor.u32 s3, s25  }
0x24b: {  	s29 =	sld [smem:$0x7EF];
	s0 =	sshll.u32 s0, $0x4  }
0x24c: {  	s26 =	simm.s32 $0xC200;
	s0 =	sadd.s32 s1, s0  }
0x24d: {  	[hbm4b:s0+s24] =	stream.linear.scatter [tilespmem:s26], [sflag:$0x4], $0x800, $0x38;
	[tilespmem:$0x13200] =	vst v63  }
0x24e: {  	s0 =	sor.u32 s3, s29  }
0x24f: {  	s2 =	sld [smem:$0x7F0];
	s0 =	sshll.u32 s0, $0x4  }
0x250: {  	s30 =	simm.s32 $0xCA00;
	s0 =	sadd.s32 s1, s0  }
0x251: {  	[hbm4b:s0+s24] =	stream.linear.scatter [tilespmem:s30], [sflag:$0x4], $0x800, $0x38;
	[tilespmem:$0x13200] =	vst v63  }
0x252: {  	s0 =	sor.u32 s3, s2  }
0x253: {  	s5 =	sld [smem:$0x7F1];
	s0 =	sshll.u32 s0, $0x4  }
0x254: {  	s4 =	simm.s32 $0xD200;
	s0 =	sadd.s32 s1, s0  }
0x255: {  	[hbm4b:s0+s24] =	stream.linear.scatter [tilespmem:s4], [sflag:$0x4], $0x800, $0x38;
	[tilespmem:$0x13200] =	vst v63  }
0x256: {  	s0 =	sor.u32 s3, s5  }
0x257: {  	s7 =	sld [smem:$0x7F2];
	s0 =	sshll.u32 s0, $0x4  }
0x258: {  	s6 =	simm.s32 $0xDA00;
	s0 =	sadd.s32 s1, s0  }
0x259: {  	[hbm4b:s0+s24] =	stream.linear.scatter [tilespmem:s6], [sflag:$0x4], $0x800, $0x38;
	[tilespmem:$0x13200] =	vst v63  }
0x25a: {  	s0 =	sor.u32 s3, s7  }
0x25b: {  	s9 =	sld [smem:$0x7F3];
	s0 =	sshll.u32 s0, $0x4  }
0x25c: {  	s8 =	simm.s32 $0xE200;
	s0 =	sadd.s32 s1, s0  }
0x25d: {  	[hbm4b:s0+s24] =	stream.linear.scatter [tilespmem:s8], [sflag:$0x4], $0x800, $0x38;
	[tilespmem:$0x13200] =	vst v63  }
0x25e: {  	s0 =	sor.u32 s3, s9  }
0x25f: {  	s11 =	sld [smem:$0x7F4];
	s0 =	sshll.u32 s0, $0x4  }
0x260: {  	s10 =	simm.s32 $0xEA00;
	s0 =	sadd.s32 s1, s0  }
0x261: {  	[hbm4b:s0+s24] =	stream.linear.scatter [tilespmem:s10], [sflag:$0x4], $0x800, $0x38;
	[tilespmem:$0x13200] =	vst v63  }
0x262: {  	s0 =	sor.u32 s3, s11  }
0x263: {  	s13 =	sld [smem:$0x7F5];
	s0 =	sshll.u32 s0, $0x4  }
0x264: {  	s12 =	simm.s32 $0xF200;
	s0 =	sadd.s32 s1, s0  }
0x265: {  	[hbm4b:s0+s24] =	stream.linear.scatter [tilespmem:s12], [sflag:$0x4], $0x800, $0x38;
	[tilespmem:$0x13200] =	vst v63  }
0x266: {  	s0 =	sor.u32 s3, s13  }
0x267: {  	s15 =	sld [smem:$0x7F6];
	s0 =	sshll.u32 s0, $0x4  }
0x268: {  	s14 =	simm.s32 $0xFA00;
	s0 =	sadd.s32 s1, s0  }
0x269: {  	[hbm4b:s0+s24] =	stream.linear.scatter [tilespmem:s14], [sflag:$0x4], $0x800, $0x38;
	[tilespmem:$0x13200] =	vst v63  }
0x26a: {  	s0 =	sor.u32 s3, s15  }
0x26b: {  	s17 =	sld [smem:$0x7F7];
	s0 =	sshll.u32 s0, $0x4  }
0x26c: {  	s16 =	simm.s32 $0x10200;
	s0 =	sadd.s32 s1, s0  }
0x26d: {  	[hbm4b:s0+s24] =	stream.linear.scatter [tilespmem:s16], [sflag:$0x4], $0x800, $0x38;
	[tilespmem:$0x13200] =	vst v63  }
0x26e: {  	s0 =	sor.u32 s3, s17  }
0x26f: {  	s19 =	sld [smem:$0x7F8];
	s0 =	sshll.u32 s0, $0x4  }
0x270: {  	s18 =	simm.s32 $0x10A00;
	s0 =	sadd.s32 s1, s0  }
0x271: {  	[hbm4b:s0+s24] =	stream.linear.scatter [tilespmem:s18], [sflag:$0x4], $0x800, $0x38;
	[tilespmem:$0x13200] =	vst v63  }
0x272: {  	s0 =	sor.u32 s3, s19  }
0x273: {  	s21 =	sld [smem:$0x7F9];
	s0 =	sshll.u32 s0, $0x4  }
0x274: {  	s20 =	simm.s32 $0x11200;
	s0 =	sadd.s32 s1, s0  }
0x275: {  	[hbm4b:s0+s24] =	stream.linear.scatter [tilespmem:s20], [sflag:$0x4], $0x800, $0x38;
	[tilespmem:$0x13200] =	vst v63  }
0x276: {  	s0 =	sor.u32 s3, s21  }
0x277: {  	s25 =	sld [smem:$0x7FA];
	s0 =	sshll.u32 s0, $0x4  }
0x278: {  	s22 =	simm.s32 $0x11A00;
	s0 =	sadd.s32 s1, s0  }
0x279: {  	[hbm4b:s0+s24] =	stream.linear.scatter [tilespmem:s22], [sflag:$0x4], $0x800, $0x38;
	[tilespmem:$0x13200] =	vst v63  }
0x27a: {  	s0 =	sor.u32 s3, s25  }
0x27b: {  	s29 =	sld [smem:$0x7FB];
	s0 =	sshll.u32 s0, $0x4  }
0x27c: {  	s26 =	simm.s32 $0x12200;
	s0 =	sadd.s32 s1, s0  }
0x27d: {  	[hbm4b:s0+s24] =	stream.linear.scatter [tilespmem:s26], [sflag:$0x4], $0x800, $0x38;
	[tilespmem:$0x13200] =	vst v63  }
0x27e: {  	s0 =	sor.u32 s3, s29;
	s3 =	sld [smem:$0x7FC];
	_ =	sdelay $0x2  }
0x27f: {  	p0 =	sne.s32 s3, $0x19  }
.Ltmp2:
0x280: {  	_ = 	snop;
	(pc) =	sbr.rel @p0 .LBB2_2-.Ltmp2, $4  }
0x281: {  	_ = 	snop  }
0x282: {  	s0 =	sshll.u32 s0, $0x4  }
0x283: {  	s30 =	simm.s32 $0x12A00;
	s0 =	sadd.s32 s1, s0  }
0x284: {  	[hbm4b:s0+s24] =	stream.linear.scatter [tilespmem:s30], [sflag:$0x4], $0x800, $0x38;
	[tilespmem:$0x13200] =	vst v63  }
0x285: {  	s0 =	simm.s32 $0x3  }
0x286: {  	_ =	swait.ge [sflag:s0], $0x800  }
0x287: {  	[sflag:s0] =	ssyncset.done $0x0  }
0x288: {  	[sflag:s0] =	ssyncadd.s32 $0xFFFFF800  }
0x289: {  	_ =	swait.ge [sflag:s0], $0x800  }
0x28a: {  	[sflag:s0] =	ssyncset.done $0x0  }
0x28b: {  	[sflag:s0] =	ssyncadd.s32 $0xFFFFF800  }
0x28c: {  	_ =	swait.ge [sflag:s0], $0x800  }
0x28d: {  	[sflag:s0] =	ssyncset.done $0x0  }
0x28e: {  	[sflag:s0] =	ssyncadd.s32 $0xFFFFF800  }
0x28f: {  	_ =	swait.ge [sflag:s0], $0x800  }
0x290: {  	[sflag:s0] =	ssyncset.done $0x0  }
0x291: {  	[sflag:s0] =	ssyncadd.s32 $0xFFFFF800  }
0x292: {  	_ =	swait.ge [sflag:s0], $0x800  }
0x293: {  	[sflag:s0] =	ssyncset.done $0x0  }
0x294: {  	[sflag:s0] =	ssyncadd.s32 $0xFFFFF800  }
0x295: {  	_ =	swait.ge [sflag:s0], $0x800  }
0x296: {  	[sflag:s0] =	ssyncset.done $0x0  }
0x297: {  	[sflag:s0] =	ssyncadd.s32 $0xFFFFF800  }
0x298: {  	_ =	swait.ge [sflag:s0], $0x800  }
0x299: {  	[sflag:s0] =	ssyncset.done $0x0  }
0x29a: {  	[sflag:s0] =	ssyncadd.s32 $0xFFFFF800  }
0x29b: {  	_ =	swait.ge [sflag:s0], $0x800  }
0x29c: {  	[sflag:s0] =	ssyncset.done $0x0  }
0x29d: {  	[sflag:s0] =	ssyncadd.s32 $0xFFFFF800  }
0x29e: {  	_ =	swait.ge [sflag:s0], $0x800  }
0x29f: {  	[sflag:s0] =	ssyncset.done $0x0  }
0x2a0: {  	[sflag:s0] =	ssyncadd.s32 $0xFFFFF800  }
0x2a1: {  	_ =	swait.ge [sflag:s0], $0x800  }
0x2a2: {  	[sflag:s0] =	ssyncset.done $0x0  }
0x2a3: {  	[sflag:s0] =	ssyncadd.s32 $0xFFFFF800  }
0x2a4: {  	_ =	swait.ge [sflag:s0], $0x800  }
0x2a5: {  	[sflag:s0] =	ssyncset.done $0x0  }
0x2a6: {  	[sflag:s0] =	ssyncadd.s32 $0xFFFFF800  }
0x2a7: {  	_ =	swait.ge [sflag:s0], $0x800  }
0x2a8: {  	[sflag:s0] =	ssyncset.done $0x0  }
0x2a9: {  	[sflag:s0] =	ssyncadd.s32 $0xFFFFF800  }
0x2aa: {  	_ =	swait.ge [sflag:s0], $0x800  }
0x2ab: {  	[sflag:s0] =	ssyncset.done $0x0  }
0x2ac: {  	[sflag:s0] =	ssyncadd.s32 $0xFFFFF800  }
0x2ad: {  	_ =	swait.ge [sflag:s0], $0x800  }
0x2ae: {  	[sflag:s0] =	ssyncset.done $0x0  }
0x2af: {  	[sflag:s0] =	ssyncadd.s32 $0xFFFFF800  }
0x2b0: {  	_ =	swait.ge [sflag:s0], $0x800  }
0x2b1: {  	[sflag:s0] =	ssyncset.done $0x0  }
0x2b2: {  	s1 =	simm.s32 $0x4;
	[sflag:s0] =	ssyncadd.s32 $0xFFFFF800  }
0x2b3: {  	_ =	swait.ge [sflag:s1], $0x800  }
0x2b4: {  	[sflag:s1] =	ssyncset.done $0x0  }
0x2b5: {  	[sflag:s1] =	ssyncadd.s32 $0xFFFFF800  }
0x2b6: {  	_ =	swait.ge [sflag:s1], $0x800  }
0x2b7: {  	[sflag:s1] =	ssyncset.done $0x0  }
0x2b8: {  	[sflag:s1] =	ssyncadd.s32 $0xFFFFF800  }
0x2b9: {  	_ =	swait.ge [sflag:s1], $0x800  }
0x2ba: {  	[sflag:s1] =	ssyncset.done $0x0  }
0x2bb: {  	[sflag:s1] =	ssyncadd.s32 $0xFFFFF800  }
0x2bc: {  	_ =	swait.ge [sflag:s1], $0x800  }
0x2bd: {  	[sflag:s1] =	ssyncset.done $0x0  }
0x2be: {  	[sflag:s1] =	ssyncadd.s32 $0xFFFFF800  }
0x2bf: {  	_ =	swait.ge [sflag:s1], $0x800  }
0x2c0: {  	[sflag:s1] =	ssyncset.done $0x0  }
0x2c1: {  	[sflag:s1] =	ssyncadd.s32 $0xFFFFF800  }
0x2c2: {  	_ =	swait.ge [sflag:s1], $0x800  }
0x2c3: {  	[sflag:s1] =	ssyncset.done $0x0  }
0x2c4: {  	[sflag:s1] =	ssyncadd.s32 $0xFFFFF800  }
0x2c5: {  	_ =	swait.ge [sflag:s1], $0x800  }
0x2c6: {  	[sflag:s1] =	ssyncset.done $0x0  }
0x2c7: {  	[sflag:s1] =	ssyncadd.s32 $0xFFFFF800  }
0x2c8: {  	_ =	swait.ge [sflag:s1], $0x800  }
0x2c9: {  	[sflag:s1] =	ssyncset.done $0x0  }
0x2ca: {  	[sflag:s1] =	ssyncadd.s32 $0xFFFFF800  }
0x2cb: {  	_ =	swait.ge [sflag:s1], $0x800  }
0x2cc: {  	[sflag:s1] =	ssyncset.done $0x0  }
0x2cd: {  	[sflag:s1] =	ssyncadd.s32 $0xFFFFF800  }
0x2ce: {  	_ =	swait.ge [sflag:s1], $0x800  }
0x2cf: {  	[sflag:s1] =	ssyncset.done $0x0  }
0x2d0: {  	[sflag:s1] =	ssyncadd.s32 $0xFFFFF800  }
0x2d1: {  	_ =	swait.ge [sflag:s1], $0x800  }
0x2d2: {  	[sflag:s1] =	ssyncset.done $0x0  }
0x2d3: {  	[sflag:s1] =	ssyncadd.s32 $0xFFFFF800  }
0x2d4: {  	_ =	swait.ge [sflag:s1], $0x800  }
0x2d5: {  	[sflag:s1] =	ssyncset.done $0x0  }
0x2d6: {  	[sflag:s1] =	ssyncadd.s32 $0xFFFFF800  }
0x2d7: {  	_ =	swait.ge [sflag:s1], $0x800  }
0x2d8: {  	[sflag:s1] =	ssyncset.done $0x0  }
0x2d9: {  	[sflag:s1] =	ssyncadd.s32 $0xFFFFF800  }
0x2da: {  	_ =	swait.ge [sflag:s1], $0x800  }
0x2db: {  	[sflag:s1] =	ssyncset.done $0x0  }
0x2dc: {  	[sflag:s1] =	ssyncadd.s32 $0xFFFFF800  }
0x2dd: {  	_ =	swait.ge [sflag:s1], $0x800  }
0x2de: {  	s2 =	rddreg [dreg:$0x1d]  }
0x2df: {  	s30 =	rddreg [dreg:$0x19];
	s2 =	sadd.s32 $0x1, s2  }
0x2e0: {  	p0 =	sne.s32 s2, s30  }
.Ltmp3:
0x2e1: {  	_ = 	snop;
	(pc) =	sbr.rel @p0 .LBB2_1-.Ltmp3, $3  }
0x2e2: {  	_ =	sdelay $0x1  }
0x2e3: {  	[sflag:s1] =	ssyncset.done $0x0  }
0x2e4: {  	[sflag:s1] =	ssyncadd.s32 $0xFFFFF800  }
0x2e5: {  	_ =	sfence.sel $0x180000  }
0x2e6: {  	[bflag:$0x0] =	sbarrier.arrive $0xFFFF  }
0x2e7: {  	_ =	strace $0x90000047  }
0x2e8: {  	s0 =	stileid.u32;
	[bflag:$0x2] =	sbarrier.arrive $0xFFFF  }
0x2e9: {  	p0 =	sne.s32 s0, $0x0;
	s0 =	rddreg [dreg:$0x3]  }
0x2ea: {  	s0 =	sadd.s32 @!p0 $0x100000, s0  }
0x2eb: {  	[sflag:s0] =	ssyncadd.tile.s32 @!p0 $0x1;
	_ =	shalt  }
.Lfunc_end2:
_tile_overlayer_lowered:
.L_overlay_start_2:
0x2ec: {  	(tag) =	ssettag $0x2  }
0x2ed: {  	s0 =	rddreg [dreg:$0x0];
	s2 =	stileid.u32  }
0x2ee: {  	s1 =	rddreg [dreg:$0x1];
	p0 =	sne.s32 s2, $0x0  }
0x2ef: {  	s3 =	rddreg [dreg:$0x2];
	[bflag:$0x3] =	sbarrier.arrive $0xFFFF;
	s2 =	simm.s32 @!p0 $0x1C05  }
0x2f0: {  	[timem:s3], [sflag:s2] =	dma.local @!p0 [hbm:s0], s1  }
0x2f1: {  	s0 =	simm.s32 @!p0 $0x5  }
0x2f2: {  	_ =	swait.ge @!p0 [sflag:s0], s1  }
0x2f3: {  	s1 =	ssub.s32 @!p0 $0x0, s1;
	[sflag:s0] =	ssyncset.done @!p0 $0x0  }
0x2f4: {  	[sflag:s0] =	ssyncadd.s32 @!p0 s1  }
0x2f5: {  	[bflag:$0x3] =	sbarrier.arrive $0xFFFF  }
0x2f6: {  	_ =	shalt  }

</sc_bundles>
